<compile_context>
chip_gen: v7x
topology: tpu7x:2x2x1
jax: 0.10.2.dev20260603
libtpu: 0.0.44.dev20260713+nightly
codegen_flags: <defaults>
</compile_context>

<pallas_src>
import functools

import jax
import jax.numpy as jnp
from jax import lax
from jax.experimental import pallas as pl
from jax.experimental.pallas import tpu as pltpu
from jax.experimental.pallas import tpu_sc as plsc

_NC = 2
_NS = 16
_NW = _NC * _NS
_CHUNK = 128

_NJ = 26
_NB = 4096
_D = 32
_V = 1000000
_BPW = _NB // _NW * _NJ

_TC_FULL = _V // 128
_TC_TAIL = _V - _TC_FULL * 128


_QC = 4
_QW = _QC * 128
_PITCH = _QW + 5


@functools.lru_cache(maxsize=None)
def _make_detile():
    mesh = plsc.VectorSubcoreMesh(core_axis_name="c", subcore_axis_name="s")
    n_q = _TC_FULL // _QC
    per_w = n_q // _NW
    extra = n_q - per_w * _NW

    @functools.partial(
        pl.kernel,
        mesh=mesh,
        out_type=jax.ShapeDtypeStruct((_V // 4, 128), jnp.float32),
        scratch_types=[
            pltpu.VMEM((2, 32, _PITCH), jnp.float32),
            pltpu.VMEM((2, 32 * _QC, 128), jnp.float32),
            pltpu.SemaphoreType.DMA,
            pltpu.SemaphoreType.DMA,
            pltpu.SemaphoreType.DMA,
            pltpu.SemaphoreType.DMA,
        ],
        compiler_params=pltpu.CompilerParams(
            use_tc_tiling_on_sc=True, needs_layout_passes=False
        ),
    )
    def detile_kernel(wt_hbm, tail_hbm, packed_hbm, vbuf, obuf,
                      si0, si1, so0, so1):
        wid = lax.axis_index("s") * _NC + lax.axis_index("c")
        start = wid * per_w + jnp.minimum(wid, extra)
        count = per_w + jnp.where(wid < extra, 1, 0)
        sis = (si0, si1)
        sos = (so0, so1)

        def fire_in(t, p):
            for d_blk in range(4):
                pltpu.async_copy(
                    wt_hbm.at[pl.ds(d_blk * 8, 8), pl.ds(t * _QW, _QW)],
                    vbuf.at[p, pl.ds(d_blk * 8, 8), pl.ds(0, _QW)],
                    sis[p],
                )

        def wait_in(p):
            for d_blk in range(4):
                pltpu.make_async_copy(
                    wt_hbm.at[pl.ds(0, 8), pl.ds(0, _QW)],
                    vbuf.at[p, pl.ds(d_blk * 8, 8), pl.ds(0, _QW)],
                    sis[p],
                ).wait()

        def transpose(p, q, dlo, dhi, vzero):
            for half, dvec in ((0, dlo), (1, dhi)):
                @plsc.parallel_loop(0, 32 * _QC * 4, unroll=16,
                                    carry=(dvec, vzero))
                def _(m, c):
                    dv, cvz = c
                    r = m // 4
                    h = m - r * 4
                    vv = cvz + (4 * r + h)
                    vals = plsc.load_gather(vbuf.at[p], [dv, vv])
                    obuf[q, r, pl.ds(h * 32 + half * 16, 16)] = vals
                    return c

        def fire_out(t, q):
            pltpu.async_copy(
                obuf.at[q], packed_hbm.at[pl.ds(t * 32 * _QC, 32 * _QC)],
                sos[q],
            )

        def wait_out(q):
            pltpu.make_async_copy(
                packed_hbm.at[pl.ds(0, 32 * _QC)], obuf.at[q], sos[q]
            ).wait()

        fire_in(start, 0)
        iota = lax.iota(jnp.int32, 16)
        dhi0 = iota + 16
        vzero0 = iota * 0

        def body2(i, carry):
            dlo, dhi, vzero = carry
            t = start + i * 2

            @pl.when(t + 1 < start + count)
            def _():
                fire_in(t + 1, 1)

            wait_in(0)
            transpose(0, 0, dlo, dhi, vzero)

            @pl.when(i >= 1)
            def _():
                wait_out(0)

            fire_out(t, 0)

            @pl.when(t + 1 < start + count)
            def _():
                @pl.when(t + 2 < start + count)
                def _():
                    fire_in(t + 2, 0)

                wait_in(1)
                transpose(1, 1, dlo, dhi, vzero)

                @pl.when(i >= 1)
                def _():
                    wait_out(1)

                fire_out(t + 1, 1)

            return (dlo, dhi, vzero)

        n2 = (count + 1) // 2
        lax.fori_loop(0, n2, body2, (iota, dhi0, vzero0), unroll=False)
        wait_out(0)

        @pl.when(count >= 2)
        def _():
            wait_out(1)

        @pl.when(wid == _NW - 1)
        def _():
            pltpu.sync_copy(tail_hbm, obuf.at[0, pl.ds(0, 16)])
            pltpu.sync_copy(
                obuf.at[0, pl.ds(0, 16)],
                packed_hbm.at[pl.ds(_TC_FULL * 32, 16)],
            )

    return detile_kernel


@functools.lru_cache(maxsize=None)
def _make_gather():
    n_chunks = _BPW // _CHUNK
    mesh = plsc.VectorSubcoreMesh(core_axis_name="c", subcore_axis_name="s")

    @functools.partial(
        pl.kernel,
        mesh=mesh,
        out_type=jax.ShapeDtypeStruct((_NJ, _D // 8, _NW, 8, 128), jnp.float32),
        scratch_types=[
            pltpu.VMEM((_BPW,), jnp.int32),
            pltpu.VMEM((_BPW, _D), jnp.float32),
            pltpu.VMEM((2, _D // 8, 8, 128), jnp.float32),
            pltpu.SemaphoreType.DMA,
            pltpu.SemaphoreType.DMA,
            pltpu.SemaphoreType.DMA,
        ],
        compiler_params=pltpu.CompilerParams(
            use_tc_tiling_on_sc=False, needs_layout_passes=False
        ),
    )
    def gather_kernel(table_hbm, idx_hbm, out_hbm, idx_v, rows_v, buf_v,
                      sem_g, sem_o0, sem_o1):
        wid = lax.axis_index("s") * _NC + lax.axis_index("c")
        base = wid * _BPW
        pltpu.sync_copy(idx_hbm.at[pl.ds(base, _BPW)], idx_v)

        def fire(i, carry):
            off = i * _CHUNK
            pltpu.async_copy(
                table_hbm.at[idx_v.at[pl.ds(off, _CHUNK)]],
                rows_v.at[pl.ds(off, _CHUNK)],
                sem_g,
            )
            return carry

        lax.fori_loop(0, n_chunks, fire, 0)
        pltpu.make_async_copy(
            table_hbm.at[pl.ds(0, _BPW)], rows_v, sem_g
        ).wait()

        sems = (sem_o0, sem_o1)

        def transpose_j(i, j, p, ib, czero):
            sem = sems[p]

            @pl.when(i >= 1)
            def _():
                for d_blk in range(_D // 8):
                    pltpu.make_async_copy(
                        buf_v.at[p, d_blk],
                        out_hbm.at[0, d_blk, wid],
                        sem,
                    ).wait()

            @plsc.parallel_loop(0, 8 * _D, unroll=8, carry=(ib, czero))
            def _(m, c):
                cib, ccz = c
                k = m // _D
                d = m - k * _D
                row_k = cib + (k * 16 * _NJ + j)
                vals = plsc.load_gather(rows_v, [row_k, ccz + d])
                dblk = d // 8
                buf_v[p, dblk, d - dblk * 8, pl.ds(k * 16, 16)] = vals
                return c
            for d_blk in range(_D // 8):
                pltpu.async_copy(
                    buf_v.at[p, d_blk], out_hbm.at[j, d_blk, wid], sem
                )

        ib0 = lax.iota(jnp.int32, 16) * _NJ
        cz0 = lax.iota(jnp.int32, 16) * 0

        def body2(i, carry):
            ib, cz = carry
            j = i * 2
            transpose_j(i, j, 0, ib, cz)
            transpose_j(i, j + 1, 1, ib, cz)
            return (ib, cz)

        lax.fori_loop(0, _NJ // 2, body2, (ib0, cz0))
        for p in range(2):
            for d_blk in range(_D // 8):
                pltpu.make_async_copy(
                    buf_v.at[p, d_blk], out_hbm.at[0, d_blk, wid], sems[p]
                ).wait()

    return gather_kernel


def kernel(x, weight):
    tail = weight[_TC_FULL * 128:].reshape(_TC_TAIL // 4, 128)
    packed = _make_detile()(weight.T, tail)
    table_lin = packed.reshape(_V, _D)
    idx = x.reshape(-1).astype(jnp.int32)
    out5 = _make_gather()(table_lin, idx)
    return out5.transpose(2, 4, 0, 1, 3).reshape(_NB, _NJ, _D)

# --- scband reference (transcript-rebuilt; emitter-appended) ---
"""Pipeline reference for scband-embedding-73426760892783 (READ-ONLY COPY).

The authoritative reference and input builder live on the scoring server;
editing this copy changes nothing except your own understanding.
"""

import jax, jax.numpy as jnp
import numpy as np

FEATURE_NUM = 1000000
EMB_DIM = 32

def setup_inputs(seed: int = 0) -> dict:
    key = jax.random.key(seed)
    k_idx, k_w = jax.random.split(key)
    x = jax.random.randint(k_idx, (4096, 26), 0, FEATURE_NUM, dtype=jnp.int64 if jax.config.jax_enable_x64 else jnp.int32)
    # weight initialized as normal with std 0.003 (emb_init='normal_0.003')
    weight = jax.random.normal(k_w, (FEATURE_NUM, EMB_DIM), dtype=jnp.float32) * 0.003
    return {"x": x, "weight": weight}

def reference(x, weight):
    # F.embedding(x, weight) -> gather rows of weight by x
    return jnp.take(weight, x, axis=0)

if __name__ == "__main__":
    import jax
    _d = setup_inputs()
    print(jax.jit(kernel)(*tuple(_d.values())))

</pallas_src>

<mosaic_0001>
#map = affine_map<(d0, d1) -> (0, 0)>
module attributes {stable_mosaic.version = 14 : i64} {
  func.func @detile_kernel(%arg0: i32, %arg1: i32, %arg2: memref<32x1000000xf32, #tpu.memory_space<hbm>>, %arg3: memref<16x128xf32, #tpu.memory_space<hbm>>, %arg4: memref<250000x128xf32, #tpu.memory_space<hbm>>, %arg5: memref<2x32x517xf32, #tpu.memory_space<vmem>>, %arg6: memref<2x128x128xf32, #tpu.memory_space<vmem>>, %arg7: memref<!tpu.dma_semaphore, #tpu.memory_space<semaphore_mem>>, %arg8: memref<!tpu.dma_semaphore, #tpu.memory_space<semaphore_mem>>, %arg9: memref<!tpu.dma_semaphore, #tpu.memory_space<semaphore_mem>>, %arg10: memref<!tpu.dma_semaphore, #tpu.memory_space<semaphore_mem>>) attributes {dimension_semantics = [#tpu.dimension_semantics<core_parallel>, #tpu.dimension_semantics<subcore_parallel>], iteration_bounds = array<i64: 2, 16>, scalar_prefetch = 0 : i64, scratch_operands = 6 : i64, tpu.core_type = #tpu.core_type<sc_vector_subcore>, window_params = [{transform_indices = #map}, {transform_indices = #map}, {transform_indices = #map}]} {
    %mul3A = arith.constant 2 : i32
    %mul3A_0 = arith.muli %arg1, %mul3A : i32
    %add3A = arith.addi %mul3A_0, %arg0 : i32
    %mul3A_1 = arith.constant 61 : i32
    %mul3A_2 = arith.muli %add3A, %mul3A_1 : i32
    %min3A = arith.constant 1 : i32
    %min3A_3 = arith.minsi %add3A, %min3A : i32
    %add3A_4 = arith.addi %mul3A_2, %min3A_3 : i32
    %lt3A = arith.constant 1 : i32
    %lt3A_5 = arith.cmpi slt, %add3A, %lt3A : i32
    %jit3A = arith.constant 1 : i32
    %jit3A_6 = arith.constant 0 : i32
    %select_n3A = arith.select %lt3A_5, %jit3A, %jit3A_6 : i32
    %add3A_7 = arith.constant 61 : i32
    %add3A_8 = arith.addi %add3A_7, %select_n3A : i32
    %mul3A_9 = arith.constant 512 : i32
    %mul3A_10 = arith.muli %add3A_4, %mul3A_9 : i32
    %dma_start3A = arith.constant 0 : i32
    %dma_start3A_11 = arith.constant 0 : i32
    %dma_start3A_12 = arith.constant 0 : i32
    %dma_start3A_13 = tpu.memref_slice %arg5[%dma_start3A, %dma_start3A_11, %dma_start3A_12] : memref<2x32x517xf32, #tpu.memory_space<vmem>> -> memref<1x8x512xf32, #tpu.memory_space<vmem>>
    %dma_start3A_14 = tpu.memref_squeeze %dma_start3A_13 : memref<1x8x512xf32, #tpu.memory_space<vmem>> -> memref<8x512xf32, #tpu.memory_space<vmem>>
    %dma_start3A_15 = arith.constant 0 : i32
    %dma_start3A_16 = tpu.memref_slice %arg2[%dma_start3A_15, %mul3A_10] : memref<32x1000000xf32, #tpu.memory_space<hbm>> -> memref<8x512xf32, #tpu.memory_space<hbm>>
    %dma_start3A_17 = arith.constant 0 : i32
    %dma_start3A_18 = arith.constant 0 : i32
    %dma_start3A_19 = tpu.memref_slice %arg5[%dma_start3A, %dma_start3A_17, %dma_start3A_18] : memref<2x32x517xf32, #tpu.memory_space<vmem>> -> memref<1x8x512xf32, #tpu.memory_space<vmem>>
    %dma_start3A_20 = tpu.memref_squeeze %dma_start3A_19 : memref<1x8x512xf32, #tpu.memory_space<vmem>> -> memref<8x512xf32, #tpu.memory_space<vmem>>
    %dma_start3A_21 = arith.constant 0 : i32
    %dma_start3A_22 = tpu.memref_slice %arg2[%dma_start3A_21, %mul3A_10] : memref<32x1000000xf32, #tpu.memory_space<hbm>> -> memref<8x512xf32, #tpu.memory_space<hbm>>
    tpu.enqueue_dma source(%dma_start3A_22 : memref<8x512xf32, #tpu.memory_space<hbm>>) target(%dma_start3A_20 : memref<8x512xf32, #tpu.memory_space<vmem>>) target_semaphore(%arg7 : memref<!tpu.dma_semaphore, #tpu.memory_space<semaphore_mem>>)
    %mul3A_23 = arith.constant 512 : i32
    %mul3A_24 = arith.muli %add3A_4, %mul3A_23 : i32
    %dma_start3A_25 = arith.constant 0 : i32
    %dma_start3A_26 = arith.constant 8 : i32
    %dma_start3A_27 = arith.constant 0 : i32
    %dma_start3A_28 = tpu.memref_slice %arg5[%dma_start3A_25, %dma_start3A_26, %dma_start3A_27] : memref<2x32x517xf32, #tpu.memory_space<vmem>> -> memref<1x8x512xf32, #tpu.memory_space<vmem>>
    %dma_start3A_29 = tpu.memref_squeeze %dma_start3A_28 : memref<1x8x512xf32, #tpu.memory_space<vmem>> -> memref<8x512xf32, #tpu.memory_space<vmem>>
    %dma_start3A_30 = arith.constant 8 : i32
    %dma_start3A_31 = tpu.memref_slice %arg2[%dma_start3A_30, %mul3A_24] : memref<32x1000000xf32, #tpu.memory_space<hbm>> -> memref<8x512xf32, #tpu.memory_space<hbm>>
    %dma_start3A_32 = arith.constant 8 : i32
    %dma_start3A_33 = arith.constant 0 : i32
    %dma_start3A_34 = tpu.memref_slice %arg5[%dma_start3A_25, %dma_start3A_32, %dma_start3A_33] : memref<2x32x517xf32, #tpu.memory_space<vmem>> -> memref<1x8x512xf32, #tpu.memory_space<vmem>>
    %dma_start3A_35 = tpu.memref_squeeze %dma_start3A_34 : memref<1x8x512xf32, #tpu.memory_space<vmem>> -> memref<8x512xf32, #tpu.memory_space<vmem>>
    %dma_start3A_36 = arith.constant 8 : i32
    %dma_start3A_37 = tpu.memref_slice %arg2[%dma_start3A_36, %mul3A_24] : memref<32x1000000xf32, #tpu.memory_space<hbm>> -> memref<8x512xf32, #tpu.memory_space<hbm>>
    tpu.enqueue_dma source(%dma_start3A_37 : memref<8x512xf32, #tpu.memory_space<hbm>>) target(%dma_start3A_35 : memref<8x512xf32, #tpu.memory_space<vmem>>) target_semaphore(%arg7 : memref<!tpu.dma_semaphore, #tpu.memory_space<semaphore_mem>>)
    %mul3A_38 = arith.constant 512 : i32
    %mul3A_39 = arith.muli %add3A_4, %mul3A_38 : i32
    %dma_start3A_40 = arith.constant 0 : i32
    %dma_start3A_41 = arith.constant 16 : i32
    %dma_start3A_42 = arith.constant 0 : i32
    %dma_start3A_43 = tpu.memref_slice %arg5[%dma_start3A_40, %dma_start3A_41, %dma_start3A_42] : memref<2x32x517xf32, #tpu.memory_space<vmem>> -> memref<1x8x512xf32, #tpu.memory_space<vmem>>
    %dma_start3A_44 = tpu.memref_squeeze %dma_start3A_43 : memref<1x8x512xf32, #tpu.memory_space<vmem>> -> memref<8x512xf32, #tpu.memory_space<vmem>>
    %dma_start3A_45 = arith.constant 16 : i32
    %dma_start3A_46 = tpu.memref_slice %arg2[%dma_start3A_45, %mul3A_39] : memref<32x1000000xf32, #tpu.memory_space<hbm>> -> memref<8x512xf32, #tpu.memory_space<hbm>>
    %dma_start3A_47 = arith.constant 16 : i32
    %dma_start3A_48 = arith.constant 0 : i32
    %dma_start3A_49 = tpu.memref_slice %arg5[%dma_start3A_40, %dma_start3A_47, %dma_start3A_48] : memref<2x32x517xf32, #tpu.memory_space<vmem>> -> memref<1x8x512xf32, #tpu.memory_space<vmem>>
    %dma_start3A_50 = tpu.memref_squeeze %dma_start3A_49 : memref<1x8x512xf32, #tpu.memory_space<vmem>> -> memref<8x512xf32, #tpu.memory_space<vmem>>
    %dma_start3A_51 = arith.constant 16 : i32
    %dma_start3A_52 = tpu.memref_slice %arg2[%dma_start3A_51, %mul3A_39] : memref<32x1000000xf32, #tpu.memory_space<hbm>> -> memref<8x512xf32, #tpu.memory_space<hbm>>
    tpu.enqueue_dma source(%dma_start3A_52 : memref<8x512xf32, #tpu.memory_space<hbm>>) target(%dma_start3A_50 : memref<8x512xf32, #tpu.memory_space<vmem>>) target_semaphore(%arg7 : memref<!tpu.dma_semaphore, #tpu.memory_space<semaphore_mem>>)
    %mul3A_53 = arith.constant 512 : i32
    %mul3A_54 = arith.muli %add3A_4, %mul3A_53 : i32
    %dma_start3A_55 = arith.constant 0 : i32
    %dma_start3A_56 = arith.constant 24 : i32
    %dma_start3A_57 = arith.constant 0 : i32
    %dma_start3A_58 = tpu.memref_slice %arg5[%dma_start3A_55, %dma_start3A_56, %dma_start3A_57] : memref<2x32x517xf32, #tpu.memory_space<vmem>> -> memref<1x8x512xf32, #tpu.memory_space<vmem>>
    %dma_start3A_59 = tpu.memref_squeeze %dma_start3A_58 : memref<1x8x512xf32, #tpu.memory_space<vmem>> -> memref<8x512xf32, #tpu.memory_space<vmem>>
    %dma_start3A_60 = arith.constant 24 : i32
    %dma_start3A_61 = tpu.memref_slice %arg2[%dma_start3A_60, %mul3A_54] : memref<32x1000000xf32, #tpu.memory_space<hbm>> -> memref<8x512xf32, #tpu.memory_space<hbm>>
    %dma_start3A_62 = arith.constant 24 : i32
    %dma_start3A_63 = arith.constant 0 : i32
    %dma_start3A_64 = tpu.memref_slice %arg5[%dma_start3A_55, %dma_start3A_62, %dma_start3A_63] : memref<2x32x517xf32, #tpu.memory_space<vmem>> -> memref<1x8x512xf32, #tpu.memory_space<vmem>>
    %dma_start3A_65 = tpu.memref_squeeze %dma_start3A_64 : memref<1x8x512xf32, #tpu.memory_space<vmem>> -> memref<8x512xf32, #tpu.memory_space<vmem>>
    %dma_start3A_66 = arith.constant 24 : i32
    %dma_start3A_67 = tpu.memref_slice %arg2[%dma_start3A_66, %mul3A_54] : memref<32x1000000xf32, #tpu.memory_space<hbm>> -> memref<8x512xf32, #tpu.memory_space<hbm>>
    tpu.enqueue_dma source(%dma_start3A_67 : memref<8x512xf32, #tpu.memory_space<hbm>>) target(%dma_start3A_65 : memref<8x512xf32, #tpu.memory_space<vmem>>) target_semaphore(%arg7 : memref<!tpu.dma_semaphore, #tpu.memory_space<semaphore_mem>>)
    %iota3A = tpu.iota {dimensions = array<i32: 0>} : vector<16xi32>
    %add3A_68 = arith.constant 16 : i32
    %add3A_69 = vector.broadcast %add3A_68 : i32 to vector<16xi32>
    %add3A_70 = arith.addi %iota3A, %add3A_69 : vector<16xi32>
    %mul3A_71 = arith.constant 0 : i32
    %mul3A_72 = vector.broadcast %mul3A_71 : i32 to vector<16xi32>
    %mul3A_73 = arith.muli %iota3A, %mul3A_72 : vector<16xi32>
    %add3A_74 = arith.constant 1 : i32
    %add3A_75 = arith.addi %add3A_8, %add3A_74 : i32
    %jit3A_76 = arith.constant 2 : i32
    %div3A = arith.divsi %add3A_75, %jit3A_76 : i32
    %sign3A = arith.constant 0 : i32
    %sign3A_77 = arith.cmpi sgt, %add3A_75, %sign3A : i32
    %sign3A_78 = arith.extui %sign3A_77 : i1 to i32
    %sign3A_79 = arith.constant 0 : i32
    %sign3A_80 = arith.cmpi slt, %add3A_75, %sign3A_79 : i32
    %sign3A_81 = arith.extui %sign3A_80 : i1 to i32
    %sign3A_82 = arith.subi %sign3A_78, %sign3A_81 : i32
    %sign3A_83 = arith.constant 0 : i32
    %sign3A_84 = arith.cmpi sgt, %jit3A_76, %sign3A_83 : i32
    %sign3A_85 = arith.extui %sign3A_84 : i1 to i32
    %sign3A_86 = arith.constant 0 : i32
    %sign3A_87 = arith.cmpi slt, %jit3A_76, %sign3A_86 : i32
    %sign3A_88 = arith.extui %sign3A_87 : i1 to i32
    %sign3A_89 = arith.subi %sign3A_85, %sign3A_88 : i32
    %ne3A = arith.cmpi ne, %sign3A_82, %sign3A_89 : i32
    %rem3A = arith.remsi %add3A_75, %jit3A_76 : i32
    %ne3A_90 = arith.constant 0 : i32
    %ne3A_91 = arith.cmpi ne, %rem3A, %ne3A_90 : i32
    %and3A = arith.andi %ne3A, %ne3A_91 : i1
    %sub3A = arith.constant 1 : i32
    %sub3A_92 = arith.subi %div3A, %sub3A : i32
    %select_n3A_93 = arith.select %and3A, %sub3A_92, %div3A : i32
    %while3A = arith.constant 0 : i32
    %while3A_94 = arith.subi %select_n3A_93, %while3A : i32
    %while3A_95 = arith.addi %while3A, %while3A_94 : i32
    %while3A_96 = arith.constant 1 : i32
    %while3A_97 = arith.divsi %while3A_94, %while3A_96 : i32
    %while3A_98 = arith.muli %while3A_97, %while3A_96 : i32
    %while3A_99 = arith.addi %while3A, %while3A_98 : i32
    %while3A_100 = arith.constant 1 : i32
    scf.for %while3A_122 = %while3A to %while3A_99 step %while3A_100  : i32 {
      %mul3A_123 = arith.constant 2 : i32
      %mul3A_124 = arith.muli %while3A_122, %mul3A_123 : i32
      %add3A_125 = arith.addi %add3A_4, %mul3A_124 : i32
      %add3A_126 = arith.constant 1 : i32
      %add3A_127 = arith.addi %add3A_125, %add3A_126 : i32
      %add3A_128 = arith.addi %add3A_4, %add3A_8 : i32
      %lt3A_129 = arith.cmpi slt, %add3A_127, %add3A_128 : i32
      %convert_element_type3A_130 = arith.extui %lt3A_129 : i1 to i32
      %cond3A_131 = arith.constant 0 : i32
      %cond3A_132 = arith.cmpi ne, %convert_element_type3A_130, %cond3A_131 : i32
      scf.if %cond3A_132 {
        %add3A_229 = arith.constant 1 : i32
        %add3A_230 = arith.addi %add3A_125, %add3A_229 : i32
        %mul3A_231 = arith.constant 512 : i32
        %mul3A_232 = arith.muli %add3A_230, %mul3A_231 : i32
        %dma_start3A_233 = arith.constant 1 : i32
        %dma_start3A_234 = arith.constant 0 : i32
        %dma_start3A_235 = arith.constant 0 : i32
        %dma_start3A_236 = tpu.memref_slice %arg5[%dma_start3A_233, %dma_start3A_234, %dma_start3A_235] : memref<2x32x517xf32, #tpu.memory_space<vmem>> -> memref<1x8x512xf32, #tpu.memory_space<vmem>>
        %dma_start3A_237 = tpu.memref_squeeze %dma_start3A_236 : memref<1x8x512xf32, #tpu.memory_space<vmem>> -> memref<8x512xf32, #tpu.memory_space<vmem>>
        %dma_start3A_238 = arith.constant 0 : i32
        %dma_start3A_239 = tpu.memref_slice %arg2[%dma_start3A_238, %mul3A_232] : memref<32x1000000xf32, #tpu.memory_space<hbm>> -> memref<8x512xf32, #tpu.memory_space<hbm>>
        %dma_start3A_240 = arith.constant 0 : i32
        %dma_start3A_241 = arith.constant 0 : i32
        %dma_start3A_242 = tpu.memref_slice %arg5[%dma_start3A_233, %dma_start3A_240, %dma_start3A_241] : memref<2x32x517xf32, #tpu.memory_space<vmem>> -> memref<1x8x512xf32, #tpu.memory_space<vmem>>
        %dma_start3A_243 = tpu.memref_squeeze %dma_start3A_242 : memref<1x8x512xf32, #tpu.memory_space<vmem>> -> memref<8x512xf32, #tpu.memory_space<vmem>>
        %dma_start3A_244 = arith.constant 0 : i32
        %dma_start3A_245 = tpu.memref_slice %arg2[%dma_start3A_244, %mul3A_232] : memref<32x1000000xf32, #tpu.memory_space<hbm>> -> memref<8x512xf32, #tpu.memory_space<hbm>>
        tpu.enqueue_dma source(%dma_start3A_245 : memref<8x512xf32, #tpu.memory_space<hbm>>) target(%dma_start3A_243 : memref<8x512xf32, #tpu.memory_space<vmem>>) target_semaphore(%arg8 : memref<!tpu.dma_semaphore, #tpu.memory_space<semaphore_mem>>)
        %mul3A_246 = arith.constant 512 : i32
        %mul3A_247 = arith.muli %add3A_230, %mul3A_246 : i32
        %dma_start3A_248 = arith.constant 1 : i32
        %dma_start3A_249 = arith.constant 8 : i32
        %dma_start3A_250 = arith.constant 0 : i32
        %dma_start3A_251 = tpu.memref_slice %arg5[%dma_start3A_248, %dma_start3A_249, %dma_start3A_250] : memref<2x32x517xf32, #tpu.memory_space<vmem>> -> memref<1x8x512xf32, #tpu.memory_space<vmem>>
        %dma_start3A_252 = tpu.memref_squeeze %dma_start3A_251 : memref<1x8x512xf32, #tpu.memory_space<vmem>> -> memref<8x512xf32, #tpu.memory_space<vmem>>
        %dma_start3A_253 = arith.constant 8 : i32
        %dma_start3A_254 = tpu.memref_slice %arg2[%dma_start3A_253, %mul3A_247] : memref<32x1000000xf32, #tpu.memory_space<hbm>> -> memref<8x512xf32, #tpu.memory_space<hbm>>
        %dma_start3A_255 = arith.constant 8 : i32
        %dma_start3A_256 = arith.constant 0 : i32
        %dma_start3A_257 = tpu.memref_slice %arg5[%dma_start3A_248, %dma_start3A_255, %dma_start3A_256] : memref<2x32x517xf32, #tpu.memory_space<vmem>> -> memref<1x8x512xf32, #tpu.memory_space<vmem>>
        %dma_start3A_258 = tpu.memref_squeeze %dma_start3A_257 : memref<1x8x512xf32, #tpu.memory_space<vmem>> -> memref<8x512xf32, #tpu.memory_space<vmem>>
        %dma_start3A_259 = arith.constant 8 : i32
        %dma_start3A_260 = tpu.memref_slice %arg2[%dma_start3A_259, %mul3A_247] : memref<32x1000000xf32, #tpu.memory_space<hbm>> -> memref<8x512xf32, #tpu.memory_space<hbm>>
        tpu.enqueue_dma source(%dma_start3A_260 : memref<8x512xf32, #tpu.memory_space<hbm>>) target(%dma_start3A_258 : memref<8x512xf32, #tpu.memory_space<vmem>>) target_semaphore(%arg8 : memref<!tpu.dma_semaphore, #tpu.memory_space<semaphore_mem>>)
        %mul3A_261 = arith.constant 512 : i32
        %mul3A_262 = arith.muli %add3A_230, %mul3A_261 : i32
        %dma_start3A_263 = arith.constant 1 : i32
        %dma_start3A_264 = arith.constant 16 : i32
        %dma_start3A_265 = arith.constant 0 : i32
        %dma_start3A_266 = tpu.memref_slice %arg5[%dma_start3A_263, %dma_start3A_264, %dma_start3A_265] : memref<2x32x517xf32, #tpu.memory_space<vmem>> -> memref<1x8x512xf32, #tpu.memory_space<vmem>>
        %dma_start3A_267 = tpu.memref_squeeze %dma_start3A_266 : memref<1x8x512xf32, #tpu.memory_space<vmem>> -> memref<8x512xf32, #tpu.memory_space<vmem>>
        %dma_start3A_268 = arith.constant 16 : i32
        %dma_start3A_269 = tpu.memref_slice %arg2[%dma_start3A_268, %mul3A_262] : memref<32x1000000xf32, #tpu.memory_space<hbm>> -> memref<8x512xf32, #tpu.memory_space<hbm>>
        %dma_start3A_270 = arith.constant 16 : i32
        %dma_start3A_271 = arith.constant 0 : i32
        %dma_start3A_272 = tpu.memref_slice %arg5[%dma_start3A_263, %dma_start3A_270, %dma_start3A_271] : memref<2x32x517xf32, #tpu.memory_space<vmem>> -> memref<1x8x512xf32, #tpu.memory_space<vmem>>
        %dma_start3A_273 = tpu.memref_squeeze %dma_start3A_272 : memref<1x8x512xf32, #tpu.memory_space<vmem>> -> memref<8x512xf32, #tpu.memory_space<vmem>>
        %dma_start3A_274 = arith.constant 16 : i32
        %dma_start3A_275 = tpu.memref_slice %arg2[%dma_start3A_274, %mul3A_262] : memref<32x1000000xf32, #tpu.memory_space<hbm>> -> memref<8x512xf32, #tpu.memory_space<hbm>>
        tpu.enqueue_dma source(%dma_start3A_275 : memref<8x512xf32, #tpu.memory_space<hbm>>) target(%dma_start3A_273 : memref<8x512xf32, #tpu.memory_space<vmem>>) target_semaphore(%arg8 : memref<!tpu.dma_semaphore, #tpu.memory_space<semaphore_mem>>)
        %mul3A_276 = arith.constant 512 : i32
        %mul3A_277 = arith.muli %add3A_230, %mul3A_276 : i32
        %dma_start3A_278 = arith.constant 1 : i32
        %dma_start3A_279 = arith.constant 24 : i32
        %dma_start3A_280 = arith.constant 0 : i32
        %dma_start3A_281 = tpu.memref_slice %arg5[%dma_start3A_278, %dma_start3A_279, %dma_start3A_280] : memref<2x32x517xf32, #tpu.memory_space<vmem>> -> memref<1x8x512xf32, #tpu.memory_space<vmem>>
        %dma_start3A_282 = tpu.memref_squeeze %dma_start3A_281 : memref<1x8x512xf32, #tpu.memory_space<vmem>> -> memref<8x512xf32, #tpu.memory_space<vmem>>
        %dma_start3A_283 = arith.constant 24 : i32
        %dma_start3A_284 = tpu.memref_slice %arg2[%dma_start3A_283, %mul3A_277] : memref<32x1000000xf32, #tpu.memory_space<hbm>> -> memref<8x512xf32, #tpu.memory_space<hbm>>
        %dma_start3A_285 = arith.constant 24 : i32
        %dma_start3A_286 = arith.constant 0 : i32
        %dma_start3A_287 = tpu.memref_slice %arg5[%dma_start3A_278, %dma_start3A_285, %dma_start3A_286] : memref<2x32x517xf32, #tpu.memory_space<vmem>> -> memref<1x8x512xf32, #tpu.memory_space<vmem>>
        %dma_start3A_288 = tpu.memref_squeeze %dma_start3A_287 : memref<1x8x512xf32, #tpu.memory_space<vmem>> -> memref<8x512xf32, #tpu.memory_space<vmem>>
        %dma_start3A_289 = arith.constant 24 : i32
        %dma_start3A_290 = tpu.memref_slice %arg2[%dma_start3A_289, %mul3A_277] : memref<32x1000000xf32, #tpu.memory_space<hbm>> -> memref<8x512xf32, #tpu.memory_space<hbm>>
        tpu.enqueue_dma source(%dma_start3A_290 : memref<8x512xf32, #tpu.memory_space<hbm>>) target(%dma_start3A_288 : memref<8x512xf32, #tpu.memory_space<vmem>>) target_semaphore(%arg8 : memref<!tpu.dma_semaphore, #tpu.memory_space<semaphore_mem>>)
      } else {
      }
      %dma_wait3A_133 = arith.constant 0 : i32
      %dma_wait3A_134 = arith.constant 0 : i32
      %dma_wait3A_135 = arith.constant 0 : i32
      %dma_wait3A_136 = tpu.memref_slice %arg5[%dma_wait3A_133, %dma_wait3A_134, %dma_wait3A_135] : memref<2x32x517xf32, #tpu.memory_space<vmem>> -> memref<1x8x512xf32, #tpu.memory_space<vmem>>
      %dma_wait3A_137 = tpu.memref_squeeze %dma_wait3A_136 : memref<1x8x512xf32, #tpu.memory_space<vmem>> -> memref<8x512xf32, #tpu.memory_space<vmem>>
      %dma_wait3A_138 = arith.constant 0 : i32
      %dma_wait3A_139 = arith.constant 0 : i32
      %dma_wait3A_140 = tpu.memref_slice %arg2[%dma_wait3A_138, %dma_wait3A_139] : memref<32x1000000xf32, #tpu.memory_space<hbm>> -> memref<8x512xf32, #tpu.memory_space<hbm>>
      %dma_wait3A_141 = arith.constant 0 : i32
      %dma_wait3A_142 = arith.constant 0 : i32
      %dma_wait3A_143 = tpu.memref_slice %arg5[%dma_wait3A_133, %dma_wait3A_141, %dma_wait3A_142] : memref<2x32x517xf32, #tpu.memory_space<vmem>> -> memref<1x8x512xf32, #tpu.memory_space<vmem>>
      %dma_wait3A_144 = tpu.memref_squeeze %dma_wait3A_143 : memref<1x8x512xf32, #tpu.memory_space<vmem>> -> memref<8x512xf32, #tpu.memory_space<vmem>>
      %dma_wait3A_145 = arith.constant 0 : i32
      %dma_wait3A_146 = arith.constant 0 : i32
      %dma_wait3A_147 = tpu.memref_slice %arg2[%dma_wait3A_145, %dma_wait3A_146] : memref<32x1000000xf32, #tpu.memory_space<hbm>> -> memref<8x512xf32, #tpu.memory_space<hbm>>
      tpu.wait_dma2 semaphore(%arg7 : memref<!tpu.dma_semaphore, #tpu.memory_space<semaphore_mem>>) src(%dma_wait3A_147 : memref<8x512xf32, #tpu.memory_space<hbm>>) dst(%dma_wait3A_144 : memref<8x512xf32, #tpu.memory_space<vmem>>)
      %dma_wait3A_148 = arith.constant 0 : i32
      %dma_wait3A_149 = arith.constant 8 : i32
      %dma_wait3A_150 = arith.constant 0 : i32
      %dma_wait3A_151 = tpu.memref_slice %arg5[%dma_wait3A_148, %dma_wait3A_149, %dma_wait3A_150] : memref<2x32x517xf32, #tpu.memory_space<vmem>> -> memref<1x8x512xf32, #tpu.memory_space<vmem>>
      %dma_wait3A_152 = tpu.memref_squeeze %dma_wait3A_151 : memref<1x8x512xf32, #tpu.memory_space<vmem>> -> memref<8x512xf32, #tpu.memory_space<vmem>>
      %dma_wait3A_153 = arith.constant 0 : i32
      %dma_wait3A_154 = arith.constant 0 : i32
      %dma_wait3A_155 = tpu.memref_slice %arg2[%dma_wait3A_153, %dma_wait3A_154] : memref<32x1000000xf32, #tpu.memory_space<hbm>> -> memref<8x512xf32, #tpu.memory_space<hbm>>
      %dma_wait3A_156 = arith.constant 8 : i32
      %dma_wait3A_157 = arith.constant 0 : i32
      %dma_wait3A_158 = tpu.memref_slice %arg5[%dma_wait3A_148, %dma_wait3A_156, %dma_wait3A_157] : memref<2x32x517xf32, #tpu.memory_space<vmem>> -> memref<1x8x512xf32, #tpu.memory_space<vmem>>
      %dma_wait3A_159 = tpu.memref_squeeze %dma_wait3A_158 : memref<1x8x512xf32, #tpu.memory_space<vmem>> -> memref<8x512xf32, #tpu.memory_space<vmem>>
      %dma_wait3A_160 = arith.constant 0 : i32
      %dma_wait3A_161 = arith.constant 0 : i32
      %dma_wait3A_162 = tpu.memref_slice %arg2[%dma_wait3A_160, %dma_wait3A_161] : memref<32x1000000xf32, #tpu.memory_space<hbm>> -> memref<8x512xf32, #tpu.memory_space<hbm>>
      tpu.wait_dma2 semaphore(%arg7 : memref<!tpu.dma_semaphore, #tpu.memory_space<semaphore_mem>>) src(%dma_wait3A_162 : memref<8x512xf32, #tpu.memory_space<hbm>>) dst(%dma_wait3A_159 : memref<8x512xf32, #tpu.memory_space<vmem>>)
      %dma_wait3A_163 = arith.constant 0 : i32
      %dma_wait3A_164 = arith.constant 16 : i32
      %dma_wait3A_165 = arith.constant 0 : i32
      %dma_wait3A_166 = tpu.memref_slice %arg5[%dma_wait3A_163, %dma_wait3A_164, %dma_wait3A_165] : memref<2x32x517xf32, #tpu.memory_space<vmem>> -> memref<1x8x512xf32, #tpu.memory_space<vmem>>
      %dma_wait3A_167 = tpu.memref_squeeze %dma_wait3A_166 : memref<1x8x512xf32, #tpu.memory_space<vmem>> -> memref<8x512xf32, #tpu.memory_space<vmem>>
      %dma_wait3A_168 = arith.constant 0 : i32
      %dma_wait3A_169 = arith.constant 0 : i32
      %dma_wait3A_170 = tpu.memref_slice %arg2[%dma_wait3A_168, %dma_wait3A_169] : memref<32x1000000xf32, #tpu.memory_space<hbm>> -> memref<8x512xf32, #tpu.memory_space<hbm>>
      %dma_wait3A_171 = arith.constant 16 : i32
      %dma_wait3A_172 = arith.constant 0 : i32
      %dma_wait3A_173 = tpu.memref_slice %arg5[%dma_wait3A_163, %dma_wait3A_171, %dma_wait3A_172] : memref<2x32x517xf32, #tpu.memory_space<vmem>> -> memref<1x8x512xf32, #tpu.memory_space<vmem>>
      %dma_wait3A_174 = tpu.memref_squeeze %dma_wait3A_173 : memref<1x8x512xf32, #tpu.memory_space<vmem>> -> memref<8x512xf32, #tpu.memory_space<vmem>>
      %dma_wait3A_175 = arith.constant 0 : i32
      %dma_wait3A_176 = arith.constant 0 : i32
      %dma_wait3A_177 = tpu.memref_slice %arg2[%dma_wait3A_175, %dma_wait3A_176] : memref<32x1000000xf32, #tpu.memory_space<hbm>> -> memref<8x512xf32, #tpu.memory_space<hbm>>
      tpu.wait_dma2 semaphore(%arg7 : memref<!tpu.dma_semaphore, #tpu.memory_space<semaphore_mem>>) src(%dma_wait3A_177 : memref<8x512xf32, #tpu.memory_space<hbm>>) dst(%dma_wait3A_174 : memref<8x512xf32, #tpu.memory_space<vmem>>)
      %dma_wait3A_178 = arith.constant 0 : i32
      %dma_wait3A_179 = arith.constant 24 : i32
      %dma_wait3A_180 = arith.constant 0 : i32
      %dma_wait3A_181 = tpu.memref_slice %arg5[%dma_wait3A_178, %dma_wait3A_179, %dma_wait3A_180] : memref<2x32x517xf32, #tpu.memory_space<vmem>> -> memref<1x8x512xf32, #tpu.memory_space<vmem>>
      %dma_wait3A_182 = tpu.memref_squeeze %dma_wait3A_181 : memref<1x8x512xf32, #tpu.memory_space<vmem>> -> memref<8x512xf32, #tpu.memory_space<vmem>>
      %dma_wait3A_183 = arith.constant 0 : i32
      %dma_wait3A_184 = arith.constant 0 : i32
      %dma_wait3A_185 = tpu.memref_slice %arg2[%dma_wait3A_183, %dma_wait3A_184] : memref<32x1000000xf32, #tpu.memory_space<hbm>> -> memref<8x512xf32, #tpu.memory_space<hbm>>
      %dma_wait3A_186 = arith.constant 24 : i32
      %dma_wait3A_187 = arith.constant 0 : i32
      %dma_wait3A_188 = tpu.memref_slice %arg5[%dma_wait3A_178, %dma_wait3A_186, %dma_wait3A_187] : memref<2x32x517xf32, #tpu.memory_space<vmem>> -> memref<1x8x512xf32, #tpu.memory_space<vmem>>
      %dma_wait3A_189 = tpu.memref_squeeze %dma_wait3A_188 : memref<1x8x512xf32, #tpu.memory_space<vmem>> -> memref<8x512xf32, #tpu.memory_space<vmem>>
      %dma_wait3A_190 = arith.constant 0 : i32
      %dma_wait3A_191 = arith.constant 0 : i32
      %dma_wait3A_192 = tpu.memref_slice %arg2[%dma_wait3A_190, %dma_wait3A_191] : memref<32x1000000xf32, #tpu.memory_space<hbm>> -> memref<8x512xf32, #tpu.memory_space<hbm>>
      tpu.wait_dma2 semaphore(%arg7 : memref<!tpu.dma_semaphore, #tpu.memory_space<semaphore_mem>>) src(%dma_wait3A_192 : memref<8x512xf32, #tpu.memory_space<hbm>>) dst(%dma_wait3A_189 : memref<8x512xf32, #tpu.memory_space<vmem>>)
      %parallel_loop3A = arith.constant 0 : i32
      %parallel_loop3A_193 = arith.constant 512 : i32
      %parallel_loop3A_194 = arith.constant 1 : i32
      %parallel_loop3A_195:2 = scf.for %parallel_loop3A_229 = %parallel_loop3A to %parallel_loop3A_193 step %parallel_loop3A_194 iter_args(%parallel_loop3A_230 = %iota3A, %parallel_loop3A_231 = %mul3A_73) -> (vector<16xi32>, vector<16xi32>)  : i32 {
        %parallel_loop3A_232 = arith.constant 4 : i32
        %parallel_loop3A_233 = arith.divsi %parallel_loop3A_229, %parallel_loop3A_232 : i32
        %parallel_loop3A_234 = arith.constant 0 : i32
        %parallel_loop3A_235 = arith.cmpi sgt, %parallel_loop3A_229, %parallel_loop3A_234 : i32
        %parallel_loop3A_236 = arith.extui %parallel_loop3A_235 : i1 to i32
        %parallel_loop3A_237 = arith.constant 0 : i32
        %parallel_loop3A_238 = arith.cmpi slt, %parallel_loop3A_229, %parallel_loop3A_237 : i32
        %parallel_loop3A_239 = arith.extui %parallel_loop3A_238 : i1 to i32
        %parallel_loop3A_240 = arith.subi %parallel_loop3A_236, %parallel_loop3A_239 : i32
        %parallel_loop3A_241 = arith.constant 0 : i32
        %parallel_loop3A_242 = arith.cmpi sgt, %parallel_loop3A_232, %parallel_loop3A_241 : i32
        %parallel_loop3A_243 = arith.extui %parallel_loop3A_242 : i1 to i32
        %parallel_loop3A_244 = arith.constant 0 : i32
        %parallel_loop3A_245 = arith.cmpi slt, %parallel_loop3A_232, %parallel_loop3A_244 : i32
        %parallel_loop3A_246 = arith.extui %parallel_loop3A_245 : i1 to i32
        %parallel_loop3A_247 = arith.subi %parallel_loop3A_243, %parallel_loop3A_246 : i32
        %parallel_loop3A_248 = arith.cmpi ne, %parallel_loop3A_240, %parallel_loop3A_247 : i32
        %parallel_loop3A_249 = arith.remsi %parallel_loop3A_229, %parallel_loop3A_232 : i32
        %parallel_loop3A_250 = arith.constant 0 : i32
        %parallel_loop3A_251 = arith.cmpi ne, %parallel_loop3A_249, %parallel_loop3A_250 : i32
        %parallel_loop3A_252 = arith.andi %parallel_loop3A_248, %parallel_loop3A_251 : i1
        %parallel_loop3A_253 = arith.constant 1 : i32
        %parallel_loop3A_254 = arith.subi %parallel_loop3A_233, %parallel_loop3A_253 : i32
        %parallel_loop3A_255 = arith.select %parallel_loop3A_252, %parallel_loop3A_254, %parallel_loop3A_233 : i32
        %parallel_loop3A_256 = arith.constant 4 : i32
        %parallel_loop3A_257 = arith.muli %parallel_loop3A_255, %parallel_loop3A_256 : i32
        %parallel_loop3A_258 = arith.subi %parallel_loop3A_229, %parallel_loop3A_257 : i32
        %parallel_loop3A_259 = arith.constant 4 : i32
        %parallel_loop3A_260 = arith.muli %parallel_loop3A_259, %parallel_loop3A_255 : i32
        %parallel_loop3A_261 = arith.addi %parallel_loop3A_260, %parallel_loop3A_258 : i32
        %parallel_loop3A_262 = vector.broadcast %parallel_loop3A_261 : i32 to vector<16xi32>
        %parallel_loop3A_263 = arith.addi %parallel_loop3A_231, %parallel_loop3A_262 : vector<16xi32>
        %parallel_loop3A_264 = arith.constant 0 : i32
        %parallel_loop3A_265 = arith.constant 0 : i32
        %parallel_loop3A_266 = arith.constant 0 : i32
        %parallel_loop3A_267 = tpu.memref_slice %arg5[%parallel_loop3A_264, %parallel_loop3A_265, %parallel_loop3A_266] : memref<2x32x517xf32, #tpu.memory_space<vmem>> -> memref<1x32x517xf32, #tpu.memory_space<vmem>>
        %parallel_loop3A_268 = tpu.memref_squeeze %parallel_loop3A_267 : memref<1x32x517xf32, #tpu.memory_space<vmem>> -> memref<32x517xf32, #tpu.memory_space<vmem>>
        %parallel_loop3A_269 = tpu.vector_load_idx %parallel_loop3A_268[%parallel_loop3A_230, %parallel_loop3A_263] : memref<32x517xf32, #tpu.memory_space<vmem>>[vector<16xi32>, vector<16xi32>], vector<16xf32>,
        %parallel_loop3A_270 = arith.constant 32 : i32
        %parallel_loop3A_271 = arith.muli %parallel_loop3A_258, %parallel_loop3A_270 : i32
        %parallel_loop3A_272 = arith.constant 0 : i32
        %parallel_loop3A_273 = arith.addi %parallel_loop3A_271, %parallel_loop3A_272 : i32
        %parallel_loop3A_274 = arith.constant 0 : i32
        %parallel_loop3A_275 = arith.index_cast %parallel_loop3A_274 : i32 to index
        %parallel_loop3A_276 = arith.index_cast %parallel_loop3A_255 : i32 to index
        %parallel_loop3A_277 = arith.index_cast %parallel_loop3A_273 : i32 to index
        %parallel_loop3A_278 = tpu.vector_load %arg6[%parallel_loop3A_275, %parallel_loop3A_276, %parallel_loop3A_277] {strides = array<i32>} : memref<2x128x128xf32, #tpu.memory_space<vmem>>, vector<16xf32>,
        tpu.vector_store %arg6[%parallel_loop3A_275, %parallel_loop3A_276, %parallel_loop3A_277], %parallel_loop3A_269 {strides = array<i32>} : memref<2x128x128xf32, #tpu.memory_space<vmem>>, vector<16xf32>,
        scf.yield %parallel_loop3A_230, %parallel_loop3A_231 : vector<16xi32>, vector<16xi32>
      } {sc.loop_unroll_factor = 16 : i64, sc.parallel_access}
      %parallel_loop3A_196 = arith.constant 0 : i32
      %parallel_loop3A_197 = arith.constant 512 : i32
      %parallel_loop3A_198 = arith.constant 1 : i32
      %parallel_loop3A_199:2 = scf.for %parallel_loop3A_229 = %parallel_loop3A_196 to %parallel_loop3A_197 step %parallel_loop3A_198 iter_args(%parallel_loop3A_230 = %add3A_70, %parallel_loop3A_231 = %mul3A_73) -> (vector<16xi32>, vector<16xi32>)  : i32 {
        %parallel_loop3A_232 = arith.constant 4 : i32
        %parallel_loop3A_233 = arith.divsi %parallel_loop3A_229, %parallel_loop3A_232 : i32
        %parallel_loop3A_234 = arith.constant 0 : i32
        %parallel_loop3A_235 = arith.cmpi sgt, %parallel_loop3A_229, %parallel_loop3A_234 : i32
        %parallel_loop3A_236 = arith.extui %parallel_loop3A_235 : i1 to i32
        %parallel_loop3A_237 = arith.constant 0 : i32
        %parallel_loop3A_238 = arith.cmpi slt, %parallel_loop3A_229, %parallel_loop3A_237 : i32
        %parallel_loop3A_239 = arith.extui %parallel_loop3A_238 : i1 to i32
        %parallel_loop3A_240 = arith.subi %parallel_loop3A_236, %parallel_loop3A_239 : i32
        %parallel_loop3A_241 = arith.constant 0 : i32
        %parallel_loop3A_242 = arith.cmpi sgt, %parallel_loop3A_232, %parallel_loop3A_241 : i32
        %parallel_loop3A_243 = arith.extui %parallel_loop3A_242 : i1 to i32
        %parallel_loop3A_244 = arith.constant 0 : i32
        %parallel_loop3A_245 = arith.cmpi slt, %parallel_loop3A_232, %parallel_loop3A_244 : i32
        %parallel_loop3A_246 = arith.extui %parallel_loop3A_245 : i1 to i32
        %parallel_loop3A_247 = arith.subi %parallel_loop3A_243, %parallel_loop3A_246 : i32
        %parallel_loop3A_248 = arith.cmpi ne, %parallel_loop3A_240, %parallel_loop3A_247 : i32
        %parallel_loop3A_249 = arith.remsi %parallel_loop3A_229, %parallel_loop3A_232 : i32
        %parallel_loop3A_250 = arith.constant 0 : i32
        %parallel_loop3A_251 = arith.cmpi ne, %parallel_loop3A_249, %parallel_loop3A_250 : i32
        %parallel_loop3A_252 = arith.andi %parallel_loop3A_248, %parallel_loop3A_251 : i1
        %parallel_loop3A_253 = arith.constant 1 : i32
        %parallel_loop3A_254 = arith.subi %parallel_loop3A_233, %parallel_loop3A_253 : i32
        %parallel_loop3A_255 = arith.select %parallel_loop3A_252, %parallel_loop3A_254, %parallel_loop3A_233 : i32
        %parallel_loop3A_256 = arith.constant 4 : i32
        %parallel_loop3A_257 = arith.muli %parallel_loop3A_255, %parallel_loop3A_256 : i32
        %parallel_loop3A_258 = arith.subi %parallel_loop3A_229, %parallel_loop3A_257 : i32
        %parallel_loop3A_259 = arith.constant 4 : i32
        %parallel_loop3A_260 = arith.muli %parallel_loop3A_259, %parallel_loop3A_255 : i32
        %parallel_loop3A_261 = arith.addi %parallel_loop3A_260, %parallel_loop3A_258 : i32
        %parallel_loop3A_262 = vector.broadcast %parallel_loop3A_261 : i32 to vector<16xi32>
        %parallel_loop3A_263 = arith.addi %parallel_loop3A_231, %parallel_loop3A_262 : vector<16xi32>
        %parallel_loop3A_264 = arith.constant 0 : i32
        %parallel_loop3A_265 = arith.constant 0 : i32
        %parallel_loop3A_266 = arith.constant 0 : i32
        %parallel_loop3A_267 = tpu.memref_slice %arg5[%parallel_loop3A_264, %parallel_loop3A_265, %parallel_loop3A_266] : memref<2x32x517xf32, #tpu.memory_space<vmem>> -> memref<1x32x517xf32, #tpu.memory_space<vmem>>
        %parallel_loop3A_268 = tpu.memref_squeeze %parallel_loop3A_267 : memref<1x32x517xf32, #tpu.memory_space<vmem>> -> memref<32x517xf32, #tpu.memory_space<vmem>>
        %parallel_loop3A_269 = tpu.vector_load_idx %parallel_loop3A_268[%parallel_loop3A_230, %parallel_loop3A_263] : memref<32x517xf32, #tpu.memory_space<vmem>>[vector<16xi32>, vector<16xi32>], vector<16xf32>,
        %parallel_loop3A_270 = arith.constant 32 : i32
        %parallel_loop3A_271 = arith.muli %parallel_loop3A_258, %parallel_loop3A_270 : i32
        %parallel_loop3A_272 = arith.constant 16 : i32
        %parallel_loop3A_273 = arith.addi %parallel_loop3A_271, %parallel_loop3A_272 : i32
        %parallel_loop3A_274 = arith.constant 0 : i32
        %parallel_loop3A_275 = arith.index_cast %parallel_loop3A_274 : i32 to index
        %parallel_loop3A_276 = arith.index_cast %parallel_loop3A_255 : i32 to index
        %parallel_loop3A_277 = arith.index_cast %parallel_loop3A_273 : i32 to index
        %parallel_loop3A_278 = tpu.vector_load %arg6[%parallel_loop3A_275, %parallel_loop3A_276, %parallel_loop3A_277] {strides = array<i32>} : memref<2x128x128xf32, #tpu.memory_space<vmem>>, vector<16xf32>,
        tpu.vector_store %arg6[%parallel_loop3A_275, %parallel_loop3A_276, %parallel_loop3A_277], %parallel_loop3A_269 {strides = array<i32>} : memref<2x128x128xf32, #tpu.memory_space<vmem>>, vector<16xf32>,
        scf.yield %parallel_loop3A_230, %parallel_loop3A_231 : vector<16xi32>, vector<16xi32>
      } {sc.loop_unroll_factor = 16 : i64, sc.parallel_access}
      %ge3A_200 = arith.constant 1 : i32
      %ge3A_201 = arith.cmpi sge, %while3A_122, %ge3A_200 : i32
      %convert_element_type3A_202 = arith.extui %ge3A_201 : i1 to i32
      %cond3A_203 = arith.constant 0 : i32
      %cond3A_204 = arith.cmpi ne, %convert_element_type3A_202, %cond3A_203 : i32
      scf.if %cond3A_204 {
        %dma_wait3A_229 = arith.constant 0 : i32
        %dma_wait3A_230 = arith.constant 0 : i32
        %dma_wait3A_231 = arith.constant 0 : i32
        %dma_wait3A_232 = tpu.memref_slice %arg6[%dma_wait3A_229, %dma_wait3A_230, %dma_wait3A_231] : memref<2x128x128xf32, #tpu.memory_space<vmem>> -> memref<1x128x128xf32, #tpu.memory_space<vmem>>
        %dma_wait3A_233 = tpu.memref_squeeze %dma_wait3A_232 : memref<1x128x128xf32, #tpu.memory_space<vmem>> -> memref<128x128xf32, #tpu.memory_space<vmem>>
        %dma_wait3A_234 = arith.constant 0 : i32
        %dma_wait3A_235 = arith.constant 0 : i32
        %dma_wait3A_236 = tpu.memref_slice %arg4[%dma_wait3A_234, %dma_wait3A_235] : memref<250000x128xf32, #tpu.memory_space<hbm>> -> memref<128x128xf32, #tpu.memory_space<hbm>>
        %dma_wait3A_237 = arith.constant 0 : i32
        %dma_wait3A_238 = arith.constant 0 : i32
        %dma_wait3A_239 = tpu.memref_slice %arg6[%dma_wait3A_229, %dma_wait3A_237, %dma_wait3A_238] : memref<2x128x128xf32, #tpu.memory_space<vmem>> -> memref<1x128x128xf32, #tpu.memory_space<vmem>>
        %dma_wait3A_240 = tpu.memref_squeeze %dma_wait3A_239 : memref<1x128x128xf32, #tpu.memory_space<vmem>> -> memref<128x128xf32, #tpu.memory_space<vmem>>
        %dma_wait3A_241 = arith.constant 0 : i32
        %dma_wait3A_242 = arith.constant 0 : i32
        %dma_wait3A_243 = tpu.memref_slice %arg4[%dma_wait3A_241, %dma_wait3A_242] : memref<250000x128xf32, #tpu.memory_space<hbm>> -> memref<128x128xf32, #tpu.memory_space<hbm>>
        tpu.wait_dma2 semaphore(%arg9 : memref<!tpu.dma_semaphore, #tpu.memory_space<semaphore_mem>>) src(%dma_wait3A_243 : memref<128x128xf32, #tpu.memory_space<hbm>>) dst(%dma_wait3A_240 : memref<128x128xf32, #tpu.memory_space<vmem>>)
      } else {
      }
      %mul3A_205 = arith.constant 32 : i32
      %mul3A_206 = arith.muli %add3A_125, %mul3A_205 : i32
      %mul3A_207 = arith.constant 4 : i32
      %mul3A_208 = arith.muli %mul3A_206, %mul3A_207 : i32
      %dma_start3A_209 = arith.constant 0 : i32
      %dma_start3A_210 = arith.constant 0 : i32
      %dma_start3A_211 = arith.constant 0 : i32
      %dma_start3A_212 = tpu.memref_slice %arg6[%dma_start3A_209, %dma_start3A_210, %dma_start3A_211] : memref<2x128x128xf32, #tpu.memory_space<vmem>> -> memref<1x128x128xf32, #tpu.memory_space<vmem>>
      %dma_start3A_213 = tpu.memref_squeeze %dma_start3A_212 : memref<1x128x128xf32, #tpu.memory_space<vmem>> -> memref<128x128xf32, #tpu.memory_space<vmem>>
      %dma_start3A_214 = arith.constant 0 : i32
      %dma_start3A_215 = tpu.memref_slice %arg4[%mul3A_208, %dma_start3A_214] : memref<250000x128xf32, #tpu.memory_space<hbm>> -> memref<128x128xf32, #tpu.memory_space<hbm>>
      %dma_start3A_216 = arith.constant 0 : i32
      %dma_start3A_217 = tpu.memref_slice %arg4[%mul3A_208, %dma_start3A_216] : memref<250000x128xf32, #tpu.memory_space<hbm>> -> memref<128x128xf32, #tpu.memory_space<hbm>>
      %dma_start3A_218 = arith.constant 0 : i32
      %dma_start3A_219 = arith.constant 0 : i32
      %dma_start3A_220 = tpu.memref_slice %arg6[%dma_start3A_209, %dma_start3A_218, %dma_start3A_219] : memref<2x128x128xf32, #tpu.memory_space<vmem>> -> memref<1x128x128xf32, #tpu.memory_space<vmem>>
      %dma_start3A_221 = tpu.memref_squeeze %dma_start3A_220 : memref<1x128x128xf32, #tpu.memory_space<vmem>> -> memref<128x128xf32, #tpu.memory_space<vmem>>
      tpu.enqueue_dma source(%dma_start3A_221 : memref<128x128xf32, #tpu.memory_space<vmem>>) target(%dma_start3A_217 : memref<128x128xf32, #tpu.memory_space<hbm>>) target_semaphore(%arg9 : memref<!tpu.dma_semaphore, #tpu.memory_space<semaphore_mem>>)
      %add3A_222 = arith.constant 1 : i32
      %add3A_223 = arith.addi %add3A_125, %add3A_222 : i32
      %add3A_224 = arith.addi %add3A_4, %add3A_8 : i32
      %lt3A_225 = arith.cmpi slt, %add3A_223, %add3A_224 : i32
      %convert_element_type3A_226 = arith.extui %lt3A_225 : i1 to i32
      %cond3A_227 = arith.constant 0 : i32
      %cond3A_228 = arith.cmpi ne, %convert_element_type3A_226, %cond3A_227 : i32
      scf.if %cond3A_228 {
        %add3A_229 = arith.constant 2 : i32
        %add3A_230 = arith.addi %add3A_125, %add3A_229 : i32
        %add3A_231 = arith.addi %add3A_4, %add3A_8 : i32
        %lt3A_232 = arith.cmpi slt, %add3A_230, %add3A_231 : i32
        %convert_element_type3A_233 = arith.extui %lt3A_232 : i1 to i32
        %cond3A_234 = arith.constant 0 : i32
        %cond3A_235 = arith.cmpi ne, %convert_element_type3A_233, %cond3A_234 : i32
        scf.if %cond3A_235 {
          %add3A_328 = arith.constant 2 : i32
          %add3A_329 = arith.addi %add3A_125, %add3A_328 : i32
          %mul3A_330 = arith.constant 512 : i32
          %mul3A_331 = arith.muli %add3A_329, %mul3A_330 : i32
          %dma_start3A_332 = arith.constant 0 : i32
          %dma_start3A_333 = arith.constant 0 : i32
          %dma_start3A_334 = arith.constant 0 : i32
          %dma_start3A_335 = tpu.memref_slice %arg5[%dma_start3A_332, %dma_start3A_333, %dma_start3A_334] : memref<2x32x517xf32, #tpu.memory_space<vmem>> -> memref<1x8x512xf32, #tpu.memory_space<vmem>>
          %dma_start3A_336 = tpu.memref_squeeze %dma_start3A_335 : memref<1x8x512xf32, #tpu.memory_space<vmem>> -> memref<8x512xf32, #tpu.memory_space<vmem>>
          %dma_start3A_337 = arith.constant 0 : i32
          %dma_start3A_338 = tpu.memref_slice %arg2[%dma_start3A_337, %mul3A_331] : memref<32x1000000xf32, #tpu.memory_space<hbm>> -> memref<8x512xf32, #tpu.memory_space<hbm>>
          %dma_start3A_339 = arith.constant 0 : i32
          %dma_start3A_340 = arith.constant 0 : i32
          %dma_start3A_341 = tpu.memref_slice %arg5[%dma_start3A_332, %dma_start3A_339, %dma_start3A_340] : memref<2x32x517xf32, #tpu.memory_space<vmem>> -> memref<1x8x512xf32, #tpu.memory_space<vmem>>
          %dma_start3A_342 = tpu.memref_squeeze %dma_start3A_341 : memref<1x8x512xf32, #tpu.memory_space<vmem>> -> memref<8x512xf32, #tpu.memory_space<vmem>>
          %dma_start3A_343 = arith.constant 0 : i32
          %dma_start3A_344 = tpu.memref_slice %arg2[%dma_start3A_343, %mul3A_331] : memref<32x1000000xf32, #tpu.memory_space<hbm>> -> memref<8x512xf32, #tpu.memory_space<hbm>>
          tpu.enqueue_dma source(%dma_start3A_344 : memref<8x512xf32, #tpu.memory_space<hbm>>) target(%dma_start3A_342 : memref<8x512xf32, #tpu.memory_space<vmem>>) target_semaphore(%arg7 : memref<!tpu.dma_semaphore, #tpu.memory_space<semaphore_mem>>)
          %mul3A_345 = arith.constant 512 : i32
          %mul3A_346 = arith.muli %add3A_329, %mul3A_345 : i32
          %dma_start3A_347 = arith.constant 0 : i32
          %dma_start3A_348 = arith.constant 8 : i32
          %dma_start3A_349 = arith.constant 0 : i32
          %dma_start3A_350 = tpu.memref_slice %arg5[%dma_start3A_347, %dma_start3A_348, %dma_start3A_349] : memref<2x32x517xf32, #tpu.memory_space<vmem>> -> memref<1x8x512xf32, #tpu.memory_space<vmem>>
          %dma_start3A_351 = tpu.memref_squeeze %dma_start3A_350 : memref<1x8x512xf32, #tpu.memory_space<vmem>> -> memref<8x512xf32, #tpu.memory_space<vmem>>
          %dma_start3A_352 = arith.constant 8 : i32
          %dma_start3A_353 = tpu.memref_slice %arg2[%dma_start3A_352, %mul3A_346] : memref<32x1000000xf32, #tpu.memory_space<hbm>> -> memref<8x512xf32, #tpu.memory_space<hbm>>
          %dma_start3A_354 = arith.constant 8 : i32
          %dma_start3A_355 = arith.constant 0 : i32
          %dma_start3A_356 = tpu.memref_slice %arg5[%dma_start3A_347, %dma_start3A_354, %dma_start3A_355] : memref<2x32x517xf32, #tpu.memory_space<vmem>> -> memref<1x8x512xf32, #tpu.memory_space<vmem>>
          %dma_start3A_357 = tpu.memref_squeeze %dma_start3A_356 : memref<1x8x512xf32, #tpu.memory_space<vmem>> -> memref<8x512xf32, #tpu.memory_space<vmem>>
          %dma_start3A_358 = arith.constant 8 : i32
          %dma_start3A_359 = tpu.memref_slice %arg2[%dma_start3A_358, %mul3A_346] : memref<32x1000000xf32, #tpu.memory_space<hbm>> -> memref<8x512xf32, #tpu.memory_space<hbm>>
          tpu.enqueue_dma source(%dma_start3A_359 : memref<8x512xf32, #tpu.memory_space<hbm>>) target(%dma_start3A_357 : memref<8x512xf32, #tpu.memory_space<vmem>>) target_semaphore(%arg7 : memref<!tpu.dma_semaphore, #tpu.memory_space<semaphore_mem>>)
          %mul3A_360 = arith.constant 512 : i32
          %mul3A_361 = arith.muli %add3A_329, %mul3A_360 : i32
          %dma_start3A_362 = arith.constant 0 : i32
          %dma_start3A_363 = arith.constant 16 : i32
          %dma_start3A_364 = arith.constant 0 : i32
          %dma_start3A_365 = tpu.memref_slice %arg5[%dma_start3A_362, %dma_start3A_363, %dma_start3A_364] : memref<2x32x517xf32, #tpu.memory_space<vmem>> -> memref<1x8x512xf32, #tpu.memory_space<vmem>>
          %dma_start3A_366 = tpu.memref_squeeze %dma_start3A_365 : memref<1x8x512xf32, #tpu.memory_space<vmem>> -> memref<8x512xf32, #tpu.memory_space<vmem>>
          %dma_start3A_367 = arith.constant 16 : i32
          %dma_start3A_368 = tpu.memref_slice %arg2[%dma_start3A_367, %mul3A_361] : memref<32x1000000xf32, #tpu.memory_space<hbm>> -> memref<8x512xf32, #tpu.memory_space<hbm>>
          %dma_start3A_369 = arith.constant 16 : i32
          %dma_start3A_370 = arith.constant 0 : i32
          %dma_start3A_371 = tpu.memref_slice %arg5[%dma_start3A_362, %dma_start3A_369, %dma_start3A_370] : memref<2x32x517xf32, #tpu.memory_space<vmem>> -> memref<1x8x512xf32, #tpu.memory_space<vmem>>
          %dma_start3A_372 = tpu.memref_squeeze %dma_start3A_371 : memref<1x8x512xf32, #tpu.memory_space<vmem>> -> memref<8x512xf32, #tpu.memory_space<vmem>>
          %dma_start3A_373 = arith.constant 16 : i32
          %dma_start3A_374 = tpu.memref_slice %arg2[%dma_start3A_373, %mul3A_361] : memref<32x1000000xf32, #tpu.memory_space<hbm>> -> memref<8x512xf32, #tpu.memory_space<hbm>>
          tpu.enqueue_dma source(%dma_start3A_374 : memref<8x512xf32, #tpu.memory_space<hbm>>) target(%dma_start3A_372 : memref<8x512xf32, #tpu.memory_space<vmem>>) target_semaphore(%arg7 : memref<!tpu.dma_semaphore, #tpu.memory_space<semaphore_mem>>)
          %mul3A_375 = arith.constant 512 : i32
          %mul3A_376 = arith.muli %add3A_329, %mul3A_375 : i32
          %dma_start3A_377 = arith.constant 0 : i32
          %dma_start3A_378 = arith.constant 24 : i32
          %dma_start3A_379 = arith.constant 0 : i32
          %dma_start3A_380 = tpu.memref_slice %arg5[%dma_start3A_377, %dma_start3A_378, %dma_start3A_379] : memref<2x32x517xf32, #tpu.memory_space<vmem>> -> memref<1x8x512xf32, #tpu.memory_space<vmem>>
          %dma_start3A_381 = tpu.memref_squeeze %dma_start3A_380 : memref<1x8x512xf32, #tpu.memory_space<vmem>> -> memref<8x512xf32, #tpu.memory_space<vmem>>
          %dma_start3A_382 = arith.constant 24 : i32
          %dma_start3A_383 = tpu.memref_slice %arg2[%dma_start3A_382, %mul3A_376] : memref<32x1000000xf32, #tpu.memory_space<hbm>> -> memref<8x512xf32, #tpu.memory_space<hbm>>
          %dma_start3A_384 = arith.constant 24 : i32
          %dma_start3A_385 = arith.constant 0 : i32
          %dma_start3A_386 = tpu.memref_slice %arg5[%dma_start3A_377, %dma_start3A_384, %dma_start3A_385] : memref<2x32x517xf32, #tpu.memory_space<vmem>> -> memref<1x8x512xf32, #tpu.memory_space<vmem>>
          %dma_start3A_387 = tpu.memref_squeeze %dma_start3A_386 : memref<1x8x512xf32, #tpu.memory_space<vmem>> -> memref<8x512xf32, #tpu.memory_space<vmem>>
          %dma_start3A_388 = arith.constant 24 : i32
          %dma_start3A_389 = tpu.memref_slice %arg2[%dma_start3A_388, %mul3A_376] : memref<32x1000000xf32, #tpu.memory_space<hbm>> -> memref<8x512xf32, #tpu.memory_space<hbm>>
          tpu.enqueue_dma source(%dma_start3A_389 : memref<8x512xf32, #tpu.memory_space<hbm>>) target(%dma_start3A_387 : memref<8x512xf32, #tpu.memory_space<vmem>>) target_semaphore(%arg7 : memref<!tpu.dma_semaphore, #tpu.memory_space<semaphore_mem>>)
        } else {
        }
        %dma_wait3A_236 = arith.constant 1 : i32
        %dma_wait3A_237 = arith.constant 0 : i32
        %dma_wait3A_238 = arith.constant 0 : i32
        %dma_wait3A_239 = tpu.memref_slice %arg5[%dma_wait3A_236, %dma_wait3A_237, %dma_wait3A_238] : memref<2x32x517xf32, #tpu.memory_space<vmem>> -> memref<1x8x512xf32, #tpu.memory_space<vmem>>
        %dma_wait3A_240 = tpu.memref_squeeze %dma_wait3A_239 : memref<1x8x512xf32, #tpu.memory_space<vmem>> -> memref<8x512xf32, #tpu.memory_space<vmem>>
        %dma_wait3A_241 = arith.constant 0 : i32
        %dma_wait3A_242 = arith.constant 0 : i32
        %dma_wait3A_243 = tpu.memref_slice %arg2[%dma_wait3A_241, %dma_wait3A_242] : memref<32x1000000xf32, #tpu.memory_space<hbm>> -> memref<8x512xf32, #tpu.memory_space<hbm>>
        %dma_wait3A_244 = arith.constant 0 : i32
        %dma_wait3A_245 = arith.constant 0 : i32
        %dma_wait3A_246 = tpu.memref_slice %arg5[%dma_wait3A_236, %dma_wait3A_244, %dma_wait3A_245] : memref<2x32x517xf32, #tpu.memory_space<vmem>> -> memref<1x8x512xf32, #tpu.memory_space<vmem>>
        %dma_wait3A_247 = tpu.memref_squeeze %dma_wait3A_246 : memref<1x8x512xf32, #tpu.memory_space<vmem>> -> memref<8x512xf32, #tpu.memory_space<vmem>>
        %dma_wait3A_248 = arith.constant 0 : i32
        %dma_wait3A_249 = arith.constant 0 : i32
        %dma_wait3A_250 = tpu.memref_slice %arg2[%dma_wait3A_248, %dma_wait3A_249] : memref<32x1000000xf32, #tpu.memory_space<hbm>> -> memref<8x512xf32, #tpu.memory_space<hbm>>
        tpu.wait_dma2 semaphore(%arg8 : memref<!tpu.dma_semaphore, #tpu.memory_space<semaphore_mem>>) src(%dma_wait3A_250 : memref<8x512xf32, #tpu.memory_space<hbm>>) dst(%dma_wait3A_247 : memref<8x512xf32, #tpu.memory_space<vmem>>)
        %dma_wait3A_251 = arith.constant 1 : i32
        %dma_wait3A_252 = arith.constant 8 : i32
        %dma_wait3A_253 = arith.constant 0 : i32
        %dma_wait3A_254 = tpu.memref_slice %arg5[%dma_wait3A_251, %dma_wait3A_252, %dma_wait3A_253] : memref<2x32x517xf32, #tpu.memory_space<vmem>> -> memref<1x8x512xf32, #tpu.memory_space<vmem>>
        %dma_wait3A_255 = tpu.memref_squeeze %dma_wait3A_254 : memref<1x8x512xf32, #tpu.memory_space<vmem>> -> memref<8x512xf32, #tpu.memory_space<vmem>>
        %dma_wait3A_256 = arith.constant 0 : i32
        %dma_wait3A_257 = arith.constant 0 : i32
        %dma_wait3A_258 = tpu.memref_slice %arg2[%dma_wait3A_256, %dma_wait3A_257] : memref<32x1000000xf32, #tpu.memory_space<hbm>> -> memref<8x512xf32, #tpu.memory_space<hbm>>
        %dma_wait3A_259 = arith.constant 8 : i32
        %dma_wait3A_260 = arith.constant 0 : i32
        %dma_wait3A_261 = tpu.memref_slice %arg5[%dma_wait3A_251, %dma_wait3A_259, %dma_wait3A_260] : memref<2x32x517xf32, #tpu.memory_space<vmem>> -> memref<1x8x512xf32, #tpu.memory_space<vmem>>
        %dma_wait3A_262 = tpu.memref_squeeze %dma_wait3A_261 : memref<1x8x512xf32, #tpu.memory_space<vmem>> -> memref<8x512xf32, #tpu.memory_space<vmem>>
        %dma_wait3A_263 = arith.constant 0 : i32
        %dma_wait3A_264 = arith.constant 0 : i32
        %dma_wait3A_265 = tpu.memref_slice %arg2[%dma_wait3A_263, %dma_wait3A_264] : memref<32x1000000xf32, #tpu.memory_space<hbm>> -> memref<8x512xf32, #tpu.memory_space<hbm>>
        tpu.wait_dma2 semaphore(%arg8 : memref<!tpu.dma_semaphore, #tpu.memory_space<semaphore_mem>>) src(%dma_wait3A_265 : memref<8x512xf32, #tpu.memory_space<hbm>>) dst(%dma_wait3A_262 : memref<8x512xf32, #tpu.memory_space<vmem>>)
        %dma_wait3A_266 = arith.constant 1 : i32
        %dma_wait3A_267 = arith.constant 16 : i32
        %dma_wait3A_268 = arith.constant 0 : i32
        %dma_wait3A_269 = tpu.memref_slice %arg5[%dma_wait3A_266, %dma_wait3A_267, %dma_wait3A_268] : memref<2x32x517xf32, #tpu.memory_space<vmem>> -> memref<1x8x512xf32, #tpu.memory_space<vmem>>
        %dma_wait3A_270 = tpu.memref_squeeze %dma_wait3A_269 : memref<1x8x512xf32, #tpu.memory_space<vmem>> -> memref<8x512xf32, #tpu.memory_space<vmem>>
        %dma_wait3A_271 = arith.constant 0 : i32
        %dma_wait3A_272 = arith.constant 0 : i32
        %dma_wait3A_273 = tpu.memref_slice %arg2[%dma_wait3A_271, %dma_wait3A_272] : memref<32x1000000xf32, #tpu.memory_space<hbm>> -> memref<8x512xf32, #tpu.memory_space<hbm>>
        %dma_wait3A_274 = arith.constant 16 : i32
        %dma_wait3A_275 = arith.constant 0 : i32
        %dma_wait3A_276 = tpu.memref_slice %arg5[%dma_wait3A_266, %dma_wait3A_274, %dma_wait3A_275] : memref<2x32x517xf32, #tpu.memory_space<vmem>> -> memref<1x8x512xf32, #tpu.memory_space<vmem>>
        %dma_wait3A_277 = tpu.memref_squeeze %dma_wait3A_276 : memref<1x8x512xf32, #tpu.memory_space<vmem>> -> memref<8x512xf32, #tpu.memory_space<vmem>>
        %dma_wait3A_278 = arith.constant 0 : i32
        %dma_wait3A_279 = arith.constant 0 : i32
        %dma_wait3A_280 = tpu.memref_slice %arg2[%dma_wait3A_278, %dma_wait3A_279] : memref<32x1000000xf32, #tpu.memory_space<hbm>> -> memref<8x512xf32, #tpu.memory_space<hbm>>
        tpu.wait_dma2 semaphore(%arg8 : memref<!tpu.dma_semaphore, #tpu.memory_space<semaphore_mem>>) src(%dma_wait3A_280 : memref<8x512xf32, #tpu.memory_space<hbm>>) dst(%dma_wait3A_277 : memref<8x512xf32, #tpu.memory_space<vmem>>)
        %dma_wait3A_281 = arith.constant 1 : i32
        %dma_wait3A_282 = arith.constant 24 : i32
        %dma_wait3A_283 = arith.constant 0 : i32
        %dma_wait3A_284 = tpu.memref_slice %arg5[%dma_wait3A_281, %dma_wait3A_282, %dma_wait3A_283] : memref<2x32x517xf32, #tpu.memory_space<vmem>> -> memref<1x8x512xf32, #tpu.memory_space<vmem>>
        %dma_wait3A_285 = tpu.memref_squeeze %dma_wait3A_284 : memref<1x8x512xf32, #tpu.memory_space<vmem>> -> memref<8x512xf32, #tpu.memory_space<vmem>>
        %dma_wait3A_286 = arith.constant 0 : i32
        %dma_wait3A_287 = arith.constant 0 : i32
        %dma_wait3A_288 = tpu.memref_slice %arg2[%dma_wait3A_286, %dma_wait3A_287] : memref<32x1000000xf32, #tpu.memory_space<hbm>> -> memref<8x512xf32, #tpu.memory_space<hbm>>
        %dma_wait3A_289 = arith.constant 24 : i32
        %dma_wait3A_290 = arith.constant 0 : i32
        %dma_wait3A_291 = tpu.memref_slice %arg5[%dma_wait3A_281, %dma_wait3A_289, %dma_wait3A_290] : memref<2x32x517xf32, #tpu.memory_space<vmem>> -> memref<1x8x512xf32, #tpu.memory_space<vmem>>
        %dma_wait3A_292 = tpu.memref_squeeze %dma_wait3A_291 : memref<1x8x512xf32, #tpu.memory_space<vmem>> -> memref<8x512xf32, #tpu.memory_space<vmem>>
        %dma_wait3A_293 = arith.constant 0 : i32
        %dma_wait3A_294 = arith.constant 0 : i32
        %dma_wait3A_295 = tpu.memref_slice %arg2[%dma_wait3A_293, %dma_wait3A_294] : memref<32x1000000xf32, #tpu.memory_space<hbm>> -> memref<8x512xf32, #tpu.memory_space<hbm>>
        tpu.wait_dma2 semaphore(%arg8 : memref<!tpu.dma_semaphore, #tpu.memory_space<semaphore_mem>>) src(%dma_wait3A_295 : memref<8x512xf32, #tpu.memory_space<hbm>>) dst(%dma_wait3A_292 : memref<8x512xf32, #tpu.memory_space<vmem>>)
        %parallel_loop3A_296 = arith.constant 0 : i32
        %parallel_loop3A_297 = arith.constant 512 : i32
        %parallel_loop3A_298 = arith.constant 1 : i32
        %parallel_loop3A_299:2 = scf.for %parallel_loop3A_328 = %parallel_loop3A_296 to %parallel_loop3A_297 step %parallel_loop3A_298 iter_args(%parallel_loop3A_329 = %iota3A, %parallel_loop3A_330 = %mul3A_73) -> (vector<16xi32>, vector<16xi32>)  : i32 {
          %parallel_loop3A_331 = arith.constant 4 : i32
          %parallel_loop3A_332 = arith.divsi %parallel_loop3A_328, %parallel_loop3A_331 : i32
          %parallel_loop3A_333 = arith.constant 0 : i32
          %parallel_loop3A_334 = arith.cmpi sgt, %parallel_loop3A_328, %parallel_loop3A_333 : i32
          %parallel_loop3A_335 = arith.extui %parallel_loop3A_334 : i1 to i32
          %parallel_loop3A_336 = arith.constant 0 : i32
          %parallel_loop3A_337 = arith.cmpi slt, %parallel_loop3A_328, %parallel_loop3A_336 : i32
          %parallel_loop3A_338 = arith.extui %parallel_loop3A_337 : i1 to i32
          %parallel_loop3A_339 = arith.subi %parallel_loop3A_335, %parallel_loop3A_338 : i32
          %parallel_loop3A_340 = arith.constant 0 : i32
          %parallel_loop3A_341 = arith.cmpi sgt, %parallel_loop3A_331, %parallel_loop3A_340 : i32
          %parallel_loop3A_342 = arith.extui %parallel_loop3A_341 : i1 to i32
          %parallel_loop3A_343 = arith.constant 0 : i32
          %parallel_loop3A_344 = arith.cmpi slt, %parallel_loop3A_331, %parallel_loop3A_343 : i32
          %parallel_loop3A_345 = arith.extui %parallel_loop3A_344 : i1 to i32
          %parallel_loop3A_346 = arith.subi %parallel_loop3A_342, %parallel_loop3A_345 : i32
          %parallel_loop3A_347 = arith.cmpi ne, %parallel_loop3A_339, %parallel_loop3A_346 : i32
          %parallel_loop3A_348 = arith.remsi %parallel_loop3A_328, %parallel_loop3A_331 : i32
          %parallel_loop3A_349 = arith.constant 0 : i32
          %parallel_loop3A_350 = arith.cmpi ne, %parallel_loop3A_348, %parallel_loop3A_349 : i32
          %parallel_loop3A_351 = arith.andi %parallel_loop3A_347, %parallel_loop3A_350 : i1
          %parallel_loop3A_352 = arith.constant 1 : i32
          %parallel_loop3A_353 = arith.subi %parallel_loop3A_332, %parallel_loop3A_352 : i32
          %parallel_loop3A_354 = arith.select %parallel_loop3A_351, %parallel_loop3A_353, %parallel_loop3A_332 : i32
          %parallel_loop3A_355 = arith.constant 4 : i32
          %parallel_loop3A_356 = arith.muli %parallel_loop3A_354, %parallel_loop3A_355 : i32
          %parallel_loop3A_357 = arith.subi %parallel_loop3A_328, %parallel_loop3A_356 : i32
          %parallel_loop3A_358 = arith.constant 4 : i32
          %parallel_loop3A_359 = arith.muli %parallel_loop3A_358, %parallel_loop3A_354 : i32
          %parallel_loop3A_360 = arith.addi %parallel_loop3A_359, %parallel_loop3A_357 : i32
          %parallel_loop3A_361 = vector.broadcast %parallel_loop3A_360 : i32 to vector<16xi32>
          %parallel_loop3A_362 = arith.addi %parallel_loop3A_330, %parallel_loop3A_361 : vector<16xi32>
          %parallel_loop3A_363 = arith.constant 1 : i32
          %parallel_loop3A_364 = arith.constant 0 : i32
          %parallel_loop3A_365 = arith.constant 0 : i32
          %parallel_loop3A_366 = tpu.memref_slice %arg5[%parallel_loop3A_363, %parallel_loop3A_364, %parallel_loop3A_365] : memref<2x32x517xf32, #tpu.memory_space<vmem>> -> memref<1x32x517xf32, #tpu.memory_space<vmem>>
          %parallel_loop3A_367 = tpu.memref_squeeze %parallel_loop3A_366 : memref<1x32x517xf32, #tpu.memory_space<vmem>> -> memref<32x517xf32, #tpu.memory_space<vmem>>
          %parallel_loop3A_368 = tpu.vector_load_idx %parallel_loop3A_367[%parallel_loop3A_329, %parallel_loop3A_362] : memref<32x517xf32, #tpu.memory_space<vmem>>[vector<16xi32>, vector<16xi32>], vector<16xf32>,
          %parallel_loop3A_369 = arith.constant 32 : i32
          %parallel_loop3A_370 = arith.muli %parallel_loop3A_357, %parallel_loop3A_369 : i32
          %parallel_loop3A_371 = arith.constant 0 : i32
          %parallel_loop3A_372 = arith.addi %parallel_loop3A_370, %parallel_loop3A_371 : i32
          %parallel_loop3A_373 = arith.constant 1 : i32
          %parallel_loop3A_374 = arith.index_cast %parallel_loop3A_373 : i32 to index
          %parallel_loop3A_375 = arith.index_cast %parallel_loop3A_354 : i32 to index
          %parallel_loop3A_376 = arith.index_cast %parallel_loop3A_372 : i32 to index
          %parallel_loop3A_377 = tpu.vector_load %arg6[%parallel_loop3A_374, %parallel_loop3A_375, %parallel_loop3A_376] {strides = array<i32>} : memref<2x128x128xf32, #tpu.memory_space<vmem>>, vector<16xf32>,
          tpu.vector_store %arg6[%parallel_loop3A_374, %parallel_loop3A_375, %parallel_loop3A_376], %parallel_loop3A_368 {strides = array<i32>} : memref<2x128x128xf32, #tpu.memory_space<vmem>>, vector<16xf32>,
          scf.yield %parallel_loop3A_329, %parallel_loop3A_330 : vector<16xi32>, vector<16xi32>
        } {sc.loop_unroll_factor = 16 : i64, sc.parallel_access}
        %parallel_loop3A_300 = arith.constant 0 : i32
        %parallel_loop3A_301 = arith.constant 512 : i32
        %parallel_loop3A_302 = arith.constant 1 : i32
        %parallel_loop3A_303:2 = scf.for %parallel_loop3A_328 = %parallel_loop3A_300 to %parallel_loop3A_301 step %parallel_loop3A_302 iter_args(%parallel_loop3A_329 = %add3A_70, %parallel_loop3A_330 = %mul3A_73) -> (vector<16xi32>, vector<16xi32>)  : i32 {
          %parallel_loop3A_331 = arith.constant 4 : i32
          %parallel_loop3A_332 = arith.divsi %parallel_loop3A_328, %parallel_loop3A_331 : i32
          %parallel_loop3A_333 = arith.constant 0 : i32
          %parallel_loop3A_334 = arith.cmpi sgt, %parallel_loop3A_328, %parallel_loop3A_333 : i32
          %parallel_loop3A_335 = arith.extui %parallel_loop3A_334 : i1 to i32
          %parallel_loop3A_336 = arith.constant 0 : i32
          %parallel_loop3A_337 = arith.cmpi slt, %parallel_loop3A_328, %parallel_loop3A_336 : i32
          %parallel_loop3A_338 = arith.extui %parallel_loop3A_337 : i1 to i32
          %parallel_loop3A_339 = arith.subi %parallel_loop3A_335, %parallel_loop3A_338 : i32
          %parallel_loop3A_340 = arith.constant 0 : i32
          %parallel_loop3A_341 = arith.cmpi sgt, %parallel_loop3A_331, %parallel_loop3A_340 : i32
          %parallel_loop3A_342 = arith.extui %parallel_loop3A_341 : i1 to i32
          %parallel_loop3A_343 = arith.constant 0 : i32
          %parallel_loop3A_344 = arith.cmpi slt, %parallel_loop3A_331, %parallel_loop3A_343 : i32
          %parallel_loop3A_345 = arith.extui %parallel_loop3A_344 : i1 to i32
          %parallel_loop3A_346 = arith.subi %parallel_loop3A_342, %parallel_loop3A_345 : i32
          %parallel_loop3A_347 = arith.cmpi ne, %parallel_loop3A_339, %parallel_loop3A_346 : i32
          %parallel_loop3A_348 = arith.remsi %parallel_loop3A_328, %parallel_loop3A_331 : i32
          %parallel_loop3A_349 = arith.constant 0 : i32
          %parallel_loop3A_350 = arith.cmpi ne, %parallel_loop3A_348, %parallel_loop3A_349 : i32
          %parallel_loop3A_351 = arith.andi %parallel_loop3A_347, %parallel_loop3A_350 : i1
          %parallel_loop3A_352 = arith.constant 1 : i32
          %parallel_loop3A_353 = arith.subi %parallel_loop3A_332, %parallel_loop3A_352 : i32
          %parallel_loop3A_354 = arith.select %parallel_loop3A_351, %parallel_loop3A_353, %parallel_loop3A_332 : i32
          %parallel_loop3A_355 = arith.constant 4 : i32
          %parallel_loop3A_356 = arith.muli %parallel_loop3A_354, %parallel_loop3A_355 : i32
          %parallel_loop3A_357 = arith.subi %parallel_loop3A_328, %parallel_loop3A_356 : i32
          %parallel_loop3A_358 = arith.constant 4 : i32
          %parallel_loop3A_359 = arith.muli %parallel_loop3A_358, %parallel_loop3A_354 : i32
          %parallel_loop3A_360 = arith.addi %parallel_loop3A_359, %parallel_loop3A_357 : i32
          %parallel_loop3A_361 = vector.broadcast %parallel_loop3A_360 : i32 to vector<16xi32>
          %parallel_loop3A_362 = arith.addi %parallel_loop3A_330, %parallel_loop3A_361 : vector<16xi32>
          %parallel_loop3A_363 = arith.constant 1 : i32
          %parallel_loop3A_364 = arith.constant 0 : i32
          %parallel_loop3A_365 = arith.constant 0 : i32
          %parallel_loop3A_366 = tpu.memref_slice %arg5[%parallel_loop3A_363, %parallel_loop3A_364, %parallel_loop3A_365] : memref<2x32x517xf32, #tpu.memory_space<vmem>> -> memref<1x32x517xf32, #tpu.memory_space<vmem>>
          %parallel_loop3A_367 = tpu.memref_squeeze %parallel_loop3A_366 : memref<1x32x517xf32, #tpu.memory_space<vmem>> -> memref<32x517xf32, #tpu.memory_space<vmem>>
          %parallel_loop3A_368 = tpu.vector_load_idx %parallel_loop3A_367[%parallel_loop3A_329, %parallel_loop3A_362] : memref<32x517xf32, #tpu.memory_space<vmem>>[vector<16xi32>, vector<16xi32>], vector<16xf32>,
          %parallel_loop3A_369 = arith.constant 32 : i32
          %parallel_loop3A_370 = arith.muli %parallel_loop3A_357, %parallel_loop3A_369 : i32
          %parallel_loop3A_371 = arith.constant 16 : i32
          %parallel_loop3A_372 = arith.addi %parallel_loop3A_370, %parallel_loop3A_371 : i32
          %parallel_loop3A_373 = arith.constant 1 : i32
          %parallel_loop3A_374 = arith.index_cast %parallel_loop3A_373 : i32 to index
          %parallel_loop3A_375 = arith.index_cast %parallel_loop3A_354 : i32 to index
          %parallel_loop3A_376 = arith.index_cast %parallel_loop3A_372 : i32 to index
          %parallel_loop3A_377 = tpu.vector_load %arg6[%parallel_loop3A_374, %parallel_loop3A_375, %parallel_loop3A_376] {strides = array<i32>} : memref<2x128x128xf32, #tpu.memory_space<vmem>>, vector<16xf32>,
          tpu.vector_store %arg6[%parallel_loop3A_374, %parallel_loop3A_375, %parallel_loop3A_376], %parallel_loop3A_368 {strides = array<i32>} : memref<2x128x128xf32, #tpu.memory_space<vmem>>, vector<16xf32>,
          scf.yield %parallel_loop3A_329, %parallel_loop3A_330 : vector<16xi32>, vector<16xi32>
        } {sc.loop_unroll_factor = 16 : i64, sc.parallel_access}
        %ge3A_304 = arith.constant 1 : i32
        %ge3A_305 = arith.cmpi sge, %while3A_122, %ge3A_304 : i32
        %convert_element_type3A_306 = arith.extui %ge3A_305 : i1 to i32
        %cond3A_307 = arith.constant 0 : i32
        %cond3A_308 = arith.cmpi ne, %convert_element_type3A_306, %cond3A_307 : i32
        scf.if %cond3A_308 {
          %dma_wait3A_328 = arith.constant 1 : i32
          %dma_wait3A_329 = arith.constant 0 : i32
          %dma_wait3A_330 = arith.constant 0 : i32
          %dma_wait3A_331 = tpu.memref_slice %arg6[%dma_wait3A_328, %dma_wait3A_329, %dma_wait3A_330] : memref<2x128x128xf32, #tpu.memory_space<vmem>> -> memref<1x128x128xf32, #tpu.memory_space<vmem>>
          %dma_wait3A_332 = tpu.memref_squeeze %dma_wait3A_331 : memref<1x128x128xf32, #tpu.memory_space<vmem>> -> memref<128x128xf32, #tpu.memory_space<vmem>>
          %dma_wait3A_333 = arith.constant 0 : i32
          %dma_wait3A_334 = arith.constant 0 : i32
          %dma_wait3A_335 = tpu.memref_slice %arg4[%dma_wait3A_333, %dma_wait3A_334] : memref<250000x128xf32, #tpu.memory_space<hbm>> -> memref<128x128xf32, #tpu.memory_space<hbm>>
          %dma_wait3A_336 = arith.constant 0 : i32
          %dma_wait3A_337 = arith.constant 0 : i32
          %dma_wait3A_338 = tpu.memref_slice %arg6[%dma_wait3A_328, %dma_wait3A_336, %dma_wait3A_337] : memref<2x128x128xf32, #tpu.memory_space<vmem>> -> memref<1x128x128xf32, #tpu.memory_space<vmem>>
          %dma_wait3A_339 = tpu.memref_squeeze %dma_wait3A_338 : memref<1x128x128xf32, #tpu.memory_space<vmem>> -> memref<128x128xf32, #tpu.memory_space<vmem>>
          %dma_wait3A_340 = arith.constant 0 : i32
          %dma_wait3A_341 = arith.constant 0 : i32
          %dma_wait3A_342 = tpu.memref_slice %arg4[%dma_wait3A_340, %dma_wait3A_341] : memref<250000x128xf32, #tpu.memory_space<hbm>> -> memref<128x128xf32, #tpu.memory_space<hbm>>
          tpu.wait_dma2 semaphore(%arg10 : memref<!tpu.dma_semaphore, #tpu.memory_space<semaphore_mem>>) src(%dma_wait3A_342 : memref<128x128xf32, #tpu.memory_space<hbm>>) dst(%dma_wait3A_339 : memref<128x128xf32, #tpu.memory_space<vmem>>)
        } else {
        }
        %add3A_309 = arith.constant 1 : i32
        %add3A_310 = arith.addi %add3A_125, %add3A_309 : i32
        %mul3A_311 = arith.constant 32 : i32
        %mul3A_312 = arith.muli %add3A_310, %mul3A_311 : i32
        %mul3A_313 = arith.constant 4 : i32
        %mul3A_314 = arith.muli %mul3A_312, %mul3A_313 : i32
        %dma_start3A_315 = arith.constant 1 : i32
        %dma_start3A_316 = arith.constant 0 : i32
        %dma_start3A_317 = arith.constant 0 : i32
        %dma_start3A_318 = tpu.memref_slice %arg6[%dma_start3A_315, %dma_start3A_316, %dma_start3A_317] : memref<2x128x128xf32, #tpu.memory_space<vmem>> -> memref<1x128x128xf32, #tpu.memory_space<vmem>>
        %dma_start3A_319 = tpu.memref_squeeze %dma_start3A_318 : memref<1x128x128xf32, #tpu.memory_space<vmem>> -> memref<128x128xf32, #tpu.memory_space<vmem>>
        %dma_start3A_320 = arith.constant 0 : i32
        %dma_start3A_321 = tpu.memref_slice %arg4[%mul3A_314, %dma_start3A_320] : memref<250000x128xf32, #tpu.memory_space<hbm>> -> memref<128x128xf32, #tpu.memory_space<hbm>>
        %dma_start3A_322 = arith.constant 0 : i32
        %dma_start3A_323 = tpu.memref_slice %arg4[%mul3A_314, %dma_start3A_322] : memref<250000x128xf32, #tpu.memory_space<hbm>> -> memref<128x128xf32, #tpu.memory_space<hbm>>
        %dma_start3A_324 = arith.constant 0 : i32
        %dma_start3A_325 = arith.constant 0 : i32
        %dma_start3A_326 = tpu.memref_slice %arg6[%dma_start3A_315, %dma_start3A_324, %dma_start3A_325] : memref<2x128x128xf32, #tpu.memory_space<vmem>> -> memref<1x128x128xf32, #tpu.memory_space<vmem>>
        %dma_start3A_327 = tpu.memref_squeeze %dma_start3A_326 : memref<1x128x128xf32, #tpu.memory_space<vmem>> -> memref<128x128xf32, #tpu.memory_space<vmem>>
        tpu.enqueue_dma source(%dma_start3A_327 : memref<128x128xf32, #tpu.memory_space<vmem>>) target(%dma_start3A_323 : memref<128x128xf32, #tpu.memory_space<hbm>>) target_semaphore(%arg10 : memref<!tpu.dma_semaphore, #tpu.memory_space<semaphore_mem>>)
      } else {
      }
    }
    %while3A_101 = arith.constant 1 : i32
    scf.for %while3A_122 = %while3A_99 to %while3A_95 step %while3A_101  : i32 {
      %mul3A_123 = arith.constant 2 : i32
      %mul3A_124 = arith.muli %while3A_122, %mul3A_123 : i32
      %add3A_125 = arith.addi %add3A_4, %mul3A_124 : i32
      %add3A_126 = arith.constant 1 : i32
      %add3A_127 = arith.addi %add3A_125, %add3A_126 : i32
      %add3A_128 = arith.addi %add3A_4, %add3A_8 : i32
      %lt3A_129 = arith.cmpi slt, %add3A_127, %add3A_128 : i32
      %convert_element_type3A_130 = arith.extui %lt3A_129 : i1 to i32
      %cond3A_131 = arith.constant 0 : i32
      %cond3A_132 = arith.cmpi ne, %convert_element_type3A_130, %cond3A_131 : i32
      scf.if %cond3A_132 {
        %add3A_229 = arith.constant 1 : i32
        %add3A_230 = arith.addi %add3A_125, %add3A_229 : i32
        %mul3A_231 = arith.constant 512 : i32
        %mul3A_232 = arith.muli %add3A_230, %mul3A_231 : i32
        %dma_start3A_233 = arith.constant 1 : i32
        %dma_start3A_234 = arith.constant 0 : i32
        %dma_start3A_235 = arith.constant 0 : i32
        %dma_start3A_236 = tpu.memref_slice %arg5[%dma_start3A_233, %dma_start3A_234, %dma_start3A_235] : memref<2x32x517xf32, #tpu.memory_space<vmem>> -> memref<1x8x512xf32, #tpu.memory_space<vmem>>
        %dma_start3A_237 = tpu.memref_squeeze %dma_start3A_236 : memref<1x8x512xf32, #tpu.memory_space<vmem>> -> memref<8x512xf32, #tpu.memory_space<vmem>>
        %dma_start3A_238 = arith.constant 0 : i32
        %dma_start3A_239 = tpu.memref_slice %arg2[%dma_start3A_238, %mul3A_232] : memref<32x1000000xf32, #tpu.memory_space<hbm>> -> memref<8x512xf32, #tpu.memory_space<hbm>>
        %dma_start3A_240 = arith.constant 0 : i32
        %dma_start3A_241 = arith.constant 0 : i32
        %dma_start3A_242 = tpu.memref_slice %arg5[%dma_start3A_233, %dma_start3A_240, %dma_start3A_241] : memref<2x32x517xf32, #tpu.memory_space<vmem>> -> memref<1x8x512xf32, #tpu.memory_space<vmem>>
        %dma_start3A_243 = tpu.memref_squeeze %dma_start3A_242 : memref<1x8x512xf32, #tpu.memory_space<vmem>> -> memref<8x512xf32, #tpu.memory_space<vmem>>
        %dma_start3A_244 = arith.constant 0 : i32
        %dma_start3A_245 = tpu.memref_slice %arg2[%dma_start3A_244, %mul3A_232] : memref<32x1000000xf32, #tpu.memory_space<hbm>> -> memref<8x512xf32, #tpu.memory_space<hbm>>
        tpu.enqueue_dma source(%dma_start3A_245 : memref<8x512xf32, #tpu.memory_space<hbm>>) target(%dma_start3A_243 : memref<8x512xf32, #tpu.memory_space<vmem>>) target_semaphore(%arg8 : memref<!tpu.dma_semaphore, #tpu.memory_space<semaphore_mem>>)
        %mul3A_246 = arith.constant 512 : i32
        %mul3A_247 = arith.muli %add3A_230, %mul3A_246 : i32
        %dma_start3A_248 = arith.constant 1 : i32
        %dma_start3A_249 = arith.constant 8 : i32
        %dma_start3A_250 = arith.constant 0 : i32
        %dma_start3A_251 = tpu.memref_slice %arg5[%dma_start3A_248, %dma_start3A_249, %dma_start3A_250] : memref<2x32x517xf32, #tpu.memory_space<vmem>> -> memref<1x8x512xf32, #tpu.memory_space<vmem>>
        %dma_start3A_252 = tpu.memref_squeeze %dma_start3A_251 : memref<1x8x512xf32, #tpu.memory_space<vmem>> -> memref<8x512xf32, #tpu.memory_space<vmem>>
        %dma_start3A_253 = arith.constant 8 : i32
        %dma_start3A_254 = tpu.memref_slice %arg2[%dma_start3A_253, %mul3A_247] : memref<32x1000000xf32, #tpu.memory_space<hbm>> -> memref<8x512xf32, #tpu.memory_space<hbm>>
        %dma_start3A_255 = arith.constant 8 : i32
        %dma_start3A_256 = arith.constant 0 : i32
        %dma_start3A_257 = tpu.memref_slice %arg5[%dma_start3A_248, %dma_start3A_255, %dma_start3A_256] : memref<2x32x517xf32, #tpu.memory_space<vmem>> -> memref<1x8x512xf32, #tpu.memory_space<vmem>>
        %dma_start3A_258 = tpu.memref_squeeze %dma_start3A_257 : memref<1x8x512xf32, #tpu.memory_space<vmem>> -> memref<8x512xf32, #tpu.memory_space<vmem>>
        %dma_start3A_259 = arith.constant 8 : i32
        %dma_start3A_260 = tpu.memref_slice %arg2[%dma_start3A_259, %mul3A_247] : memref<32x1000000xf32, #tpu.memory_space<hbm>> -> memref<8x512xf32, #tpu.memory_space<hbm>>
        tpu.enqueue_dma source(%dma_start3A_260 : memref<8x512xf32, #tpu.memory_space<hbm>>) target(%dma_start3A_258 : memref<8x512xf32, #tpu.memory_space<vmem>>) target_semaphore(%arg8 : memref<!tpu.dma_semaphore, #tpu.memory_space<semaphore_mem>>)
        %mul3A_261 = arith.constant 512 : i32
        %mul3A_262 = arith.muli %add3A_230, %mul3A_261 : i32
        %dma_start3A_263 = arith.constant 1 : i32
        %dma_start3A_264 = arith.constant 16 : i32
        %dma_start3A_265 = arith.constant 0 : i32
        %dma_start3A_266 = tpu.memref_slice %arg5[%dma_start3A_263, %dma_start3A_264, %dma_start3A_265] : memref<2x32x517xf32, #tpu.memory_space<vmem>> -> memref<1x8x512xf32, #tpu.memory_space<vmem>>
        %dma_start3A_267 = tpu.memref_squeeze %dma_start3A_266 : memref<1x8x512xf32, #tpu.memory_space<vmem>> -> memref<8x512xf32, #tpu.memory_space<vmem>>
        %dma_start3A_268 = arith.constant 16 : i32
        %dma_start3A_269 = tpu.memref_slice %arg2[%dma_start3A_268, %mul3A_262] : memref<32x1000000xf32, #tpu.memory_space<hbm>> -> memref<8x512xf32, #tpu.memory_space<hbm>>
        %dma_start3A_270 = arith.constant 16 : i32
        %dma_start3A_271 = arith.constant 0 : i32
        %dma_start3A_272 = tpu.memref_slice %arg5[%dma_start3A_263, %dma_start3A_270, %dma_start3A_271] : memref<2x32x517xf32, #tpu.memory_space<vmem>> -> memref<1x8x512xf32, #tpu.memory_space<vmem>>
        %dma_start3A_273 = tpu.memref_squeeze %dma_start3A_272 : memref<1x8x512xf32, #tpu.memory_space<vmem>> -> memref<8x512xf32, #tpu.memory_space<vmem>>
        %dma_start3A_274 = arith.constant 16 : i32
        %dma_start3A_275 = tpu.memref_slice %arg2[%dma_start3A_274, %mul3A_262] : memref<32x1000000xf32, #tpu.memory_space<hbm>> -> memref<8x512xf32, #tpu.memory_space<hbm>>
        tpu.enqueue_dma source(%dma_start3A_275 : memref<8x512xf32, #tpu.memory_space<hbm>>) target(%dma_start3A_273 : memref<8x512xf32, #tpu.memory_space<vmem>>) target_semaphore(%arg8 : memref<!tpu.dma_semaphore, #tpu.memory_space<semaphore_mem>>)
        %mul3A_276 = arith.constant 512 : i32
        %mul3A_277 = arith.muli %add3A_230, %mul3A_276 : i32
        %dma_start3A_278 = arith.constant 1 : i32
        %dma_start3A_279 = arith.constant 24 : i32
        %dma_start3A_280 = arith.constant 0 : i32
        %dma_start3A_281 = tpu.memref_slice %arg5[%dma_start3A_278, %dma_start3A_279, %dma_start3A_280] : memref<2x32x517xf32, #tpu.memory_space<vmem>> -> memref<1x8x512xf32, #tpu.memory_space<vmem>>
        %dma_start3A_282 = tpu.memref_squeeze %dma_start3A_281 : memref<1x8x512xf32, #tpu.memory_space<vmem>> -> memref<8x512xf32, #tpu.memory_space<vmem>>
        %dma_start3A_283 = arith.constant 24 : i32
        %dma_start3A_284 = tpu.memref_slice %arg2[%dma_start3A_283, %mul3A_277] : memref<32x1000000xf32, #tpu.memory_space<hbm>> -> memref<8x512xf32, #tpu.memory_space<hbm>>
        %dma_start3A_285 = arith.constant 24 : i32
        %dma_start3A_286 = arith.constant 0 : i32
        %dma_start3A_287 = tpu.memref_slice %arg5[%dma_start3A_278, %dma_start3A_285, %dma_start3A_286] : memref<2x32x517xf32, #tpu.memory_space<vmem>> -> memref<1x8x512xf32, #tpu.memory_space<vmem>>
        %dma_start3A_288 = tpu.memref_squeeze %dma_start3A_287 : memref<1x8x512xf32, #tpu.memory_space<vmem>> -> memref<8x512xf32, #tpu.memory_space<vmem>>
        %dma_start3A_289 = arith.constant 24 : i32
        %dma_start3A_290 = tpu.memref_slice %arg2[%dma_start3A_289, %mul3A_277] : memref<32x1000000xf32, #tpu.memory_space<hbm>> -> memref<8x512xf32, #tpu.memory_space<hbm>>
        tpu.enqueue_dma source(%dma_start3A_290 : memref<8x512xf32, #tpu.memory_space<hbm>>) target(%dma_start3A_288 : memref<8x512xf32, #tpu.memory_space<vmem>>) target_semaphore(%arg8 : memref<!tpu.dma_semaphore, #tpu.memory_space<semaphore_mem>>)
      } else {
      }
      %dma_wait3A_133 = arith.constant 0 : i32
      %dma_wait3A_134 = arith.constant 0 : i32
      %dma_wait3A_135 = arith.constant 0 : i32
      %dma_wait3A_136 = tpu.memref_slice %arg5[%dma_wait3A_133, %dma_wait3A_134, %dma_wait3A_135] : memref<2x32x517xf32, #tpu.memory_space<vmem>> -> memref<1x8x512xf32, #tpu.memory_space<vmem>>
      %dma_wait3A_137 = tpu.memref_squeeze %dma_wait3A_136 : memref<1x8x512xf32, #tpu.memory_space<vmem>> -> memref<8x512xf32, #tpu.memory_space<vmem>>
      %dma_wait3A_138 = arith.constant 0 : i32
      %dma_wait3A_139 = arith.constant 0 : i32
      %dma_wait3A_140 = tpu.memref_slice %arg2[%dma_wait3A_138, %dma_wait3A_139] : memref<32x1000000xf32, #tpu.memory_space<hbm>> -> memref<8x512xf32, #tpu.memory_space<hbm>>
      %dma_wait3A_141 = arith.constant 0 : i32
      %dma_wait3A_142 = arith.constant 0 : i32
      %dma_wait3A_143 = tpu.memref_slice %arg5[%dma_wait3A_133, %dma_wait3A_141, %dma_wait3A_142] : memref<2x32x517xf32, #tpu.memory_space<vmem>> -> memref<1x8x512xf32, #tpu.memory_space<vmem>>
      %dma_wait3A_144 = tpu.memref_squeeze %dma_wait3A_143 : memref<1x8x512xf32, #tpu.memory_space<vmem>> -> memref<8x512xf32, #tpu.memory_space<vmem>>
      %dma_wait3A_145 = arith.constant 0 : i32
      %dma_wait3A_146 = arith.constant 0 : i32
      %dma_wait3A_147 = tpu.memref_slice %arg2[%dma_wait3A_145, %dma_wait3A_146] : memref<32x1000000xf32, #tpu.memory_space<hbm>> -> memref<8x512xf32, #tpu.memory_space<hbm>>
      tpu.wait_dma2 semaphore(%arg7 : memref<!tpu.dma_semaphore, #tpu.memory_space<semaphore_mem>>) src(%dma_wait3A_147 : memref<8x512xf32, #tpu.memory_space<hbm>>) dst(%dma_wait3A_144 : memref<8x512xf32, #tpu.memory_space<vmem>>)
      %dma_wait3A_148 = arith.constant 0 : i32
      %dma_wait3A_149 = arith.constant 8 : i32
      %dma_wait3A_150 = arith.constant 0 : i32
      %dma_wait3A_151 = tpu.memref_slice %arg5[%dma_wait3A_148, %dma_wait3A_149, %dma_wait3A_150] : memref<2x32x517xf32, #tpu.memory_space<vmem>> -> memref<1x8x512xf32, #tpu.memory_space<vmem>>
      %dma_wait3A_152 = tpu.memref_squeeze %dma_wait3A_151 : memref<1x8x512xf32, #tpu.memory_space<vmem>> -> memref<8x512xf32, #tpu.memory_space<vmem>>
      %dma_wait3A_153 = arith.constant 0 : i32
      %dma_wait3A_154 = arith.constant 0 : i32
      %dma_wait3A_155 = tpu.memref_slice %arg2[%dma_wait3A_153, %dma_wait3A_154] : memref<32x1000000xf32, #tpu.memory_space<hbm>> -> memref<8x512xf32, #tpu.memory_space<hbm>>
      %dma_wait3A_156 = arith.constant 8 : i32
      %dma_wait3A_157 = arith.constant 0 : i32
      %dma_wait3A_158 = tpu.memref_slice %arg5[%dma_wait3A_148, %dma_wait3A_156, %dma_wait3A_157] : memref<2x32x517xf32, #tpu.memory_space<vmem>> -> memref<1x8x512xf32, #tpu.memory_space<vmem>>
      %dma_wait3A_159 = tpu.memref_squeeze %dma_wait3A_158 : memref<1x8x512xf32, #tpu.memory_space<vmem>> -> memref<8x512xf32, #tpu.memory_space<vmem>>
      %dma_wait3A_160 = arith.constant 0 : i32
      %dma_wait3A_161 = arith.constant 0 : i32
      %dma_wait3A_162 = tpu.memref_slice %arg2[%dma_wait3A_160, %dma_wait3A_161] : memref<32x1000000xf32, #tpu.memory_space<hbm>> -> memref<8x512xf32, #tpu.memory_space<hbm>>
      tpu.wait_dma2 semaphore(%arg7 : memref<!tpu.dma_semaphore, #tpu.memory_space<semaphore_mem>>) src(%dma_wait3A_162 : memref<8x512xf32, #tpu.memory_space<hbm>>) dst(%dma_wait3A_159 : memref<8x512xf32, #tpu.memory_space<vmem>>)
      %dma_wait3A_163 = arith.constant 0 : i32
      %dma_wait3A_164 = arith.constant 16 : i32
      %dma_wait3A_165 = arith.constant 0 : i32
      %dma_wait3A_166 = tpu.memref_slice %arg5[%dma_wait3A_163, %dma_wait3A_164, %dma_wait3A_165] : memref<2x32x517xf32, #tpu.memory_space<vmem>> -> memref<1x8x512xf32, #tpu.memory_space<vmem>>
      %dma_wait3A_167 = tpu.memref_squeeze %dma_wait3A_166 : memref<1x8x512xf32, #tpu.memory_space<vmem>> -> memref<8x512xf32, #tpu.memory_space<vmem>>
      %dma_wait3A_168 = arith.constant 0 : i32
      %dma_wait3A_169 = arith.constant 0 : i32
      %dma_wait3A_170 = tpu.memref_slice %arg2[%dma_wait3A_168, %dma_wait3A_169] : memref<32x1000000xf32, #tpu.memory_space<hbm>> -> memref<8x512xf32, #tpu.memory_space<hbm>>
      %dma_wait3A_171 = arith.constant 16 : i32
      %dma_wait3A_172 = arith.constant 0 : i32
      %dma_wait3A_173 = tpu.memref_slice %arg5[%dma_wait3A_163, %dma_wait3A_171, %dma_wait3A_172] : memref<2x32x517xf32, #tpu.memory_space<vmem>> -> memref<1x8x512xf32, #tpu.memory_space<vmem>>
      %dma_wait3A_174 = tpu.memref_squeeze %dma_wait3A_173 : memref<1x8x512xf32, #tpu.memory_space<vmem>> -> memref<8x512xf32, #tpu.memory_space<vmem>>
      %dma_wait3A_175 = arith.constant 0 : i32
      %dma_wait3A_176 = arith.constant 0 : i32
      %dma_wait3A_177 = tpu.memref_slice %arg2[%dma_wait3A_175, %dma_wait3A_176] : memref<32x1000000xf32, #tpu.memory_space<hbm>> -> memref<8x512xf32, #tpu.memory_space<hbm>>
      tpu.wait_dma2 semaphore(%arg7 : memref<!tpu.dma_semaphore, #tpu.memory_space<semaphore_mem>>) src(%dma_wait3A_177 : memref<8x512xf32, #tpu.memory_space<hbm>>) dst(%dma_wait3A_174 : memref<8x512xf32, #tpu.memory_space<vmem>>)
      %dma_wait3A_178 = arith.constant 0 : i32
      %dma_wait3A_179 = arith.constant 24 : i32
      %dma_wait3A_180 = arith.constant 0 : i32
      %dma_wait3A_181 = tpu.memref_slice %arg5[%dma_wait3A_178, %dma_wait3A_179, %dma_wait3A_180] : memref<2x32x517xf32, #tpu.memory_space<vmem>> -> memref<1x8x512xf32, #tpu.memory_space<vmem>>
      %dma_wait3A_182 = tpu.memref_squeeze %dma_wait3A_181 : memref<1x8x512xf32, #tpu.memory_space<vmem>> -> memref<8x512xf32, #tpu.memory_space<vmem>>
      %dma_wait3A_183 = arith.constant 0 : i32
      %dma_wait3A_184 = arith.constant 0 : i32
      %dma_wait3A_185 = tpu.memref_slice %arg2[%dma_wait3A_183, %dma_wait3A_184] : memref<32x1000000xf32, #tpu.memory_space<hbm>> -> memref<8x512xf32, #tpu.memory_space<hbm>>
      %dma_wait3A_186 = arith.constant 24 : i32
      %dma_wait3A_187 = arith.constant 0 : i32
      %dma_wait3A_188 = tpu.memref_slice %arg5[%dma_wait3A_178, %dma_wait3A_186, %dma_wait3A_187] : memref<2x32x517xf32, #tpu.memory_space<vmem>> -> memref<1x8x512xf32, #tpu.memory_space<vmem>>
      %dma_wait3A_189 = tpu.memref_squeeze %dma_wait3A_188 : memref<1x8x512xf32, #tpu.memory_space<vmem>> -> memref<8x512xf32, #tpu.memory_space<vmem>>
      %dma_wait3A_190 = arith.constant 0 : i32
      %dma_wait3A_191 = arith.constant 0 : i32
      %dma_wait3A_192 = tpu.memref_slice %arg2[%dma_wait3A_190, %dma_wait3A_191] : memref<32x1000000xf32, #tpu.memory_space<hbm>> -> memref<8x512xf32, #tpu.memory_space<hbm>>
      tpu.wait_dma2 semaphore(%arg7 : memref<!tpu.dma_semaphore, #tpu.memory_space<semaphore_mem>>) src(%dma_wait3A_192 : memref<8x512xf32, #tpu.memory_space<hbm>>) dst(%dma_wait3A_189 : memref<8x512xf32, #tpu.memory_space<vmem>>)
      %parallel_loop3A = arith.constant 0 : i32
      %parallel_loop3A_193 = arith.constant 512 : i32
      %parallel_loop3A_194 = arith.constant 1 : i32
      %parallel_loop3A_195:2 = scf.for %parallel_loop3A_229 = %parallel_loop3A to %parallel_loop3A_193 step %parallel_loop3A_194 iter_args(%parallel_loop3A_230 = %iota3A, %parallel_loop3A_231 = %mul3A_73) -> (vector<16xi32>, vector<16xi32>)  : i32 {
        %parallel_loop3A_232 = arith.constant 4 : i32
        %parallel_loop3A_233 = arith.divsi %parallel_loop3A_229, %parallel_loop3A_232 : i32
        %parallel_loop3A_234 = arith.constant 0 : i32
        %parallel_loop3A_235 = arith.cmpi sgt, %parallel_loop3A_229, %parallel_loop3A_234 : i32
        %parallel_loop3A_236 = arith.extui %parallel_loop3A_235 : i1 to i32
        %parallel_loop3A_237 = arith.constant 0 : i32
        %parallel_loop3A_238 = arith.cmpi slt, %parallel_loop3A_229, %parallel_loop3A_237 : i32
        %parallel_loop3A_239 = arith.extui %parallel_loop3A_238 : i1 to i32
        %parallel_loop3A_240 = arith.subi %parallel_loop3A_236, %parallel_loop3A_239 : i32
        %parallel_loop3A_241 = arith.constant 0 : i32
        %parallel_loop3A_242 = arith.cmpi sgt, %parallel_loop3A_232, %parallel_loop3A_241 : i32
        %parallel_loop3A_243 = arith.extui %parallel_loop3A_242 : i1 to i32
        %parallel_loop3A_244 = arith.constant 0 : i32
        %parallel_loop3A_245 = arith.cmpi slt, %parallel_loop3A_232, %parallel_loop3A_244 : i32
        %parallel_loop3A_246 = arith.extui %parallel_loop3A_245 : i1 to i32
        %parallel_loop3A_247 = arith.subi %parallel_loop3A_243, %parallel_loop3A_246 : i32
        %parallel_loop3A_248 = arith.cmpi ne, %parallel_loop3A_240, %parallel_loop3A_247 : i32
        %parallel_loop3A_249 = arith.remsi %parallel_loop3A_229, %parallel_loop3A_232 : i32
        %parallel_loop3A_250 = arith.constant 0 : i32
        %parallel_loop3A_251 = arith.cmpi ne, %parallel_loop3A_249, %parallel_loop3A_250 : i32
        %parallel_loop3A_252 = arith.andi %parallel_loop3A_248, %parallel_loop3A_251 : i1
        %parallel_loop3A_253 = arith.constant 1 : i32
        %parallel_loop3A_254 = arith.subi %parallel_loop3A_233, %parallel_loop3A_253 : i32
        %parallel_loop3A_255 = arith.select %parallel_loop3A_252, %parallel_loop3A_254, %parallel_loop3A_233 : i32
        %parallel_loop3A_256 = arith.constant 4 : i32
        %parallel_loop3A_257 = arith.muli %parallel_loop3A_255, %parallel_loop3A_256 : i32
        %parallel_loop3A_258 = arith.subi %parallel_loop3A_229, %parallel_loop3A_257 : i32
        %parallel_loop3A_259 = arith.constant 4 : i32
        %parallel_loop3A_260 = arith.muli %parallel_loop3A_259, %parallel_loop3A_255 : i32
        %parallel_loop3A_261 = arith.addi %parallel_loop3A_260, %parallel_loop3A_258 : i32
        %parallel_loop3A_262 = vector.broadcast %parallel_loop3A_261 : i32 to vector<16xi32>
        %parallel_loop3A_263 = arith.addi %parallel_loop3A_231, %parallel_loop3A_262 : vector<16xi32>
        %parallel_loop3A_264 = arith.constant 0 : i32
        %parallel_loop3A_265 = arith.constant 0 : i32
        %parallel_loop3A_266 = arith.constant 0 : i32
        %parallel_loop3A_267 = tpu.memref_slice %arg5[%parallel_loop3A_264, %parallel_loop3A_265, %parallel_loop3A_266] : memref<2x32x517xf32, #tpu.memory_space<vmem>> -> memref<1x32x517xf32, #tpu.memory_space<vmem>>
        %parallel_loop3A_268 = tpu.memref_squeeze %parallel_loop3A_267 : memref<1x32x517xf32, #tpu.memory_space<vmem>> -> memref<32x517xf32, #tpu.memory_space<vmem>>
        %parallel_loop3A_269 = tpu.vector_load_idx %parallel_loop3A_268[%parallel_loop3A_230, %parallel_loop3A_263] : memref<32x517xf32, #tpu.memory_space<vmem>>[vector<16xi32>, vector<16xi32>], vector<16xf32>,
        %parallel_loop3A_270 = arith.constant 32 : i32
        %parallel_loop3A_271 = arith.muli %parallel_loop3A_258, %parallel_loop3A_270 : i32
        %parallel_loop3A_272 = arith.constant 0 : i32
        %parallel_loop3A_273 = arith.addi %parallel_loop3A_271, %parallel_loop3A_272 : i32
        %parallel_loop3A_274 = arith.constant 0 : i32
        %parallel_loop3A_275 = arith.index_cast %parallel_loop3A_274 : i32 to index
        %parallel_loop3A_276 = arith.index_cast %parallel_loop3A_255 : i32 to index
        %parallel_loop3A_277 = arith.index_cast %parallel_loop3A_273 : i32 to index
        %parallel_loop3A_278 = tpu.vector_load %arg6[%parallel_loop3A_275, %parallel_loop3A_276, %parallel_loop3A_277] {strides = array<i32>} : memref<2x128x128xf32, #tpu.memory_space<vmem>>, vector<16xf32>,
        tpu.vector_store %arg6[%parallel_loop3A_275, %parallel_loop3A_276, %parallel_loop3A_277], %parallel_loop3A_269 {strides = array<i32>} : memref<2x128x128xf32, #tpu.memory_space<vmem>>, vector<16xf32>,
        scf.yield %parallel_loop3A_230, %parallel_loop3A_231 : vector<16xi32>, vector<16xi32>
      } {sc.loop_unroll_factor = 16 : i64, sc.parallel_access}
      %parallel_loop3A_196 = arith.constant 0 : i32
      %parallel_loop3A_197 = arith.constant 512 : i32
      %parallel_loop3A_198 = arith.constant 1 : i32
      %parallel_loop3A_199:2 = scf.for %parallel_loop3A_229 = %parallel_loop3A_196 to %parallel_loop3A_197 step %parallel_loop3A_198 iter_args(%parallel_loop3A_230 = %add3A_70, %parallel_loop3A_231 = %mul3A_73) -> (vector<16xi32>, vector<16xi32>)  : i32 {
        %parallel_loop3A_232 = arith.constant 4 : i32
        %parallel_loop3A_233 = arith.divsi %parallel_loop3A_229, %parallel_loop3A_232 : i32
        %parallel_loop3A_234 = arith.constant 0 : i32
        %parallel_loop3A_235 = arith.cmpi sgt, %parallel_loop3A_229, %parallel_loop3A_234 : i32
        %parallel_loop3A_236 = arith.extui %parallel_loop3A_235 : i1 to i32
        %parallel_loop3A_237 = arith.constant 0 : i32
        %parallel_loop3A_238 = arith.cmpi slt, %parallel_loop3A_229, %parallel_loop3A_237 : i32
        %parallel_loop3A_239 = arith.extui %parallel_loop3A_238 : i1 to i32
        %parallel_loop3A_240 = arith.subi %parallel_loop3A_236, %parallel_loop3A_239 : i32
        %parallel_loop3A_241 = arith.constant 0 : i32
        %parallel_loop3A_242 = arith.cmpi sgt, %parallel_loop3A_232, %parallel_loop3A_241 : i32
        %parallel_loop3A_243 = arith.extui %parallel_loop3A_242 : i1 to i32
        %parallel_loop3A_244 = arith.constant 0 : i32
        %parallel_loop3A_245 = arith.cmpi slt, %parallel_loop3A_232, %parallel_loop3A_244 : i32
        %parallel_loop3A_246 = arith.extui %parallel_loop3A_245 : i1 to i32
        %parallel_loop3A_247 = arith.subi %parallel_loop3A_243, %parallel_loop3A_246 : i32
        %parallel_loop3A_248 = arith.cmpi ne, %parallel_loop3A_240, %parallel_loop3A_247 : i32
        %parallel_loop3A_249 = arith.remsi %parallel_loop3A_229, %parallel_loop3A_232 : i32
        %parallel_loop3A_250 = arith.constant 0 : i32
        %parallel_loop3A_251 = arith.cmpi ne, %parallel_loop3A_249, %parallel_loop3A_250 : i32
        %parallel_loop3A_252 = arith.andi %parallel_loop3A_248, %parallel_loop3A_251 : i1
        %parallel_loop3A_253 = arith.constant 1 : i32
        %parallel_loop3A_254 = arith.subi %parallel_loop3A_233, %parallel_loop3A_253 : i32
        %parallel_loop3A_255 = arith.select %parallel_loop3A_252, %parallel_loop3A_254, %parallel_loop3A_233 : i32
        %parallel_loop3A_256 = arith.constant 4 : i32
        %parallel_loop3A_257 = arith.muli %parallel_loop3A_255, %parallel_loop3A_256 : i32
        %parallel_loop3A_258 = arith.subi %parallel_loop3A_229, %parallel_loop3A_257 : i32
        %parallel_loop3A_259 = arith.constant 4 : i32
        %parallel_loop3A_260 = arith.muli %parallel_loop3A_259, %parallel_loop3A_255 : i32
        %parallel_loop3A_261 = arith.addi %parallel_loop3A_260, %parallel_loop3A_258 : i32
        %parallel_loop3A_262 = vector.broadcast %parallel_loop3A_261 : i32 to vector<16xi32>
        %parallel_loop3A_263 = arith.addi %parallel_loop3A_231, %parallel_loop3A_262 : vector<16xi32>
        %parallel_loop3A_264 = arith.constant 0 : i32
        %parallel_loop3A_265 = arith.constant 0 : i32
        %parallel_loop3A_266 = arith.constant 0 : i32
        %parallel_loop3A_267 = tpu.memref_slice %arg5[%parallel_loop3A_264, %parallel_loop3A_265, %parallel_loop3A_266] : memref<2x32x517xf32, #tpu.memory_space<vmem>> -> memref<1x32x517xf32, #tpu.memory_space<vmem>>
        %parallel_loop3A_268 = tpu.memref_squeeze %parallel_loop3A_267 : memref<1x32x517xf32, #tpu.memory_space<vmem>> -> memref<32x517xf32, #tpu.memory_space<vmem>>
        %parallel_loop3A_269 = tpu.vector_load_idx %parallel_loop3A_268[%parallel_loop3A_230, %parallel_loop3A_263] : memref<32x517xf32, #tpu.memory_space<vmem>>[vector<16xi32>, vector<16xi32>], vector<16xf32>,
        %parallel_loop3A_270 = arith.constant 32 : i32
        %parallel_loop3A_271 = arith.muli %parallel_loop3A_258, %parallel_loop3A_270 : i32
        %parallel_loop3A_272 = arith.constant 16 : i32
        %parallel_loop3A_273 = arith.addi %parallel_loop3A_271, %parallel_loop3A_272 : i32
        %parallel_loop3A_274 = arith.constant 0 : i32
        %parallel_loop3A_275 = arith.index_cast %parallel_loop3A_274 : i32 to index
        %parallel_loop3A_276 = arith.index_cast %parallel_loop3A_255 : i32 to index
        %parallel_loop3A_277 = arith.index_cast %parallel_loop3A_273 : i32 to index
        %parallel_loop3A_278 = tpu.vector_load %arg6[%parallel_loop3A_275, %parallel_loop3A_276, %parallel_loop3A_277] {strides = array<i32>} : memref<2x128x128xf32, #tpu.memory_space<vmem>>, vector<16xf32>,
        tpu.vector_store %arg6[%parallel_loop3A_275, %parallel_loop3A_276, %parallel_loop3A_277], %parallel_loop3A_269 {strides = array<i32>} : memref<2x128x128xf32, #tpu.memory_space<vmem>>, vector<16xf32>,
        scf.yield %parallel_loop3A_230, %parallel_loop3A_231 : vector<16xi32>, vector<16xi32>
      } {sc.loop_unroll_factor = 16 : i64, sc.parallel_access}
      %ge3A_200 = arith.constant 1 : i32
      %ge3A_201 = arith.cmpi sge, %while3A_122, %ge3A_200 : i32
      %convert_element_type3A_202 = arith.extui %ge3A_201 : i1 to i32
      %cond3A_203 = arith.constant 0 : i32
      %cond3A_204 = arith.cmpi ne, %convert_element_type3A_202, %cond3A_203 : i32
      scf.if %cond3A_204 {
        %dma_wait3A_229 = arith.constant 0 : i32
        %dma_wait3A_230 = arith.constant 0 : i32
        %dma_wait3A_231 = arith.constant 0 : i32
        %dma_wait3A_232 = tpu.memref_slice %arg6[%dma_wait3A_229, %dma_wait3A_230, %dma_wait3A_231] : memref<2x128x128xf32, #tpu.memory_space<vmem>> -> memref<1x128x128xf32, #tpu.memory_space<vmem>>
        %dma_wait3A_233 = tpu.memref_squeeze %dma_wait3A_232 : memref<1x128x128xf32, #tpu.memory_space<vmem>> -> memref<128x128xf32, #tpu.memory_space<vmem>>
        %dma_wait3A_234 = arith.constant 0 : i32
        %dma_wait3A_235 = arith.constant 0 : i32
        %dma_wait3A_236 = tpu.memref_slice %arg4[%dma_wait3A_234, %dma_wait3A_235] : memref<250000x128xf32, #tpu.memory_space<hbm>> -> memref<128x128xf32, #tpu.memory_space<hbm>>
        %dma_wait3A_237 = arith.constant 0 : i32
        %dma_wait3A_238 = arith.constant 0 : i32
        %dma_wait3A_239 = tpu.memref_slice %arg6[%dma_wait3A_229, %dma_wait3A_237, %dma_wait3A_238] : memref<2x128x128xf32, #tpu.memory_space<vmem>> -> memref<1x128x128xf32, #tpu.memory_space<vmem>>
        %dma_wait3A_240 = tpu.memref_squeeze %dma_wait3A_239 : memref<1x128x128xf32, #tpu.memory_space<vmem>> -> memref<128x128xf32, #tpu.memory_space<vmem>>
        %dma_wait3A_241 = arith.constant 0 : i32
        %dma_wait3A_242 = arith.constant 0 : i32
        %dma_wait3A_243 = tpu.memref_slice %arg4[%dma_wait3A_241, %dma_wait3A_242] : memref<250000x128xf32, #tpu.memory_space<hbm>> -> memref<128x128xf32, #tpu.memory_space<hbm>>
        tpu.wait_dma2 semaphore(%arg9 : memref<!tpu.dma_semaphore, #tpu.memory_space<semaphore_mem>>) src(%dma_wait3A_243 : memref<128x128xf32, #tpu.memory_space<hbm>>) dst(%dma_wait3A_240 : memref<128x128xf32, #tpu.memory_space<vmem>>)
      } else {
      }
      %mul3A_205 = arith.constant 32 : i32
      %mul3A_206 = arith.muli %add3A_125, %mul3A_205 : i32
      %mul3A_207 = arith.constant 4 : i32
      %mul3A_208 = arith.muli %mul3A_206, %mul3A_207 : i32
      %dma_start3A_209 = arith.constant 0 : i32
      %dma_start3A_210 = arith.constant 0 : i32
      %dma_start3A_211 = arith.constant 0 : i32
      %dma_start3A_212 = tpu.memref_slice %arg6[%dma_start3A_209, %dma_start3A_210, %dma_start3A_211] : memref<2x128x128xf32, #tpu.memory_space<vmem>> -> memref<1x128x128xf32, #tpu.memory_space<vmem>>
      %dma_start3A_213 = tpu.memref_squeeze %dma_start3A_212 : memref<1x128x128xf32, #tpu.memory_space<vmem>> -> memref<128x128xf32, #tpu.memory_space<vmem>>
      %dma_start3A_214 = arith.constant 0 : i32
      %dma_start3A_215 = tpu.memref_slice %arg4[%mul3A_208, %dma_start3A_214] : memref<250000x128xf32, #tpu.memory_space<hbm>> -> memref<128x128xf32, #tpu.memory_space<hbm>>
      %dma_start3A_216 = arith.constant 0 : i32
      %dma_start3A_217 = tpu.memref_slice %arg4[%mul3A_208, %dma_start3A_216] : memref<250000x128xf32, #tpu.memory_space<hbm>> -> memref<128x128xf32, #tpu.memory_space<hbm>>
      %dma_start3A_218 = arith.constant 0 : i32
      %dma_start3A_219 = arith.constant 0 : i32
      %dma_start3A_220 = tpu.memref_slice %arg6[%dma_start3A_209, %dma_start3A_218, %dma_start3A_219] : memref<2x128x128xf32, #tpu.memory_space<vmem>> -> memref<1x128x128xf32, #tpu.memory_space<vmem>>
      %dma_start3A_221 = tpu.memref_squeeze %dma_start3A_220 : memref<1x128x128xf32, #tpu.memory_space<vmem>> -> memref<128x128xf32, #tpu.memory_space<vmem>>
      tpu.enqueue_dma source(%dma_start3A_221 : memref<128x128xf32, #tpu.memory_space<vmem>>) target(%dma_start3A_217 : memref<128x128xf32, #tpu.memory_space<hbm>>) target_semaphore(%arg9 : memref<!tpu.dma_semaphore, #tpu.memory_space<semaphore_mem>>)
      %add3A_222 = arith.constant 1 : i32
      %add3A_223 = arith.addi %add3A_125, %add3A_222 : i32
      %add3A_224 = arith.addi %add3A_4, %add3A_8 : i32
      %lt3A_225 = arith.cmpi slt, %add3A_223, %add3A_224 : i32
      %convert_element_type3A_226 = arith.extui %lt3A_225 : i1 to i32
      %cond3A_227 = arith.constant 0 : i32
      %cond3A_228 = arith.cmpi ne, %convert_element_type3A_226, %cond3A_227 : i32
      scf.if %cond3A_228 {
        %add3A_229 = arith.constant 2 : i32
        %add3A_230 = arith.addi %add3A_125, %add3A_229 : i32
        %add3A_231 = arith.addi %add3A_4, %add3A_8 : i32
        %lt3A_232 = arith.cmpi slt, %add3A_230, %add3A_231 : i32
        %convert_element_type3A_233 = arith.extui %lt3A_232 : i1 to i32
        %cond3A_234 = arith.constant 0 : i32
        %cond3A_235 = arith.cmpi ne, %convert_element_type3A_233, %cond3A_234 : i32
        scf.if %cond3A_235 {
          %add3A_328 = arith.constant 2 : i32
          %add3A_329 = arith.addi %add3A_125, %add3A_328 : i32
          %mul3A_330 = arith.constant 512 : i32
          %mul3A_331 = arith.muli %add3A_329, %mul3A_330 : i32
          %dma_start3A_332 = arith.constant 0 : i32
          %dma_start3A_333 = arith.constant 0 : i32
          %dma_start3A_334 = arith.constant 0 : i32
          %dma_start3A_335 = tpu.memref_slice %arg5[%dma_start3A_332, %dma_start3A_333, %dma_start3A_334] : memref<2x32x517xf32, #tpu.memory_space<vmem>> -> memref<1x8x512xf32, #tpu.memory_space<vmem>>
          %dma_start3A_336 = tpu.memref_squeeze %dma_start3A_335 : memref<1x8x512xf32, #tpu.memory_space<vmem>> -> memref<8x512xf32, #tpu.memory_space<vmem>>
          %dma_start3A_337 = arith.constant 0 : i32
          %dma_start3A_338 = tpu.memref_slice %arg2[%dma_start3A_337, %mul3A_331] : memref<32x1000000xf32, #tpu.memory_space<hbm>> -> memref<8x512xf32, #tpu.memory_space<hbm>>
          %dma_start3A_339 = arith.constant 0 : i32
          %dma_start3A_340 = arith.constant 0 : i32
          %dma_start3A_341 = tpu.memref_slice %arg5[%dma_start3A_332, %dma_start3A_339, %dma_start3A_340] : memref<2x32x517xf32, #tpu.memory_space<vmem>> -> memref<1x8x512xf32, #tpu.memory_space<vmem>>
          %dma_start3A_342 = tpu.memref_squeeze %dma_start3A_341 : memref<1x8x512xf32, #tpu.memory_space<vmem>> -> memref<8x512xf32, #tpu.memory_space<vmem>>
          %dma_start3A_343 = arith.constant 0 : i32
          %dma_start3A_344 = tpu.memref_slice %arg2[%dma_start3A_343, %mul3A_331] : memref<32x1000000xf32, #tpu.memory_space<hbm>> -> memref<8x512xf32, #tpu.memory_space<hbm>>
          tpu.enqueue_dma source(%dma_start3A_344 : memref<8x512xf32, #tpu.memory_space<hbm>>) target(%dma_start3A_342 : memref<8x512xf32, #tpu.memory_space<vmem>>) target_semaphore(%arg7 : memref<!tpu.dma_semaphore, #tpu.memory_space<semaphore_mem>>)
          %mul3A_345 = arith.constant 512 : i32
          %mul3A_346 = arith.muli %add3A_329, %mul3A_345 : i32
          %dma_start3A_347 = arith.constant 0 : i32
          %dma_start3A_348 = arith.constant 8 : i32
          %dma_start3A_349 = arith.constant 0 : i32
          %dma_start3A_350 = tpu.memref_slice %arg5[%dma_start3A_347, %dma_start3A_348, %dma_start3A_349] : memref<2x32x517xf32, #tpu.memory_space<vmem>> -> memref<1x8x512xf32, #tpu.memory_space<vmem>>
          %dma_start3A_351 = tpu.memref_squeeze %dma_start3A_350 : memref<1x8x512xf32, #tpu.memory_space<vmem>> -> memref<8x512xf32, #tpu.memory_space<vmem>>
          %dma_start3A_352 = arith.constant 8 : i32
          %dma_start3A_353 = tpu.memref_slice %arg2[%dma_start3A_352, %mul3A_346] : memref<32x1000000xf32, #tpu.memory_space<hbm>> -> memref<8x512xf32, #tpu.memory_space<hbm>>
          %dma_start3A_354 = arith.constant 8 : i32
          %dma_start3A_355 = arith.constant 0 : i32
          %dma_start3A_356 = tpu.memref_slice %arg5[%dma_start3A_347, %dma_start3A_354, %dma_start3A_355] : memref<2x32x517xf32, #tpu.memory_space<vmem>> -> memref<1x8x512xf32, #tpu.memory_space<vmem>>
          %dma_start3A_357 = tpu.memref_squeeze %dma_start3A_356 : memref<1x8x512xf32, #tpu.memory_space<vmem>> -> memref<8x512xf32, #tpu.memory_space<vmem>>
          %dma_start3A_358 = arith.constant 8 : i32
          %dma_start3A_359 = tpu.memref_slice %arg2[%dma_start3A_358, %mul3A_346] : memref<32x1000000xf32, #tpu.memory_space<hbm>> -> memref<8x512xf32, #tpu.memory_space<hbm>>
          tpu.enqueue_dma source(%dma_start3A_359 : memref<8x512xf32, #tpu.memory_space<hbm>>) target(%dma_start3A_357 : memref<8x512xf32, #tpu.memory_space<vmem>>) target_semaphore(%arg7 : memref<!tpu.dma_semaphore, #tpu.memory_space<semaphore_mem>>)
          %mul3A_360 = arith.constant 512 : i32
          %mul3A_361 = arith.muli %add3A_329, %mul3A_360 : i32
          %dma_start3A_362 = arith.constant 0 : i32
          %dma_start3A_363 = arith.constant 16 : i32
          %dma_start3A_364 = arith.constant 0 : i32
          %dma_start3A_365 = tpu.memref_slice %arg5[%dma_start3A_362, %dma_start3A_363, %dma_start3A_364] : memref<2x32x517xf32, #tpu.memory_space<vmem>> -> memref<1x8x512xf32, #tpu.memory_space<vmem>>
          %dma_start3A_366 = tpu.memref_squeeze %dma_start3A_365 : memref<1x8x512xf32, #tpu.memory_space<vmem>> -> memref<8x512xf32, #tpu.memory_space<vmem>>
          %dma_start3A_367 = arith.constant 16 : i32
          %dma_start3A_368 = tpu.memref_slice %arg2[%dma_start3A_367, %mul3A_361] : memref<32x1000000xf32, #tpu.memory_space<hbm>> -> memref<8x512xf32, #tpu.memory_space<hbm>>
          %dma_start3A_369 = arith.constant 16 : i32
          %dma_start3A_370 = arith.constant 0 : i32
          %dma_start3A_371 = tpu.memref_slice %arg5[%dma_start3A_362, %dma_start3A_369, %dma_start3A_370] : memref<2x32x517xf32, #tpu.memory_space<vmem>> -> memref<1x8x512xf32, #tpu.memory_space<vmem>>
          %dma_start3A_372 = tpu.memref_squeeze %dma_start3A_371 : memref<1x8x512xf32, #tpu.memory_space<vmem>> -> memref<8x512xf32, #tpu.memory_space<vmem>>
          %dma_start3A_373 = arith.constant 16 : i32
          %dma_start3A_374 = tpu.memref_slice %arg2[%dma_start3A_373, %mul3A_361] : memref<32x1000000xf32, #tpu.memory_space<hbm>> -> memref<8x512xf32, #tpu.memory_space<hbm>>
          tpu.enqueue_dma source(%dma_start3A_374 : memref<8x512xf32, #tpu.memory_space<hbm>>) target(%dma_start3A_372 : memref<8x512xf32, #tpu.memory_space<vmem>>) target_semaphore(%arg7 : memref<!tpu.dma_semaphore, #tpu.memory_space<semaphore_mem>>)
          %mul3A_375 = arith.constant 512 : i32
          %mul3A_376 = arith.muli %add3A_329, %mul3A_375 : i32
          %dma_start3A_377 = arith.constant 0 : i32
          %dma_start3A_378 = arith.constant 24 : i32
          %dma_start3A_379 = arith.constant 0 : i32
          %dma_start3A_380 = tpu.memref_slice %arg5[%dma_start3A_377, %dma_start3A_378, %dma_start3A_379] : memref<2x32x517xf32, #tpu.memory_space<vmem>> -> memref<1x8x512xf32, #tpu.memory_space<vmem>>
          %dma_start3A_381 = tpu.memref_squeeze %dma_start3A_380 : memref<1x8x512xf32, #tpu.memory_space<vmem>> -> memref<8x512xf32, #tpu.memory_space<vmem>>
          %dma_start3A_382 = arith.constant 24 : i32
          %dma_start3A_383 = tpu.memref_slice %arg2[%dma_start3A_382, %mul3A_376] : memref<32x1000000xf32, #tpu.memory_space<hbm>> -> memref<8x512xf32, #tpu.memory_space<hbm>>
          %dma_start3A_384 = arith.constant 24 : i32
          %dma_start3A_385 = arith.constant 0 : i32
          %dma_start3A_386 = tpu.memref_slice %arg5[%dma_start3A_377, %dma_start3A_384, %dma_start3A_385] : memref<2x32x517xf32, #tpu.memory_space<vmem>> -> memref<1x8x512xf32, #tpu.memory_space<vmem>>
          %dma_start3A_387 = tpu.memref_squeeze %dma_start3A_386 : memref<1x8x512xf32, #tpu.memory_space<vmem>> -> memref<8x512xf32, #tpu.memory_space<vmem>>
          %dma_start3A_388 = arith.constant 24 : i32
          %dma_start3A_389 = tpu.memref_slice %arg2[%dma_start3A_388, %mul3A_376] : memref<32x1000000xf32, #tpu.memory_space<hbm>> -> memref<8x512xf32, #tpu.memory_space<hbm>>
          tpu.enqueue_dma source(%dma_start3A_389 : memref<8x512xf32, #tpu.memory_space<hbm>>) target(%dma_start3A_387 : memref<8x512xf32, #tpu.memory_space<vmem>>) target_semaphore(%arg7 : memref<!tpu.dma_semaphore, #tpu.memory_space<semaphore_mem>>)
        } else {
        }
        %dma_wait3A_236 = arith.constant 1 : i32
        %dma_wait3A_237 = arith.constant 0 : i32
        %dma_wait3A_238 = arith.constant 0 : i32
        %dma_wait3A_239 = tpu.memref_slice %arg5[%dma_wait3A_236, %dma_wait3A_237, %dma_wait3A_238] : memref<2x32x517xf32, #tpu.memory_space<vmem>> -> memref<1x8x512xf32, #tpu.memory_space<vmem>>
        %dma_wait3A_240 = tpu.memref_squeeze %dma_wait3A_239 : memref<1x8x512xf32, #tpu.memory_space<vmem>> -> memref<8x512xf32, #tpu.memory_space<vmem>>
        %dma_wait3A_241 = arith.constant 0 : i32
        %dma_wait3A_242 = arith.constant 0 : i32
        %dma_wait3A_243 = tpu.memref_slice %arg2[%dma_wait3A_241, %dma_wait3A_242] : memref<32x1000000xf32, #tpu.memory_space<hbm>> -> memref<8x512xf32, #tpu.memory_space<hbm>>
        %dma_wait3A_244 = arith.constant 0 : i32
        %dma_wait3A_245 = arith.constant 0 : i32
        %dma_wait3A_246 = tpu.memref_slice %arg5[%dma_wait3A_236, %dma_wait3A_244, %dma_wait3A_245] : memref<2x32x517xf32, #tpu.memory_space<vmem>> -> memref<1x8x512xf32, #tpu.memory_space<vmem>>
        %dma_wait3A_247 = tpu.memref_squeeze %dma_wait3A_246 : memref<1x8x512xf32, #tpu.memory_space<vmem>> -> memref<8x512xf32, #tpu.memory_space<vmem>>
        %dma_wait3A_248 = arith.constant 0 : i32
        %dma_wait3A_249 = arith.constant 0 : i32
        %dma_wait3A_250 = tpu.memref_slice %arg2[%dma_wait3A_248, %dma_wait3A_249] : memref<32x1000000xf32, #tpu.memory_space<hbm>> -> memref<8x512xf32, #tpu.memory_space<hbm>>
        tpu.wait_dma2 semaphore(%arg8 : memref<!tpu.dma_semaphore, #tpu.memory_space<semaphore_mem>>) src(%dma_wait3A_250 : memref<8x512xf32, #tpu.memory_space<hbm>>) dst(%dma_wait3A_247 : memref<8x512xf32, #tpu.memory_space<vmem>>)
        %dma_wait3A_251 = arith.constant 1 : i32
        %dma_wait3A_252 = arith.constant 8 : i32
        %dma_wait3A_253 = arith.constant 0 : i32
        %dma_wait3A_254 = tpu.memref_slice %arg5[%dma_wait3A_251, %dma_wait3A_252, %dma_wait3A_253] : memref<2x32x517xf32, #tpu.memory_space<vmem>> -> memref<1x8x512xf32, #tpu.memory_space<vmem>>
        %dma_wait3A_255 = tpu.memref_squeeze %dma_wait3A_254 : memref<1x8x512xf32, #tpu.memory_space<vmem>> -> memref<8x512xf32, #tpu.memory_space<vmem>>
        %dma_wait3A_256 = arith.constant 0 : i32
        %dma_wait3A_257 = arith.constant 0 : i32
        %dma_wait3A_258 = tpu.memref_slice %arg2[%dma_wait3A_256, %dma_wait3A_257] : memref<32x1000000xf32, #tpu.memory_space<hbm>> -> memref<8x512xf32, #tpu.memory_space<hbm>>
        %dma_wait3A_259 = arith.constant 8 : i32
        %dma_wait3A_260 = arith.constant 0 : i32
        %dma_wait3A_261 = tpu.memref_slice %arg5[%dma_wait3A_251, %dma_wait3A_259, %dma_wait3A_260] : memref<2x32x517xf32, #tpu.memory_space<vmem>> -> memref<1x8x512xf32, #tpu.memory_space<vmem>>
        %dma_wait3A_262 = tpu.memref_squeeze %dma_wait3A_261 : memref<1x8x512xf32, #tpu.memory_space<vmem>> -> memref<8x512xf32, #tpu.memory_space<vmem>>
        %dma_wait3A_263 = arith.constant 0 : i32
        %dma_wait3A_264 = arith.constant 0 : i32
        %dma_wait3A_265 = tpu.memref_slice %arg2[%dma_wait3A_263, %dma_wait3A_264] : memref<32x1000000xf32, #tpu.memory_space<hbm>> -> memref<8x512xf32, #tpu.memory_space<hbm>>
        tpu.wait_dma2 semaphore(%arg8 : memref<!tpu.dma_semaphore, #tpu.memory_space<semaphore_mem>>) src(%dma_wait3A_265 : memref<8x512xf32, #tpu.memory_space<hbm>>) dst(%dma_wait3A_262 : memref<8x512xf32, #tpu.memory_space<vmem>>)
        %dma_wait3A_266 = arith.constant 1 : i32
        %dma_wait3A_267 = arith.constant 16 : i32
        %dma_wait3A_268 = arith.constant 0 : i32
        %dma_wait3A_269 = tpu.memref_slice %arg5[%dma_wait3A_266, %dma_wait3A_267, %dma_wait3A_268] : memref<2x32x517xf32, #tpu.memory_space<vmem>> -> memref<1x8x512xf32, #tpu.memory_space<vmem>>
        %dma_wait3A_270 = tpu.memref_squeeze %dma_wait3A_269 : memref<1x8x512xf32, #tpu.memory_space<vmem>> -> memref<8x512xf32, #tpu.memory_space<vmem>>
        %dma_wait3A_271 = arith.constant 0 : i32
        %dma_wait3A_272 = arith.constant 0 : i32
        %dma_wait3A_273 = tpu.memref_slice %arg2[%dma_wait3A_271, %dma_wait3A_272] : memref<32x1000000xf32, #tpu.memory_space<hbm>> -> memref<8x512xf32, #tpu.memory_space<hbm>>
        %dma_wait3A_274 = arith.constant 16 : i32
        %dma_wait3A_275 = arith.constant 0 : i32
        %dma_wait3A_276 = tpu.memref_slice %arg5[%dma_wait3A_266, %dma_wait3A_274, %dma_wait3A_275] : memref<2x32x517xf32, #tpu.memory_space<vmem>> -> memref<1x8x512xf32, #tpu.memory_space<vmem>>
        %dma_wait3A_277 = tpu.memref_squeeze %dma_wait3A_276 : memref<1x8x512xf32, #tpu.memory_space<vmem>> -> memref<8x512xf32, #tpu.memory_space<vmem>>
        %dma_wait3A_278 = arith.constant 0 : i32
        %dma_wait3A_279 = arith.constant 0 : i32
        %dma_wait3A_280 = tpu.memref_slice %arg2[%dma_wait3A_278, %dma_wait3A_279] : memref<32x1000000xf32, #tpu.memory_space<hbm>> -> memref<8x512xf32, #tpu.memory_space<hbm>>
        tpu.wait_dma2 semaphore(%arg8 : memref<!tpu.dma_semaphore, #tpu.memory_space<semaphore_mem>>) src(%dma_wait3A_280 : memref<8x512xf32, #tpu.memory_space<hbm>>) dst(%dma_wait3A_277 : memref<8x512xf32, #tpu.memory_space<vmem>>)
        %dma_wait3A_281 = arith.constant 1 : i32
        %dma_wait3A_282 = arith.constant 24 : i32
        %dma_wait3A_283 = arith.constant 0 : i32
        %dma_wait3A_284 = tpu.memref_slice %arg5[%dma_wait3A_281, %dma_wait3A_282, %dma_wait3A_283] : memref<2x32x517xf32, #tpu.memory_space<vmem>> -> memref<1x8x512xf32, #tpu.memory_space<vmem>>
        %dma_wait3A_285 = tpu.memref_squeeze %dma_wait3A_284 : memref<1x8x512xf32, #tpu.memory_space<vmem>> -> memref<8x512xf32, #tpu.memory_space<vmem>>
        %dma_wait3A_286 = arith.constant 0 : i32
        %dma_wait3A_287 = arith.constant 0 : i32
        %dma_wait3A_288 = tpu.memref_slice %arg2[%dma_wait3A_286, %dma_wait3A_287] : memref<32x1000000xf32, #tpu.memory_space<hbm>> -> memref<8x512xf32, #tpu.memory_space<hbm>>
        %dma_wait3A_289 = arith.constant 24 : i32
        %dma_wait3A_290 = arith.constant 0 : i32
        %dma_wait3A_291 = tpu.memref_slice %arg5[%dma_wait3A_281, %dma_wait3A_289, %dma_wait3A_290] : memref<2x32x517xf32, #tpu.memory_space<vmem>> -> memref<1x8x512xf32, #tpu.memory_space<vmem>>
        %dma_wait3A_292 = tpu.memref_squeeze %dma_wait3A_291 : memref<1x8x512xf32, #tpu.memory_space<vmem>> -> memref<8x512xf32, #tpu.memory_space<vmem>>
        %dma_wait3A_293 = arith.constant 0 : i32
        %dma_wait3A_294 = arith.constant 0 : i32
        %dma_wait3A_295 = tpu.memref_slice %arg2[%dma_wait3A_293, %dma_wait3A_294] : memref<32x1000000xf32, #tpu.memory_space<hbm>> -> memref<8x512xf32, #tpu.memory_space<hbm>>
        tpu.wait_dma2 semaphore(%arg8 : memref<!tpu.dma_semaphore, #tpu.memory_space<semaphore_mem>>) src(%dma_wait3A_295 : memref<8x512xf32, #tpu.memory_space<hbm>>) dst(%dma_wait3A_292 : memref<8x512xf32, #tpu.memory_space<vmem>>)
        %parallel_loop3A_296 = arith.constant 0 : i32
        %parallel_loop3A_297 = arith.constant 512 : i32
        %parallel_loop3A_298 = arith.constant 1 : i32
        %parallel_loop3A_299:2 = scf.for %parallel_loop3A_328 = %parallel_loop3A_296 to %parallel_loop3A_297 step %parallel_loop3A_298 iter_args(%parallel_loop3A_329 = %iota3A, %parallel_loop3A_330 = %mul3A_73) -> (vector<16xi32>, vector<16xi32>)  : i32 {
          %parallel_loop3A_331 = arith.constant 4 : i32
          %parallel_loop3A_332 = arith.divsi %parallel_loop3A_328, %parallel_loop3A_331 : i32
          %parallel_loop3A_333 = arith.constant 0 : i32
          %parallel_loop3A_334 = arith.cmpi sgt, %parallel_loop3A_328, %parallel_loop3A_333 : i32
          %parallel_loop3A_335 = arith.extui %parallel_loop3A_334 : i1 to i32
          %parallel_loop3A_336 = arith.constant 0 : i32
          %parallel_loop3A_337 = arith.cmpi slt, %parallel_loop3A_328, %parallel_loop3A_336 : i32
          %parallel_loop3A_338 = arith.extui %parallel_loop3A_337 : i1 to i32
          %parallel_loop3A_339 = arith.subi %parallel_loop3A_335, %parallel_loop3A_338 : i32
          %parallel_loop3A_340 = arith.constant 0 : i32
          %parallel_loop3A_341 = arith.cmpi sgt, %parallel_loop3A_331, %parallel_loop3A_340 : i32
          %parallel_loop3A_342 = arith.extui %parallel_loop3A_341 : i1 to i32
          %parallel_loop3A_343 = arith.constant 0 : i32
          %parallel_loop3A_344 = arith.cmpi slt, %parallel_loop3A_331, %parallel_loop3A_343 : i32
          %parallel_loop3A_345 = arith.extui %parallel_loop3A_344 : i1 to i32
          %parallel_loop3A_346 = arith.subi %parallel_loop3A_342, %parallel_loop3A_345 : i32
          %parallel_loop3A_347 = arith.cmpi ne, %parallel_loop3A_339, %parallel_loop3A_346 : i32
          %parallel_loop3A_348 = arith.remsi %parallel_loop3A_328, %parallel_loop3A_331 : i32
          %parallel_loop3A_349 = arith.constant 0 : i32
          %parallel_loop3A_350 = arith.cmpi ne, %parallel_loop3A_348, %parallel_loop3A_349 : i32
          %parallel_loop3A_351 = arith.andi %parallel_loop3A_347, %parallel_loop3A_350 : i1
          %parallel_loop3A_352 = arith.constant 1 : i32
          %parallel_loop3A_353 = arith.subi %parallel_loop3A_332, %parallel_loop3A_352 : i32
          %parallel_loop3A_354 = arith.select %parallel_loop3A_351, %parallel_loop3A_353, %parallel_loop3A_332 : i32
          %parallel_loop3A_355 = arith.constant 4 : i32
          %parallel_loop3A_356 = arith.muli %parallel_loop3A_354, %parallel_loop3A_355 : i32
          %parallel_loop3A_357 = arith.subi %parallel_loop3A_328, %parallel_loop3A_356 : i32
          %parallel_loop3A_358 = arith.constant 4 : i32
          %parallel_loop3A_359 = arith.muli %parallel_loop3A_358, %parallel_loop3A_354 : i32
          %parallel_loop3A_360 = arith.addi %parallel_loop3A_359, %parallel_loop3A_357 : i32
          %parallel_loop3A_361 = vector.broadcast %parallel_loop3A_360 : i32 to vector<16xi32>
          %parallel_loop3A_362 = arith.addi %parallel_loop3A_330, %parallel_loop3A_361 : vector<16xi32>
          %parallel_loop3A_363 = arith.constant 1 : i32
          %parallel_loop3A_364 = arith.constant 0 : i32
          %parallel_loop3A_365 = arith.constant 0 : i32
          %parallel_loop3A_366 = tpu.memref_slice %arg5[%parallel_loop3A_363, %parallel_loop3A_364, %parallel_loop3A_365] : memref<2x32x517xf32, #tpu.memory_space<vmem>> -> memref<1x32x517xf32, #tpu.memory_space<vmem>>
          %parallel_loop3A_367 = tpu.memref_squeeze %parallel_loop3A_366 : memref<1x32x517xf32, #tpu.memory_space<vmem>> -> memref<32x517xf32, #tpu.memory_space<vmem>>
          %parallel_loop3A_368 = tpu.vector_load_idx %parallel_loop3A_367[%parallel_loop3A_329, %parallel_loop3A_362] : memref<32x517xf32, #tpu.memory_space<vmem>>[vector<16xi32>, vector<16xi32>], vector<16xf32>,
          %parallel_loop3A_369 = arith.constant 32 : i32
          %parallel_loop3A_370 = arith.muli %parallel_loop3A_357, %parallel_loop3A_369 : i32
          %parallel_loop3A_371 = arith.constant 0 : i32
          %parallel_loop3A_372 = arith.addi %parallel_loop3A_370, %parallel_loop3A_371 : i32
          %parallel_loop3A_373 = arith.constant 1 : i32
          %parallel_loop3A_374 = arith.index_cast %parallel_loop3A_373 : i32 to index
          %parallel_loop3A_375 = arith.index_cast %parallel_loop3A_354 : i32 to index
          %parallel_loop3A_376 = arith.index_cast %parallel_loop3A_372 : i32 to index
          %parallel_loop3A_377 = tpu.vector_load %arg6[%parallel_loop3A_374, %parallel_loop3A_375, %parallel_loop3A_376] {strides = array<i32>} : memref<2x128x128xf32, #tpu.memory_space<vmem>>, vector<16xf32>,
          tpu.vector_store %arg6[%parallel_loop3A_374, %parallel_loop3A_375, %parallel_loop3A_376], %parallel_loop3A_368 {strides = array<i32>} : memref<2x128x128xf32, #tpu.memory_space<vmem>>, vector<16xf32>,
          scf.yield %parallel_loop3A_329, %parallel_loop3A_330 : vector<16xi32>, vector<16xi32>
        } {sc.loop_unroll_factor = 16 : i64, sc.parallel_access}
        %parallel_loop3A_300 = arith.constant 0 : i32
        %parallel_loop3A_301 = arith.constant 512 : i32
        %parallel_loop3A_302 = arith.constant 1 : i32
        %parallel_loop3A_303:2 = scf.for %parallel_loop3A_328 = %parallel_loop3A_300 to %parallel_loop3A_301 step %parallel_loop3A_302 iter_args(%parallel_loop3A_329 = %add3A_70, %parallel_loop3A_330 = %mul3A_73) -> (vector<16xi32>, vector<16xi32>)  : i32 {
          %parallel_loop3A_331 = arith.constant 4 : i32
          %parallel_loop3A_332 = arith.divsi %parallel_loop3A_328, %parallel_loop3A_331 : i32
          %parallel_loop3A_333 = arith.constant 0 : i32
          %parallel_loop3A_334 = arith.cmpi sgt, %parallel_loop3A_328, %parallel_loop3A_333 : i32
          %parallel_loop3A_335 = arith.extui %parallel_loop3A_334 : i1 to i32
          %parallel_loop3A_336 = arith.constant 0 : i32
          %parallel_loop3A_337 = arith.cmpi slt, %parallel_loop3A_328, %parallel_loop3A_336 : i32
          %parallel_loop3A_338 = arith.extui %parallel_loop3A_337 : i1 to i32
          %parallel_loop3A_339 = arith.subi %parallel_loop3A_335, %parallel_loop3A_338 : i32
          %parallel_loop3A_340 = arith.constant 0 : i32
          %parallel_loop3A_341 = arith.cmpi sgt, %parallel_loop3A_331, %parallel_loop3A_340 : i32
          %parallel_loop3A_342 = arith.extui %parallel_loop3A_341 : i1 to i32
          %parallel_loop3A_343 = arith.constant 0 : i32
          %parallel_loop3A_344 = arith.cmpi slt, %parallel_loop3A_331, %parallel_loop3A_343 : i32
          %parallel_loop3A_345 = arith.extui %parallel_loop3A_344 : i1 to i32
          %parallel_loop3A_346 = arith.subi %parallel_loop3A_342, %parallel_loop3A_345 : i32
          %parallel_loop3A_347 = arith.cmpi ne, %parallel_loop3A_339, %parallel_loop3A_346 : i32
          %parallel_loop3A_348 = arith.remsi %parallel_loop3A_328, %parallel_loop3A_331 : i32
          %parallel_loop3A_349 = arith.constant 0 : i32
          %parallel_loop3A_350 = arith.cmpi ne, %parallel_loop3A_348, %parallel_loop3A_349 : i32
          %parallel_loop3A_351 = arith.andi %parallel_loop3A_347, %parallel_loop3A_350 : i1
          %parallel_loop3A_352 = arith.constant 1 : i32
          %parallel_loop3A_353 = arith.subi %parallel_loop3A_332, %parallel_loop3A_352 : i32
          %parallel_loop3A_354 = arith.select %parallel_loop3A_351, %parallel_loop3A_353, %parallel_loop3A_332 : i32
          %parallel_loop3A_355 = arith.constant 4 : i32
          %parallel_loop3A_356 = arith.muli %parallel_loop3A_354, %parallel_loop3A_355 : i32
          %parallel_loop3A_357 = arith.subi %parallel_loop3A_328, %parallel_loop3A_356 : i32
          %parallel_loop3A_358 = arith.constant 4 : i32
          %parallel_loop3A_359 = arith.muli %parallel_loop3A_358, %parallel_loop3A_354 : i32
          %parallel_loop3A_360 = arith.addi %parallel_loop3A_359, %parallel_loop3A_357 : i32
          %parallel_loop3A_361 = vector.broadcast %parallel_loop3A_360 : i32 to vector<16xi32>
          %parallel_loop3A_362 = arith.addi %parallel_loop3A_330, %parallel_loop3A_361 : vector<16xi32>
          %parallel_loop3A_363 = arith.constant 1 : i32
          %parallel_loop3A_364 = arith.constant 0 : i32
          %parallel_loop3A_365 = arith.constant 0 : i32
          %parallel_loop3A_366 = tpu.memref_slice %arg5[%parallel_loop3A_363, %parallel_loop3A_364, %parallel_loop3A_365] : memref<2x32x517xf32, #tpu.memory_space<vmem>> -> memref<1x32x517xf32, #tpu.memory_space<vmem>>
          %parallel_loop3A_367 = tpu.memref_squeeze %parallel_loop3A_366 : memref<1x32x517xf32, #tpu.memory_space<vmem>> -> memref<32x517xf32, #tpu.memory_space<vmem>>
          %parallel_loop3A_368 = tpu.vector_load_idx %parallel_loop3A_367[%parallel_loop3A_329, %parallel_loop3A_362] : memref<32x517xf32, #tpu.memory_space<vmem>>[vector<16xi32>, vector<16xi32>], vector<16xf32>,
          %parallel_loop3A_369 = arith.constant 32 : i32
          %parallel_loop3A_370 = arith.muli %parallel_loop3A_357, %parallel_loop3A_369 : i32
          %parallel_loop3A_371 = arith.constant 16 : i32
          %parallel_loop3A_372 = arith.addi %parallel_loop3A_370, %parallel_loop3A_371 : i32
          %parallel_loop3A_373 = arith.constant 1 : i32
          %parallel_loop3A_374 = arith.index_cast %parallel_loop3A_373 : i32 to index
          %parallel_loop3A_375 = arith.index_cast %parallel_loop3A_354 : i32 to index
          %parallel_loop3A_376 = arith.index_cast %parallel_loop3A_372 : i32 to index
          %parallel_loop3A_377 = tpu.vector_load %arg6[%parallel_loop3A_374, %parallel_loop3A_375, %parallel_loop3A_376] {strides = array<i32>} : memref<2x128x128xf32, #tpu.memory_space<vmem>>, vector<16xf32>,
          tpu.vector_store %arg6[%parallel_loop3A_374, %parallel_loop3A_375, %parallel_loop3A_376], %parallel_loop3A_368 {strides = array<i32>} : memref<2x128x128xf32, #tpu.memory_space<vmem>>, vector<16xf32>,
          scf.yield %parallel_loop3A_329, %parallel_loop3A_330 : vector<16xi32>, vector<16xi32>
        } {sc.loop_unroll_factor = 16 : i64, sc.parallel_access}
        %ge3A_304 = arith.constant 1 : i32
        %ge3A_305 = arith.cmpi sge, %while3A_122, %ge3A_304 : i32
        %convert_element_type3A_306 = arith.extui %ge3A_305 : i1 to i32
        %cond3A_307 = arith.constant 0 : i32
        %cond3A_308 = arith.cmpi ne, %convert_element_type3A_306, %cond3A_307 : i32
        scf.if %cond3A_308 {
          %dma_wait3A_328 = arith.constant 1 : i32
          %dma_wait3A_329 = arith.constant 0 : i32
          %dma_wait3A_330 = arith.constant 0 : i32
          %dma_wait3A_331 = tpu.memref_slice %arg6[%dma_wait3A_328, %dma_wait3A_329, %dma_wait3A_330] : memref<2x128x128xf32, #tpu.memory_space<vmem>> -> memref<1x128x128xf32, #tpu.memory_space<vmem>>
          %dma_wait3A_332 = tpu.memref_squeeze %dma_wait3A_331 : memref<1x128x128xf32, #tpu.memory_space<vmem>> -> memref<128x128xf32, #tpu.memory_space<vmem>>
          %dma_wait3A_333 = arith.constant 0 : i32
          %dma_wait3A_334 = arith.constant 0 : i32
          %dma_wait3A_335 = tpu.memref_slice %arg4[%dma_wait3A_333, %dma_wait3A_334] : memref<250000x128xf32, #tpu.memory_space<hbm>> -> memref<128x128xf32, #tpu.memory_space<hbm>>
          %dma_wait3A_336 = arith.constant 0 : i32
          %dma_wait3A_337 = arith.constant 0 : i32
          %dma_wait3A_338 = tpu.memref_slice %arg6[%dma_wait3A_328, %dma_wait3A_336, %dma_wait3A_337] : memref<2x128x128xf32, #tpu.memory_space<vmem>> -> memref<1x128x128xf32, #tpu.memory_space<vmem>>
          %dma_wait3A_339 = tpu.memref_squeeze %dma_wait3A_338 : memref<1x128x128xf32, #tpu.memory_space<vmem>> -> memref<128x128xf32, #tpu.memory_space<vmem>>
          %dma_wait3A_340 = arith.constant 0 : i32
          %dma_wait3A_341 = arith.constant 0 : i32
          %dma_wait3A_342 = tpu.memref_slice %arg4[%dma_wait3A_340, %dma_wait3A_341] : memref<250000x128xf32, #tpu.memory_space<hbm>> -> memref<128x128xf32, #tpu.memory_space<hbm>>
          tpu.wait_dma2 semaphore(%arg10 : memref<!tpu.dma_semaphore, #tpu.memory_space<semaphore_mem>>) src(%dma_wait3A_342 : memref<128x128xf32, #tpu.memory_space<hbm>>) dst(%dma_wait3A_339 : memref<128x128xf32, #tpu.memory_space<vmem>>)
        } else {
        }
        %add3A_309 = arith.constant 1 : i32
        %add3A_310 = arith.addi %add3A_125, %add3A_309 : i32
        %mul3A_311 = arith.constant 32 : i32
        %mul3A_312 = arith.muli %add3A_310, %mul3A_311 : i32
        %mul3A_313 = arith.constant 4 : i32
        %mul3A_314 = arith.muli %mul3A_312, %mul3A_313 : i32
        %dma_start3A_315 = arith.constant 1 : i32
        %dma_start3A_316 = arith.constant 0 : i32
        %dma_start3A_317 = arith.constant 0 : i32
        %dma_start3A_318 = tpu.memref_slice %arg6[%dma_start3A_315, %dma_start3A_316, %dma_start3A_317] : memref<2x128x128xf32, #tpu.memory_space<vmem>> -> memref<1x128x128xf32, #tpu.memory_space<vmem>>
        %dma_start3A_319 = tpu.memref_squeeze %dma_start3A_318 : memref<1x128x128xf32, #tpu.memory_space<vmem>> -> memref<128x128xf32, #tpu.memory_space<vmem>>
        %dma_start3A_320 = arith.constant 0 : i32
        %dma_start3A_321 = tpu.memref_slice %arg4[%mul3A_314, %dma_start3A_320] : memref<250000x128xf32, #tpu.memory_space<hbm>> -> memref<128x128xf32, #tpu.memory_space<hbm>>
        %dma_start3A_322 = arith.constant 0 : i32
        %dma_start3A_323 = tpu.memref_slice %arg4[%mul3A_314, %dma_start3A_322] : memref<250000x128xf32, #tpu.memory_space<hbm>> -> memref<128x128xf32, #tpu.memory_space<hbm>>
        %dma_start3A_324 = arith.constant 0 : i32
        %dma_start3A_325 = arith.constant 0 : i32
        %dma_start3A_326 = tpu.memref_slice %arg6[%dma_start3A_315, %dma_start3A_324, %dma_start3A_325] : memref<2x128x128xf32, #tpu.memory_space<vmem>> -> memref<1x128x128xf32, #tpu.memory_space<vmem>>
        %dma_start3A_327 = tpu.memref_squeeze %dma_start3A_326 : memref<1x128x128xf32, #tpu.memory_space<vmem>> -> memref<128x128xf32, #tpu.memory_space<vmem>>
        tpu.enqueue_dma source(%dma_start3A_327 : memref<128x128xf32, #tpu.memory_space<vmem>>) target(%dma_start3A_323 : memref<128x128xf32, #tpu.memory_space<hbm>>) target_semaphore(%arg10 : memref<!tpu.dma_semaphore, #tpu.memory_space<semaphore_mem>>)
      } else {
      }
    }
    %dma_wait3A = arith.constant 0 : i32
    %dma_wait3A_102 = arith.constant 0 : i32
    %dma_wait3A_103 = arith.constant 0 : i32
    %dma_wait3A_104 = tpu.memref_slice %arg6[%dma_wait3A, %dma_wait3A_102, %dma_wait3A_103] : memref<2x128x128xf32, #tpu.memory_space<vmem>> -> memref<1x128x128xf32, #tpu.memory_space<vmem>>
    %dma_wait3A_105 = tpu.memref_squeeze %dma_wait3A_104 : memref<1x128x128xf32, #tpu.memory_space<vmem>> -> memref<128x128xf32, #tpu.memory_space<vmem>>
    %dma_wait3A_106 = arith.constant 0 : i32
    %dma_wait3A_107 = arith.constant 0 : i32
    %dma_wait3A_108 = tpu.memref_slice %arg4[%dma_wait3A_106, %dma_wait3A_107] : memref<250000x128xf32, #tpu.memory_space<hbm>> -> memref<128x128xf32, #tpu.memory_space<hbm>>
    %dma_wait3A_109 = arith.constant 0 : i32
    %dma_wait3A_110 = arith.constant 0 : i32
    %dma_wait3A_111 = tpu.memref_slice %arg6[%dma_wait3A, %dma_wait3A_109, %dma_wait3A_110] : memref<2x128x128xf32, #tpu.memory_space<vmem>> -> memref<1x128x128xf32, #tpu.memory_space<vmem>>
    %dma_wait3A_112 = tpu.memref_squeeze %dma_wait3A_111 : memref<1x128x128xf32, #tpu.memory_space<vmem>> -> memref<128x128xf32, #tpu.memory_space<vmem>>
    %dma_wait3A_113 = arith.constant 0 : i32
    %dma_wait3A_114 = arith.constant 0 : i32
    %dma_wait3A_115 = tpu.memref_slice %arg4[%dma_wait3A_113, %dma_wait3A_114] : memref<250000x128xf32, #tpu.memory_space<hbm>> -> memref<128x128xf32, #tpu.memory_space<hbm>>
    tpu.wait_dma2 semaphore(%arg9 : memref<!tpu.dma_semaphore, #tpu.memory_space<semaphore_mem>>) src(%dma_wait3A_115 : memref<128x128xf32, #tpu.memory_space<hbm>>) dst(%dma_wait3A_112 : memref<128x128xf32, #tpu.memory_space<vmem>>)
    %ge3A = arith.constant 2 : i32
    %ge3A_116 = arith.cmpi sge, %add3A_8, %ge3A : i32
    %convert_element_type3A = arith.extui %ge3A_116 : i1 to i32
    %cond3A = arith.constant 0 : i32
    %cond3A_117 = arith.cmpi ne, %convert_element_type3A, %cond3A : i32
    scf.if %cond3A_117 {
      %dma_wait3A_122 = arith.constant 1 : i32
      %dma_wait3A_123 = arith.constant 0 : i32
      %dma_wait3A_124 = arith.constant 0 : i32
      %dma_wait3A_125 = tpu.memref_slice %arg6[%dma_wait3A_122, %dma_wait3A_123, %dma_wait3A_124] : memref<2x128x128xf32, #tpu.memory_space<vmem>> -> memref<1x128x128xf32, #tpu.memory_space<vmem>>
      %dma_wait3A_126 = tpu.memref_squeeze %dma_wait3A_125 : memref<1x128x128xf32, #tpu.memory_space<vmem>> -> memref<128x128xf32, #tpu.memory_space<vmem>>
      %dma_wait3A_127 = arith.constant 0 : i32
      %dma_wait3A_128 = arith.constant 0 : i32
      %dma_wait3A_129 = tpu.memref_slice %arg4[%dma_wait3A_127, %dma_wait3A_128] : memref<250000x128xf32, #tpu.memory_space<hbm>> -> memref<128x128xf32, #tpu.memory_space<hbm>>
      %dma_wait3A_130 = arith.constant 0 : i32
      %dma_wait3A_131 = arith.constant 0 : i32
      %dma_wait3A_132 = tpu.memref_slice %arg6[%dma_wait3A_122, %dma_wait3A_130, %dma_wait3A_131] : memref<2x128x128xf32, #tpu.memory_space<vmem>> -> memref<1x128x128xf32, #tpu.memory_space<vmem>>
      %dma_wait3A_133 = tpu.memref_squeeze %dma_wait3A_132 : memref<1x128x128xf32, #tpu.memory_space<vmem>> -> memref<128x128xf32, #tpu.memory_space<vmem>>
      %dma_wait3A_134 = arith.constant 0 : i32
      %dma_wait3A_135 = arith.constant 0 : i32
      %dma_wait3A_136 = tpu.memref_slice %arg4[%dma_wait3A_134, %dma_wait3A_135] : memref<250000x128xf32, #tpu.memory_space<hbm>> -> memref<128x128xf32, #tpu.memory_space<hbm>>
      tpu.wait_dma2 semaphore(%arg10 : memref<!tpu.dma_semaphore, #tpu.memory_space<semaphore_mem>>) src(%dma_wait3A_136 : memref<128x128xf32, #tpu.memory_space<hbm>>) dst(%dma_wait3A_133 : memref<128x128xf32, #tpu.memory_space<vmem>>)
    } else {
    }
    %eq3A = arith.constant 31 : i32
    %eq3A_118 = arith.cmpi eq, %add3A, %eq3A : i32
    %convert_element_type3A_119 = arith.extui %eq3A_118 : i1 to i32
    %cond3A_120 = arith.constant 0 : i32
    %cond3A_121 = arith.cmpi ne, %convert_element_type3A_119, %cond3A_120 : i32
    scf.if %cond3A_121 {
      %run_scoped3A = arith.constant 0 : i32
      "tpu.region"() ({
        %run_scoped3A_123 = tpu.sem_alloc : memref<!tpu.dma_semaphore, #tpu.memory_space<semaphore_mem>>
        %dma_start3A_124 = arith.constant 0 : i32
        %dma_start3A_125 = arith.constant 0 : i32
        %dma_start3A_126 = tpu.memref_slice %arg6[%run_scoped3A, %dma_start3A_124, %dma_start3A_125] : memref<2x128x128xf32, #tpu.memory_space<vmem>> -> memref<1x16x128xf32, #tpu.memory_space<vmem>>
        %dma_start3A_127 = tpu.memref_squeeze %dma_start3A_126 : memref<1x16x128xf32, #tpu.memory_space<vmem>> -> memref<16x128xf32, #tpu.memory_space<vmem>>
        %dma_start3A_128 = arith.constant 0 : i32
        %dma_start3A_129 = arith.constant 0 : i32
        %dma_start3A_130 = tpu.memref_slice %arg6[%run_scoped3A, %dma_start3A_128, %dma_start3A_129] : memref<2x128x128xf32, #tpu.memory_space<vmem>> -> memref<1x16x128xf32, #tpu.memory_space<vmem>>
        %dma_start3A_131 = tpu.memref_squeeze %dma_start3A_130 : memref<1x16x128xf32, #tpu.memory_space<vmem>> -> memref<16x128xf32, #tpu.memory_space<vmem>>
        tpu.enqueue_dma source(%arg3 : memref<16x128xf32, #tpu.memory_space<hbm>>) target(%dma_start3A_131 : memref<16x128xf32, #tpu.memory_space<vmem>>) target_semaphore(%run_scoped3A_123 : memref<!tpu.dma_semaphore, #tpu.memory_space<semaphore_mem>>)
        %dma_wait3A_132 = arith.constant 0 : i32
        %dma_wait3A_133 = arith.constant 0 : i32
        %dma_wait3A_134 = tpu.memref_slice %arg6[%run_scoped3A, %dma_wait3A_132, %dma_wait3A_133] : memref<2x128x128xf32, #tpu.memory_space<vmem>> -> memref<1x16x128xf32, #tpu.memory_space<vmem>>
        %dma_wait3A_135 = tpu.memref_squeeze %dma_wait3A_134 : memref<1x16x128xf32, #tpu.memory_space<vmem>> -> memref<16x128xf32, #tpu.memory_space<vmem>>
        %dma_wait3A_136 = arith.constant 0 : i32
        %dma_wait3A_137 = arith.constant 0 : i32
        %dma_wait3A_138 = tpu.memref_slice %arg6[%run_scoped3A, %dma_wait3A_136, %dma_wait3A_137] : memref<2x128x128xf32, #tpu.memory_space<vmem>> -> memref<1x16x128xf32, #tpu.memory_space<vmem>>
        %dma_wait3A_139 = tpu.memref_squeeze %dma_wait3A_138 : memref<1x16x128xf32, #tpu.memory_space<vmem>> -> memref<16x128xf32, #tpu.memory_space<vmem>>
        tpu.wait_dma2 semaphore(%run_scoped3A_123 : memref<!tpu.dma_semaphore, #tpu.memory_space<semaphore_mem>>) src(%arg3 : memref<16x128xf32, #tpu.memory_space<hbm>>) dst(%dma_wait3A_139 : memref<16x128xf32, #tpu.memory_space<vmem>>)
        tpu.yield
      }) : () -> ()
      %run_scoped3A_122 = arith.constant 0 : i32
      "tpu.region"() ({
        %run_scoped3A_123 = tpu.sem_alloc : memref<!tpu.dma_semaphore, #tpu.memory_space<semaphore_mem>>
        %dma_start3A_124 = arith.constant 0 : i32
        %dma_start3A_125 = arith.constant 0 : i32
        %dma_start3A_126 = tpu.memref_slice %arg6[%run_scoped3A_122, %dma_start3A_124, %dma_start3A_125] : memref<2x128x128xf32, #tpu.memory_space<vmem>> -> memref<1x16x128xf32, #tpu.memory_space<vmem>>
        %dma_start3A_127 = tpu.memref_squeeze %dma_start3A_126 : memref<1x16x128xf32, #tpu.memory_space<vmem>> -> memref<16x128xf32, #tpu.memory_space<vmem>>
        %dma_start3A_128 = arith.constant 249984 : i32
        %dma_start3A_129 = arith.constant 0 : i32
        %dma_start3A_130 = tpu.memref_slice %arg4[%dma_start3A_128, %dma_start3A_129] : memref<250000x128xf32, #tpu.memory_space<hbm>> -> memref<16x128xf32, #tpu.memory_space<hbm>>
        %dma_start3A_131 = arith.constant 249984 : i32
        %dma_start3A_132 = arith.constant 0 : i32
        %dma_start3A_133 = tpu.memref_slice %arg4[%dma_start3A_131, %dma_start3A_132] : memref<250000x128xf32, #tpu.memory_space<hbm>> -> memref<16x128xf32, #tpu.memory_space<hbm>>
        %dma_start3A_134 = arith.constant 0 : i32
        %dma_start3A_135 = arith.constant 0 : i32
        %dma_start3A_136 = tpu.memref_slice %arg6[%run_scoped3A_122, %dma_start3A_134, %dma_start3A_135] : memref<2x128x128xf32, #tpu.memory_space<vmem>> -> memref<1x16x128xf32, #tpu.memory_space<vmem>>
        %dma_start3A_137 = tpu.memref_squeeze %dma_start3A_136 : memref<1x16x128xf32, #tpu.memory_space<vmem>> -> memref<16x128xf32, #tpu.memory_space<vmem>>
        tpu.enqueue_dma source(%dma_start3A_137 : memref<16x128xf32, #tpu.memory_space<vmem>>) target(%dma_start3A_133 : memref<16x128xf32, #tpu.memory_space<hbm>>) target_semaphore(%run_scoped3A_123 : memref<!tpu.dma_semaphore, #tpu.memory_space<semaphore_mem>>)
        %dma_wait3A_138 = arith.constant 0 : i32
        %dma_wait3A_139 = arith.constant 0 : i32
        %dma_wait3A_140 = tpu.memref_slice %arg6[%run_scoped3A_122, %dma_wait3A_138, %dma_wait3A_139] : memref<2x128x128xf32, #tpu.memory_space<vmem>> -> memref<1x16x128xf32, #tpu.memory_space<vmem>>
        %dma_wait3A_141 = tpu.memref_squeeze %dma_wait3A_140 : memref<1x16x128xf32, #tpu.memory_space<vmem>> -> memref<16x128xf32, #tpu.memory_space<vmem>>
        %dma_wait3A_142 = arith.constant 249984 : i32
        %dma_wait3A_143 = arith.constant 0 : i32
        %dma_wait3A_144 = tpu.memref_slice %arg4[%dma_wait3A_142, %dma_wait3A_143] : memref<250000x128xf32, #tpu.memory_space<hbm>> -> memref<16x128xf32, #tpu.memory_space<hbm>>
        %dma_wait3A_145 = arith.constant 249984 : i32
        %dma_wait3A_146 = arith.constant 0 : i32
        %dma_wait3A_147 = tpu.memref_slice %arg4[%dma_wait3A_145, %dma_wait3A_146] : memref<250000x128xf32, #tpu.memory_space<hbm>> -> memref<16x128xf32, #tpu.memory_space<hbm>>
        %dma_wait3A_148 = arith.constant 0 : i32
        %dma_wait3A_149 = arith.constant 0 : i32
        %dma_wait3A_150 = tpu.memref_slice %arg6[%run_scoped3A_122, %dma_wait3A_148, %dma_wait3A_149] : memref<2x128x128xf32, #tpu.memory_space<vmem>> -> memref<1x16x128xf32, #tpu.memory_space<vmem>>
        %dma_wait3A_151 = tpu.memref_squeeze %dma_wait3A_150 : memref<1x16x128xf32, #tpu.memory_space<vmem>> -> memref<16x128xf32, #tpu.memory_space<vmem>>
        tpu.wait_dma2 semaphore(%run_scoped3A_123 : memref<!tpu.dma_semaphore, #tpu.memory_space<semaphore_mem>>) src(%dma_wait3A_151 : memref<16x128xf32, #tpu.memory_space<vmem>>) dst(%dma_wait3A_147 : memref<16x128xf32, #tpu.memory_space<hbm>>)
        tpu.yield
      }) : () -> ()
    } else {
    }
    return
  }
}

#map = affine_map<(d0, d1) -> (0, 0)>
#map1 = affine_map<(d0, d1) -> (0)>
#map2 = affine_map<(d0, d1) -> (0, 0, 0, 0, 0)>
module attributes {stable_mosaic.version = 14 : i64} {
  func.func @gather_kernel(%arg0: i32, %arg1: i32, %arg2: memref<1000000x32xf32, #tpu.memory_space<hbm>>, %arg3: memref<106496xi32, #tpu.memory_space<hbm>>, %arg4: memref<26x4x32x8x128xf32, #tpu.memory_space<hbm>>, %arg5: memref<3328xi32, #tpu.memory_space<vmem>>, %arg6: memref<3328x32xf32, #tpu.memory_space<vmem>>, %arg7: memref<2x4x8x128xf32, #tpu.memory_space<vmem>>, %arg8: memref<!tpu.dma_semaphore, #tpu.memory_space<semaphore_mem>>, %arg9: memref<!tpu.dma_semaphore, #tpu.memory_space<semaphore_mem>>, %arg10: memref<!tpu.dma_semaphore, #tpu.memory_space<semaphore_mem>>) attributes {dimension_semantics = [#tpu.dimension_semantics<core_parallel>, #tpu.dimension_semantics<subcore_parallel>], iteration_bounds = array<i64: 2, 16>, scalar_prefetch = 0 : i64, scratch_operands = 6 : i64, tpu.core_type = #tpu.core_type<sc_vector_subcore>, window_params = [{transform_indices = #map}, {transform_indices = #map1}, {transform_indices = #map2}]} {
    %mul3A = arith.constant 2 : i32
    %mul3A_0 = arith.muli %arg1, %mul3A : i32
    %add3A = arith.addi %mul3A_0, %arg0 : i32
    %mul3A_1 = arith.constant 3328 : i32
    %mul3A_2 = arith.muli %add3A, %mul3A_1 : i32
    "tpu.region"() ({
      %run_scoped3A = tpu.sem_alloc : memref<!tpu.dma_semaphore, #tpu.memory_space<semaphore_mem>>
      %dma_start3A = tpu.memref_slice %arg3[%mul3A_2] : memref<106496xi32, #tpu.memory_space<hbm>> -> memref<3328xi32, #tpu.memory_space<hbm>>
      %dma_start3A_185 = tpu.memref_slice %arg3[%mul3A_2] : memref<106496xi32, #tpu.memory_space<hbm>> -> memref<3328xi32, #tpu.memory_space<hbm>>
      tpu.enqueue_dma source(%dma_start3A_185 : memref<3328xi32, #tpu.memory_space<hbm>>) target(%arg5 : memref<3328xi32, #tpu.memory_space<vmem>>) target_semaphore(%run_scoped3A : memref<!tpu.dma_semaphore, #tpu.memory_space<semaphore_mem>>)
      %dma_wait3A_186 = tpu.memref_slice %arg3[%mul3A_2] : memref<106496xi32, #tpu.memory_space<hbm>> -> memref<3328xi32, #tpu.memory_space<hbm>>
      %dma_wait3A_187 = tpu.memref_slice %arg3[%mul3A_2] : memref<106496xi32, #tpu.memory_space<hbm>> -> memref<3328xi32, #tpu.memory_space<hbm>>
      tpu.wait_dma2 semaphore(%run_scoped3A : memref<!tpu.dma_semaphore, #tpu.memory_space<semaphore_mem>>) src(%dma_wait3A_187 : memref<3328xi32, #tpu.memory_space<hbm>>) dst(%arg5 : memref<3328xi32, #tpu.memory_space<vmem>>)
      tpu.yield
    }) : () -> ()
    %scan3A = arith.constant 0 : i32
    %scan3A_3 = arith.constant 0 : i32
    %scan3A_4 = arith.constant 26 : i32
    %scan3A_5 = arith.addi %scan3A_3, %scan3A_4 : i32
    %scan3A_6 = arith.constant 1 : i32
    scf.for %scan3A_185 = %scan3A_3 to %scan3A_5 step %scan3A_6  : i32 {
      %mul3A_186 = arith.constant 128 : i32
      %mul3A_187 = arith.muli %scan3A_185, %mul3A_186 : i32
      %dma_start3A = arith.constant 0 : i32
      %dma_start3A_188 = tpu.memref_slice %arg6[%mul3A_187, %dma_start3A] : memref<3328x32xf32, #tpu.memory_space<vmem>> -> memref<128x32xf32, #tpu.memory_space<vmem>>
      %dma_start3A_189 = tpu.memref_slice %arg5[%mul3A_187] : memref<3328xi32, #tpu.memory_space<vmem>> -> memref<128xi32, #tpu.memory_space<vmem>>
      %dma_start3A_190 = arith.constant 0 : i32
      %dma_start3A_191 = arith.constant 0 : i32
      %dma_start3A_192 = tpu.memref_slice %arg2[%dma_start3A_190, %dma_start3A_191] : memref<1000000x32xf32, #tpu.memory_space<hbm>> -> memref<1000000x32xf32, #tpu.memory_space<hbm>>
      tpu.enqueue_indirect_dma source(%dma_start3A_192 : memref<1000000x32xf32, #tpu.memory_space<hbm>>) target(%dma_start3A_188 : memref<128x32xf32, #tpu.memory_space<vmem>>) offsets(%dma_start3A_189 : memref<128xi32, #tpu.memory_space<vmem>>) semaphore(%arg8 : memref<!tpu.dma_semaphore, #tpu.memory_space<semaphore_mem>>)
    }
    %scan3A_7 = arith.constant 26 : i32
    %dma_wait3A = arith.constant 0 : i32
    %dma_wait3A_8 = arith.constant 0 : i32
    %dma_wait3A_9 = tpu.memref_slice %arg2[%dma_wait3A, %dma_wait3A_8] : memref<1000000x32xf32, #tpu.memory_space<hbm>> -> memref<3328x32xf32, #tpu.memory_space<hbm>>
    %dma_wait3A_10 = arith.constant 0 : i32
    %dma_wait3A_11 = arith.constant 0 : i32
    %dma_wait3A_12 = tpu.memref_slice %arg2[%dma_wait3A_10, %dma_wait3A_11] : memref<1000000x32xf32, #tpu.memory_space<hbm>> -> memref<3328x32xf32, #tpu.memory_space<hbm>>
    tpu.wait_dma2 semaphore(%arg8 : memref<!tpu.dma_semaphore, #tpu.memory_space<semaphore_mem>>) src(%dma_wait3A_12 : memref<3328x32xf32, #tpu.memory_space<hbm>>) dst(%arg6 : memref<3328x32xf32, #tpu.memory_space<vmem>>)
    %iota3A = tpu.iota {dimensions = array<i32: 0>} : vector<16xi32>
    %mul3A_13 = arith.constant 26 : i32
    %mul3A_14 = vector.broadcast %mul3A_13 : i32 to vector<16xi32>
    %mul3A_15 = arith.muli %iota3A, %mul3A_14 : vector<16xi32>
    %iota3A_16 = tpu.iota {dimensions = array<i32: 0>} : vector<16xi32>
    %mul3A_17 = arith.constant 0 : i32
    %mul3A_18 = vector.broadcast %mul3A_17 : i32 to vector<16xi32>
    %mul3A_19 = arith.muli %iota3A_16, %mul3A_18 : vector<16xi32>
    %scan3A_20 = arith.constant 0 : i32
    %scan3A_21 = arith.constant 13 : i32
    %scan3A_22 = arith.addi %scan3A_20, %scan3A_21 : i32
    %scan3A_23 = arith.constant 1 : i32
    scf.for %scan3A_185 = %scan3A_20 to %scan3A_22 step %scan3A_23  : i32 {
      %mul3A_186 = arith.constant 2 : i32
      %mul3A_187 = arith.muli %scan3A_185, %mul3A_186 : i32
      %ge3A = arith.constant 1 : i32
      %ge3A_188 = arith.cmpi sge, %scan3A_185, %ge3A : i32
      %convert_element_type3A = arith.extui %ge3A_188 : i1 to i32
      %cond3A = arith.constant 0 : i32
      %cond3A_189 = arith.cmpi ne, %convert_element_type3A, %cond3A : i32
      scf.if %cond3A_189 {
        %dma_wait3A_355 = arith.constant 0 : i32
        %dma_wait3A_356 = arith.constant 0 : i32
        %dma_wait3A_357 = arith.constant 0 : i32
        %dma_wait3A_358 = arith.constant 0 : i32
        %dma_wait3A_359 = arith.constant 0 : i32
        %dma_wait3A_360 = arith.constant 0 : i32
        %dma_wait3A_361 = tpu.memref_slice %arg7[%dma_wait3A_355, %dma_wait3A_356, %dma_wait3A_359, %dma_wait3A_360] : memref<2x4x8x128xf32, #tpu.memory_space<vmem>> -> memref<1x1x8x128xf32, #tpu.memory_space<vmem>>
        %dma_wait3A_362 = tpu.memref_squeeze %dma_wait3A_361 : memref<1x1x8x128xf32, #tpu.memory_space<vmem>> -> memref<8x128xf32, #tpu.memory_space<vmem>>
        %dma_wait3A_363 = arith.constant 0 : i32
        %dma_wait3A_364 = arith.constant 0 : i32
        %dma_wait3A_365 = tpu.memref_slice %arg4[%dma_wait3A_357, %dma_wait3A_358, %add3A, %dma_wait3A_363, %dma_wait3A_364] : memref<26x4x32x8x128xf32, #tpu.memory_space<hbm>> -> memref<1x1x1x8x128xf32, #tpu.memory_space<hbm>>
        %dma_wait3A_366 = tpu.memref_squeeze %dma_wait3A_365 : memref<1x1x1x8x128xf32, #tpu.memory_space<hbm>> -> memref<8x128xf32, #tpu.memory_space<hbm>>
        %dma_wait3A_367 = arith.constant 0 : i32
        %dma_wait3A_368 = arith.constant 0 : i32
        %dma_wait3A_369 = tpu.memref_slice %arg4[%dma_wait3A_357, %dma_wait3A_358, %add3A, %dma_wait3A_367, %dma_wait3A_368] : memref<26x4x32x8x128xf32, #tpu.memory_space<hbm>> -> memref<1x1x1x8x128xf32, #tpu.memory_space<hbm>>
        %dma_wait3A_370 = tpu.memref_squeeze %dma_wait3A_369 : memref<1x1x1x8x128xf32, #tpu.memory_space<hbm>> -> memref<8x128xf32, #tpu.memory_space<hbm>>
        %dma_wait3A_371 = arith.constant 0 : i32
        %dma_wait3A_372 = arith.constant 0 : i32
        %dma_wait3A_373 = tpu.memref_slice %arg7[%dma_wait3A_355, %dma_wait3A_356, %dma_wait3A_371, %dma_wait3A_372] : memref<2x4x8x128xf32, #tpu.memory_space<vmem>> -> memref<1x1x8x128xf32, #tpu.memory_space<vmem>>
        %dma_wait3A_374 = tpu.memref_squeeze %dma_wait3A_373 : memref<1x1x8x128xf32, #tpu.memory_space<vmem>> -> memref<8x128xf32, #tpu.memory_space<vmem>>
        tpu.wait_dma2 semaphore(%arg9 : memref<!tpu.dma_semaphore, #tpu.memory_space<semaphore_mem>>) src(%dma_wait3A_374 : memref<8x128xf32, #tpu.memory_space<vmem>>) dst(%dma_wait3A_370 : memref<8x128xf32, #tpu.memory_space<hbm>>)
        %dma_wait3A_375 = arith.constant 0 : i32
        %dma_wait3A_376 = arith.constant 1 : i32
        %dma_wait3A_377 = arith.constant 0 : i32
        %dma_wait3A_378 = arith.constant 1 : i32
        %dma_wait3A_379 = arith.constant 0 : i32
        %dma_wait3A_380 = arith.constant 0 : i32
        %dma_wait3A_381 = tpu.memref_slice %arg7[%dma_wait3A_375, %dma_wait3A_376, %dma_wait3A_379, %dma_wait3A_380] : memref<2x4x8x128xf32, #tpu.memory_space<vmem>> -> memref<1x1x8x128xf32, #tpu.memory_space<vmem>>
        %dma_wait3A_382 = tpu.memref_squeeze %dma_wait3A_381 : memref<1x1x8x128xf32, #tpu.memory_space<vmem>> -> memref<8x128xf32, #tpu.memory_space<vmem>>
        %dma_wait3A_383 = arith.constant 0 : i32
        %dma_wait3A_384 = arith.constant 0 : i32
        %dma_wait3A_385 = tpu.memref_slice %arg4[%dma_wait3A_377, %dma_wait3A_378, %add3A, %dma_wait3A_383, %dma_wait3A_384] : memref<26x4x32x8x128xf32, #tpu.memory_space<hbm>> -> memref<1x1x1x8x128xf32, #tpu.memory_space<hbm>>
        %dma_wait3A_386 = tpu.memref_squeeze %dma_wait3A_385 : memref<1x1x1x8x128xf32, #tpu.memory_space<hbm>> -> memref<8x128xf32, #tpu.memory_space<hbm>>
        %dma_wait3A_387 = arith.constant 0 : i32
        %dma_wait3A_388 = arith.constant 0 : i32
        %dma_wait3A_389 = tpu.memref_slice %arg4[%dma_wait3A_377, %dma_wait3A_378, %add3A, %dma_wait3A_387, %dma_wait3A_388] : memref<26x4x32x8x128xf32, #tpu.memory_space<hbm>> -> memref<1x1x1x8x128xf32, #tpu.memory_space<hbm>>
        %dma_wait3A_390 = tpu.memref_squeeze %dma_wait3A_389 : memref<1x1x1x8x128xf32, #tpu.memory_space<hbm>> -> memref<8x128xf32, #tpu.memory_space<hbm>>
        %dma_wait3A_391 = arith.constant 0 : i32
        %dma_wait3A_392 = arith.constant 0 : i32
        %dma_wait3A_393 = tpu.memref_slice %arg7[%dma_wait3A_375, %dma_wait3A_376, %dma_wait3A_391, %dma_wait3A_392] : memref<2x4x8x128xf32, #tpu.memory_space<vmem>> -> memref<1x1x8x128xf32, #tpu.memory_space<vmem>>
        %dma_wait3A_394 = tpu.memref_squeeze %dma_wait3A_393 : memref<1x1x8x128xf32, #tpu.memory_space<vmem>> -> memref<8x128xf32, #tpu.memory_space<vmem>>
        tpu.wait_dma2 semaphore(%arg9 : memref<!tpu.dma_semaphore, #tpu.memory_space<semaphore_mem>>) src(%dma_wait3A_394 : memref<8x128xf32, #tpu.memory_space<vmem>>) dst(%dma_wait3A_390 : memref<8x128xf32, #tpu.memory_space<hbm>>)
        %dma_wait3A_395 = arith.constant 0 : i32
        %dma_wait3A_396 = arith.constant 2 : i32
        %dma_wait3A_397 = arith.constant 0 : i32
        %dma_wait3A_398 = arith.constant 2 : i32
        %dma_wait3A_399 = arith.constant 0 : i32
        %dma_wait3A_400 = arith.constant 0 : i32
        %dma_wait3A_401 = tpu.memref_slice %arg7[%dma_wait3A_395, %dma_wait3A_396, %dma_wait3A_399, %dma_wait3A_400] : memref<2x4x8x128xf32, #tpu.memory_space<vmem>> -> memref<1x1x8x128xf32, #tpu.memory_space<vmem>>
        %dma_wait3A_402 = tpu.memref_squeeze %dma_wait3A_401 : memref<1x1x8x128xf32, #tpu.memory_space<vmem>> -> memref<8x128xf32, #tpu.memory_space<vmem>>
        %dma_wait3A_403 = arith.constant 0 : i32
        %dma_wait3A_404 = arith.constant 0 : i32
        %dma_wait3A_405 = tpu.memref_slice %arg4[%dma_wait3A_397, %dma_wait3A_398, %add3A, %dma_wait3A_403, %dma_wait3A_404] : memref<26x4x32x8x128xf32, #tpu.memory_space<hbm>> -> memref<1x1x1x8x128xf32, #tpu.memory_space<hbm>>
        %dma_wait3A_406 = tpu.memref_squeeze %dma_wait3A_405 : memref<1x1x1x8x128xf32, #tpu.memory_space<hbm>> -> memref<8x128xf32, #tpu.memory_space<hbm>>
        %dma_wait3A_407 = arith.constant 0 : i32
        %dma_wait3A_408 = arith.constant 0 : i32
        %dma_wait3A_409 = tpu.memref_slice %arg4[%dma_wait3A_397, %dma_wait3A_398, %add3A, %dma_wait3A_407, %dma_wait3A_408] : memref<26x4x32x8x128xf32, #tpu.memory_space<hbm>> -> memref<1x1x1x8x128xf32, #tpu.memory_space<hbm>>
        %dma_wait3A_410 = tpu.memref_squeeze %dma_wait3A_409 : memref<1x1x1x8x128xf32, #tpu.memory_space<hbm>> -> memref<8x128xf32, #tpu.memory_space<hbm>>
        %dma_wait3A_411 = arith.constant 0 : i32
        %dma_wait3A_412 = arith.constant 0 : i32
        %dma_wait3A_413 = tpu.memref_slice %arg7[%dma_wait3A_395, %dma_wait3A_396, %dma_wait3A_411, %dma_wait3A_412] : memref<2x4x8x128xf32, #tpu.memory_space<vmem>> -> memref<1x1x8x128xf32, #tpu.memory_space<vmem>>
        %dma_wait3A_414 = tpu.memref_squeeze %dma_wait3A_413 : memref<1x1x8x128xf32, #tpu.memory_space<vmem>> -> memref<8x128xf32, #tpu.memory_space<vmem>>
        tpu.wait_dma2 semaphore(%arg9 : memref<!tpu.dma_semaphore, #tpu.memory_space<semaphore_mem>>) src(%dma_wait3A_414 : memref<8x128xf32, #tpu.memory_space<vmem>>) dst(%dma_wait3A_410 : memref<8x128xf32, #tpu.memory_space<hbm>>)
        %dma_wait3A_415 = arith.constant 0 : i32
        %dma_wait3A_416 = arith.constant 3 : i32
        %dma_wait3A_417 = arith.constant 0 : i32
        %dma_wait3A_418 = arith.constant 3 : i32
        %dma_wait3A_419 = arith.constant 0 : i32
        %dma_wait3A_420 = arith.constant 0 : i32
        %dma_wait3A_421 = tpu.memref_slice %arg7[%dma_wait3A_415, %dma_wait3A_416, %dma_wait3A_419, %dma_wait3A_420] : memref<2x4x8x128xf32, #tpu.memory_space<vmem>> -> memref<1x1x8x128xf32, #tpu.memory_space<vmem>>
        %dma_wait3A_422 = tpu.memref_squeeze %dma_wait3A_421 : memref<1x1x8x128xf32, #tpu.memory_space<vmem>> -> memref<8x128xf32, #tpu.memory_space<vmem>>
        %dma_wait3A_423 = arith.constant 0 : i32
        %dma_wait3A_424 = arith.constant 0 : i32
        %dma_wait3A_425 = tpu.memref_slice %arg4[%dma_wait3A_417, %dma_wait3A_418, %add3A, %dma_wait3A_423, %dma_wait3A_424] : memref<26x4x32x8x128xf32, #tpu.memory_space<hbm>> -> memref<1x1x1x8x128xf32, #tpu.memory_space<hbm>>
        %dma_wait3A_426 = tpu.memref_squeeze %dma_wait3A_425 : memref<1x1x1x8x128xf32, #tpu.memory_space<hbm>> -> memref<8x128xf32, #tpu.memory_space<hbm>>
        %dma_wait3A_427 = arith.constant 0 : i32
        %dma_wait3A_428 = arith.constant 0 : i32
        %dma_wait3A_429 = tpu.memref_slice %arg4[%dma_wait3A_417, %dma_wait3A_418, %add3A, %dma_wait3A_427, %dma_wait3A_428] : memref<26x4x32x8x128xf32, #tpu.memory_space<hbm>> -> memref<1x1x1x8x128xf32, #tpu.memory_space<hbm>>
        %dma_wait3A_430 = tpu.memref_squeeze %dma_wait3A_429 : memref<1x1x1x8x128xf32, #tpu.memory_space<hbm>> -> memref<8x128xf32, #tpu.memory_space<hbm>>
        %dma_wait3A_431 = arith.constant 0 : i32
        %dma_wait3A_432 = arith.constant 0 : i32
        %dma_wait3A_433 = tpu.memref_slice %arg7[%dma_wait3A_415, %dma_wait3A_416, %dma_wait3A_431, %dma_wait3A_432] : memref<2x4x8x128xf32, #tpu.memory_space<vmem>> -> memref<1x1x8x128xf32, #tpu.memory_space<vmem>>
        %dma_wait3A_434 = tpu.memref_squeeze %dma_wait3A_433 : memref<1x1x8x128xf32, #tpu.memory_space<vmem>> -> memref<8x128xf32, #tpu.memory_space<vmem>>
        tpu.wait_dma2 semaphore(%arg9 : memref<!tpu.dma_semaphore, #tpu.memory_space<semaphore_mem>>) src(%dma_wait3A_434 : memref<8x128xf32, #tpu.memory_space<vmem>>) dst(%dma_wait3A_430 : memref<8x128xf32, #tpu.memory_space<hbm>>)
      } else {
      }
      %parallel_loop3A = arith.constant 0 : i32
      %parallel_loop3A_190 = arith.constant 256 : i32
      %parallel_loop3A_191 = arith.constant 1 : i32
      %parallel_loop3A_192:2 = scf.for %parallel_loop3A_355 = %parallel_loop3A to %parallel_loop3A_190 step %parallel_loop3A_191 iter_args(%parallel_loop3A_356 = %mul3A_15, %parallel_loop3A_357 = %mul3A_19) -> (vector<16xi32>, vector<16xi32>)  : i32 {
        %parallel_loop3A_358 = arith.constant 32 : i32
        %parallel_loop3A_359 = arith.divsi %parallel_loop3A_355, %parallel_loop3A_358 : i32
        %parallel_loop3A_360 = arith.constant 0 : i32
        %parallel_loop3A_361 = arith.cmpi sgt, %parallel_loop3A_355, %parallel_loop3A_360 : i32
        %parallel_loop3A_362 = arith.extui %parallel_loop3A_361 : i1 to i32
        %parallel_loop3A_363 = arith.constant 0 : i32
        %parallel_loop3A_364 = arith.cmpi slt, %parallel_loop3A_355, %parallel_loop3A_363 : i32
        %parallel_loop3A_365 = arith.extui %parallel_loop3A_364 : i1 to i32
        %parallel_loop3A_366 = arith.subi %parallel_loop3A_362, %parallel_loop3A_365 : i32
        %parallel_loop3A_367 = arith.constant 0 : i32
        %parallel_loop3A_368 = arith.cmpi sgt, %parallel_loop3A_358, %parallel_loop3A_367 : i32
        %parallel_loop3A_369 = arith.extui %parallel_loop3A_368 : i1 to i32
        %parallel_loop3A_370 = arith.constant 0 : i32
        %parallel_loop3A_371 = arith.cmpi slt, %parallel_loop3A_358, %parallel_loop3A_370 : i32
        %parallel_loop3A_372 = arith.extui %parallel_loop3A_371 : i1 to i32
        %parallel_loop3A_373 = arith.subi %parallel_loop3A_369, %parallel_loop3A_372 : i32
        %parallel_loop3A_374 = arith.cmpi ne, %parallel_loop3A_366, %parallel_loop3A_373 : i32
        %parallel_loop3A_375 = arith.remsi %parallel_loop3A_355, %parallel_loop3A_358 : i32
        %parallel_loop3A_376 = arith.constant 0 : i32
        %parallel_loop3A_377 = arith.cmpi ne, %parallel_loop3A_375, %parallel_loop3A_376 : i32
        %parallel_loop3A_378 = arith.andi %parallel_loop3A_374, %parallel_loop3A_377 : i1
        %parallel_loop3A_379 = arith.constant 1 : i32
        %parallel_loop3A_380 = arith.subi %parallel_loop3A_359, %parallel_loop3A_379 : i32
        %parallel_loop3A_381 = arith.select %parallel_loop3A_378, %parallel_loop3A_380, %parallel_loop3A_359 : i32
        %parallel_loop3A_382 = arith.constant 32 : i32
        %parallel_loop3A_383 = arith.muli %parallel_loop3A_381, %parallel_loop3A_382 : i32
        %parallel_loop3A_384 = arith.subi %parallel_loop3A_355, %parallel_loop3A_383 : i32
        %parallel_loop3A_385 = arith.constant 16 : i32
        %parallel_loop3A_386 = arith.muli %parallel_loop3A_381, %parallel_loop3A_385 : i32
        %parallel_loop3A_387 = arith.constant 26 : i32
        %parallel_loop3A_388 = arith.muli %parallel_loop3A_386, %parallel_loop3A_387 : i32
        %parallel_loop3A_389 = arith.addi %parallel_loop3A_388, %mul3A_187 : i32
        %parallel_loop3A_390 = vector.broadcast %parallel_loop3A_389 : i32 to vector<16xi32>
        %parallel_loop3A_391 = arith.addi %parallel_loop3A_356, %parallel_loop3A_390 : vector<16xi32>
        %parallel_loop3A_392 = vector.broadcast %parallel_loop3A_384 : i32 to vector<16xi32>
        %parallel_loop3A_393 = arith.addi %parallel_loop3A_357, %parallel_loop3A_392 : vector<16xi32>
        %parallel_loop3A_394 = tpu.vector_load_idx %arg6[%parallel_loop3A_391, %parallel_loop3A_393] : memref<3328x32xf32, #tpu.memory_space<vmem>>[vector<16xi32>, vector<16xi32>], vector<16xf32>,
        %parallel_loop3A_395 = arith.constant 8 : i32
        %parallel_loop3A_396 = arith.divsi %parallel_loop3A_384, %parallel_loop3A_395 : i32
        %parallel_loop3A_397 = arith.constant 0 : i32
        %parallel_loop3A_398 = arith.cmpi sgt, %parallel_loop3A_384, %parallel_loop3A_397 : i32
        %parallel_loop3A_399 = arith.extui %parallel_loop3A_398 : i1 to i32
        %parallel_loop3A_400 = arith.constant 0 : i32
        %parallel_loop3A_401 = arith.cmpi slt, %parallel_loop3A_384, %parallel_loop3A_400 : i32
        %parallel_loop3A_402 = arith.extui %parallel_loop3A_401 : i1 to i32
        %parallel_loop3A_403 = arith.subi %parallel_loop3A_399, %parallel_loop3A_402 : i32
        %parallel_loop3A_404 = arith.constant 0 : i32
        %parallel_loop3A_405 = arith.cmpi sgt, %parallel_loop3A_395, %parallel_loop3A_404 : i32
        %parallel_loop3A_406 = arith.extui %parallel_loop3A_405 : i1 to i32
        %parallel_loop3A_407 = arith.constant 0 : i32
        %parallel_loop3A_408 = arith.cmpi slt, %parallel_loop3A_395, %parallel_loop3A_407 : i32
        %parallel_loop3A_409 = arith.extui %parallel_loop3A_408 : i1 to i32
        %parallel_loop3A_410 = arith.subi %parallel_loop3A_406, %parallel_loop3A_409 : i32
        %parallel_loop3A_411 = arith.cmpi ne, %parallel_loop3A_403, %parallel_loop3A_410 : i32
        %parallel_loop3A_412 = arith.remsi %parallel_loop3A_384, %parallel_loop3A_395 : i32
        %parallel_loop3A_413 = arith.constant 0 : i32
        %parallel_loop3A_414 = arith.cmpi ne, %parallel_loop3A_412, %parallel_loop3A_413 : i32
        %parallel_loop3A_415 = arith.andi %parallel_loop3A_411, %parallel_loop3A_414 : i1
        %parallel_loop3A_416 = arith.constant 1 : i32
        %parallel_loop3A_417 = arith.subi %parallel_loop3A_396, %parallel_loop3A_416 : i32
        %parallel_loop3A_418 = arith.select %parallel_loop3A_415, %parallel_loop3A_417, %parallel_loop3A_396 : i32
        %parallel_loop3A_419 = arith.constant 8 : i32
        %parallel_loop3A_420 = arith.muli %parallel_loop3A_418, %parallel_loop3A_419 : i32
        %parallel_loop3A_421 = arith.subi %parallel_loop3A_384, %parallel_loop3A_420 : i32
        %parallel_loop3A_422 = arith.constant 16 : i32
        %parallel_loop3A_423 = arith.muli %parallel_loop3A_381, %parallel_loop3A_422 : i32
        %parallel_loop3A_424 = arith.constant 0 : i32
        %parallel_loop3A_425 = arith.index_cast %parallel_loop3A_424 : i32 to index
        %parallel_loop3A_426 = arith.index_cast %parallel_loop3A_418 : i32 to index
        %parallel_loop3A_427 = arith.index_cast %parallel_loop3A_421 : i32 to index
        %parallel_loop3A_428 = arith.index_cast %parallel_loop3A_423 : i32 to index
        %parallel_loop3A_429 = tpu.vector_load %arg7[%parallel_loop3A_425, %parallel_loop3A_426, %parallel_loop3A_427, %parallel_loop3A_428] {strides = array<i32>} : memref<2x4x8x128xf32, #tpu.memory_space<vmem>>, vector<16xf32>,
        tpu.vector_store %arg7[%parallel_loop3A_425, %parallel_loop3A_426, %parallel_loop3A_427, %parallel_loop3A_428], %parallel_loop3A_394 {strides = array<i32>} : memref<2x4x8x128xf32, #tpu.memory_space<vmem>>, vector<16xf32>,
        scf.yield %parallel_loop3A_356, %parallel_loop3A_357 : vector<16xi32>, vector<16xi32>
      } {sc.loop_unroll_factor = 8 : i64, sc.parallel_access}
      %dma_start3A = arith.constant 0 : i32
      %dma_start3A_193 = arith.constant 0 : i32
      %dma_start3A_194 = arith.constant 0 : i32
      %dma_start3A_195 = arith.constant 0 : i32
      %dma_start3A_196 = arith.constant 0 : i32
      %dma_start3A_197 = tpu.memref_slice %arg7[%dma_start3A, %dma_start3A_193, %dma_start3A_195, %dma_start3A_196] : memref<2x4x8x128xf32, #tpu.memory_space<vmem>> -> memref<1x1x8x128xf32, #tpu.memory_space<vmem>>
      %dma_start3A_198 = tpu.memref_squeeze %dma_start3A_197 : memref<1x1x8x128xf32, #tpu.memory_space<vmem>> -> memref<8x128xf32, #tpu.memory_space<vmem>>
      %dma_start3A_199 = arith.constant 0 : i32
      %dma_start3A_200 = arith.constant 0 : i32
      %dma_start3A_201 = tpu.memref_slice %arg4[%mul3A_187, %dma_start3A_194, %add3A, %dma_start3A_199, %dma_start3A_200] : memref<26x4x32x8x128xf32, #tpu.memory_space<hbm>> -> memref<1x1x1x8x128xf32, #tpu.memory_space<hbm>>
      %dma_start3A_202 = tpu.memref_squeeze %dma_start3A_201 : memref<1x1x1x8x128xf32, #tpu.memory_space<hbm>> -> memref<8x128xf32, #tpu.memory_space<hbm>>
      %dma_start3A_203 = arith.constant 0 : i32
      %dma_start3A_204 = arith.constant 0 : i32
      %dma_start3A_205 = tpu.memref_slice %arg4[%mul3A_187, %dma_start3A_194, %add3A, %dma_start3A_203, %dma_start3A_204] : memref<26x4x32x8x128xf32, #tpu.memory_space<hbm>> -> memref<1x1x1x8x128xf32, #tpu.memory_space<hbm>>
      %dma_start3A_206 = tpu.memref_squeeze %dma_start3A_205 : memref<1x1x1x8x128xf32, #tpu.memory_space<hbm>> -> memref<8x128xf32, #tpu.memory_space<hbm>>
      %dma_start3A_207 = arith.constant 0 : i32
      %dma_start3A_208 = arith.constant 0 : i32
      %dma_start3A_209 = tpu.memref_slice %arg7[%dma_start3A, %dma_start3A_193, %dma_start3A_207, %dma_start3A_208] : memref<2x4x8x128xf32, #tpu.memory_space<vmem>> -> memref<1x1x8x128xf32, #tpu.memory_space<vmem>>
      %dma_start3A_210 = tpu.memref_squeeze %dma_start3A_209 : memref<1x1x8x128xf32, #tpu.memory_space<vmem>> -> memref<8x128xf32, #tpu.memory_space<vmem>>
      tpu.enqueue_dma source(%dma_start3A_210 : memref<8x128xf32, #tpu.memory_space<vmem>>) target(%dma_start3A_206 : memref<8x128xf32, #tpu.memory_space<hbm>>) target_semaphore(%arg9 : memref<!tpu.dma_semaphore, #tpu.memory_space<semaphore_mem>>)
      %dma_start3A_211 = arith.constant 0 : i32
      %dma_start3A_212 = arith.constant 1 : i32
      %dma_start3A_213 = arith.constant 1 : i32
      %dma_start3A_214 = arith.constant 0 : i32
      %dma_start3A_215 = arith.constant 0 : i32
      %dma_start3A_216 = tpu.memref_slice %arg7[%dma_start3A_211, %dma_start3A_212, %dma_start3A_214, %dma_start3A_215] : memref<2x4x8x128xf32, #tpu.memory_space<vmem>> -> memref<1x1x8x128xf32, #tpu.memory_space<vmem>>
      %dma_start3A_217 = tpu.memref_squeeze %dma_start3A_216 : memref<1x1x8x128xf32, #tpu.memory_space<vmem>> -> memref<8x128xf32, #tpu.memory_space<vmem>>
      %dma_start3A_218 = arith.constant 0 : i32
      %dma_start3A_219 = arith.constant 0 : i32
      %dma_start3A_220 = tpu.memref_slice %arg4[%mul3A_187, %dma_start3A_213, %add3A, %dma_start3A_218, %dma_start3A_219] : memref<26x4x32x8x128xf32, #tpu.memory_space<hbm>> -> memref<1x1x1x8x128xf32, #tpu.memory_space<hbm>>
      %dma_start3A_221 = tpu.memref_squeeze %dma_start3A_220 : memref<1x1x1x8x128xf32, #tpu.memory_space<hbm>> -> memref<8x128xf32, #tpu.memory_space<hbm>>
      %dma_start3A_222 = arith.constant 0 : i32
      %dma_start3A_223 = arith.constant 0 : i32
      %dma_start3A_224 = tpu.memref_slice %arg4[%mul3A_187, %dma_start3A_213, %add3A, %dma_start3A_222, %dma_start3A_223] : memref<26x4x32x8x128xf32, #tpu.memory_space<hbm>> -> memref<1x1x1x8x128xf32, #tpu.memory_space<hbm>>
      %dma_start3A_225 = tpu.memref_squeeze %dma_start3A_224 : memref<1x1x1x8x128xf32, #tpu.memory_space<hbm>> -> memref<8x128xf32, #tpu.memory_space<hbm>>
      %dma_start3A_226 = arith.constant 0 : i32
      %dma_start3A_227 = arith.constant 0 : i32
      %dma_start3A_228 = tpu.memref_slice %arg7[%dma_start3A_211, %dma_start3A_212, %dma_start3A_226, %dma_start3A_227] : memref<2x4x8x128xf32, #tpu.memory_space<vmem>> -> memref<1x1x8x128xf32, #tpu.memory_space<vmem>>
      %dma_start3A_229 = tpu.memref_squeeze %dma_start3A_228 : memref<1x1x8x128xf32, #tpu.memory_space<vmem>> -> memref<8x128xf32, #tpu.memory_space<vmem>>
      tpu.enqueue_dma source(%dma_start3A_229 : memref<8x128xf32, #tpu.memory_space<vmem>>) target(%dma_start3A_225 : memref<8x128xf32, #tpu.memory_space<hbm>>) target_semaphore(%arg9 : memref<!tpu.dma_semaphore, #tpu.memory_space<semaphore_mem>>)
      %dma_start3A_230 = arith.constant 0 : i32
      %dma_start3A_231 = arith.constant 2 : i32
      %dma_start3A_232 = arith.constant 2 : i32
      %dma_start3A_233 = arith.constant 0 : i32
      %dma_start3A_234 = arith.constant 0 : i32
      %dma_start3A_235 = tpu.memref_slice %arg7[%dma_start3A_230, %dma_start3A_231, %dma_start3A_233, %dma_start3A_234] : memref<2x4x8x128xf32, #tpu.memory_space<vmem>> -> memref<1x1x8x128xf32, #tpu.memory_space<vmem>>
      %dma_start3A_236 = tpu.memref_squeeze %dma_start3A_235 : memref<1x1x8x128xf32, #tpu.memory_space<vmem>> -> memref<8x128xf32, #tpu.memory_space<vmem>>
      %dma_start3A_237 = arith.constant 0 : i32
      %dma_start3A_238 = arith.constant 0 : i32
      %dma_start3A_239 = tpu.memref_slice %arg4[%mul3A_187, %dma_start3A_232, %add3A, %dma_start3A_237, %dma_start3A_238] : memref<26x4x32x8x128xf32, #tpu.memory_space<hbm>> -> memref<1x1x1x8x128xf32, #tpu.memory_space<hbm>>
      %dma_start3A_240 = tpu.memref_squeeze %dma_start3A_239 : memref<1x1x1x8x128xf32, #tpu.memory_space<hbm>> -> memref<8x128xf32, #tpu.memory_space<hbm>>
      %dma_start3A_241 = arith.constant 0 : i32
      %dma_start3A_242 = arith.constant 0 : i32
      %dma_start3A_243 = tpu.memref_slice %arg4[%mul3A_187, %dma_start3A_232, %add3A, %dma_start3A_241, %dma_start3A_242] : memref<26x4x32x8x128xf32, #tpu.memory_space<hbm>> -> memref<1x1x1x8x128xf32, #tpu.memory_space<hbm>>
      %dma_start3A_244 = tpu.memref_squeeze %dma_start3A_243 : memref<1x1x1x8x128xf32, #tpu.memory_space<hbm>> -> memref<8x128xf32, #tpu.memory_space<hbm>>
      %dma_start3A_245 = arith.constant 0 : i32
      %dma_start3A_246 = arith.constant 0 : i32
      %dma_start3A_247 = tpu.memref_slice %arg7[%dma_start3A_230, %dma_start3A_231, %dma_start3A_245, %dma_start3A_246] : memref<2x4x8x128xf32, #tpu.memory_space<vmem>> -> memref<1x1x8x128xf32, #tpu.memory_space<vmem>>
      %dma_start3A_248 = tpu.memref_squeeze %dma_start3A_247 : memref<1x1x8x128xf32, #tpu.memory_space<vmem>> -> memref<8x128xf32, #tpu.memory_space<vmem>>
      tpu.enqueue_dma source(%dma_start3A_248 : memref<8x128xf32, #tpu.memory_space<vmem>>) target(%dma_start3A_244 : memref<8x128xf32, #tpu.memory_space<hbm>>) target_semaphore(%arg9 : memref<!tpu.dma_semaphore, #tpu.memory_space<semaphore_mem>>)
      %dma_start3A_249 = arith.constant 0 : i32
      %dma_start3A_250 = arith.constant 3 : i32
      %dma_start3A_251 = arith.constant 3 : i32
      %dma_start3A_252 = arith.constant 0 : i32
      %dma_start3A_253 = arith.constant 0 : i32
      %dma_start3A_254 = tpu.memref_slice %arg7[%dma_start3A_249, %dma_start3A_250, %dma_start3A_252, %dma_start3A_253] : memref<2x4x8x128xf32, #tpu.memory_space<vmem>> -> memref<1x1x8x128xf32, #tpu.memory_space<vmem>>
      %dma_start3A_255 = tpu.memref_squeeze %dma_start3A_254 : memref<1x1x8x128xf32, #tpu.memory_space<vmem>> -> memref<8x128xf32, #tpu.memory_space<vmem>>
      %dma_start3A_256 = arith.constant 0 : i32
      %dma_start3A_257 = arith.constant 0 : i32
      %dma_start3A_258 = tpu.memref_slice %arg4[%mul3A_187, %dma_start3A_251, %add3A, %dma_start3A_256, %dma_start3A_257] : memref<26x4x32x8x128xf32, #tpu.memory_space<hbm>> -> memref<1x1x1x8x128xf32, #tpu.memory_space<hbm>>
      %dma_start3A_259 = tpu.memref_squeeze %dma_start3A_258 : memref<1x1x1x8x128xf32, #tpu.memory_space<hbm>> -> memref<8x128xf32, #tpu.memory_space<hbm>>
      %dma_start3A_260 = arith.constant 0 : i32
      %dma_start3A_261 = arith.constant 0 : i32
      %dma_start3A_262 = tpu.memref_slice %arg4[%mul3A_187, %dma_start3A_251, %add3A, %dma_start3A_260, %dma_start3A_261] : memref<26x4x32x8x128xf32, #tpu.memory_space<hbm>> -> memref<1x1x1x8x128xf32, #tpu.memory_space<hbm>>
      %dma_start3A_263 = tpu.memref_squeeze %dma_start3A_262 : memref<1x1x1x8x128xf32, #tpu.memory_space<hbm>> -> memref<8x128xf32, #tpu.memory_space<hbm>>
      %dma_start3A_264 = arith.constant 0 : i32
      %dma_start3A_265 = arith.constant 0 : i32
      %dma_start3A_266 = tpu.memref_slice %arg7[%dma_start3A_249, %dma_start3A_250, %dma_start3A_264, %dma_start3A_265] : memref<2x4x8x128xf32, #tpu.memory_space<vmem>> -> memref<1x1x8x128xf32, #tpu.memory_space<vmem>>
      %dma_start3A_267 = tpu.memref_squeeze %dma_start3A_266 : memref<1x1x8x128xf32, #tpu.memory_space<vmem>> -> memref<8x128xf32, #tpu.memory_space<vmem>>
      tpu.enqueue_dma source(%dma_start3A_267 : memref<8x128xf32, #tpu.memory_space<vmem>>) target(%dma_start3A_263 : memref<8x128xf32, #tpu.memory_space<hbm>>) target_semaphore(%arg9 : memref<!tpu.dma_semaphore, #tpu.memory_space<semaphore_mem>>)
      %add3A_268 = arith.constant 1 : i32
      %add3A_269 = arith.addi %mul3A_187, %add3A_268 : i32
      %ge3A_270 = arith.constant 1 : i32
      %ge3A_271 = arith.cmpi sge, %scan3A_185, %ge3A_270 : i32
      %convert_element_type3A_272 = arith.extui %ge3A_271 : i1 to i32
      %cond3A_273 = arith.constant 0 : i32
      %cond3A_274 = arith.cmpi ne, %convert_element_type3A_272, %cond3A_273 : i32
      scf.if %cond3A_274 {
        %dma_wait3A_355 = arith.constant 1 : i32
        %dma_wait3A_356 = arith.constant 0 : i32
        %dma_wait3A_357 = arith.constant 0 : i32
        %dma_wait3A_358 = arith.constant 0 : i32
        %dma_wait3A_359 = arith.constant 0 : i32
        %dma_wait3A_360 = arith.constant 0 : i32
        %dma_wait3A_361 = tpu.memref_slice %arg7[%dma_wait3A_355, %dma_wait3A_356, %dma_wait3A_359, %dma_wait3A_360] : memref<2x4x8x128xf32, #tpu.memory_space<vmem>> -> memref<1x1x8x128xf32, #tpu.memory_space<vmem>>
        %dma_wait3A_362 = tpu.memref_squeeze %dma_wait3A_361 : memref<1x1x8x128xf32, #tpu.memory_space<vmem>> -> memref<8x128xf32, #tpu.memory_space<vmem>>
        %dma_wait3A_363 = arith.constant 0 : i32
        %dma_wait3A_364 = arith.constant 0 : i32
        %dma_wait3A_365 = tpu.memref_slice %arg4[%dma_wait3A_357, %dma_wait3A_358, %add3A, %dma_wait3A_363, %dma_wait3A_364] : memref<26x4x32x8x128xf32, #tpu.memory_space<hbm>> -> memref<1x1x1x8x128xf32, #tpu.memory_space<hbm>>
        %dma_wait3A_366 = tpu.memref_squeeze %dma_wait3A_365 : memref<1x1x1x8x128xf32, #tpu.memory_space<hbm>> -> memref<8x128xf32, #tpu.memory_space<hbm>>
        %dma_wait3A_367 = arith.constant 0 : i32
        %dma_wait3A_368 = arith.constant 0 : i32
        %dma_wait3A_369 = tpu.memref_slice %arg4[%dma_wait3A_357, %dma_wait3A_358, %add3A, %dma_wait3A_367, %dma_wait3A_368] : memref<26x4x32x8x128xf32, #tpu.memory_space<hbm>> -> memref<1x1x1x8x128xf32, #tpu.memory_space<hbm>>
        %dma_wait3A_370 = tpu.memref_squeeze %dma_wait3A_369 : memref<1x1x1x8x128xf32, #tpu.memory_space<hbm>> -> memref<8x128xf32, #tpu.memory_space<hbm>>
        %dma_wait3A_371 = arith.constant 0 : i32
        %dma_wait3A_372 = arith.constant 0 : i32
        %dma_wait3A_373 = tpu.memref_slice %arg7[%dma_wait3A_355, %dma_wait3A_356, %dma_wait3A_371, %dma_wait3A_372] : memref<2x4x8x128xf32, #tpu.memory_space<vmem>> -> memref<1x1x8x128xf32, #tpu.memory_space<vmem>>
        %dma_wait3A_374 = tpu.memref_squeeze %dma_wait3A_373 : memref<1x1x8x128xf32, #tpu.memory_space<vmem>> -> memref<8x128xf32, #tpu.memory_space<vmem>>
        tpu.wait_dma2 semaphore(%arg10 : memref<!tpu.dma_semaphore, #tpu.memory_space<semaphore_mem>>) src(%dma_wait3A_374 : memref<8x128xf32, #tpu.memory_space<vmem>>) dst(%dma_wait3A_370 : memref<8x128xf32, #tpu.memory_space<hbm>>)
        %dma_wait3A_375 = arith.constant 1 : i32
        %dma_wait3A_376 = arith.constant 1 : i32
        %dma_wait3A_377 = arith.constant 0 : i32
        %dma_wait3A_378 = arith.constant 1 : i32
        %dma_wait3A_379 = arith.constant 0 : i32
        %dma_wait3A_380 = arith.constant 0 : i32
        %dma_wait3A_381 = tpu.memref_slice %arg7[%dma_wait3A_375, %dma_wait3A_376, %dma_wait3A_379, %dma_wait3A_380] : memref<2x4x8x128xf32, #tpu.memory_space<vmem>> -> memref<1x1x8x128xf32, #tpu.memory_space<vmem>>
        %dma_wait3A_382 = tpu.memref_squeeze %dma_wait3A_381 : memref<1x1x8x128xf32, #tpu.memory_space<vmem>> -> memref<8x128xf32, #tpu.memory_space<vmem>>
        %dma_wait3A_383 = arith.constant 0 : i32
        %dma_wait3A_384 = arith.constant 0 : i32
        %dma_wait3A_385 = tpu.memref_slice %arg4[%dma_wait3A_377, %dma_wait3A_378, %add3A, %dma_wait3A_383, %dma_wait3A_384] : memref<26x4x32x8x128xf32, #tpu.memory_space<hbm>> -> memref<1x1x1x8x128xf32, #tpu.memory_space<hbm>>
        %dma_wait3A_386 = tpu.memref_squeeze %dma_wait3A_385 : memref<1x1x1x8x128xf32, #tpu.memory_space<hbm>> -> memref<8x128xf32, #tpu.memory_space<hbm>>
        %dma_wait3A_387 = arith.constant 0 : i32
        %dma_wait3A_388 = arith.constant 0 : i32
        %dma_wait3A_389 = tpu.memref_slice %arg4[%dma_wait3A_377, %dma_wait3A_378, %add3A, %dma_wait3A_387, %dma_wait3A_388] : memref<26x4x32x8x128xf32, #tpu.memory_space<hbm>> -> memref<1x1x1x8x128xf32, #tpu.memory_space<hbm>>
        %dma_wait3A_390 = tpu.memref_squeeze %dma_wait3A_389 : memref<1x1x1x8x128xf32, #tpu.memory_space<hbm>> -> memref<8x128xf32, #tpu.memory_space<hbm>>
        %dma_wait3A_391 = arith.constant 0 : i32
        %dma_wait3A_392 = arith.constant 0 : i32
        %dma_wait3A_393 = tpu.memref_slice %arg7[%dma_wait3A_375, %dma_wait3A_376, %dma_wait3A_391, %dma_wait3A_392] : memref<2x4x8x128xf32, #tpu.memory_space<vmem>> -> memref<1x1x8x128xf32, #tpu.memory_space<vmem>>
        %dma_wait3A_394 = tpu.memref_squeeze %dma_wait3A_393 : memref<1x1x8x128xf32, #tpu.memory_space<vmem>> -> memref<8x128xf32, #tpu.memory_space<vmem>>
        tpu.wait_dma2 semaphore(%arg10 : memref<!tpu.dma_semaphore, #tpu.memory_space<semaphore_mem>>) src(%dma_wait3A_394 : memref<8x128xf32, #tpu.memory_space<vmem>>) dst(%dma_wait3A_390 : memref<8x128xf32, #tpu.memory_space<hbm>>)
        %dma_wait3A_395 = arith.constant 1 : i32
        %dma_wait3A_396 = arith.constant 2 : i32
        %dma_wait3A_397 = arith.constant 0 : i32
        %dma_wait3A_398 = arith.constant 2 : i32
        %dma_wait3A_399 = arith.constant 0 : i32
        %dma_wait3A_400 = arith.constant 0 : i32
        %dma_wait3A_401 = tpu.memref_slice %arg7[%dma_wait3A_395, %dma_wait3A_396, %dma_wait3A_399, %dma_wait3A_400] : memref<2x4x8x128xf32, #tpu.memory_space<vmem>> -> memref<1x1x8x128xf32, #tpu.memory_space<vmem>>
        %dma_wait3A_402 = tpu.memref_squeeze %dma_wait3A_401 : memref<1x1x8x128xf32, #tpu.memory_space<vmem>> -> memref<8x128xf32, #tpu.memory_space<vmem>>
        %dma_wait3A_403 = arith.constant 0 : i32
        %dma_wait3A_404 = arith.constant 0 : i32
        %dma_wait3A_405 = tpu.memref_slice %arg4[%dma_wait3A_397, %dma_wait3A_398, %add3A, %dma_wait3A_403, %dma_wait3A_404] : memref<26x4x32x8x128xf32, #tpu.memory_space<hbm>> -> memref<1x1x1x8x128xf32, #tpu.memory_space<hbm>>
        %dma_wait3A_406 = tpu.memref_squeeze %dma_wait3A_405 : memref<1x1x1x8x128xf32, #tpu.memory_space<hbm>> -> memref<8x128xf32, #tpu.memory_space<hbm>>
        %dma_wait3A_407 = arith.constant 0 : i32
        %dma_wait3A_408 = arith.constant 0 : i32
        %dma_wait3A_409 = tpu.memref_slice %arg4[%dma_wait3A_397, %dma_wait3A_398, %add3A, %dma_wait3A_407, %dma_wait3A_408] : memref<26x4x32x8x128xf32, #tpu.memory_space<hbm>> -> memref<1x1x1x8x128xf32, #tpu.memory_space<hbm>>
        %dma_wait3A_410 = tpu.memref_squeeze %dma_wait3A_409 : memref<1x1x1x8x128xf32, #tpu.memory_space<hbm>> -> memref<8x128xf32, #tpu.memory_space<hbm>>
        %dma_wait3A_411 = arith.constant 0 : i32
        %dma_wait3A_412 = arith.constant 0 : i32
        %dma_wait3A_413 = tpu.memref_slice %arg7[%dma_wait3A_395, %dma_wait3A_396, %dma_wait3A_411, %dma_wait3A_412] : memref<2x4x8x128xf32, #tpu.memory_space<vmem>> -> memref<1x1x8x128xf32, #tpu.memory_space<vmem>>
        %dma_wait3A_414 = tpu.memref_squeeze %dma_wait3A_413 : memref<1x1x8x128xf32, #tpu.memory_space<vmem>> -> memref<8x128xf32, #tpu.memory_space<vmem>>
        tpu.wait_dma2 semaphore(%arg10 : memref<!tpu.dma_semaphore, #tpu.memory_space<semaphore_mem>>) src(%dma_wait3A_414 : memref<8x128xf32, #tpu.memory_space<vmem>>) dst(%dma_wait3A_410 : memref<8x128xf32, #tpu.memory_space<hbm>>)
        %dma_wait3A_415 = arith.constant 1 : i32
        %dma_wait3A_416 = arith.constant 3 : i32
        %dma_wait3A_417 = arith.constant 0 : i32
        %dma_wait3A_418 = arith.constant 3 : i32
        %dma_wait3A_419 = arith.constant 0 : i32
        %dma_wait3A_420 = arith.constant 0 : i32
        %dma_wait3A_421 = tpu.memref_slice %arg7[%dma_wait3A_415, %dma_wait3A_416, %dma_wait3A_419, %dma_wait3A_420] : memref<2x4x8x128xf32, #tpu.memory_space<vmem>> -> memref<1x1x8x128xf32, #tpu.memory_space<vmem>>
        %dma_wait3A_422 = tpu.memref_squeeze %dma_wait3A_421 : memref<1x1x8x128xf32, #tpu.memory_space<vmem>> -> memref<8x128xf32, #tpu.memory_space<vmem>>
        %dma_wait3A_423 = arith.constant 0 : i32
        %dma_wait3A_424 = arith.constant 0 : i32
        %dma_wait3A_425 = tpu.memref_slice %arg4[%dma_wait3A_417, %dma_wait3A_418, %add3A, %dma_wait3A_423, %dma_wait3A_424] : memref<26x4x32x8x128xf32, #tpu.memory_space<hbm>> -> memref<1x1x1x8x128xf32, #tpu.memory_space<hbm>>
        %dma_wait3A_426 = tpu.memref_squeeze %dma_wait3A_425 : memref<1x1x1x8x128xf32, #tpu.memory_space<hbm>> -> memref<8x128xf32, #tpu.memory_space<hbm>>
        %dma_wait3A_427 = arith.constant 0 : i32
        %dma_wait3A_428 = arith.constant 0 : i32
        %dma_wait3A_429 = tpu.memref_slice %arg4[%dma_wait3A_417, %dma_wait3A_418, %add3A, %dma_wait3A_427, %dma_wait3A_428] : memref<26x4x32x8x128xf32, #tpu.memory_space<hbm>> -> memref<1x1x1x8x128xf32, #tpu.memory_space<hbm>>
        %dma_wait3A_430 = tpu.memref_squeeze %dma_wait3A_429 : memref<1x1x1x8x128xf32, #tpu.memory_space<hbm>> -> memref<8x128xf32, #tpu.memory_space<hbm>>
        %dma_wait3A_431 = arith.constant 0 : i32
        %dma_wait3A_432 = arith.constant 0 : i32
        %dma_wait3A_433 = tpu.memref_slice %arg7[%dma_wait3A_415, %dma_wait3A_416, %dma_wait3A_431, %dma_wait3A_432] : memref<2x4x8x128xf32, #tpu.memory_space<vmem>> -> memref<1x1x8x128xf32, #tpu.memory_space<vmem>>
        %dma_wait3A_434 = tpu.memref_squeeze %dma_wait3A_433 : memref<1x1x8x128xf32, #tpu.memory_space<vmem>> -> memref<8x128xf32, #tpu.memory_space<vmem>>
        tpu.wait_dma2 semaphore(%arg10 : memref<!tpu.dma_semaphore, #tpu.memory_space<semaphore_mem>>) src(%dma_wait3A_434 : memref<8x128xf32, #tpu.memory_space<vmem>>) dst(%dma_wait3A_430 : memref<8x128xf32, #tpu.memory_space<hbm>>)
      } else {
      }
      %parallel_loop3A_275 = arith.constant 0 : i32
      %parallel_loop3A_276 = arith.constant 256 : i32
      %parallel_loop3A_277 = arith.constant 1 : i32
      %parallel_loop3A_278:2 = scf.for %parallel_loop3A_355 = %parallel_loop3A_275 to %parallel_loop3A_276 step %parallel_loop3A_277 iter_args(%parallel_loop3A_356 = %mul3A_15, %parallel_loop3A_357 = %mul3A_19) -> (vector<16xi32>, vector<16xi32>)  : i32 {
        %parallel_loop3A_358 = arith.constant 32 : i32
        %parallel_loop3A_359 = arith.divsi %parallel_loop3A_355, %parallel_loop3A_358 : i32
        %parallel_loop3A_360 = arith.constant 0 : i32
        %parallel_loop3A_361 = arith.cmpi sgt, %parallel_loop3A_355, %parallel_loop3A_360 : i32
        %parallel_loop3A_362 = arith.extui %parallel_loop3A_361 : i1 to i32
        %parallel_loop3A_363 = arith.constant 0 : i32
        %parallel_loop3A_364 = arith.cmpi slt, %parallel_loop3A_355, %parallel_loop3A_363 : i32
        %parallel_loop3A_365 = arith.extui %parallel_loop3A_364 : i1 to i32
        %parallel_loop3A_366 = arith.subi %parallel_loop3A_362, %parallel_loop3A_365 : i32
        %parallel_loop3A_367 = arith.constant 0 : i32
        %parallel_loop3A_368 = arith.cmpi sgt, %parallel_loop3A_358, %parallel_loop3A_367 : i32
        %parallel_loop3A_369 = arith.extui %parallel_loop3A_368 : i1 to i32
        %parallel_loop3A_370 = arith.constant 0 : i32
        %parallel_loop3A_371 = arith.cmpi slt, %parallel_loop3A_358, %parallel_loop3A_370 : i32
        %parallel_loop3A_372 = arith.extui %parallel_loop3A_371 : i1 to i32
        %parallel_loop3A_373 = arith.subi %parallel_loop3A_369, %parallel_loop3A_372 : i32
        %parallel_loop3A_374 = arith.cmpi ne, %parallel_loop3A_366, %parallel_loop3A_373 : i32
        %parallel_loop3A_375 = arith.remsi %parallel_loop3A_355, %parallel_loop3A_358 : i32
        %parallel_loop3A_376 = arith.constant 0 : i32
        %parallel_loop3A_377 = arith.cmpi ne, %parallel_loop3A_375, %parallel_loop3A_376 : i32
        %parallel_loop3A_378 = arith.andi %parallel_loop3A_374, %parallel_loop3A_377 : i1
        %parallel_loop3A_379 = arith.constant 1 : i32
        %parallel_loop3A_380 = arith.subi %parallel_loop3A_359, %parallel_loop3A_379 : i32
        %parallel_loop3A_381 = arith.select %parallel_loop3A_378, %parallel_loop3A_380, %parallel_loop3A_359 : i32
        %parallel_loop3A_382 = arith.constant 32 : i32
        %parallel_loop3A_383 = arith.muli %parallel_loop3A_381, %parallel_loop3A_382 : i32
        %parallel_loop3A_384 = arith.subi %parallel_loop3A_355, %parallel_loop3A_383 : i32
        %parallel_loop3A_385 = arith.constant 16 : i32
        %parallel_loop3A_386 = arith.muli %parallel_loop3A_381, %parallel_loop3A_385 : i32
        %parallel_loop3A_387 = arith.constant 26 : i32
        %parallel_loop3A_388 = arith.muli %parallel_loop3A_386, %parallel_loop3A_387 : i32
        %parallel_loop3A_389 = arith.addi %parallel_loop3A_388, %add3A_269 : i32
        %parallel_loop3A_390 = vector.broadcast %parallel_loop3A_389 : i32 to vector<16xi32>
        %parallel_loop3A_391 = arith.addi %parallel_loop3A_356, %parallel_loop3A_390 : vector<16xi32>
        %parallel_loop3A_392 = vector.broadcast %parallel_loop3A_384 : i32 to vector<16xi32>
        %parallel_loop3A_393 = arith.addi %parallel_loop3A_357, %parallel_loop3A_392 : vector<16xi32>
        %parallel_loop3A_394 = tpu.vector_load_idx %arg6[%parallel_loop3A_391, %parallel_loop3A_393] : memref<3328x32xf32, #tpu.memory_space<vmem>>[vector<16xi32>, vector<16xi32>], vector<16xf32>,
        %parallel_loop3A_395 = arith.constant 8 : i32
        %parallel_loop3A_396 = arith.divsi %parallel_loop3A_384, %parallel_loop3A_395 : i32
        %parallel_loop3A_397 = arith.constant 0 : i32
        %parallel_loop3A_398 = arith.cmpi sgt, %parallel_loop3A_384, %parallel_loop3A_397 : i32
        %parallel_loop3A_399 = arith.extui %parallel_loop3A_398 : i1 to i32
        %parallel_loop3A_400 = arith.constant 0 : i32
        %parallel_loop3A_401 = arith.cmpi slt, %parallel_loop3A_384, %parallel_loop3A_400 : i32
        %parallel_loop3A_402 = arith.extui %parallel_loop3A_401 : i1 to i32
        %parallel_loop3A_403 = arith.subi %parallel_loop3A_399, %parallel_loop3A_402 : i32
        %parallel_loop3A_404 = arith.constant 0 : i32
        %parallel_loop3A_405 = arith.cmpi sgt, %parallel_loop3A_395, %parallel_loop3A_404 : i32
        %parallel_loop3A_406 = arith.extui %parallel_loop3A_405 : i1 to i32
        %parallel_loop3A_407 = arith.constant 0 : i32
        %parallel_loop3A_408 = arith.cmpi slt, %parallel_loop3A_395, %parallel_loop3A_407 : i32
        %parallel_loop3A_409 = arith.extui %parallel_loop3A_408 : i1 to i32
        %parallel_loop3A_410 = arith.subi %parallel_loop3A_406, %parallel_loop3A_409 : i32
        %parallel_loop3A_411 = arith.cmpi ne, %parallel_loop3A_403, %parallel_loop3A_410 : i32
        %parallel_loop3A_412 = arith.remsi %parallel_loop3A_384, %parallel_loop3A_395 : i32
        %parallel_loop3A_413 = arith.constant 0 : i32
        %parallel_loop3A_414 = arith.cmpi ne, %parallel_loop3A_412, %parallel_loop3A_413 : i32
        %parallel_loop3A_415 = arith.andi %parallel_loop3A_411, %parallel_loop3A_414 : i1
        %parallel_loop3A_416 = arith.constant 1 : i32
        %parallel_loop3A_417 = arith.subi %parallel_loop3A_396, %parallel_loop3A_416 : i32
        %parallel_loop3A_418 = arith.select %parallel_loop3A_415, %parallel_loop3A_417, %parallel_loop3A_396 : i32
        %parallel_loop3A_419 = arith.constant 8 : i32
        %parallel_loop3A_420 = arith.muli %parallel_loop3A_418, %parallel_loop3A_419 : i32
        %parallel_loop3A_421 = arith.subi %parallel_loop3A_384, %parallel_loop3A_420 : i32
        %parallel_loop3A_422 = arith.constant 16 : i32
        %parallel_loop3A_423 = arith.muli %parallel_loop3A_381, %parallel_loop3A_422 : i32
        %parallel_loop3A_424 = arith.constant 1 : i32
        %parallel_loop3A_425 = arith.index_cast %parallel_loop3A_424 : i32 to index
        %parallel_loop3A_426 = arith.index_cast %parallel_loop3A_418 : i32 to index
        %parallel_loop3A_427 = arith.index_cast %parallel_loop3A_421 : i32 to index
        %parallel_loop3A_428 = arith.index_cast %parallel_loop3A_423 : i32 to index
        %parallel_loop3A_429 = tpu.vector_load %arg7[%parallel_loop3A_425, %parallel_loop3A_426, %parallel_loop3A_427, %parallel_loop3A_428] {strides = array<i32>} : memref<2x4x8x128xf32, #tpu.memory_space<vmem>>, vector<16xf32>,
        tpu.vector_store %arg7[%parallel_loop3A_425, %parallel_loop3A_426, %parallel_loop3A_427, %parallel_loop3A_428], %parallel_loop3A_394 {strides = array<i32>} : memref<2x4x8x128xf32, #tpu.memory_space<vmem>>, vector<16xf32>,
        scf.yield %parallel_loop3A_356, %parallel_loop3A_357 : vector<16xi32>, vector<16xi32>
      } {sc.loop_unroll_factor = 8 : i64, sc.parallel_access}
      %dma_start3A_279 = arith.constant 1 : i32
      %dma_start3A_280 = arith.constant 0 : i32
      %dma_start3A_281 = arith.constant 0 : i32
      %dma_start3A_282 = arith.constant 0 : i32
      %dma_start3A_283 = arith.constant 0 : i32
      %dma_start3A_284 = tpu.memref_slice %arg7[%dma_start3A_279, %dma_start3A_280, %dma_start3A_282, %dma_start3A_283] : memref<2x4x8x128xf32, #tpu.memory_space<vmem>> -> memref<1x1x8x128xf32, #tpu.memory_space<vmem>>
      %dma_start3A_285 = tpu.memref_squeeze %dma_start3A_284 : memref<1x1x8x128xf32, #tpu.memory_space<vmem>> -> memref<8x128xf32, #tpu.memory_space<vmem>>
      %dma_start3A_286 = arith.constant 0 : i32
      %dma_start3A_287 = arith.constant 0 : i32
      %dma_start3A_288 = tpu.memref_slice %arg4[%add3A_269, %dma_start3A_281, %add3A, %dma_start3A_286, %dma_start3A_287] : memref<26x4x32x8x128xf32, #tpu.memory_space<hbm>> -> memref<1x1x1x8x128xf32, #tpu.memory_space<hbm>>
      %dma_start3A_289 = tpu.memref_squeeze %dma_start3A_288 : memref<1x1x1x8x128xf32, #tpu.memory_space<hbm>> -> memref<8x128xf32, #tpu.memory_space<hbm>>
      %dma_start3A_290 = arith.constant 0 : i32
      %dma_start3A_291 = arith.constant 0 : i32
      %dma_start3A_292 = tpu.memref_slice %arg4[%add3A_269, %dma_start3A_281, %add3A, %dma_start3A_290, %dma_start3A_291] : memref<26x4x32x8x128xf32, #tpu.memory_space<hbm>> -> memref<1x1x1x8x128xf32, #tpu.memory_space<hbm>>
      %dma_start3A_293 = tpu.memref_squeeze %dma_start3A_292 : memref<1x1x1x8x128xf32, #tpu.memory_space<hbm>> -> memref<8x128xf32, #tpu.memory_space<hbm>>
      %dma_start3A_294 = arith.constant 0 : i32
      %dma_start3A_295 = arith.constant 0 : i32
      %dma_start3A_296 = tpu.memref_slice %arg7[%dma_start3A_279, %dma_start3A_280, %dma_start3A_294, %dma_start3A_295] : memref<2x4x8x128xf32, #tpu.memory_space<vmem>> -> memref<1x1x8x128xf32, #tpu.memory_space<vmem>>
      %dma_start3A_297 = tpu.memref_squeeze %dma_start3A_296 : memref<1x1x8x128xf32, #tpu.memory_space<vmem>> -> memref<8x128xf32, #tpu.memory_space<vmem>>
      tpu.enqueue_dma source(%dma_start3A_297 : memref<8x128xf32, #tpu.memory_space<vmem>>) target(%dma_start3A_293 : memref<8x128xf32, #tpu.memory_space<hbm>>) target_semaphore(%arg10 : memref<!tpu.dma_semaphore, #tpu.memory_space<semaphore_mem>>)
      %dma_start3A_298 = arith.constant 1 : i32
      %dma_start3A_299 = arith.constant 1 : i32
      %dma_start3A_300 = arith.constant 1 : i32
      %dma_start3A_301 = arith.constant 0 : i32
      %dma_start3A_302 = arith.constant 0 : i32
      %dma_start3A_303 = tpu.memref_slice %arg7[%dma_start3A_298, %dma_start3A_299, %dma_start3A_301, %dma_start3A_302] : memref<2x4x8x128xf32, #tpu.memory_space<vmem>> -> memref<1x1x8x128xf32, #tpu.memory_space<vmem>>
      %dma_start3A_304 = tpu.memref_squeeze %dma_start3A_303 : memref<1x1x8x128xf32, #tpu.memory_space<vmem>> -> memref<8x128xf32, #tpu.memory_space<vmem>>
      %dma_start3A_305 = arith.constant 0 : i32
      %dma_start3A_306 = arith.constant 0 : i32
      %dma_start3A_307 = tpu.memref_slice %arg4[%add3A_269, %dma_start3A_300, %add3A, %dma_start3A_305, %dma_start3A_306] : memref<26x4x32x8x128xf32, #tpu.memory_space<hbm>> -> memref<1x1x1x8x128xf32, #tpu.memory_space<hbm>>
      %dma_start3A_308 = tpu.memref_squeeze %dma_start3A_307 : memref<1x1x1x8x128xf32, #tpu.memory_space<hbm>> -> memref<8x128xf32, #tpu.memory_space<hbm>>
      %dma_start3A_309 = arith.constant 0 : i32
      %dma_start3A_310 = arith.constant 0 : i32
      %dma_start3A_311 = tpu.memref_slice %arg4[%add3A_269, %dma_start3A_300, %add3A, %dma_start3A_309, %dma_start3A_310] : memref<26x4x32x8x128xf32, #tpu.memory_space<hbm>> -> memref<1x1x1x8x128xf32, #tpu.memory_space<hbm>>
      %dma_start3A_312 = tpu.memref_squeeze %dma_start3A_311 : memref<1x1x1x8x128xf32, #tpu.memory_space<hbm>> -> memref<8x128xf32, #tpu.memory_space<hbm>>
      %dma_start3A_313 = arith.constant 0 : i32
      %dma_start3A_314 = arith.constant 0 : i32
      %dma_start3A_315 = tpu.memref_slice %arg7[%dma_start3A_298, %dma_start3A_299, %dma_start3A_313, %dma_start3A_314] : memref<2x4x8x128xf32, #tpu.memory_space<vmem>> -> memref<1x1x8x128xf32, #tpu.memory_space<vmem>>
      %dma_start3A_316 = tpu.memref_squeeze %dma_start3A_315 : memref<1x1x8x128xf32, #tpu.memory_space<vmem>> -> memref<8x128xf32, #tpu.memory_space<vmem>>
      tpu.enqueue_dma source(%dma_start3A_316 : memref<8x128xf32, #tpu.memory_space<vmem>>) target(%dma_start3A_312 : memref<8x128xf32, #tpu.memory_space<hbm>>) target_semaphore(%arg10 : memref<!tpu.dma_semaphore, #tpu.memory_space<semaphore_mem>>)
      %dma_start3A_317 = arith.constant 1 : i32
      %dma_start3A_318 = arith.constant 2 : i32
      %dma_start3A_319 = arith.constant 2 : i32
      %dma_start3A_320 = arith.constant 0 : i32
      %dma_start3A_321 = arith.constant 0 : i32
      %dma_start3A_322 = tpu.memref_slice %arg7[%dma_start3A_317, %dma_start3A_318, %dma_start3A_320, %dma_start3A_321] : memref<2x4x8x128xf32, #tpu.memory_space<vmem>> -> memref<1x1x8x128xf32, #tpu.memory_space<vmem>>
      %dma_start3A_323 = tpu.memref_squeeze %dma_start3A_322 : memref<1x1x8x128xf32, #tpu.memory_space<vmem>> -> memref<8x128xf32, #tpu.memory_space<vmem>>
      %dma_start3A_324 = arith.constant 0 : i32
      %dma_start3A_325 = arith.constant 0 : i32
      %dma_start3A_326 = tpu.memref_slice %arg4[%add3A_269, %dma_start3A_319, %add3A, %dma_start3A_324, %dma_start3A_325] : memref<26x4x32x8x128xf32, #tpu.memory_space<hbm>> -> memref<1x1x1x8x128xf32, #tpu.memory_space<hbm>>
      %dma_start3A_327 = tpu.memref_squeeze %dma_start3A_326 : memref<1x1x1x8x128xf32, #tpu.memory_space<hbm>> -> memref<8x128xf32, #tpu.memory_space<hbm>>
      %dma_start3A_328 = arith.constant 0 : i32
      %dma_start3A_329 = arith.constant 0 : i32
      %dma_start3A_330 = tpu.memref_slice %arg4[%add3A_269, %dma_start3A_319, %add3A, %dma_start3A_328, %dma_start3A_329] : memref<26x4x32x8x128xf32, #tpu.memory_space<hbm>> -> memref<1x1x1x8x128xf32, #tpu.memory_space<hbm>>
      %dma_start3A_331 = tpu.memref_squeeze %dma_start3A_330 : memref<1x1x1x8x128xf32, #tpu.memory_space<hbm>> -> memref<8x128xf32, #tpu.memory_space<hbm>>
      %dma_start3A_332 = arith.constant 0 : i32
      %dma_start3A_333 = arith.constant 0 : i32
      %dma_start3A_334 = tpu.memref_slice %arg7[%dma_start3A_317, %dma_start3A_318, %dma_start3A_332, %dma_start3A_333] : memref<2x4x8x128xf32, #tpu.memory_space<vmem>> -> memref<1x1x8x128xf32, #tpu.memory_space<vmem>>
      %dma_start3A_335 = tpu.memref_squeeze %dma_start3A_334 : memref<1x1x8x128xf32, #tpu.memory_space<vmem>> -> memref<8x128xf32, #tpu.memory_space<vmem>>
      tpu.enqueue_dma source(%dma_start3A_335 : memref<8x128xf32, #tpu.memory_space<vmem>>) target(%dma_start3A_331 : memref<8x128xf32, #tpu.memory_space<hbm>>) target_semaphore(%arg10 : memref<!tpu.dma_semaphore, #tpu.memory_space<semaphore_mem>>)
      %dma_start3A_336 = arith.constant 1 : i32
      %dma_start3A_337 = arith.constant 3 : i32
      %dma_start3A_338 = arith.constant 3 : i32
      %dma_start3A_339 = arith.constant 0 : i32
      %dma_start3A_340 = arith.constant 0 : i32
      %dma_start3A_341 = tpu.memref_slice %arg7[%dma_start3A_336, %dma_start3A_337, %dma_start3A_339, %dma_start3A_340] : memref<2x4x8x128xf32, #tpu.memory_space<vmem>> -> memref<1x1x8x128xf32, #tpu.memory_space<vmem>>
      %dma_start3A_342 = tpu.memref_squeeze %dma_start3A_341 : memref<1x1x8x128xf32, #tpu.memory_space<vmem>> -> memref<8x128xf32, #tpu.memory_space<vmem>>
      %dma_start3A_343 = arith.constant 0 : i32
      %dma_start3A_344 = arith.constant 0 : i32
      %dma_start3A_345 = tpu.memref_slice %arg4[%add3A_269, %dma_start3A_338, %add3A, %dma_start3A_343, %dma_start3A_344] : memref<26x4x32x8x128xf32, #tpu.memory_space<hbm>> -> memref<1x1x1x8x128xf32, #tpu.memory_space<hbm>>
      %dma_start3A_346 = tpu.memref_squeeze %dma_start3A_345 : memref<1x1x1x8x128xf32, #tpu.memory_space<hbm>> -> memref<8x128xf32, #tpu.memory_space<hbm>>
      %dma_start3A_347 = arith.constant 0 : i32
      %dma_start3A_348 = arith.constant 0 : i32
      %dma_start3A_349 = tpu.memref_slice %arg4[%add3A_269, %dma_start3A_338, %add3A, %dma_start3A_347, %dma_start3A_348] : memref<26x4x32x8x128xf32, #tpu.memory_space<hbm>> -> memref<1x1x1x8x128xf32, #tpu.memory_space<hbm>>
      %dma_start3A_350 = tpu.memref_squeeze %dma_start3A_349 : memref<1x1x1x8x128xf32, #tpu.memory_space<hbm>> -> memref<8x128xf32, #tpu.memory_space<hbm>>
      %dma_start3A_351 = arith.constant 0 : i32
      %dma_start3A_352 = arith.constant 0 : i32
      %dma_start3A_353 = tpu.memref_slice %arg7[%dma_start3A_336, %dma_start3A_337, %dma_start3A_351, %dma_start3A_352] : memref<2x4x8x128xf32, #tpu.memory_space<vmem>> -> memref<1x1x8x128xf32, #tpu.memory_space<vmem>>
      %dma_start3A_354 = tpu.memref_squeeze %dma_start3A_353 : memref<1x1x8x128xf32, #tpu.memory_space<vmem>> -> memref<8x128xf32, #tpu.memory_space<vmem>>
      tpu.enqueue_dma source(%dma_start3A_354 : memref<8x128xf32, #tpu.memory_space<vmem>>) target(%dma_start3A_350 : memref<8x128xf32, #tpu.memory_space<hbm>>) target_semaphore(%arg10 : memref<!tpu.dma_semaphore, #tpu.memory_space<semaphore_mem>>)
    }
    %scan3A_24 = arith.constant 13 : i32
    %dma_wait3A_25 = arith.constant 0 : i32
    %dma_wait3A_26 = arith.constant 0 : i32
    %dma_wait3A_27 = arith.constant 0 : i32
    %dma_wait3A_28 = arith.constant 0 : i32
    %dma_wait3A_29 = arith.constant 0 : i32
    %dma_wait3A_30 = arith.constant 0 : i32
    %dma_wait3A_31 = tpu.memref_slice %arg7[%dma_wait3A_25, %dma_wait3A_26, %dma_wait3A_29, %dma_wait3A_30] : memref<2x4x8x128xf32, #tpu.memory_space<vmem>> -> memref<1x1x8x128xf32, #tpu.memory_space<vmem>>
    %dma_wait3A_32 = tpu.memref_squeeze %dma_wait3A_31 : memref<1x1x8x128xf32, #tpu.memory_space<vmem>> -> memref<8x128xf32, #tpu.memory_space<vmem>>
    %dma_wait3A_33 = arith.constant 0 : i32
    %dma_wait3A_34 = arith.constant 0 : i32
    %dma_wait3A_35 = tpu.memref_slice %arg4[%dma_wait3A_27, %dma_wait3A_28, %add3A, %dma_wait3A_33, %dma_wait3A_34] : memref<26x4x32x8x128xf32, #tpu.memory_space<hbm>> -> memref<1x1x1x8x128xf32, #tpu.memory_space<hbm>>
    %dma_wait3A_36 = tpu.memref_squeeze %dma_wait3A_35 : memref<1x1x1x8x128xf32, #tpu.memory_space<hbm>> -> memref<8x128xf32, #tpu.memory_space<hbm>>
    %dma_wait3A_37 = arith.constant 0 : i32
    %dma_wait3A_38 = arith.constant 0 : i32
    %dma_wait3A_39 = tpu.memref_slice %arg4[%dma_wait3A_27, %dma_wait3A_28, %add3A, %dma_wait3A_37, %dma_wait3A_38] : memref<26x4x32x8x128xf32, #tpu.memory_space<hbm>> -> memref<1x1x1x8x128xf32, #tpu.memory_space<hbm>>
    %dma_wait3A_40 = tpu.memref_squeeze %dma_wait3A_39 : memref<1x1x1x8x128xf32, #tpu.memory_space<hbm>> -> memref<8x128xf32, #tpu.memory_space<hbm>>
    %dma_wait3A_41 = arith.constant 0 : i32
    %dma_wait3A_42 = arith.constant 0 : i32
    %dma_wait3A_43 = tpu.memref_slice %arg7[%dma_wait3A_25, %dma_wait3A_26, %dma_wait3A_41, %dma_wait3A_42] : memref<2x4x8x128xf32, #tpu.memory_space<vmem>> -> memref<1x1x8x128xf32, #tpu.memory_space<vmem>>
    %dma_wait3A_44 = tpu.memref_squeeze %dma_wait3A_43 : memref<1x1x8x128xf32, #tpu.memory_space<vmem>> -> memref<8x128xf32, #tpu.memory_space<vmem>>
    tpu.wait_dma2 semaphore(%arg9 : memref<!tpu.dma_semaphore, #tpu.memory_space<semaphore_mem>>) src(%dma_wait3A_44 : memref<8x128xf32, #tpu.memory_space<vmem>>) dst(%dma_wait3A_40 : memref<8x128xf32, #tpu.memory_space<hbm>>)
    %dma_wait3A_45 = arith.constant 0 : i32
    %dma_wait3A_46 = arith.constant 1 : i32
    %dma_wait3A_47 = arith.constant 0 : i32
    %dma_wait3A_48 = arith.constant 1 : i32
    %dma_wait3A_49 = arith.constant 0 : i32
    %dma_wait3A_50 = arith.constant 0 : i32
    %dma_wait3A_51 = tpu.memref_slice %arg7[%dma_wait3A_45, %dma_wait3A_46, %dma_wait3A_49, %dma_wait3A_50] : memref<2x4x8x128xf32, #tpu.memory_space<vmem>> -> memref<1x1x8x128xf32, #tpu.memory_space<vmem>>
    %dma_wait3A_52 = tpu.memref_squeeze %dma_wait3A_51 : memref<1x1x8x128xf32, #tpu.memory_space<vmem>> -> memref<8x128xf32, #tpu.memory_space<vmem>>
    %dma_wait3A_53 = arith.constant 0 : i32
    %dma_wait3A_54 = arith.constant 0 : i32
    %dma_wait3A_55 = tpu.memref_slice %arg4[%dma_wait3A_47, %dma_wait3A_48, %add3A, %dma_wait3A_53, %dma_wait3A_54] : memref<26x4x32x8x128xf32, #tpu.memory_space<hbm>> -> memref<1x1x1x8x128xf32, #tpu.memory_space<hbm>>
    %dma_wait3A_56 = tpu.memref_squeeze %dma_wait3A_55 : memref<1x1x1x8x128xf32, #tpu.memory_space<hbm>> -> memref<8x128xf32, #tpu.memory_space<hbm>>
    %dma_wait3A_57 = arith.constant 0 : i32
    %dma_wait3A_58 = arith.constant 0 : i32
    %dma_wait3A_59 = tpu.memref_slice %arg4[%dma_wait3A_47, %dma_wait3A_48, %add3A, %dma_wait3A_57, %dma_wait3A_58] : memref<26x4x32x8x128xf32, #tpu.memory_space<hbm>> -> memref<1x1x1x8x128xf32, #tpu.memory_space<hbm>>
    %dma_wait3A_60 = tpu.memref_squeeze %dma_wait3A_59 : memref<1x1x1x8x128xf32, #tpu.memory_space<hbm>> -> memref<8x128xf32, #tpu.memory_space<hbm>>
    %dma_wait3A_61 = arith.constant 0 : i32
    %dma_wait3A_62 = arith.constant 0 : i32
    %dma_wait3A_63 = tpu.memref_slice %arg7[%dma_wait3A_45, %dma_wait3A_46, %dma_wait3A_61, %dma_wait3A_62] : memref<2x4x8x128xf32, #tpu.memory_space<vmem>> -> memref<1x1x8x128xf32, #tpu.memory_space<vmem>>
    %dma_wait3A_64 = tpu.memref_squeeze %dma_wait3A_63 : memref<1x1x8x128xf32, #tpu.memory_space<vmem>> -> memref<8x128xf32, #tpu.memory_space<vmem>>
    tpu.wait_dma2 semaphore(%arg9 : memref<!tpu.dma_semaphore, #tpu.memory_space<semaphore_mem>>) src(%dma_wait3A_64 : memref<8x128xf32, #tpu.memory_space<vmem>>) dst(%dma_wait3A_60 : memref<8x128xf32, #tpu.memory_space<hbm>>)
    %dma_wait3A_65 = arith.constant 0 : i32
    %dma_wait3A_66 = arith.constant 2 : i32
    %dma_wait3A_67 = arith.constant 0 : i32
    %dma_wait3A_68 = arith.constant 2 : i32
    %dma_wait3A_69 = arith.constant 0 : i32
    %dma_wait3A_70 = arith.constant 0 : i32
    %dma_wait3A_71 = tpu.memref_slice %arg7[%dma_wait3A_65, %dma_wait3A_66, %dma_wait3A_69, %dma_wait3A_70] : memref<2x4x8x128xf32, #tpu.memory_space<vmem>> -> memref<1x1x8x128xf32, #tpu.memory_space<vmem>>
    %dma_wait3A_72 = tpu.memref_squeeze %dma_wait3A_71 : memref<1x1x8x128xf32, #tpu.memory_space<vmem>> -> memref<8x128xf32, #tpu.memory_space<vmem>>
    %dma_wait3A_73 = arith.constant 0 : i32
    %dma_wait3A_74 = arith.constant 0 : i32
    %dma_wait3A_75 = tpu.memref_slice %arg4[%dma_wait3A_67, %dma_wait3A_68, %add3A, %dma_wait3A_73, %dma_wait3A_74] : memref<26x4x32x8x128xf32, #tpu.memory_space<hbm>> -> memref<1x1x1x8x128xf32, #tpu.memory_space<hbm>>
    %dma_wait3A_76 = tpu.memref_squeeze %dma_wait3A_75 : memref<1x1x1x8x128xf32, #tpu.memory_space<hbm>> -> memref<8x128xf32, #tpu.memory_space<hbm>>
    %dma_wait3A_77 = arith.constant 0 : i32
    %dma_wait3A_78 = arith.constant 0 : i32
    %dma_wait3A_79 = tpu.memref_slice %arg4[%dma_wait3A_67, %dma_wait3A_68, %add3A, %dma_wait3A_77, %dma_wait3A_78] : memref<26x4x32x8x128xf32, #tpu.memory_space<hbm>> -> memref<1x1x1x8x128xf32, #tpu.memory_space<hbm>>
    %dma_wait3A_80 = tpu.memref_squeeze %dma_wait3A_79 : memref<1x1x1x8x128xf32, #tpu.memory_space<hbm>> -> memref<8x128xf32, #tpu.memory_space<hbm>>
    %dma_wait3A_81 = arith.constant 0 : i32
    %dma_wait3A_82 = arith.constant 0 : i32
    %dma_wait3A_83 = tpu.memref_slice %arg7[%dma_wait3A_65, %dma_wait3A_66, %dma_wait3A_81, %dma_wait3A_82] : memref<2x4x8x128xf32, #tpu.memory_space<vmem>> -> memref<1x1x8x128xf32, #tpu.memory_space<vmem>>
    %dma_wait3A_84 = tpu.memref_squeeze %dma_wait3A_83 : memref<1x1x8x128xf32, #tpu.memory_space<vmem>> -> memref<8x128xf32, #tpu.memory_space<vmem>>
    tpu.wait_dma2 semaphore(%arg9 : memref<!tpu.dma_semaphore, #tpu.memory_space<semaphore_mem>>) src(%dma_wait3A_84 : memref<8x128xf32, #tpu.memory_space<vmem>>) dst(%dma_wait3A_80 : memref<8x128xf32, #tpu.memory_space<hbm>>)
    %dma_wait3A_85 = arith.constant 0 : i32
    %dma_wait3A_86 = arith.constant 3 : i32
    %dma_wait3A_87 = arith.constant 0 : i32
    %dma_wait3A_88 = arith.constant 3 : i32
    %dma_wait3A_89 = arith.constant 0 : i32
    %dma_wait3A_90 = arith.constant 0 : i32
    %dma_wait3A_91 = tpu.memref_slice %arg7[%dma_wait3A_85, %dma_wait3A_86, %dma_wait3A_89, %dma_wait3A_90] : memref<2x4x8x128xf32, #tpu.memory_space<vmem>> -> memref<1x1x8x128xf32, #tpu.memory_space<vmem>>
    %dma_wait3A_92 = tpu.memref_squeeze %dma_wait3A_91 : memref<1x1x8x128xf32, #tpu.memory_space<vmem>> -> memref<8x128xf32, #tpu.memory_space<vmem>>
    %dma_wait3A_93 = arith.constant 0 : i32
    %dma_wait3A_94 = arith.constant 0 : i32
    %dma_wait3A_95 = tpu.memref_slice %arg4[%dma_wait3A_87, %dma_wait3A_88, %add3A, %dma_wait3A_93, %dma_wait3A_94] : memref<26x4x32x8x128xf32, #tpu.memory_space<hbm>> -> memref<1x1x1x8x128xf32, #tpu.memory_space<hbm>>
    %dma_wait3A_96 = tpu.memref_squeeze %dma_wait3A_95 : memref<1x1x1x8x128xf32, #tpu.memory_space<hbm>> -> memref<8x128xf32, #tpu.memory_space<hbm>>
    %dma_wait3A_97 = arith.constant 0 : i32
    %dma_wait3A_98 = arith.constant 0 : i32
    %dma_wait3A_99 = tpu.memref_slice %arg4[%dma_wait3A_87, %dma_wait3A_88, %add3A, %dma_wait3A_97, %dma_wait3A_98] : memref<26x4x32x8x128xf32, #tpu.memory_space<hbm>> -> memref<1x1x1x8x128xf32, #tpu.memory_space<hbm>>
    %dma_wait3A_100 = tpu.memref_squeeze %dma_wait3A_99 : memref<1x1x1x8x128xf32, #tpu.memory_space<hbm>> -> memref<8x128xf32, #tpu.memory_space<hbm>>
    %dma_wait3A_101 = arith.constant 0 : i32
    %dma_wait3A_102 = arith.constant 0 : i32
    %dma_wait3A_103 = tpu.memref_slice %arg7[%dma_wait3A_85, %dma_wait3A_86, %dma_wait3A_101, %dma_wait3A_102] : memref<2x4x8x128xf32, #tpu.memory_space<vmem>> -> memref<1x1x8x128xf32, #tpu.memory_space<vmem>>
    %dma_wait3A_104 = tpu.memref_squeeze %dma_wait3A_103 : memref<1x1x8x128xf32, #tpu.memory_space<vmem>> -> memref<8x128xf32, #tpu.memory_space<vmem>>
    tpu.wait_dma2 semaphore(%arg9 : memref<!tpu.dma_semaphore, #tpu.memory_space<semaphore_mem>>) src(%dma_wait3A_104 : memref<8x128xf32, #tpu.memory_space<vmem>>) dst(%dma_wait3A_100 : memref<8x128xf32, #tpu.memory_space<hbm>>)
    %dma_wait3A_105 = arith.constant 1 : i32
    %dma_wait3A_106 = arith.constant 0 : i32
    %dma_wait3A_107 = arith.constant 0 : i32
    %dma_wait3A_108 = arith.constant 0 : i32
    %dma_wait3A_109 = arith.constant 0 : i32
    %dma_wait3A_110 = arith.constant 0 : i32
    %dma_wait3A_111 = tpu.memref_slice %arg7[%dma_wait3A_105, %dma_wait3A_106, %dma_wait3A_109, %dma_wait3A_110] : memref<2x4x8x128xf32, #tpu.memory_space<vmem>> -> memref<1x1x8x128xf32, #tpu.memory_space<vmem>>
    %dma_wait3A_112 = tpu.memref_squeeze %dma_wait3A_111 : memref<1x1x8x128xf32, #tpu.memory_space<vmem>> -> memref<8x128xf32, #tpu.memory_space<vmem>>
    %dma_wait3A_113 = arith.constant 0 : i32
    %dma_wait3A_114 = arith.constant 0 : i32
    %dma_wait3A_115 = tpu.memref_slice %arg4[%dma_wait3A_107, %dma_wait3A_108, %add3A, %dma_wait3A_113, %dma_wait3A_114] : memref<26x4x32x8x128xf32, #tpu.memory_space<hbm>> -> memref<1x1x1x8x128xf32, #tpu.memory_space<hbm>>
    %dma_wait3A_116 = tpu.memref_squeeze %dma_wait3A_115 : memref<1x1x1x8x128xf32, #tpu.memory_space<hbm>> -> memref<8x128xf32, #tpu.memory_space<hbm>>
    %dma_wait3A_117 = arith.constant 0 : i32
    %dma_wait3A_118 = arith.constant 0 : i32
    %dma_wait3A_119 = tpu.memref_slice %arg4[%dma_wait3A_107, %dma_wait3A_108, %add3A, %dma_wait3A_117, %dma_wait3A_118] : memref<26x4x32x8x128xf32, #tpu.memory_space<hbm>> -> memref<1x1x1x8x128xf32, #tpu.memory_space<hbm>>
    %dma_wait3A_120 = tpu.memref_squeeze %dma_wait3A_119 : memref<1x1x1x8x128xf32, #tpu.memory_space<hbm>> -> memref<8x128xf32, #tpu.memory_space<hbm>>
    %dma_wait3A_121 = arith.constant 0 : i32
    %dma_wait3A_122 = arith.constant 0 : i32
    %dma_wait3A_123 = tpu.memref_slice %arg7[%dma_wait3A_105, %dma_wait3A_106, %dma_wait3A_121, %dma_wait3A_122] : memref<2x4x8x128xf32, #tpu.memory_space<vmem>> -> memref<1x1x8x128xf32, #tpu.memory_space<vmem>>
    %dma_wait3A_124 = tpu.memref_squeeze %dma_wait3A_123 : memref<1x1x8x128xf32, #tpu.memory_space<vmem>> -> memref<8x128xf32, #tpu.memory_space<vmem>>
    tpu.wait_dma2 semaphore(%arg10 : memref<!tpu.dma_semaphore, #tpu.memory_space<semaphore_mem>>) src(%dma_wait3A_124 : memref<8x128xf32, #tpu.memory_space<vmem>>) dst(%dma_wait3A_120 : memref<8x128xf32, #tpu.memory_space<hbm>>)
    %dma_wait3A_125 = arith.constant 1 : i32
    %dma_wait3A_126 = arith.constant 1 : i32
    %dma_wait3A_127 = arith.constant 0 : i32
    %dma_wait3A_128 = arith.constant 1 : i32
    %dma_wait3A_129 = arith.constant 0 : i32
    %dma_wait3A_130 = arith.constant 0 : i32
    %dma_wait3A_131 = tpu.memref_slice %arg7[%dma_wait3A_125, %dma_wait3A_126, %dma_wait3A_129, %dma_wait3A_130] : memref<2x4x8x128xf32, #tpu.memory_space<vmem>> -> memref<1x1x8x128xf32, #tpu.memory_space<vmem>>
    %dma_wait3A_132 = tpu.memref_squeeze %dma_wait3A_131 : memref<1x1x8x128xf32, #tpu.memory_space<vmem>> -> memref<8x128xf32, #tpu.memory_space<vmem>>
    %dma_wait3A_133 = arith.constant 0 : i32
    %dma_wait3A_134 = arith.constant 0 : i32
    %dma_wait3A_135 = tpu.memref_slice %arg4[%dma_wait3A_127, %dma_wait3A_128, %add3A, %dma_wait3A_133, %dma_wait3A_134] : memref<26x4x32x8x128xf32, #tpu.memory_space<hbm>> -> memref<1x1x1x8x128xf32, #tpu.memory_space<hbm>>
    %dma_wait3A_136 = tpu.memref_squeeze %dma_wait3A_135 : memref<1x1x1x8x128xf32, #tpu.memory_space<hbm>> -> memref<8x128xf32, #tpu.memory_space<hbm>>
    %dma_wait3A_137 = arith.constant 0 : i32
    %dma_wait3A_138 = arith.constant 0 : i32
    %dma_wait3A_139 = tpu.memref_slice %arg4[%dma_wait3A_127, %dma_wait3A_128, %add3A, %dma_wait3A_137, %dma_wait3A_138] : memref<26x4x32x8x128xf32, #tpu.memory_space<hbm>> -> memref<1x1x1x8x128xf32, #tpu.memory_space<hbm>>
    %dma_wait3A_140 = tpu.memref_squeeze %dma_wait3A_139 : memref<1x1x1x8x128xf32, #tpu.memory_space<hbm>> -> memref<8x128xf32, #tpu.memory_space<hbm>>
    %dma_wait3A_141 = arith.constant 0 : i32
    %dma_wait3A_142 = arith.constant 0 : i32
    %dma_wait3A_143 = tpu.memref_slice %arg7[%dma_wait3A_125, %dma_wait3A_126, %dma_wait3A_141, %dma_wait3A_142] : memref<2x4x8x128xf32, #tpu.memory_space<vmem>> -> memref<1x1x8x128xf32, #tpu.memory_space<vmem>>
    %dma_wait3A_144 = tpu.memref_squeeze %dma_wait3A_143 : memref<1x1x8x128xf32, #tpu.memory_space<vmem>> -> memref<8x128xf32, #tpu.memory_space<vmem>>
    tpu.wait_dma2 semaphore(%arg10 : memref<!tpu.dma_semaphore, #tpu.memory_space<semaphore_mem>>) src(%dma_wait3A_144 : memref<8x128xf32, #tpu.memory_space<vmem>>) dst(%dma_wait3A_140 : memref<8x128xf32, #tpu.memory_space<hbm>>)
    %dma_wait3A_145 = arith.constant 1 : i32
    %dma_wait3A_146 = arith.constant 2 : i32
    %dma_wait3A_147 = arith.constant 0 : i32
    %dma_wait3A_148 = arith.constant 2 : i32
    %dma_wait3A_149 = arith.constant 0 : i32
    %dma_wait3A_150 = arith.constant 0 : i32
    %dma_wait3A_151 = tpu.memref_slice %arg7[%dma_wait3A_145, %dma_wait3A_146, %dma_wait3A_149, %dma_wait3A_150] : memref<2x4x8x128xf32, #tpu.memory_space<vmem>> -> memref<1x1x8x128xf32, #tpu.memory_space<vmem>>
    %dma_wait3A_152 = tpu.memref_squeeze %dma_wait3A_151 : memref<1x1x8x128xf32, #tpu.memory_space<vmem>> -> memref<8x128xf32, #tpu.memory_space<vmem>>
    %dma_wait3A_153 = arith.constant 0 : i32
    %dma_wait3A_154 = arith.constant 0 : i32
    %dma_wait3A_155 = tpu.memref_slice %arg4[%dma_wait3A_147, %dma_wait3A_148, %add3A, %dma_wait3A_153, %dma_wait3A_154] : memref<26x4x32x8x128xf32, #tpu.memory_space<hbm>> -> memref<1x1x1x8x128xf32, #tpu.memory_space<hbm>>
    %dma_wait3A_156 = tpu.memref_squeeze %dma_wait3A_155 : memref<1x1x1x8x128xf32, #tpu.memory_space<hbm>> -> memref<8x128xf32, #tpu.memory_space<hbm>>
    %dma_wait3A_157 = arith.constant 0 : i32
    %dma_wait3A_158 = arith.constant 0 : i32
    %dma_wait3A_159 = tpu.memref_slice %arg4[%dma_wait3A_147, %dma_wait3A_148, %add3A, %dma_wait3A_157, %dma_wait3A_158] : memref<26x4x32x8x128xf32, #tpu.memory_space<hbm>> -> memref<1x1x1x8x128xf32, #tpu.memory_space<hbm>>
    %dma_wait3A_160 = tpu.memref_squeeze %dma_wait3A_159 : memref<1x1x1x8x128xf32, #tpu.memory_space<hbm>> -> memref<8x128xf32, #tpu.memory_space<hbm>>
    %dma_wait3A_161 = arith.constant 0 : i32
    %dma_wait3A_162 = arith.constant 0 : i32
    %dma_wait3A_163 = tpu.memref_slice %arg7[%dma_wait3A_145, %dma_wait3A_146, %dma_wait3A_161, %dma_wait3A_162] : memref<2x4x8x128xf32, #tpu.memory_space<vmem>> -> memref<1x1x8x128xf32, #tpu.memory_space<vmem>>
    %dma_wait3A_164 = tpu.memref_squeeze %dma_wait3A_163 : memref<1x1x8x128xf32, #tpu.memory_space<vmem>> -> memref<8x128xf32, #tpu.memory_space<vmem>>
    tpu.wait_dma2 semaphore(%arg10 : memref<!tpu.dma_semaphore, #tpu.memory_space<semaphore_mem>>) src(%dma_wait3A_164 : memref<8x128xf32, #tpu.memory_space<vmem>>) dst(%dma_wait3A_160 : memref<8x128xf32, #tpu.memory_space<hbm>>)
    %dma_wait3A_165 = arith.constant 1 : i32
    %dma_wait3A_166 = arith.constant 3 : i32
    %dma_wait3A_167 = arith.constant 0 : i32
    %dma_wait3A_168 = arith.constant 3 : i32
    %dma_wait3A_169 = arith.constant 0 : i32
    %dma_wait3A_170 = arith.constant 0 : i32
    %dma_wait3A_171 = tpu.memref_slice %arg7[%dma_wait3A_165, %dma_wait3A_166, %dma_wait3A_169, %dma_wait3A_170] : memref<2x4x8x128xf32, #tpu.memory_space<vmem>> -> memref<1x1x8x128xf32, #tpu.memory_space<vmem>>
    %dma_wait3A_172 = tpu.memref_squeeze %dma_wait3A_171 : memref<1x1x8x128xf32, #tpu.memory_space<vmem>> -> memref<8x128xf32, #tpu.memory_space<vmem>>
    %dma_wait3A_173 = arith.constant 0 : i32
    %dma_wait3A_174 = arith.constant 0 : i32
    %dma_wait3A_175 = tpu.memref_slice %arg4[%dma_wait3A_167, %dma_wait3A_168, %add3A, %dma_wait3A_173, %dma_wait3A_174] : memref<26x4x32x8x128xf32, #tpu.memory_space<hbm>> -> memref<1x1x1x8x128xf32, #tpu.memory_space<hbm>>
    %dma_wait3A_176 = tpu.memref_squeeze %dma_wait3A_175 : memref<1x1x1x8x128xf32, #tpu.memory_space<hbm>> -> memref<8x128xf32, #tpu.memory_space<hbm>>
    %dma_wait3A_177 = arith.constant 0 : i32
    %dma_wait3A_178 = arith.constant 0 : i32
    %dma_wait3A_179 = tpu.memref_slice %arg4[%dma_wait3A_167, %dma_wait3A_168, %add3A, %dma_wait3A_177, %dma_wait3A_178] : memref<26x4x32x8x128xf32, #tpu.memory_space<hbm>> -> memref<1x1x1x8x128xf32, #tpu.memory_space<hbm>>
    %dma_wait3A_180 = tpu.memref_squeeze %dma_wait3A_179 : memref<1x1x1x8x128xf32, #tpu.memory_space<hbm>> -> memref<8x128xf32, #tpu.memory_space<hbm>>
    %dma_wait3A_181 = arith.constant 0 : i32
    %dma_wait3A_182 = arith.constant 0 : i32
    %dma_wait3A_183 = tpu.memref_slice %arg7[%dma_wait3A_165, %dma_wait3A_166, %dma_wait3A_181, %dma_wait3A_182] : memref<2x4x8x128xf32, #tpu.memory_space<vmem>> -> memref<1x1x8x128xf32, #tpu.memory_space<vmem>>
    %dma_wait3A_184 = tpu.memref_squeeze %dma_wait3A_183 : memref<1x1x8x128xf32, #tpu.memory_space<vmem>> -> memref<8x128xf32, #tpu.memory_space<vmem>>
    tpu.wait_dma2 semaphore(%arg10 : memref<!tpu.dma_semaphore, #tpu.memory_space<semaphore_mem>>) src(%dma_wait3A_184 : memref<8x128xf32, #tpu.memory_space<vmem>>) dst(%dma_wait3A_180 : memref<8x128xf32, #tpu.memory_space<hbm>>)
    return
  }
}

</mosaic_0001>

<sc_bundles>
// kernel: kernel.4.cloned.1.call-start
scs
__scs_entry_jumppad:
0x0: {  	(pc) =	sbr.rel $0x88, $3  }
0x1: {  	(tag) =	ssettag $0x0;
	lr =	simm.s32 $0x1  }
0x2: {  	[smem:$0x3F9F] =	sst lr;
	_ =	strace $0xD0000000  }
0x3: {  	_ = 	snop  }
0x4: {  	_ = 	snop  }
0x5: {  	_ = 	snop  }
0x6: {  	_ = 	snop  }
0x7: {  	_ = 	snop  }
__scs_overlays_trampoline_lowered:
0x8: {  	[smem:$0x3FAE] =	sst s0  }
0x9: {  	[smem:$0x3FAF] =	sst s1  }
0xa: {  	[smem:$0x3FB0] =	sst s2  }
0xb: {  	[smem:$0x3FB1] =	sst s3  }
0xc: {  	[smem:$0x3FB2] =	sst s4  }
0xd: {  	[smem:$0x3FB3] =	sst s5  }
0xe: {  	[smem:$0x3FB4] =	sst s6  }
0xf: {  	[smem:$0x3FB5] =	sst s7  }
0x10: {  	[smem:$0x3FB6] =	sst s8  }
0x11: {  	[smem:$0x3FB7] =	sst s9;
	s0 =	simm.s32 @!p0 $0x0  }
0x12: {  	s1 =	sld [smem:$0x3F9D];
	s0 =	simm.s32 @p0 $0x1  }
0x13: {  	[smem:$0x3FB8] =	sst s0;
	s0 =	simm.s32 @!p1 $0x0  }
0x14: {  	s2 =	sld [smem:$0x3F9C];
	s0 =	simm.s32 @p1 $0x1  }
0x15: {  	[smem:$0x3FB9] =	sst s0;
	s0 =	simm.s32 @!p2 $0x0  }
0x16: {  	s3 =	sld [smem:$0x3FDB];
	s0 =	simm.s32 @p2 $0x1  }
0x17: {  	s4 =	simm.s32 $0x1BF5;
	[smem:$0x3FBB] =	sst s0  }
0x18: {  	s0 =	sld [smem:$0x3F9E];
	_ =	swait.ge [sflag:s4], $0x0  }
0x19: {  	s7 =	sld [smem:$0x3F9F]  }
0x1a: {  	s8 =	sadd.s32 $0xFFFFE003, lr  }
0x1b: {  	s9 =	sadd.s32 $0xFFFFFEF7, lr;
	s5 =	simm.s32 $0xFFFFFFFF;
	p2 =	slt.u32 s8, $0xFFFFF086  }
0x1c: {  	p1 =	slt.u32 s9, $0xF7A;
	s5 =	simm.s32 @!p2 $0x0  }
0x1d: {  	s5 =	simm.s32 @p1 $0x1;
	p0 =	seq.s32 s7, s2  }
0x1e: {  	s7 =	smul.u32 @!p0 $0xF7A, s2;
	p2 =	seq.s32 @!p0 s5, $0x0  }
0x1f: {  	s9 =	smul.u32 $0xF7A, s1;
	s8 =	simm.s32 @!p0 $0x1BF5;
	p2 =	por !p2, p0  }
0x20: {  	[sflag:s8] =	ssyncset.s32 @!p0 $0xFFFFF086;
	s6 =	sadd.s32 @!p0 s3, s7;
	s7 =	simm.s32 @!p0 $0x108  }
0x21: {  	s3 =	sadd.s32 s3, s9;
	s6 =	sadd.s32 @!p0 $0x88, s6;
	s7 =	simm.s32 @p2 $0x1082  }
0x22: {  	[simem:s7], [sflag:s8] =	dma.local @!p0 [hbm:s6], $0xF7A  }
0x23: {  	s9 =	sor.u32 $0xD0000000, s2;
	s6 =	simm.s32 $0x108;
	_ =	swait.ge @!p0 [sflag:s8], $0x0  }
0x24: {  	s3 =	sadd.s32 $0x88, s3;
	s6 =	simm.s32 @!p1 $0x1082;
	[sflag:s4] =	ssyncset.s32 $0xFFFFF086  }
0x25: {  	[simem:s6], [sflag:s4] =	dma.local [hbm:s3], $0xF7A  }
0x26: {  	[smem:$0x3F9F] =	sst s1;
	(tag) =	ssettag s2;
	_ =	strace s9  }
0x27: {  	s1 =	sld [smem:$0x3FAF]  }
0x28: {  	s2 =	sld [smem:$0x3FB0]  }
0x29: {  	s4 =	sld [smem:$0x3FB2]  }
0x2a: {  	p0 =	seq.s32 s5, $0x0;
	s5 =	sld [smem:$0x3FB3]  }
0x2b: {  	s6 =	sld [smem:$0x3FB4]  }
0x2c: {  	s7 =	sld [smem:$0x3FB5]  }
0x2d: {  	s3 =	simm.s32 $0x108;
	s8 =	sld [smem:$0x3FB6]  }
0x2e: {  	s3 =	simm.s32 @!p0 $0x1082;
	s9 =	sld [smem:$0x3FB7]  }
0x2f: {  	lr =	sadd.s32 s0, s3;
	s0 =	sld [smem:$0x3FAE]  }
0x30: {  	s3 =	sld [smem:$0x3FB1]  }
0x31: {  	[smem:$0x3FBA] =	sst s10  }
0x32: {  	s10 =	sld [smem:$0x3FB8];
	_ =	sdelay $0x3  }
0x33: {  	p0 =	seq.s32 s10, $0x1;
	s10 =	sld [smem:$0x3FBA];
	_ =	sdelay $0x3  }
0x34: {  	[smem:$0x3FBA] =	sst s10  }
0x35: {  	s10 =	sld [smem:$0x3FB9];
	_ =	sdelay $0x3  }
0x36: {  	p1 =	seq.s32 s10, $0x1;
	s10 =	sld [smem:$0x3FBA];
	_ =	sdelay $0x3  }
0x37: {  	[smem:$0x3FBA] =	sst s10  }
0x38: {  	s10 =	sld [smem:$0x3FBB]  }
0x39: {  	_ = 	snop;
	(pc) =	sbr.ind lr, $3  }
0x3a: {  	_ = 	snop  }
0x3b: {  	_ = 	snop  }
0x3c: {  	p2 =	seq.s32 s10, $0x1;
	s10 =	sld [smem:$0x3FBA]  }
0x3d: {  	_ =	shalt  }
0x3e: {  	_ =	shalt  }
0x3f: {  	_ =	shalt  }
0x40: {  	_ =	shalt  }
0x41: {  	_ =	shalt  }
0x42: {  	_ =	shalt  }
0x43: {  	_ =	shalt  }
0x44: {  	_ =	shalt  }
0x45: {  	_ =	shalt  }
0x46: {  	_ =	shalt  }
0x47: {  	_ =	shalt  }
0x48: {  	_ =	shalt  }
0x49: {  	_ =	shalt  }
0x4a: {  	_ =	shalt  }
0x4b: {  	_ =	shalt  }
0x4c: {  	_ =	shalt  }
0x4d: {  	_ =	shalt  }
0x4e: {  	_ =	shalt  }
0x4f: {  	_ =	shalt  }
0x50: {  	_ =	shalt  }
0x51: {  	_ =	shalt  }
0x52: {  	_ =	shalt  }
0x53: {  	_ =	shalt  }
0x54: {  	_ =	shalt  }
0x55: {  	_ =	shalt  }
0x56: {  	_ =	shalt  }
0x57: {  	_ =	shalt  }
0x58: {  	_ =	shalt  }
0x59: {  	_ =	shalt  }
0x5a: {  	_ =	shalt  }
0x5b: {  	_ =	shalt  }
0x5c: {  	_ =	shalt  }
0x5d: {  	_ =	shalt  }
0x5e: {  	_ =	shalt  }
0x5f: {  	_ =	shalt  }
0x60: {  	_ =	shalt  }
0x61: {  	_ =	shalt  }
0x62: {  	_ =	shalt  }
0x63: {  	_ =	shalt  }
0x64: {  	_ =	shalt  }
0x65: {  	_ =	shalt  }
0x66: {  	_ =	shalt  }
0x67: {  	_ =	shalt  }
0x68: {  	_ =	shalt  }
0x69: {  	_ =	shalt  }
0x6a: {  	_ =	shalt  }
0x6b: {  	_ =	shalt  }
0x6c: {  	_ =	shalt  }
0x6d: {  	_ =	shalt  }
0x6e: {  	_ =	shalt  }
0x6f: {  	_ =	shalt  }
0x70: {  	_ =	shalt  }
0x71: {  	_ =	shalt  }
0x72: {  	_ =	shalt  }
0x73: {  	_ =	shalt  }
0x74: {  	_ =	shalt  }
0x75: {  	_ =	shalt  }
0x76: {  	_ =	shalt  }
0x77: {  	_ =	shalt  }
0x78: {  	_ =	shalt  }
0x79: {  	_ =	shalt  }
0x7a: {  	_ =	shalt  }
0x7b: {  	_ =	shalt  }
0x7c: {  	_ =	shalt  }
0x7d: {  	_ =	shalt  }
0x7e: {  	_ =	shalt  }
0x7f: {  	_ =	shalt  }
0x80: {  	_ =	shalt  }
0x81: {  	_ =	shalt  }
0x82: {  	_ =	shalt  }
0x83: {  	_ =	shalt  }
0x84: {  	_ =	shalt  }
0x85: {  	_ =	shalt  }
0x86: {  	_ =	shalt  }
0x87: {  	_ =	shalt  }
.Lfunc_end0:
.L_simem_size_0:
called_computation_lowered:
.L_overlay_start_0:
0x88: {  	s2 =	sld [smem:$0x3FD9]  }
0x89: {  	s3 =	sld [smem:$0x3FFE];
	_ =	sdelay $0x1  }
0x8a: {  	s1 =	srdreg.scid  }
0x8b: {  	s0 =	sand.u32 $0x1, s1  }
0x8c: {  	s17 =	sshll.u32 s0, $0xA;
	s2 =	sadd.s32 s3, s2  }
0x8d: {  	s2 =	sadd.s32 s2, s17  }
0x8e: {  	[smem:$0x3FC6] =	sst s2  }
0x8f: {  	_ = 	snop  }
0x90: {  	s2 =	sld [smem:$0x3FC8]  }
0x91: {  	s18 =	sld [smem:$0x3FD0];
	(tm) =	ssettm $0x1  }
0x92: {  	s4 =	sld [smem:$0x3FFB];
	_ =	sdelay $0x3  }
0x93: {  	_ =	strace s4  }
0x94: {  	s4 =	sld [smem:$0x3FFC];
	_ =	sdelay $0x3  }
0x95: {  	_ =	strace s4  }
0x96: {  	s4 =	sld [smem:$0x3FFD];
	_ =	sdelay $0x3  }
0x97: {  	_ =	strace s4  }
0x98: {  	_ =	strace $0x8FFFFFFF  }
0x99: {  	s19 =	sld [smem:$0x3FDB];
	_ =	sdelay $0x1  }
0x9a: {  	s5 =	simm.s32 $_scs_section_size  }
0x9b: {  	s6 =	simm.s32 $_size__tile_overlayer_lowered;
	s7 =	simm.s32 $_tile_overlayer_lowered  }
0x9c: {  	s22 =	simm.s32 $0x1BFF;
	s21 =	sshll.u32 s7, $0x1;
	s4 =	sadd.s32 s5, s19  }
0x9d: {  	s8 =	simm.s32 $0x0;
	s20 =	sshll.u32 s6, $0x1;
	s6 =	sadd.s32 s21, s4  }
0x9e: {  	[timem:s8], [sflag:s22] =	dma.local [hbm:s6], s20  }
0x9f: {  	_ =	swait.ge [sflag:s22], s20  }
0xa0: {  	s5 =	ssub.s32 $0x0, s20;
	[sflag:s22] =	ssyncset.done $0x0  }
0xa1: {  	[sflag:s22] =	ssyncadd.s32 s5;
	_ =	sdelay $0x1  }
0xa2: {  	s23 =	simm.s32 $0x1B8B  }
0xa3: {  	_ =	swait.ge [sflag:s23], $0x1  }
0xa4: {  	[sflag:s23] =	ssyncset.done $0x0  }
0xa5: {  	s25 =	simm.s32 $0x1B8E;
	s24 =	sld [smem:$0x3FFE];
	[sflag:s23] =	ssyncadd.s32 $0xFFFFFFFF  }
0xa6: {  	s26 =	simm.s32 $execute0_lowered;
	[smem:$0x3FD2] =	sst s25  }
0xa7: {  	s6 =	sshll.u32 s26, $0x1;
	_ =	strace $0x80000046;
	[dreg:$0x1] =	wrdreg $0xFFFFFFFF  }
0xa8: {  	s28 =	simm.s32 $_size_execute0_lowered;
	s4 =	sadd.s32 s4, s6;
	[dreg:$0x0] =	wrdreg $0x0  }
0xa9: {  	s6 =	sshll.u32 s28, $0x1;
	[dreg:$0x2] =	wrdreg s4  }
0xaa: {  	[dreg:$0x3] =	wrdreg s6  }
0xab: {  	[dreg:$0x4] =	wrdreg $0xC0  }
0xac: {  	_ =	task [dreg:s8], $0x5FFFF  }
0xad: {  	[dreg:$0x1] =	wrdreg $0xFFFFFFFF  }
0xae: {  	[dreg:$0x0] =	wrdreg $0x60  }
0xaf: {  	[dreg:$0x2] =	wrdreg s2  }
0xb0: {  	[dreg:$0x3] =	wrdreg s18  }
0xb1: {  	[dreg:$0x4] =	wrdreg s24  }
0xb2: {  	[dreg:$0x5] =	wrdreg $0x9  }
0xb3: {  	_ =	task.clear_ibuf [dreg:s8], $0x6FFFF;
	_ =	strace $0x90000046  }
0xb4: {  	s29 =	simm.s32 $0x9;
	_ =	strace $0x80000048  }
0xb5: {  	_ =	swait.ge [sflag:s29], $0x1  }
0xb6: {  	[sflag:s29] =	ssyncadd.s32 $0xFFFFFFFF  }
0xb7: {  	_ =	strace $0x90000048  }
0xb8: {  	_ =	sfence  }
0xb9: {  	s30 =	sld [smem:$0x0];
	_ =	sdelay $0x2  }
0xba: {  	s31 =	sshll.u32 s1, $0xD;
	s1 =	sshrl.u32 s1, $0x2  }
0xbb: {  	s3 =	sand.u32 $0x4000, s31;
	s1 =	sadd.s32 s1, s30  }
0xbc: {  	s0 =	sor.u32 s3, s0;
	s1 =	sshll.u32 s1, $0x11  }
0xbd: {  	s0 =	sor.u32 s1, s0  }
0xbe: {  	s0 =	sadd.s32 $0x8F2B, s0  }
0xbf: {  	[sflag:s0] =	ssyncadd.remote.s32 $0x1  }
0xc0: {  	_ =	sfence.sel $0xFFFF  }
0xc1: {  	[dreg:$0x0] =	wrdreg $0xFFFFFFFF;
	(pc) =	sbr.abs _section_cstart, $3  }
0xc2: {  	[dreg:$0x1] =	wrdreg $0xFFFFFFFF  }
0xc3: {  	_ =	task.clear_ibuf [dreg:s8], $0x2FFFF;
	_ =	strace $0x9FFFFFFF  }
0xc4: {  	(tm) =	ssettm $0x7FFFFFFF  }
0xc5: {  	_ =	shalt  }
tec
execute0_lowered:
.L_overlay_start_1:
0x0: {  	(tag) =	ssettag $0x1  }
0x1: {  	v0 =	vimm.s32 $0x1780;
	vm0 =	vcmask $0x300;
	v1 =	vimm.s32 $0x3F80  }
0x2: {  	s0 =	rddreg [dreg:$0x0];
	s1 =	srdreg.scid;
	vm1 =	vcmask $0x704;
	v0 =	vsel vm0, $0x0, v0;
	v1 =	vsel vm0, $0x2800, v1  }
0x3: {  	s3 =	stileid.u32;
	vm15 =	vcmask $0xB08;
	s29 =	rddreg [dreg:$0x2];
	v0 =	vsel vm1, $0x80, v0;
	v1 =	vsel vm1, $0x2880, v1  }
0x4: {  	vm4 =	vcmask $0xF0C;
	s6 =	simm.s32 $0x1;
	s4 =	simm.s32 $0x0;
	s12 =	simm.s32 $0x3E;
	v0 =	vsel vm15, $0x100, v0;
	v1 =	vsel vm15, $0x2900, v1  }
0x5: {  	vm5 =	vcmask $0x1310;
	s9 =	simm.s32 $0x1;
	s18 =	simm.s32 $0xA000;
	s19 =	simm.s32 $0x2;
	v0 =	vsel vm4, $0x180, v0;
	v1 =	vsel vm4, $0x2980, v1  }
0x6: {  	vm6 =	vcmask $0x1714;
	s20 =	simm.s32 $0x5000;
	s2 =	sand.u32 $0x1, s1;
	s28 =	sshll.u32 s3, $0x1;
	v0 =	vsel vm5, $0x200, v0;
	v1 =	vsel vm5, $0x2A00, v1  }
0x7: {  	vm7 =	vcmask $0x1B18;
	s21 =	simm.s32 $0xE000;
	s22 =	simm.s32 $0x3;
	s1 =	sor.u32 s2, s28;
	v0 =	vsel vm6, $0x280, v0;
	v1 =	vsel vm6, $0x2A80, v1  }
0x8: {  	vm8 =	vcmask $0x1F1C;
	s23 =	simm.s32 $0x4;
	s5 =	smul.u32 $0x3D, s1;
	p0 =	sne.s32 s1, $0x0;
	v0 =	vsel vm7, $0x300, v0;
	v1 =	vsel vm7, $0x2B00, v1  }
0x9: {  	vm9 =	vcmask $0x2320;
	s24 =	simm.s32 $0x0;
	[smem:$0x7FF] =	sst s4;
	s6 =	simm.s32 @!p0 $0x0;
	v0 =	vsel vm8, $0x380, v0;
	v1 =	vsel vm8, $0x2B80, v1  }
0xa: {  	vm10 =	vcmask $0x2724;
	s13 =	sadd.s32 $0x3D1200, s29;
	s2 =	ssub.s32 $0x2, s2;
	s5 =	sadd.s32 s6, s5;
	v0 =	vsel vm9, $0x1400, v0;
	v1 =	vsel vm9, $0x3C00, v1  }
0xb: {  	vm11 =	vcmask $0x2B28;
	_ =	strace $0x80000047;
	s7 =	sshrl.u32 s2, $0x1;
	s8 =	sshll.u32 s5, $0x9;
	v0 =	vsel vm10, $0x1480, v0;
	v1 =	vsel vm10, $0x3C80, v1  }
.Ltmp0:
0xc: {  	vm12 =	vcmask $0x2F2C;
	s2 =	ssub.s32 s2, s7;
	s7 =	sadd.s32 s0, s8;
	v0 =	vsel vm11, $0x1500, v0;
	v1 =	vsel vm11, $0x3D00, v1;
	(pc) =	sbr.rel .LBB2_1-.Ltmp0, $4  }
0xd: {  	vm13 =	vcmask $0x3330;
	p0 =	seq.s32 s1, $0x0;
	s6 =	sadd.s32 $0xA00, s29;
	s8 =	sadd.s32 $0x1E8500, s7;
	v0 =	vsel vm12, $0x1580, v0;
	v1 =	vsel vm12, $0x3D80, v1  }
0xe: {  	vm14 =	vcmask $0x3734;
	s12 =	simm.s32 @!p0 $0x3D;
	s30 =	sadd.s32 $0x2DC780, s7;
	[dreg:$0x4] =	wrdreg s8;
	v0 =	vsel vm13, $0x1600, v0;
	v1 =	vsel vm13, $0x3E00, v1  }
0xf: {  	vm15 =	vcmask $0x3B38;
	s14 =	smax.u32 s2, $0x1;
	s31 =	sadd.s32 $0xF4280, s7;
	[dreg:$0x5] =	wrdreg s30;
	v0 =	vsel vm14, $0x1680, v0;
	v1 =	vsel vm14, $0x3E80, v1  }
0x10: {  	p0 =	sne.s32 s1, $0x1F;
	s12 =	sadd.s32 s12, s5;
	[dreg:$0x6] =	wrdreg s31;
	v0 =	vsel vm15, $0x1700, v0;
	v1 =	vsel vm15, $0x3F00, v1  }
.LBB2_13:
0x11: {  	_ =	swait.ge [sflag:s22], $0x4000  }
0x12: {  	[sflag:s22] =	ssyncset.done $0x0  }
0x13: {  	[sflag:s22] =	ssyncadd.s32 $0xFFFFC000  }
0x14: {  	_ =	swait.ge [sflag:s23], $0x4000  }
0x15: {  	[sflag:s23] =	ssyncset.done $0x0  }
0x16: {  	[sflag:s23] =	ssyncadd.s32 $0xFFFFC000  }
0x17: {  	s1 =	simm.s32 @!p0 $0x0;
	s2 =	simm.s32 @!p0 $0xA000;
	s3 =	rddreg [dreg:$0x1]  }
0x18: {  	[tilespmem:s2], [sflag:$0x5] =	stream.linear.gather @!p0 [hbm4b:s3+s1], $0x800, $0x38;
	[tilespmem:$0x12000] =	vst v63  }
0x19: {  	s3 =	simm.s32 @!p0 $0x5  }
0x1a: {  	s24 =	sadd.s32 $0x1, s24;
	_ =	swait.ge @!p0 [sflag:s3], $0x800  }
0x1b: {  	p1 =	sne.s32 s24, s14;
	[sflag:s3] =	ssyncset.done @!p0 $0x0  }
.Ltmp1:
0x1c: {  	[sflag:s3] =	ssyncadd.s32 @!p0 $0xFFFFF800;
	(pc) =	sbr.rel @!p1 .LBB2_14-.Ltmp1, $4  }
0x1d: {  	[hbm4b:s13+s1] =	stream.linear.scatter @!p0 [tilespmem:s2], [sflag:$0x5], $0x800, $0x38;
	[tilespmem:$0x12000] =	vst v63  }
0x1e: {  	_ =	swait.ge @!p0 [sflag:s3], $0x800  }
0x1f: {  	[sflag:s3] =	ssyncset.done @!p0 $0x0  }
0x20: {  	[sflag:s3] =	ssyncadd.s32 @!p0 $0xFFFFF800  }
.LBB2_1:
0x21: {  	[tilespmem:s4], [sflag:$0x1] =	stream.linear.gather [hbm4b:s7+s4], $0x1000, $0x38;
	[tilespmem:$0x12000] =	vst v63  }
0x22: {  	s1 =	rddreg [dreg:$0x6];
	s2 =	simm.s32 $0x1400  }
0x23: {  	[tilespmem:s2], [sflag:$0x1] =	stream.linear.gather [hbm4b:s1+s4], $0x1000, $0x38;
	[tilespmem:$0x12000] =	vst v63  }
.Ltmp2:
0x24: {  	_ = 	snop;
	(pc) =	sbr.rel .LBB2_2-.Ltmp2, $4  }
0x25: {  	s28 =	rddreg [dreg:$0x4];
	s29 =	simm.s32 $0x2800  }
0x26: {  	[tilespmem:s29], [sflag:$0x1] =	stream.linear.gather [hbm4b:s28+s4], $0x1000, $0x38;
	[tilespmem:$0x12000] =	vst v63  }
0x27: {  	s30 =	rddreg [dreg:$0x5];
	s31 =	simm.s32 $0x3C00;
	s25 =	simm.s32 $0x0  }
0x28: {  	[tilespmem:s31], [sflag:$0x1] =	stream.linear.gather [hbm4b:s30+s4], $0x1000, $0x38;
	[tilespmem:$0x12000] =	vst v63  }
.LBB2_12:
0x29: {  	s25 =	sadd.s32 $0x1, s25  }
0x2a: {  	p1 =	sne.s32 s25, $0x1F  }
.Ltmp3:
0x2b: {  	_ = 	snop;
	(pc) =	sbr.rel @!p1 .LBB2_13-.Ltmp3, $1  }
0x2c: {  	_ =	sdelay $0x3  }
.LBB2_2:
0x2d: {  	s1 =	sshll.u32 s25, $0x1  }
0x2e: {  	s30 =	simm.s32 $0x0;
	s10 =	simm.s32 $0x1;
	s11 =	simm.s32 $0x2  }
0x2f: {  	s16 =	simm.s32 $0x5;
	s17 =	simm.s32 $0x7;
	s28 =	sadd.s32 s5, s1  }
0x30: {  	s8 =	simm.s32 $0x8;
	v2 =	vmov s30;
	v3 =	vmov s10;
	v4 =	vmov s11;
	s10 =	simm.s32 $0x9;
	s26 =	sadd.s32 $0x1, s28  }
0x31: {  	v5 =	vmov s16;
	v8 =	vmov s17;
	v11 =	vmov s8;
	s11 =	simm.s32 $0xA;
	s17 =	simm.s32 $0x3;
	p2 =	sge.u32 s26, s12  }
0x32: {  	s8 =	simm.s32 $0xD;
	v10 =	vand.u32 $0x70, v2;
	v7 =	vand.u32 $0x72, v4;
	v13 =	vmov s10;
	s1 =	sshll.u32 @!p2 s26, $0x9;
	s3 =	simm.s32 @!p2 $0x0  }
0x33: {  	v14 =	vmov s11;
	v16 =	vand.u32 $0x71, v3;
	v9 =	vshll.u32 v5, $0x3;
	s15 =	simm.s32 @!p2 $0x5000;
	s2 =	sadd.s32 @!p2 s0, s1;
	s1 =	sand.u32 @!p2 $0x1FFFFE00, s1  }
0x34: {  	v17 =	vshll.u32 v8, $0x3;
	v4 =	vshll.u32 v4, $0x3;
	v15 =	vmov s17;
	[tilespmem:s15], [sflag:$0x2] =	stream.linear.gather @!p2 [hbm4b:s2+s3], $0x1000, $0x38;
	[tilespmem:$0x12000] =	vst v63  }
0x35: {  	s16 =	simm.s32 $0xC;
	v19 =	vand.u32 $0x75, v5;
	v5 =	vmov s8;
	s10 =	simm.s32 $0xE;
	v29 =	vshll.u32 v2, $0x3;
	s1 =	sadd.s32 @!p2 s0, s1  }
0x36: {  	s11 =	simm.s32 $0xF;
	v3 =	vshll.u32 v3, $0x3;
	v18 =	vand.u32 $0xC00, v9;
	v9 =	vmov s16;
	s31 =	simm.s32 @!p2 $0x6400;
	s29 =	sadd.s32 @!p2 $0xF4280, s1  }
0x37: {  	v21 =	vshll.u32 v15, $0x3;
	v22 =	vshll.u32 v13, $0x3;
	v23 =	vmov s10;
	[tilespmem:s31], [sflag:$0x2] =	stream.linear.gather @!p2 [hbm4b:s29+s3], $0x1000, $0x38;
	[tilespmem:$0x12000] =	vst v63  }
0x38: {  	s16 =	simm.s32 $0x6;
	v24 =	vmov s11;
	v27 =	vand.u32 $0x7A, v14;
	v4 =	vand.u32 $0xC00, v4;
	s29 =	sadd.s32 @!p2 $0x1E8500, s1;
	s31 =	simm.s32 @!p2 $0x7800  }
0x39: {  	v17 =	vand.u32 $0xC00, v17;
	v14 =	vshll.u32 v14, $0x3;
	v3 =	vand.u32 $0xC00, v3;
	[tilespmem:s31], [sflag:$0x2] =	stream.linear.gather @!p2 [hbm4b:s29+s3], $0x1000, $0x38;
	[tilespmem:$0x12000] =	vst v63  }
0x3a: {  	v20 =	vshll.u32 v9, $0x3;
	v21 =	vand.u32 $0xC00, v21;
	v28 =	vmov s16;
	s2 =	simm.s32 @!p2 $0x8C00;
	s1 =	sadd.s32 @!p2 $0x2DC780, s1  }
0x3b: {  	v25 =	vshll.u32 v23, $0x3;
	v26 =	vshll.u32 v24, $0x3;
	v2 =	vand.u32 $0x7E, v23;
	[tilespmem:s2], [sflag:$0x2] =	stream.linear.gather @!p2 [hbm4b:s1+s3], $0x1000, $0x38;
	[tilespmem:$0x12000] =	vst v63  }
0x3c: {  	v4 =	vor.u32 v7, v4;
	v7 =	vand.u32 $0x77, v8;
	v8 =	vand.u32 $0xC00, v14;
	_ =	swait.ge [sflag:s9], $0x1000  }
0x3d: {  	v14 =	vshll.u32 v11, $0x3;
	v11 =	vand.u32 $0x78, v11;
	v3 =	vor.u32 v16, v3;
	[sflag:s9] =	ssyncset.done $0x0  }
0x3e: {  	v23 =	vand.u32 $0xC00, v25;
	v25 =	vand.u32 $0x73, v15;
	v15 =	vand.u32 $0x7D, v5;
	[sflag:s9] =	ssyncadd.s32 $0xFFFFF000  }
0x3f: {  	v26 =	vand.u32 $0xC00, v26;
	v8 =	vor.u32 v27, v8;
	v23 =	vor.u32 v2, v23;
	_ =	swait.ge [sflag:s9], $0x1000  }
0x40: {  	s15 =	simm.s32 $0x4;
	v2 =	vand.u32 $0x7F, v24;
	v24 =	vand.u32 $0x7C, v9;
	v8 =	vadd.s32 v0, v8;
	[sflag:s9] =	ssyncset.done $0x0  }
0x41: {  	v6 =	vmov s15;
	v9 =	vor.u32 v2, v26;
	v2 =	vor.u32 v25, v21;
	[sflag:s9] =	ssyncadd.s32 $0xFFFFF000  }
0x42: {  	v21 =	vand.u32 $0xC00, v22;
	v25 =	vand.u32 $0x79, v13;
	v12 =	vshll.u32 v6, $0x3;
	_ =	swait.ge [sflag:s9], $0x1000  }
0x43: {  	v13 =	vor.u32 v7, v17;
	v6 =	vand.u32 $0x74, v6;
	v12 =	vand.u32 $0xC00, v12;
	[sflag:s9] =	ssyncset.done $0x0  }
0x44: {  	v17 =	vand.u32 $0xC00, v20;
	v22 =	vadd.s32 v0, v9;
	v7 =	vor.u32 v6, v12;
	[sflag:s9] =	ssyncadd.s32 $0xFFFFF000  }
0x45: {  	v20 =	vadd.s32 v0, v23;
	v6 =	vor.u32 v19, v18;
	v23 =	vadd.s32 v0, v7;
	_ =	swait.ge [sflag:s9], $0x1000  }
0x46: {  	s17 =	simm.s32 $0xB;
	v16 =	vadd.s32 v0, v4;
	v33 =	vadd.s32 v0, v3;
	v18 =	vadd.s32 v0, v6;
	[sflag:s9] =	ssyncset.done $0x0  }
0x47: {  	v30 =	vor.u32 v25, v21;
	v12 =	vmov s17;
	v19 =	vand.u32 $0xC00, v14;
	[sflag:s9] =	ssyncadd.s32 $0xFFFFF000  }
0x48: {  	v14 =	vshll.u32 v5, $0x3;
	v26 =	vshll.u32 v12, $0x3;
	v12 =	vand.u32 $0x7B, v12;
	v21 =	vld.idx.msk [tilespmem:v8+s30+$0x0], $0xffff  }
0x49: {  	v31 =	vand.u32 $0xC00, v26;
	v32 =	vld.idx.msk [tilespmem:v22+s30+$0x0], $0xffff;
	v8 =	vor.u32 v11, v19;
	v11 =	vor.u32 v24, v17  }
0x4a: {  	v27 =	vld.idx.msk [tilespmem:v23+s30+$0x0], $0xffff;
	v17 =	vand.u32 $0xC00, v29;
	v22 =	vadd.s32 v0, v2;
	v23 =	vor.u32 v12, v31  }
0x4b: {  	v26 =	vld.idx.msk [tilespmem:v18+s30+$0x0], $0xffff;
	v12 =	vshll.u32 v28, $0x3;
	v18 =	vadd.s32 v0, v13;
	v25 =	vadd.s32 v0, v8  }
0x4c: {  	s31 =	simm.s32 $0xA100;
	v24 =	vld.idx.msk [tilespmem:v20+s30+$0x0], $0xffff;
	v19 =	vadd.s32 v0, v11;
	v10 =	vor.u32 v10, v17;
	v11 =	vand.u32 $0x76, v28  }
0x4d: {  	v12 =	vand.u32 $0xC00, v12;
	v20 =	vadd.s32 v0, v23;
	v23 =	vld.idx.msk [tilespmem:v33+s30+$0x0], $0xffff;
	v28 =	vadd.s32 v0, v30;
	[tilespmem:s31+$0x40] =	vst v21  }
0x4e: {  	s29 =	simm.s32 $0xA110;
	s1 =	simm.s32 $0x10;
	s3 =	simm.s32 $0xA300;
	v29 =	vand.u32 $0xC00, v14;
	v17 =	vadd.s32 v0, v10;
	v21 =	vld.idx.msk [tilespmem:v16+s30+$0x0], $0xffff;
	v16 =	vor.u32 v11, v12;
	[tilespmem:s31+$0xE0] =	vst v32  }
.LBB2_3:
0x4f: {  	s2 =	sadd.s32 $0x1, s1  }
0x50: {  	v30 =	vmov s1;
	s15 =	sadd.s32 $0x2, s1;
	s16 =	sadd.s32 $0x3, s1;
	[tilespmem:s31+$0xFFFFFF80] =	vst v27;
	v27 =	vadd.s32 v0, v16;
	v15 =	vor.u32 v15, v29;
	s17 =	smov.u32 s1  }
0x51: {  	s8 =	sadd.s32 $0x6, s1;
	v29 =	vmov s2;
	v31 =	vmov s15;
	s2 =	sadd.s32 $0x4, s1;
	s15 =	sadd.s32 $0x5, s1;
	[tilespmem:s31+$0xFFFFFFA0] =	vst v26;
	v25 =	vld.idx.msk [tilespmem:v25+s30+$0x0], $0xffff;
	v15 =	vadd.s32 v0, v15  }
0x52: {  	s10 =	sadd.s32 $0x8, s1;
	v16 =	vand.u32 $0x70, v30;
	v26 =	vmov s2;
	v32 =	vmov s15;
	s15 =	sadd.s32 $0x7, s1;
	s2 =	sadd.s32 $0xB, s1;
	v22 =	vld.idx.msk [tilespmem:v22+s30+$0x0], $0xffff  }
0x53: {  	v35 =	vmov s10;
	s10 =	sadd.s32 $0x9, s17;
	s11 =	sadd.s32 $0xA, s17;
	v33 =	vand.u32 $0x72, v31;
	v34 =	vmov s15;
	s15 =	sadd.s32 $0x10, s1;
	v19 =	vld.idx.msk [tilespmem:v19+s30+$0x0], $0xffff;
	[tilespmem:s31+$0xC0] =	vst v24  }
0x54: {  	p1 =	slt.u32 s1, $0x1F0;
	v36 =	vmov s10;
	v37 =	vmov s11;
	v24 =	vshll.u32 v26, $0x3;
	[tilespmem:s31+$0xFFFFFF40] =	vst v21;
	v21 =	vld.idx.msk [tilespmem:v28+s30+$0x0], $0xffff  }
0x55: {  	v38 =	vshll.u32 v32, $0x3;
	s1 =	sadd.s32 $0xC, s17;
	v28 =	vand.u32 $0x71, v29;
	v39 =	vshll.u32 v34, $0x3;
	[tilespmem:s31+$0xFFFFFF20] =	vst v23;
	v23 =	vld.idx.msk [tilespmem:v27+s30+$0x0], $0xffff  }
0x56: {  	v27 =	vshll.u32 v31, $0x3;
	v31 =	vand.u32 $0xC00, v38;
	v38 =	vmov s1;
	v20 =	vld.idx.msk [tilespmem:v20+s30+$0x0], $0xffff  }
0x57: {  	v40 =	vmov s16;
	v32 =	vand.u32 $0x75, v32;
	s1 =	sadd.s32 $0xD, s17;
	v41 =	vshll.u32 v38, $0x3;
	[tilespmem:s31+$0x0] =	vst v25;
	v25 =	vld.idx.msk [tilespmem:v15+s30+$0x0], $0xffff  }
0x58: {  	s10 =	sadd.s32 $0xF, s17;
	v42 =	vshll.u32 v36, $0x3;
	v43 =	vmov s1;
	s1 =	sadd.s32 $0xE, s17;
	v15 =	vshll.u32 v40, $0x3;
	[tilespmem:s31+$0xFFFFFF60] =	vst v22;
	v18 =	vld.idx.msk [tilespmem:v18+s30+$0x0], $0xffff  }
0x59: {  	v44 =	vmov s10;
	v22 =	vand.u32 $0xC00, v15;
	v15 =	vmov s1;
	v17 =	vld.idx.msk [tilespmem:v17+s30+$0x0], $0xffff;
	[tilespmem:s31+$0x80] =	vst v19  }
0x5a: {  	v45 =	vmov s8;
	v46 =	vshll.u32 v44, $0x3;
	v19 =	vshll.u32 v15, $0x3;
	[tilespmem:s31+$0x20] =	vst v21  }
0x5b: {  	v21 =	vshll.u32 v30, $0x3;
	v30 =	vand.u32 $0x7E, v15;
	v19 =	vand.u32 $0xC00, v19;
	[tilespmem:s31+$0xFFFFFFC0] =	vst v23  }
0x5c: {  	v15 =	vand.u32 $0x7D, v43;
	v23 =	vand.u32 $0x73, v40;
	v40 =	vand.u32 $0xC00, v46;
	[tilespmem:s31+$0x60] =	vst v20  }
0x5d: {  	v19 =	vor.u32 v30, v19;
	v30 =	vand.u32 $0x7F, v44;
	v20 =	vand.u32 $0x7A, v37;
	[tilespmem:s31+$0xA0] =	vst v25  }
0x5e: {  	v38 =	vand.u32 $0x7C, v38;
	v25 =	vand.u32 $0xC00, v27;
	v27 =	vor.u32 v30, v40;
	[tilespmem:s31+$0xFFFFFFE0] =	vst v18  }
0x5f: {  	v18 =	vor.u32 v23, v22;
	v22 =	vand.u32 $0xC00, v39;
	v23 =	vshll.u32 v37, $0x3;
	[tilespmem:s31+$0xFFFFFF00] =	vst v17;
	s31 =	smov.u32 s3  }
0x60: {  	v17 =	vor.u32 v33, v25;
	v25 =	vand.u32 $0x77, v34;
	v23 =	vand.u32 $0xC00, v23  }
0x61: {  	v30 =	vand.u32 $0xC00, v42;
	v20 =	vor.u32 v20, v23;
	v23 =	vadd.s32 v0, v27  }
0x62: {  	v26 =	vand.u32 $0x74, v26;
	v27 =	vand.u32 $0x79, v36;
	v20 =	vadd.s32 v0, v20  }
0x63: {  	v24 =	vand.u32 $0xC00, v24;
	v33 =	vor.u32 v25, v22;
	v22 =	vand.u32 $0xC00, v41  }
0x64: {  	v24 =	vor.u32 v26, v24;
	v34 =	vadd.s32 v0, v19;
	v25 =	vmov s2  }
0x65: {  	v26 =	vshll.u32 v35, $0x3;
	v19 =	vadd.s32 v0, v24;
	v24 =	vor.u32 v32, v31  }
0x66: {  	v26 =	vand.u32 $0xC00, v26;
	v24 =	vadd.s32 v0, v24;
	v31 =	vshll.u32 v25, $0x3  }
0x67: {  	v29 =	vshll.u32 v29, $0x3;
	v36 =	vshll.u32 v43, $0x3;
	v32 =	vand.u32 $0x7B, v25;
	v20 =	vld.idx.msk [tilespmem:v20+s30+$0x0], $0xffff  }
0x68: {  	v25 =	vand.u32 $0xC00, v29;
	v29 =	vand.u32 $0x78, v35;
	v30 =	vor.u32 v27, v30  }
0x69: {  	v25 =	vor.u32 v28, v25;
	v28 =	vadd.s32 v0, v17;
	v17 =	vand.u32 $0xC00, v31;
	v31 =	vld.idx.msk [tilespmem:v23+s30+$0x0], $0xffff  }
0x6a: {  	v22 =	vor.u32 v38, v22;
	v23 =	vadd.s32 v0, v25;
	v27 =	vld.idx.msk [tilespmem:v19+s30+$0x0], $0xffff;
	v19 =	vor.u32 v29, v26  }
.Ltmp4:
0x6b: {  	v21 =	vand.u32 $0xC00, v21;
	v26 =	vld.idx.msk [tilespmem:v24+s30+$0x0], $0xffff;
	v25 =	vadd.s32 v0, v19;
	v19 =	vadd.s32 v0, v22;
	(pc) =	sbr.rel @p1 .LBB2_3-.Ltmp4, $4  }
0x6c: {  	v16 =	vor.u32 v16, v21;
	v29 =	vor.u32 v32, v17;
	v22 =	vadd.s32 v0, v18  }
0x6d: {  	v17 =	vadd.s32 v0, v16;
	v16 =	vand.u32 $0x76, v45;
	v18 =	vshll.u32 v45, $0x3;
	[tilespmem:s3+$0x40] =	vst v20;
	v24 =	vld.idx.msk [tilespmem:v34+s30+$0x0], $0xffff  }
0x6e: {  	v20 =	vadd.s32 v0, v29;
	v21 =	vld.idx.msk [tilespmem:v28+s30+$0x0], $0xffff;
	v28 =	vand.u32 $0xC00, v18;
	v18 =	vadd.s32 v0, v33  }
0x6f: {  	s1 =	smov.u32 s15;
	v29 =	vand.u32 $0xC00, v36;
	s3 =	sadd.s32 $0x200, s3;
	v23 =	vld.idx.msk [tilespmem:v23+s30+$0x0], $0xffff;
	v16 =	vor.u32 v16, v28;
	v28 =	vadd.s32 v0, v30;
	[tilespmem:s31+$0xE0] =	vst v31  }
0x70: {  	_ =	sdelay $0x3  }
0x71: {  	v16 =	vadd.s32 v0, v16;
	[tilespmem:s31+$0xFFFFFF80] =	vst v27;
	v25 =	vld.idx.msk [tilespmem:v25+s30+$0x0], $0xffff  }
0x72: {  	v15 =	vor.u32 v15, v29;
	[tilespmem:s31+$0xFFFFFFA0] =	vst v26;
	v22 =	vld.idx.msk [tilespmem:v22+s30+$0x0], $0xffff  }
0x73: {  	v19 =	vld.idx.msk [tilespmem:v19+s30+$0x0], $0xffff;
	v15 =	vadd.s32 v0, v15;
	[tilespmem:s31+$0xC0] =	vst v24  }
0x74: {  	v54 =	vld.idx.msk [tilespmem:v28+s30+$0x0], $0xffff;
	[tilespmem:s31+$0xFFFFFF40] =	vst v21  }
0x75: {  	v20 =	vld.idx.msk [tilespmem:v20+s30+$0x0], $0xffff;
	[tilespmem:s31+$0xFFFFFF20] =	vst v23  }
0x76: {  	v16 =	vld.idx.msk [tilespmem:v16+s30+$0x0], $0xffff;
	[tilespmem:s31+$0x0] =	vst v25  }
0x77: {  	v18 =	vld.idx.msk [tilespmem:v18+s30+$0x0], $0xffff;
	[tilespmem:s31+$0xFFFFFF60] =	vst v22  }
0x78: {  	[tilespmem:s31+$0x80] =	vst v19;
	v15 =	vld.idx.msk [tilespmem:v15+s30+$0x0], $0xffff  }
0x79: {  	v17 =	vld.idx.msk [tilespmem:v17+s30+$0x0], $0xffff;
	[tilespmem:s31+$0x20] =	vst v54  }
0x7a: {  	s1 =	simm.s32 $0xA;
	v13 =	vadd.s32 v1, v13;
	[tilespmem:s31+$0x60] =	vst v20  }
0x7b: {  	v9 =	vadd.s32 v1, v9;
	v5 =	vand.u32 $0x7D, v5;
	[tilespmem:s31+$0xFFFFFFC0] =	vst v16;
	v16 =	vmov s1  }
0x7c: {  	v14 =	vand.u32 $0xC00, v14;
	v7 =	vadd.s32 v1, v7;
	[tilespmem:s31+$0xFFFFFFE0] =	vst v18;
	v55 =	vshll.u32 v16, $0x3  }
0x7d: {  	s2 =	simm.s32 $0xC;
	v5 =	vor.u32 v5, v14;
	[tilespmem:s31+$0xA0] =	vst v15;
	v15 =	vand.u32 $0x7A, v16;
	v16 =	vand.u32 $0xC00, v55  }
0x7e: {  	s16 =	simm.s32 $0x9;
	v5 =	vadd.s32 v1, v5;
	[tilespmem:s31+$0xFFFFFF00] =	vst v17;
	v17 =	vmov s2;
	v15 =	vor.u32 v15, v16  }
0x7f: {  	s3 =	simm.s32 $0xE;
	v14 =	vmov s16;
	v56 =	vshll.u32 v17, $0x3;
	v13 =	vld.idx.msk [tilespmem:v13+s4+$0x0], $0xffff;
	v15 =	vadd.s32 v1, v15  }
0x80: {  	v57 =	vmov s3;
	v17 =	vand.u32 $0x7C, v17;
	v18 =	vand.u32 $0xC00, v56;
	v9 =	vld.idx.msk [tilespmem:v9+s4+$0x0], $0xffff  }
0x81: {  	s17 =	simm.s32 $0xB;
	v58 =	vand.u32 $0x7E, v57;
	v19 =	vshll.u32 v57, $0x3;
	v17 =	vor.u32 v17, v18  }
0x82: {  	v59 =	vand.u32 $0xC00, v19;
	v17 =	vadd.s32 v1, v17;
	v16 =	vmov s17  }
0x83: {  	v61 =	vshll.u32 v14, $0x3;
	v21 =	vld.idx.msk [tilespmem:v5+s4+$0x0], $0xffff;
	v5 =	vor.u32 v58, v59;
	v60 =	vshll.u32 v16, $0x3  }
0x84: {  	v63 =	vadd.s32 v1, v5;
	v16 =	vand.u32 $0x7B, v16;
	v5 =	vand.u32 $0xC00, v60;
	[tilespmem:s29+$0xFFFFFFE0] =	vst v13;
	v62 =	vld.idx.msk [tilespmem:v15+s4+$0x0], $0xffff  }
0x85: {  	v14 =	vand.u32 $0x79, v14;
	v5 =	vor.u32 v16, v5;
	v13 =	vand.u32 $0xC00, v61;
	[tilespmem:s29+$0xE0] =	vst v9  }
0x86: {  	v9 =	vor.u32 v11, v12;
	v11 =	vld.idx.msk [tilespmem:v7+s4+$0x0], $0xffff;
	v16 =	vor.u32 v14, v13;
	v14 =	vadd.s32 v1, v5  }
0x87: {  	v12 =	vld.idx.msk [tilespmem:v17+s4+$0x0], $0xffff;
	v15 =	vadd.s32 v1, v8  }
0x88: {  	[tilespmem:s29+$0xA0] =	vst v21;
	v7 =	vadd.s32 v1, v4;
	v13 =	vadd.s32 v1, v9;
	v5 =	vadd.s32 v1, v6  }
0x89: {  	s3 =	simm.s32 $0xA310;
	s30 =	simm.s32 $0x10;
	v9 =	vadd.s32 v1, v10;
	v8 =	vld.idx.msk [tilespmem:v63+s4+$0x0], $0xffff;
	v6 =	vadd.s32 v1, v16;
	[tilespmem:s29+$0x40] =	vst v62  }
.LBB2_5:
0x8a: {  	s1 =	sadd.s32 $0x1, s30  }
0x8b: {  	v4 =	vmov s30;
	s2 =	sadd.s32 $0x2, s30;
	s8 =	sadd.s32 $0x3, s30;
	v3 =	vadd.s32 v1, v3;
	v10 =	vadd.s32 v1, v2;
	v14 =	vld.idx.msk [tilespmem:v14+s4+$0x0], $0xffff;
	s10 =	smov.u32 s30  }
0x8c: {  	s11 =	sadd.s32 $0xC, s30;
	v16 =	vshll.u32 v4, $0x3;
	v17 =	vmov s1;
	v18 =	vmov s2;
	s1 =	sadd.s32 $0x4, s30;
	s2 =	sadd.s32 $0x6, s30;
	v15 =	vld.idx.msk [tilespmem:v15+s4+$0x0], $0xffff  }
0x8d: {  	s15 =	sadd.s32 $0x8, s30;
	v2 =	vand.u32 $0x70, v4;
	v19 =	vmov s1;
	v20 =	vmov s2;
	s2 =	sadd.s32 $0x7, s30;
	s1 =	sadd.s32 $0xE, s30;
	[tilespmem:s29+$0xFFFFFF80] =	vst v11;
	v11 =	vld.idx.msk [tilespmem:v13+s4+$0x0], $0xffff  }
0x8e: {  	s16 =	sadd.s32 $0x5, s30;
	v22 =	vmov s15;
	s15 =	sadd.s32 $0xA, s30;
	v13 =	vand.u32 $0x71, v17;
	v21 =	vmov s2;
	s2 =	sadd.s32 $0x9, s30;
	[tilespmem:s29+$0x80] =	vst v12  }
0x8f: {  	p1 =	slt.u32 s30, $0x1F0;
	v24 =	vmov s15;
	v12 =	vmov s8;
	s30 =	sadd.s32 $0x10, s30;
	v23 =	vmov s2;
	s2 =	sadd.s32 $0xB, s10;
	v9 =	vld.idx.msk [tilespmem:v9+s4+$0x0], $0xffff  }
0x90: {  	v25 =	vshll.u32 v19, $0x3;
	v4 =	vand.u32 $0x73, v12;
	v26 =	vmov s2;
	v10 =	vld.idx.msk [tilespmem:v10+s4+$0x0], $0xffff  }
0x91: {  	v28 =	vmov s11;
	v19 =	vand.u32 $0x74, v19;
	s2 =	sadd.s32 $0xD, s10;
	v27 =	vshll.u32 v26, $0x3;
	v7 =	vld.idx.msk [tilespmem:v7+s4+$0x0], $0xffff;
	[tilespmem:s29+$0xC0] =	vst v8  }
0x92: {  	v29 =	vand.u32 $0x76, v20;
	v8 =	vand.u32 $0x72, v18;
	v30 =	vmov s2;
	v5 =	vld.idx.msk [tilespmem:v5+s4+$0x0], $0xffff;
	[tilespmem:s29+$0x0] =	vst v15  }
0x93: {  	v31 =	vshll.u32 v12, $0x3;
	v12 =	vand.u32 $0x77, v21;
	s2 =	sadd.s32 $0xF, s10;
	v15 =	vand.u32 $0x7A, v24;
	[tilespmem:s29+$0xFFFFFFC0] =	vst v11;
	v6 =	vld.idx.msk [tilespmem:v6+s4+$0x0], $0xffff  }
0x94: {  	v16 =	vand.u32 $0xC00, v16;
	v11 =	vshll.u32 v21, $0x3;
	v21 =	vmov s2;
	v3 =	vld.idx.msk [tilespmem:v3+s4+$0x0], $0xffff  }
0x95: {  	v32 =	vmov s16;
	v11 =	vand.u32 $0xC00, v11;
	v33 =	vshll.u32 v21, $0x3;
	[tilespmem:s29+$0xFFFFFF00] =	vst v9  }
0x96: {  	v21 =	vand.u32 $0x7F, v21;
	v9 =	vshll.u32 v32, $0x3;
	v33 =	vand.u32 $0xC00, v33;
	[tilespmem:s29+$0xFFFFFF60] =	vst v10  }
0x97: {  	v9 =	vand.u32 $0xC00, v9;
	v10 =	vor.u32 v12, v11;
	v11 =	vor.u32 v21, v33;
	[tilespmem:s29+$0x60] =	vst v14  }
0x98: {  	v12 =	vshll.u32 v18, $0x3;
	v10 =	vadd.s32 v1, v10;
	v11 =	vadd.s32 v1, v11;
	[tilespmem:s29+$0xFFFFFFA0] =	vst v5  }
0x99: {  	v18 =	vshll.u32 v30, $0x3;
	v14 =	vand.u32 $0x7D, v30;
	v5 =	vand.u32 $0x75, v32;
	[tilespmem:s29+$0x20] =	vst v6  }
0x9a: {  	v21 =	vshll.u32 v28, $0x3;
	v18 =	vand.u32 $0xC00, v18;
	v6 =	vshll.u32 v24, $0x3;
	[tilespmem:s29+$0xFFFFFF20] =	vst v3  }
0x9b: {  	v14 =	vor.u32 v14, v18;
	v3 =	vshll.u32 v17, $0x3;
	v6 =	vand.u32 $0xC00, v6;
	[tilespmem:s29+$0xFFFFFF40] =	vst v7;
	s29 =	smov.u32 s3  }
0x9c: {  	v6 =	vor.u32 v15, v6;
	v7 =	vadd.s32 v1, v14;
	v14 =	vmov s1  }
0x9d: {  	v17 =	vand.u32 $0x7C, v28;
	v15 =	vand.u32 $0xC00, v25;
	v6 =	vadd.s32 v1, v6;
	v10 =	vld.idx.msk [tilespmem:v10+s4+$0x0], $0xffff  }
0x9e: {  	v18 =	vand.u32 $0x78, v22;
	v15 =	vor.u32 v19, v15;
	v19 =	vand.u32 $0x7B, v26;
	v11 =	vld.idx.msk [tilespmem:v11+s4+$0x0], $0xffff  }
0x9f: {  	v22 =	vshll.u32 v22, $0x3;
	v24 =	vand.u32 $0xC00, v27;
	v25 =	vand.u32 $0x7E, v14  }
0xa0: {  	v21 =	vand.u32 $0xC00, v21;
	v14 =	vshll.u32 v14, $0x3;
	v15 =	vadd.s32 v1, v15  }
0xa1: {  	v26 =	vand.u32 $0x79, v23;
	v23 =	vshll.u32 v23, $0x3;
	v19 =	vor.u32 v19, v24  }
0xa2: {  	v22 =	vand.u32 $0xC00, v22;
	v17 =	vor.u32 v17, v21;
	v14 =	vand.u32 $0xC00, v14;
	v7 =	vld.idx.msk [tilespmem:v7+s4+$0x0], $0xffff  }
0xa3: {  	v17 =	vadd.s32 v1, v17;
	v14 =	vor.u32 v25, v14;
	[tilespmem:s3+$0xFFFFFFE0] =	vst v10;
	v10 =	vand.u32 $0xC00, v23  }
0xa4: {  	v20 =	vshll.u32 v20, $0x3;
	v3 =	vand.u32 $0xC00, v3;
	v21 =	vld.idx.msk [tilespmem:v6+s4+$0x0], $0xffff;
	v6 =	vadd.s32 v1, v14;
	[tilespmem:s3+$0xE0] =	vst v11  }
0xa5: {  	v3 =	vor.u32 v13, v3;
	v11 =	vand.u32 $0xC00, v20;
	v10 =	vor.u32 v26, v10  }
.Ltmp5:
0xa6: {  	v18 =	vor.u32 v18, v22;
	v14 =	vadd.s32 v1, v19;
	v13 =	vor.u32 v29, v11;
	(pc) =	sbr.rel @p1 .LBB2_5-.Ltmp5, $4  }
0xa7: {  	v5 =	vor.u32 v5, v9;
	v13 =	vadd.s32 v1, v13;
	v11 =	vld.idx.msk [tilespmem:v15+s4+$0x0], $0xffff;
	v15 =	vadd.s32 v1, v18  }
0xa8: {  	v2 =	vor.u32 v2, v16;
	v16 =	vand.u32 $0xC00, v12;
	v5 =	vadd.s32 v1, v5;
	v12 =	vld.idx.msk [tilespmem:v17+s4+$0x0], $0xffff;
	[tilespmem:s3+$0xA0] =	vst v7  }
0xa9: {  	v9 =	vadd.s32 v1, v2;
	v2 =	vor.u32 v8, v16;
	v16 =	vand.u32 $0xC00, v31;
	v8 =	vld.idx.msk [tilespmem:v6+s4+$0x0], $0xffff  }
0xaa: {  	v7 =	vadd.s32 v1, v2;
	v2 =	vor.u32 v4, v16;
	s3 =	sadd.s32 $0x200, s3;
	v6 =	vadd.s32 v1, v10;
	[tilespmem:s29+$0x40] =	vst v21  }
0xab: {  	_ =	sdelay $0x3  }
0xac: {  	v4 =	vld.idx.msk [tilespmem:v15+s4+$0x0], $0xffff  }
0xad: {  	v10 =	vld.idx.msk [tilespmem:v13+s4+$0x0], $0xffff  }
0xae: {  	v2 =	vadd.s32 v1, v2;
	v9 =	vld.idx.msk [tilespmem:v9+s4+$0x0], $0xffff;
	[tilespmem:s29+$0xFFFFFF80] =	vst v11  }
0xaf: {  	v3 =	vadd.s32 v1, v3;
	v61 =	vld.idx.msk [tilespmem:v14+s4+$0x0], $0xffff;
	[tilespmem:s29+$0x80] =	vst v12  }
0xb0: {  	v5 =	vld.idx.msk [tilespmem:v5+s4+$0x0], $0xffff;
	[tilespmem:s29+$0xC0] =	vst v8  }
0xb1: {  	v62 =	vld.idx.msk [tilespmem:v6+s4+$0x0], $0xffff;
	[tilespmem:s29+$0x0] =	vst v4  }
0xb2: {  	v63 =	vld.idx.msk [tilespmem:v7+s4+$0x0], $0xffff;
	[tilespmem:s29+$0xFFFFFFC0] =	vst v10  }
0xb3: {  	v2 =	vld.idx.msk [tilespmem:v2+s4+$0x0], $0xffff;
	[tilespmem:s29+$0xFFFFFF00] =	vst v9  }
0xb4: {  	v3 =	vld.idx.msk [tilespmem:v3+s4+$0x0], $0xffff;
	[tilespmem:s29+$0x60] =	vst v61  }
0xb5: {  	[tilespmem:s29+$0xFFFFFFA0] =	vst v5  }
0xb6: {  	[tilespmem:s29+$0x20] =	vst v62  }
0xb7: {  	[tilespmem:s29+$0xFFFFFF40] =	vst v63  }
0xb8: {  	p1 =	seq.s32 s25, $0x0;
	[tilespmem:s29+$0xFFFFFF60] =	vst v2  }
.Ltmp6:
0xb9: {  	s1 =	simm.s32 @!p1 $0x3;
	[tilespmem:s29+$0xFFFFFF20] =	vst v3;
	(pc) =	sbr.rel @p2 .LBB2_12-.Ltmp6, $4  }
0xba: {  	s2 =	sshll.u32 s28, $0xB;
	_ =	swait.ge @!p1 [sflag:s1], $0x4000  }
0xbb: {  	s2 =	sand.u32 $0x1FFFF800, s2;
	[sflag:s1] =	ssyncset.done @!p1 $0x0  }
0xbc: {  	s31 =	sadd.s32 s6, s2;
	[sflag:s1] =	ssyncadd.s32 @!p1 $0xFFFFC000  }
0xbd: {  	[hbm4b:s31+s4] =	stream.linear.scatter [tilespmem:s18], [sflag:$0x3], $0x4000, $0x38;
	[tilespmem:$0x12000] =	vst v63  }
0xbe: {  	s1 =	sadd.s32 $0x2, s28  }
0xbf: {  	s31 =	simm.s32 $0x0;
	s8 =	simm.s32 $0x1;
	s10 =	simm.s32 $0x2  }
0xc0: {  	s11 =	simm.s32 $0x4;
	s15 =	simm.s32 $0x5;
	s16 =	simm.s32 $0x7  }
0xc1: {  	s17 =	simm.s32 $0x8;
	s30 =	simm.s32 $0x9;
	p2 =	sge.u32 s1, s12;
	v2 =	vmov s31;
	v3 =	vmov s8;
	v4 =	vmov s10  }
0xc2: {  	v6 =	vmov s11;
	v5 =	vmov s15;
	v8 =	vmov s16;
	s31 =	simm.s32 $0xA;
	s15 =	simm.s32 $0x3;
	s1 =	sshll.u32 @!p2 s1, $0x9  }
0xc3: {  	v11 =	vmov s17;
	v13 =	vmov s30;
	s3 =	simm.s32 @!p2 $0x0;
	v10 =	vand.u32 $0x70, v2;
	s2 =	sadd.s32 @!p2 s0, s1;
	s1 =	sand.u32 @!p2 $0x1FFFFE00, s1  }
0xc4: {  	v7 =	vand.u32 $0x72, v4;
	v12 =	vshll.u32 v6, $0x3;
	v14 =	vmov s31;
	[tilespmem:s3], [sflag:$0x1] =	stream.linear.gather @!p2 [hbm4b:s2+s3], $0x1000, $0x38;
	[tilespmem:$0x12000] =	vst v63  }
0xc5: {  	s16 =	simm.s32 $0xD;
	s17 =	simm.s32 $0xE;
	v16 =	vand.u32 $0x71, v3;
	v9 =	vshll.u32 v5, $0x3;
	v17 =	vshll.u32 v8, $0x3;
	s1 =	sadd.s32 @!p2 s0, s1  }
0xc6: {  	s30 =	simm.s32 $0xF;
	s11 =	simm.s32 @!p2 $0x1400;
	v4 =	vshll.u32 v4, $0x3;
	v15 =	vmov s15;
	v19 =	vand.u32 $0x75, v5;
	s10 =	sadd.s32 @!p2 $0xF4280, s1  }
0xc7: {  	v22 =	vshll.u32 v13, $0x3;
	v5 =	vmov s16;
	v23 =	vmov s17;
	[tilespmem:s11], [sflag:$0x1] =	stream.linear.gather @!p2 [hbm4b:s10+s3], $0x1000, $0x38;
	[tilespmem:$0x12000] =	vst v63  }
0xc8: {  	v24 =	vmov s30;
	v29 =	vshll.u32 v2, $0x3;
	v6 =	vand.u32 $0x74, v6;
	s11 =	simm.s32 $0xC  }
0xc9: {  	s15 =	simm.s32 $0x6;
	v3 =	vshll.u32 v3, $0x3;
	v18 =	vand.u32 $0xC00, v9;
	s10 =	sadd.s32 @!p2 $0x1E8500, s1;
	v9 =	vmov s11;
	s11 =	simm.s32 @!p2 $0x2800  }
0xca: {  	v21 =	vshll.u32 v15, $0x3;
	v28 =	vmov s15;
	v25 =	vshll.u32 v23, $0x3;
	[tilespmem:s11], [sflag:$0x1] =	stream.linear.gather @!p2 [hbm4b:s10+s3], $0x1000, $0x38;
	[tilespmem:$0x12000] =	vst v63  }
0xcb: {  	v26 =	vshll.u32 v24, $0x3;
	v2 =	vand.u32 $0x7E, v23;
	v27 =	vand.u32 $0x7A, v14;
	s2 =	simm.s32 @!p2 $0x3C00;
	s1 =	sadd.s32 @!p2 $0x2DC780, s1  }
0xcc: {  	v4 =	vand.u32 $0xC00, v4;
	v17 =	vand.u32 $0xC00, v17;
	v14 =	vshll.u32 v14, $0x3;
	[tilespmem:s2], [sflag:$0x1] =	stream.linear.gather @!p2 [hbm4b:s1+s3], $0x1000, $0x38;
	[tilespmem:$0x12000] =	vst v63  }
0xcd: {  	v12 =	vand.u32 $0xC00, v12;
	v3 =	vand.u32 $0xC00, v3;
	v21 =	vand.u32 $0xC00, v21;
	_ =	swait.ge [sflag:s19], $0x1000  }
0xce: {  	v23 =	vand.u32 $0xC00, v25;
	v25 =	vand.u32 $0x73, v15;
	v15 =	vand.u32 $0x7D, v5;
	[sflag:s19] =	ssyncset.done $0x0  }
0xcf: {  	v26 =	vand.u32 $0xC00, v26;
	v4 =	vor.u32 v7, v4;
	v7 =	vand.u32 $0x77, v8;
	[sflag:s19] =	ssyncadd.s32 $0xFFFFF000  }
0xd0: {  	v8 =	vand.u32 $0xC00, v14;
	v14 =	vshll.u32 v11, $0x3;
	v11 =	vand.u32 $0x78, v11;
	_ =	swait.ge [sflag:s19], $0x1000  }
0xd1: {  	v3 =	vor.u32 v16, v3;
	v23 =	vor.u32 v2, v23;
	v8 =	vor.u32 v27, v8;
	[sflag:s19] =	ssyncset.done $0x0  }
0xd2: {  	v2 =	vand.u32 $0x7F, v24;
	v8 =	vadd.s32 v0, v8;
	v20 =	vshll.u32 v9, $0x3;
	[sflag:s19] =	ssyncadd.s32 $0xFFFFF000  }
0xd3: {  	v24 =	vand.u32 $0x7C, v9;
	v9 =	vor.u32 v2, v26;
	v2 =	vor.u32 v25, v21;
	_ =	swait.ge [sflag:s19], $0x1000  }
0xd4: {  	v21 =	vand.u32 $0xC00, v22;
	v25 =	vand.u32 $0x79, v13;
	v13 =	vor.u32 v7, v17;
	[sflag:s19] =	ssyncset.done $0x0  }
0xd5: {  	v7 =	vor.u32 v6, v12;
	v6 =	vor.u32 v19, v18;
	v22 =	vadd.s32 v0, v9;
	[sflag:s19] =	ssyncadd.s32 $0xFFFFF000  }
0xd6: {  	v17 =	vand.u32 $0xC00, v20;
	v20 =	vadd.s32 v0, v23;
	v23 =	vadd.s32 v0, v7;
	_ =	swait.ge [sflag:s19], $0x1000  }
0xd7: {  	s31 =	simm.s32 $0xB;
	v16 =	vadd.s32 v0, v4;
	v33 =	vadd.s32 v0, v3;
	v18 =	vadd.s32 v0, v6;
	[sflag:s19] =	ssyncset.done $0x0  }
0xd8: {  	v12 =	vmov s31;
	v19 =	vand.u32 $0xC00, v14;
	v14 =	vshll.u32 v5, $0x3;
	[sflag:s19] =	ssyncadd.s32 $0xFFFFF000  }
0xd9: {  	v26 =	vshll.u32 v12, $0x3;
	v12 =	vand.u32 $0x7B, v12;
	v30 =	vor.u32 v25, v21;
	v21 =	vld.idx.msk [tilespmem:v8+s20+$0x0], $0xffff  }
0xda: {  	v31 =	vand.u32 $0xC00, v26;
	v32 =	vld.idx.msk [tilespmem:v22+s20+$0x0], $0xffff;
	v8 =	vor.u32 v11, v19;
	v11 =	vor.u32 v24, v17  }
0xdb: {  	v27 =	vld.idx.msk [tilespmem:v23+s20+$0x0], $0xffff;
	v17 =	vand.u32 $0xC00, v29;
	v22 =	vadd.s32 v0, v2;
	v23 =	vor.u32 v12, v31  }
0xdc: {  	v26 =	vld.idx.msk [tilespmem:v18+s20+$0x0], $0xffff;
	v12 =	vshll.u32 v28, $0x3;
	v18 =	vadd.s32 v0, v13;
	v25 =	vadd.s32 v0, v8  }
0xdd: {  	s29 =	simm.s32 $0xE1E0;
	v24 =	vld.idx.msk [tilespmem:v20+s20+$0x0], $0xffff;
	v19 =	vadd.s32 v0, v11;
	v10 =	vor.u32 v10, v17;
	v11 =	vand.u32 $0x76, v28  }
0xde: {  	v12 =	vand.u32 $0xC00, v12;
	v20 =	vadd.s32 v0, v23;
	v23 =	vld.idx.msk [tilespmem:v33+s20+$0x0], $0xffff;
	v28 =	vadd.s32 v0, v30;
	[tilespmem:s29+$0xFFFFFF60] =	vst v21  }
0xdf: {  	s28 =	simm.s32 $0xE1F0;
	s15 =	simm.s32 $0x10;
	s3 =	simm.s32 $0xE3E0;
	v29 =	vand.u32 $0xC00, v14;
	v17 =	vadd.s32 v0, v10;
	v21 =	vld.idx.msk [tilespmem:v16+s20+$0x0], $0xffff;
	v16 =	vor.u32 v11, v12;
	[tilespmem:s29+$0x0] =	vst v32  }
.LBB2_8:
0xe0: {  	s1 =	sadd.s32 $0x1, s15  }
0xe1: {  	v30 =	vmov s15;
	s2 =	sadd.s32 $0x2, s15;
	s8 =	sadd.s32 $0x3, s15;
	[tilespmem:s29+$0xFFFFFEA0] =	vst v27;
	v27 =	vadd.s32 v0, v16;
	v15 =	vor.u32 v15, v29;
	s10 =	smov.u32 s15  }
0xe2: {  	s11 =	sadd.s32 $0x6, s15;
	v29 =	vmov s1;
	v31 =	vmov s2;
	s1 =	sadd.s32 $0x4, s15;
	s2 =	sadd.s32 $0x5, s15;
	[tilespmem:s29+$0xFFFFFEC0] =	vst v26;
	v25 =	vld.idx.msk [tilespmem:v25+s20+$0x0], $0xffff;
	v15 =	vadd.s32 v0, v15  }
0xe3: {  	s16 =	sadd.s32 $0x8, s15;
	v16 =	vand.u32 $0x70, v30;
	v26 =	vmov s1;
	v32 =	vmov s2;
	s1 =	sadd.s32 $0x7, s15;
	s2 =	sadd.s32 $0xB, s15;
	v22 =	vld.idx.msk [tilespmem:v22+s20+$0x0], $0xffff  }
0xe4: {  	v35 =	vmov s16;
	s16 =	sadd.s32 $0x9, s10;
	s17 =	sadd.s32 $0xA, s10;
	v33 =	vand.u32 $0x72, v31;
	v34 =	vmov s1;
	s1 =	sadd.s32 $0x10, s15;
	v19 =	vld.idx.msk [tilespmem:v19+s20+$0x0], $0xffff;
	[tilespmem:s29+$0xFFFFFFE0] =	vst v24  }
0xe5: {  	p2 =	slt.u32 s15, $0x1F0;
	v36 =	vmov s16;
	v37 =	vmov s17;
	v24 =	vshll.u32 v26, $0x3;
	[tilespmem:s29+$0xFFFFFE60] =	vst v21;
	v21 =	vld.idx.msk [tilespmem:v28+s20+$0x0], $0xffff  }
0xe6: {  	v38 =	vshll.u32 v32, $0x3;
	s15 =	sadd.s32 $0xC, s10;
	v28 =	vand.u32 $0x71, v29;
	v39 =	vshll.u32 v34, $0x3;
	[tilespmem:s29+$0xFFFFFE40] =	vst v23;
	v23 =	vld.idx.msk [tilespmem:v27+s20+$0x0], $0xffff  }
0xe7: {  	v27 =	vshll.u32 v31, $0x3;
	v31 =	vand.u32 $0xC00, v38;
	v38 =	vmov s15;
	v20 =	vld.idx.msk [tilespmem:v20+s20+$0x0], $0xffff  }
0xe8: {  	v40 =	vmov s8;
	s8 =	sadd.s32 $0xD, s10;
	v32 =	vand.u32 $0x75, v32;
	v41 =	vshll.u32 v38, $0x3;
	[tilespmem:s29+$0xFFFFFF20] =	vst v25;
	v25 =	vld.idx.msk [tilespmem:v15+s20+$0x0], $0xffff  }
0xe9: {  	v43 =	vmov s8;
	s8 =	sadd.s32 $0xE, s10;
	v42 =	vshll.u32 v36, $0x3;
	s10 =	sadd.s32 $0xF, s10;
	v15 =	vshll.u32 v40, $0x3;
	[tilespmem:s29+$0xFFFFFE80] =	vst v22;
	v18 =	vld.idx.msk [tilespmem:v18+s20+$0x0], $0xffff  }
0xea: {  	v44 =	vmov s10;
	v22 =	vand.u32 $0xC00, v15;
	v15 =	vmov s8;
	v17 =	vld.idx.msk [tilespmem:v17+s20+$0x0], $0xffff;
	[tilespmem:s29+$0xFFFFFFA0] =	vst v19  }
0xeb: {  	v45 =	vmov s11;
	v46 =	vshll.u32 v44, $0x3;
	v19 =	vshll.u32 v15, $0x3;
	[tilespmem:s29+$0xFFFFFF40] =	vst v21  }
0xec: {  	v21 =	vshll.u32 v30, $0x3;
	v30 =	vand.u32 $0x7E, v15;
	v19 =	vand.u32 $0xC00, v19;
	[tilespmem:s29+$0xFFFFFEE0] =	vst v23  }
0xed: {  	v15 =	vand.u32 $0x7D, v43;
	v23 =	vand.u32 $0x73, v40;
	v40 =	vand.u32 $0xC00, v46;
	[tilespmem:s29+$0xFFFFFF80] =	vst v20  }
0xee: {  	v19 =	vor.u32 v30, v19;
	v30 =	vand.u32 $0x7F, v44;
	v20 =	vand.u32 $0x7A, v37;
	[tilespmem:s29+$0xFFFFFFC0] =	vst v25  }
0xef: {  	v38 =	vand.u32 $0x7C, v38;
	v25 =	vand.u32 $0xC00, v27;
	v27 =	vor.u32 v30, v40;
	[tilespmem:s29+$0xFFFFFF00] =	vst v18  }
0xf0: {  	v18 =	vor.u32 v23, v22;
	v22 =	vand.u32 $0xC00, v39;
	v23 =	vshll.u32 v37, $0x3;
	[tilespmem:s29+$0xFFFFFE20] =	vst v17;
	s29 =	smov.u32 s3  }
0xf1: {  	v17 =	vor.u32 v33, v25;
	v25 =	vand.u32 $0x77, v34;
	v23 =	vand.u32 $0xC00, v23  }
0xf2: {  	v30 =	vand.u32 $0xC00, v42;
	v20 =	vor.u32 v20, v23;
	v23 =	vadd.s32 v0, v27  }
0xf3: {  	v26 =	vand.u32 $0x74, v26;
	v27 =	vand.u32 $0x79, v36;
	v20 =	vadd.s32 v0, v20  }
0xf4: {  	v24 =	vand.u32 $0xC00, v24;
	v33 =	vor.u32 v25, v22;
	v22 =	vand.u32 $0xC00, v41  }
0xf5: {  	v24 =	vor.u32 v26, v24;
	v34 =	vadd.s32 v0, v19;
	v25 =	vmov s2  }
0xf6: {  	v26 =	vshll.u32 v35, $0x3;
	v19 =	vadd.s32 v0, v24;
	v24 =	vor.u32 v32, v31  }
0xf7: {  	v26 =	vand.u32 $0xC00, v26;
	v24 =	vadd.s32 v0, v24;
	v31 =	vshll.u32 v25, $0x3  }
0xf8: {  	v29 =	vshll.u32 v29, $0x3;
	v36 =	vshll.u32 v43, $0x3;
	v32 =	vand.u32 $0x7B, v25;
	v20 =	vld.idx.msk [tilespmem:v20+s20+$0x0], $0xffff  }
0xf9: {  	v25 =	vand.u32 $0xC00, v29;
	v29 =	vand.u32 $0x78, v35;
	v30 =	vor.u32 v27, v30  }
0xfa: {  	v25 =	vor.u32 v28, v25;
	v28 =	vadd.s32 v0, v17;
	v17 =	vand.u32 $0xC00, v31;
	v31 =	vld.idx.msk [tilespmem:v23+s20+$0x0], $0xffff  }
0xfb: {  	v22 =	vor.u32 v38, v22;
	v23 =	vadd.s32 v0, v25;
	v27 =	vld.idx.msk [tilespmem:v19+s20+$0x0], $0xffff;
	v19 =	vor.u32 v29, v26  }
.Ltmp7:
0xfc: {  	v21 =	vand.u32 $0xC00, v21;
	v26 =	vld.idx.msk [tilespmem:v24+s20+$0x0], $0xffff;
	v25 =	vadd.s32 v0, v19;
	v19 =	vadd.s32 v0, v22;
	(pc) =	sbr.rel @p2 .LBB2_8-.Ltmp7, $4  }
0xfd: {  	v16 =	vor.u32 v16, v21;
	v29 =	vor.u32 v32, v17;
	v22 =	vadd.s32 v0, v18  }
0xfe: {  	v17 =	vadd.s32 v0, v16;
	v16 =	vand.u32 $0x76, v45;
	v18 =	vshll.u32 v45, $0x3;
	[tilespmem:s3+$0xFFFFFF60] =	vst v20;
	v24 =	vld.idx.msk [tilespmem:v34+s20+$0x0], $0xffff  }
0xff: {  	v20 =	vadd.s32 v0, v29;
	v21 =	vld.idx.msk [tilespmem:v28+s20+$0x0], $0xffff;
	v28 =	vand.u32 $0xC00, v18;
	v18 =	vadd.s32 v0, v33  }
0x100: {  	s15 =	smov.u32 s1;
	v29 =	vand.u32 $0xC00, v36;
	s3 =	sadd.s32 $0x200, s3;
	v23 =	vld.idx.msk [tilespmem:v23+s20+$0x0], $0xffff;
	v16 =	vor.u32 v16, v28;
	v28 =	vadd.s32 v0, v30;
	[tilespmem:s29+$0x0] =	vst v31  }
0x101: {  	_ =	sdelay $0x3  }
0x102: {  	v16 =	vadd.s32 v0, v16;
	[tilespmem:s29+$0xFFFFFEA0] =	vst v27;
	v25 =	vld.idx.msk [tilespmem:v25+s20+$0x0], $0xffff  }
0x103: {  	v15 =	vor.u32 v15, v29;
	[tilespmem:s29+$0xFFFFFEC0] =	vst v26;
	v22 =	vld.idx.msk [tilespmem:v22+s20+$0x0], $0xffff  }
0x104: {  	v19 =	vld.idx.msk [tilespmem:v19+s20+$0x0], $0xffff;
	v15 =	vadd.s32 v0, v15;
	[tilespmem:s29+$0xFFFFFFE0] =	vst v24  }
0x105: {  	v54 =	vld.idx.msk [tilespmem:v28+s20+$0x0], $0xffff;
	[tilespmem:s29+$0xFFFFFE60] =	vst v21  }
0x106: {  	v20 =	vld.idx.msk [tilespmem:v20+s20+$0x0], $0xffff;
	[tilespmem:s29+$0xFFFFFE40] =	vst v23  }
0x107: {  	v16 =	vld.idx.msk [tilespmem:v16+s20+$0x0], $0xffff;
	[tilespmem:s29+$0xFFFFFF20] =	vst v25  }
0x108: {  	v18 =	vld.idx.msk [tilespmem:v18+s20+$0x0], $0xffff;
	[tilespmem:s29+$0xFFFFFE80] =	vst v22  }
0x109: {  	[tilespmem:s29+$0xFFFFFFA0] =	vst v19;
	v15 =	vld.idx.msk [tilespmem:v15+s20+$0x0], $0xffff  }
0x10a: {  	v17 =	vld.idx.msk [tilespmem:v17+s20+$0x0], $0xffff;
	[tilespmem:s29+$0xFFFFFF40] =	vst v54  }
0x10b: {  	s1 =	simm.s32 $0xA;
	v13 =	vadd.s32 v1, v13;
	[tilespmem:s29+$0xFFFFFF80] =	vst v20  }
0x10c: {  	v9 =	vadd.s32 v1, v9;
	v5 =	vand.u32 $0x7D, v5;
	[tilespmem:s29+$0xFFFFFEE0] =	vst v16;
	v16 =	vmov s1  }
0x10d: {  	v14 =	vand.u32 $0xC00, v14;
	v7 =	vadd.s32 v1, v7;
	[tilespmem:s29+$0xFFFFFF00] =	vst v18;
	v55 =	vshll.u32 v16, $0x3  }
0x10e: {  	s2 =	simm.s32 $0xC;
	v5 =	vor.u32 v5, v14;
	[tilespmem:s29+$0xFFFFFFC0] =	vst v15;
	v15 =	vand.u32 $0x7A, v16;
	v16 =	vand.u32 $0xC00, v55  }
0x10f: {  	s30 =	simm.s32 $0x9;
	v5 =	vadd.s32 v1, v5;
	[tilespmem:s29+$0xFFFFFE20] =	vst v17;
	v17 =	vmov s2;
	v15 =	vor.u32 v15, v16  }
0x110: {  	s3 =	simm.s32 $0xE;
	v14 =	vmov s30;
	v56 =	vshll.u32 v17, $0x3;
	v13 =	vld.idx.msk [tilespmem:v13+s20+$0x0], $0xffff;
	v15 =	vadd.s32 v1, v15  }
0x111: {  	v57 =	vmov s3;
	v17 =	vand.u32 $0x7C, v17;
	v18 =	vand.u32 $0xC00, v56;
	v9 =	vld.idx.msk [tilespmem:v9+s20+$0x0], $0xffff  }
0x112: {  	s31 =	simm.s32 $0xB;
	v58 =	vand.u32 $0x7E, v57;
	v19 =	vshll.u32 v57, $0x3;
	v17 =	vor.u32 v17, v18  }
0x113: {  	v59 =	vand.u32 $0xC00, v19;
	v17 =	vadd.s32 v1, v17;
	v16 =	vmov s31  }
0x114: {  	v61 =	vshll.u32 v14, $0x3;
	v21 =	vld.idx.msk [tilespmem:v5+s20+$0x0], $0xffff;
	v5 =	vor.u32 v58, v59;
	v60 =	vshll.u32 v16, $0x3  }
0x115: {  	v63 =	vadd.s32 v1, v5;
	v16 =	vand.u32 $0x7B, v16;
	v5 =	vand.u32 $0xC00, v60;
	[tilespmem:s28+$0xFFFFFF00] =	vst v13;
	v62 =	vld.idx.msk [tilespmem:v15+s20+$0x0], $0xffff  }
0x116: {  	v14 =	vand.u32 $0x79, v14;
	v5 =	vor.u32 v16, v5;
	v13 =	vand.u32 $0xC00, v61;
	[tilespmem:s28+$0x0] =	vst v9  }
0x117: {  	v9 =	vor.u32 v11, v12;
	v11 =	vld.idx.msk [tilespmem:v7+s20+$0x0], $0xffff;
	v16 =	vor.u32 v14, v13;
	v14 =	vadd.s32 v1, v5  }
0x118: {  	v12 =	vld.idx.msk [tilespmem:v17+s20+$0x0], $0xffff;
	v15 =	vadd.s32 v1, v8  }
0x119: {  	[tilespmem:s28+$0xFFFFFFC0] =	vst v21;
	v7 =	vadd.s32 v1, v4;
	v13 =	vadd.s32 v1, v9;
	v5 =	vadd.s32 v1, v6  }
0x11a: {  	s3 =	simm.s32 $0xE3F0;
	s29 =	simm.s32 $0x10;
	v9 =	vadd.s32 v1, v10;
	v8 =	vld.idx.msk [tilespmem:v63+s20+$0x0], $0xffff;
	v6 =	vadd.s32 v1, v16;
	[tilespmem:s28+$0xFFFFFF60] =	vst v62  }
.LBB2_10:
0x11b: {  	s1 =	sadd.s32 $0x1, s29  }
0x11c: {  	v4 =	vmov s29;
	s2 =	sadd.s32 $0x2, s29;
	s8 =	sadd.s32 $0x3, s29;
	v3 =	vadd.s32 v1, v3;
	v10 =	vadd.s32 v1, v2;
	v14 =	vld.idx.msk [tilespmem:v14+s20+$0x0], $0xffff;
	s10 =	smov.u32 s29  }
0x11d: {  	s11 =	sadd.s32 $0xC, s29;
	v16 =	vshll.u32 v4, $0x3;
	v17 =	vmov s1;
	v18 =	vmov s2;
	s1 =	sadd.s32 $0x4, s29;
	s2 =	sadd.s32 $0x6, s29;
	v15 =	vld.idx.msk [tilespmem:v15+s20+$0x0], $0xffff  }
0x11e: {  	s15 =	sadd.s32 $0x8, s29;
	v2 =	vand.u32 $0x70, v4;
	v19 =	vmov s1;
	v20 =	vmov s2;
	s2 =	sadd.s32 $0x7, s29;
	s1 =	sadd.s32 $0xE, s29;
	[tilespmem:s28+$0xFFFFFEA0] =	vst v11;
	v11 =	vld.idx.msk [tilespmem:v13+s20+$0x0], $0xffff  }
0x11f: {  	s16 =	sadd.s32 $0x5, s29;
	v22 =	vmov s15;
	s15 =	sadd.s32 $0xA, s29;
	v13 =	vand.u32 $0x71, v17;
	v21 =	vmov s2;
	s2 =	sadd.s32 $0x9, s29;
	[tilespmem:s28+$0xFFFFFFA0] =	vst v12  }
0x120: {  	p2 =	slt.u32 s29, $0x1F0;
	v24 =	vmov s15;
	v12 =	vmov s8;
	s29 =	sadd.s32 $0x10, s29;
	v23 =	vmov s2;
	s2 =	sadd.s32 $0xB, s10;
	v9 =	vld.idx.msk [tilespmem:v9+s20+$0x0], $0xffff  }
0x121: {  	v25 =	vshll.u32 v19, $0x3;
	v4 =	vand.u32 $0x73, v12;
	v26 =	vmov s2;
	v10 =	vld.idx.msk [tilespmem:v10+s20+$0x0], $0xffff  }
0x122: {  	v28 =	vmov s11;
	v19 =	vand.u32 $0x74, v19;
	s2 =	sadd.s32 $0xD, s10;
	v27 =	vshll.u32 v26, $0x3;
	v7 =	vld.idx.msk [tilespmem:v7+s20+$0x0], $0xffff;
	[tilespmem:s28+$0xFFFFFFE0] =	vst v8  }
0x123: {  	v29 =	vand.u32 $0x76, v20;
	v8 =	vand.u32 $0x72, v18;
	v30 =	vmov s2;
	v5 =	vld.idx.msk [tilespmem:v5+s20+$0x0], $0xffff;
	[tilespmem:s28+$0xFFFFFF20] =	vst v15  }
0x124: {  	v31 =	vshll.u32 v12, $0x3;
	v12 =	vand.u32 $0x77, v21;
	s2 =	sadd.s32 $0xF, s10;
	v15 =	vand.u32 $0x7A, v24;
	[tilespmem:s28+$0xFFFFFEE0] =	vst v11;
	v6 =	vld.idx.msk [tilespmem:v6+s20+$0x0], $0xffff  }
0x125: {  	v16 =	vand.u32 $0xC00, v16;
	v11 =	vshll.u32 v21, $0x3;
	v21 =	vmov s2;
	v3 =	vld.idx.msk [tilespmem:v3+s20+$0x0], $0xffff  }
0x126: {  	v32 =	vmov s16;
	v11 =	vand.u32 $0xC00, v11;
	v33 =	vshll.u32 v21, $0x3;
	[tilespmem:s28+$0xFFFFFE20] =	vst v9  }
0x127: {  	v21 =	vand.u32 $0x7F, v21;
	v9 =	vshll.u32 v32, $0x3;
	v33 =	vand.u32 $0xC00, v33;
	[tilespmem:s28+$0xFFFFFE80] =	vst v10  }
0x128: {  	v9 =	vand.u32 $0xC00, v9;
	v10 =	vor.u32 v12, v11;
	v11 =	vor.u32 v21, v33;
	[tilespmem:s28+$0xFFFFFF80] =	vst v14  }
0x129: {  	v12 =	vshll.u32 v18, $0x3;
	v10 =	vadd.s32 v1, v10;
	v11 =	vadd.s32 v1, v11;
	[tilespmem:s28+$0xFFFFFEC0] =	vst v5  }
0x12a: {  	v18 =	vshll.u32 v30, $0x3;
	v14 =	vand.u32 $0x7D, v30;
	v5 =	vand.u32 $0x75, v32;
	[tilespmem:s28+$0xFFFFFF40] =	vst v6  }
0x12b: {  	v21 =	vshll.u32 v28, $0x3;
	v18 =	vand.u32 $0xC00, v18;
	v6 =	vshll.u32 v24, $0x3;
	[tilespmem:s28+$0xFFFFFE40] =	vst v3  }
0x12c: {  	v14 =	vor.u32 v14, v18;
	v3 =	vshll.u32 v17, $0x3;
	v6 =	vand.u32 $0xC00, v6;
	[tilespmem:s28+$0xFFFFFE60] =	vst v7;
	s28 =	smov.u32 s3  }
0x12d: {  	v6 =	vor.u32 v15, v6;
	v7 =	vadd.s32 v1, v14;
	v14 =	vmov s1  }
0x12e: {  	v17 =	vand.u32 $0x7C, v28;
	v15 =	vand.u32 $0xC00, v25;
	v6 =	vadd.s32 v1, v6;
	v10 =	vld.idx.msk [tilespmem:v10+s20+$0x0], $0xffff  }
0x12f: {  	v18 =	vand.u32 $0x78, v22;
	v15 =	vor.u32 v19, v15;
	v19 =	vand.u32 $0x7B, v26;
	v11 =	vld.idx.msk [tilespmem:v11+s20+$0x0], $0xffff  }
0x130: {  	v22 =	vshll.u32 v22, $0x3;
	v24 =	vand.u32 $0xC00, v27;
	v25 =	vand.u32 $0x7E, v14  }
0x131: {  	v21 =	vand.u32 $0xC00, v21;
	v14 =	vshll.u32 v14, $0x3;
	v15 =	vadd.s32 v1, v15  }
0x132: {  	v26 =	vand.u32 $0x79, v23;
	v23 =	vshll.u32 v23, $0x3;
	v19 =	vor.u32 v19, v24  }
0x133: {  	v22 =	vand.u32 $0xC00, v22;
	v17 =	vor.u32 v17, v21;
	v14 =	vand.u32 $0xC00, v14;
	v7 =	vld.idx.msk [tilespmem:v7+s20+$0x0], $0xffff  }
0x134: {  	v17 =	vadd.s32 v1, v17;
	v14 =	vor.u32 v25, v14;
	[tilespmem:s3+$0xFFFFFF00] =	vst v10;
	v10 =	vand.u32 $0xC00, v23  }
0x135: {  	v20 =	vshll.u32 v20, $0x3;
	v3 =	vand.u32 $0xC00, v3;
	v21 =	vld.idx.msk [tilespmem:v6+s20+$0x0], $0xffff;
	v6 =	vadd.s32 v1, v14;
	[tilespmem:s3+$0x0] =	vst v11  }
0x136: {  	v3 =	vor.u32 v13, v3;
	v11 =	vand.u32 $0xC00, v20;
	v10 =	vor.u32 v26, v10  }
.Ltmp8:
0x137: {  	v18 =	vor.u32 v18, v22;
	v14 =	vadd.s32 v1, v19;
	v13 =	vor.u32 v29, v11;
	(pc) =	sbr.rel @p2 .LBB2_10-.Ltmp8, $4  }
0x138: {  	v5 =	vor.u32 v5, v9;
	v13 =	vadd.s32 v1, v13;
	v11 =	vld.idx.msk [tilespmem:v15+s20+$0x0], $0xffff;
	v15 =	vadd.s32 v1, v18  }
0x139: {  	v2 =	vor.u32 v2, v16;
	v16 =	vand.u32 $0xC00, v12;
	v5 =	vadd.s32 v1, v5;
	v12 =	vld.idx.msk [tilespmem:v17+s20+$0x0], $0xffff;
	[tilespmem:s3+$0xFFFFFFC0] =	vst v7  }
0x13a: {  	v9 =	vadd.s32 v1, v2;
	v2 =	vor.u32 v8, v16;
	v16 =	vand.u32 $0xC00, v31;
	v8 =	vld.idx.msk [tilespmem:v6+s20+$0x0], $0xffff  }
0x13b: {  	v7 =	vadd.s32 v1, v2;
	v2 =	vor.u32 v4, v16;
	s3 =	sadd.s32 $0x200, s3;
	v6 =	vadd.s32 v1, v10;
	[tilespmem:s28+$0xFFFFFF60] =	vst v21  }
0x13c: {  	_ =	sdelay $0x3  }
0x13d: {  	v4 =	vld.idx.msk [tilespmem:v15+s20+$0x0], $0xffff  }
0x13e: {  	v10 =	vld.idx.msk [tilespmem:v13+s20+$0x0], $0xffff  }
0x13f: {  	v2 =	vadd.s32 v1, v2;
	v9 =	vld.idx.msk [tilespmem:v9+s20+$0x0], $0xffff;
	[tilespmem:s28+$0xFFFFFEA0] =	vst v11  }
0x140: {  	v3 =	vadd.s32 v1, v3;
	v61 =	vld.idx.msk [tilespmem:v14+s20+$0x0], $0xffff;
	[tilespmem:s28+$0xFFFFFFA0] =	vst v12  }
0x141: {  	v5 =	vld.idx.msk [tilespmem:v5+s20+$0x0], $0xffff;
	[tilespmem:s28+$0xFFFFFFE0] =	vst v8  }
0x142: {  	v62 =	vld.idx.msk [tilespmem:v6+s20+$0x0], $0xffff;
	[tilespmem:s28+$0xFFFFFF20] =	vst v4  }
0x143: {  	v63 =	vld.idx.msk [tilespmem:v7+s20+$0x0], $0xffff;
	[tilespmem:s28+$0xFFFFFEE0] =	vst v10  }
0x144: {  	v2 =	vld.idx.msk [tilespmem:v2+s20+$0x0], $0xffff;
	[tilespmem:s28+$0xFFFFFE20] =	vst v9  }
0x145: {  	v3 =	vld.idx.msk [tilespmem:v3+s20+$0x0], $0xffff;
	[tilespmem:s28+$0xFFFFFF80] =	vst v61  }
0x146: {  	[tilespmem:s28+$0xFFFFFEC0] =	vst v5  }
0x147: {  	[tilespmem:s28+$0xFFFFFF40] =	vst v62  }
0x148: {  	[tilespmem:s28+$0xFFFFFE60] =	vst v63  }
0x149: {  	[tilespmem:s28+$0xFFFFFE80] =	vst v2  }
.Ltmp9:
0x14a: {  	s1 =	simm.s32 @!p1 $0x4;
	[tilespmem:s28+$0xFFFFFE40] =	vst v3;
	(pc) =	sbr.rel .LBB2_12-.Ltmp9, $4  }
0x14b: {  	s2 =	sshll.u32 s26, $0xB;
	_ =	swait.ge @!p1 [sflag:s1], $0x4000  }
0x14c: {  	s2 =	sand.u32 $0x1FFFF800, s2;
	[sflag:s1] =	ssyncset.done @!p1 $0x0  }
0x14d: {  	s31 =	sadd.s32 s6, s2;
	[sflag:s1] =	ssyncadd.s32 @!p1 $0xFFFFC000  }
0x14e: {  	[hbm4b:s31+s4] =	stream.linear.scatter [tilespmem:s21], [sflag:$0x4], $0x4000, $0x38;
	[tilespmem:$0x12000] =	vst v63  }
.LBB2_14:
0x14f: {  	_ =	sfence.sel $0x180000  }
0x150: {  	[bflag:$0x0] =	sbarrier.arrive $0xFFFF  }
0x151: {  	_ =	strace $0x90000047  }
0x152: {  	s0 =	stileid.u32;
	[bflag:$0x2] =	sbarrier.arrive $0xFFFF  }
0x153: {  	p0 =	sne.s32 s0, $0x0;
	s0 =	rddreg [dreg:$0x3]  }
0x154: {  	s0 =	sadd.s32 @!p0 $0x100000, s0  }
0x155: {  	[sflag:s0] =	ssyncadd.tile.s32 @!p0 $0x1;
	_ =	shalt  }
.Lfunc_end2:
_tile_overlayer_lowered:
.L_overlay_start_2:
0x156: {  	(tag) =	ssettag $0x2  }
0x157: {  	s0 =	rddreg [dreg:$0x0];
	s2 =	stileid.u32  }
0x158: {  	s1 =	rddreg [dreg:$0x1];
	p0 =	sne.s32 s2, $0x0  }
0x159: {  	s3 =	rddreg [dreg:$0x2];
	[bflag:$0x3] =	sbarrier.arrive $0xFFFF;
	s2 =	simm.s32 @!p0 $0x1C05  }
0x15a: {  	[timem:s3], [sflag:s2] =	dma.local @!p0 [hbm:s0], s1  }
0x15b: {  	s0 =	simm.s32 @!p0 $0x5  }
0x15c: {  	_ =	swait.ge @!p0 [sflag:s0], s1  }
0x15d: {  	s1 =	ssub.s32 @!p0 $0x0, s1;
	[sflag:s0] =	ssyncset.done @!p0 $0x0  }
0x15e: {  	[sflag:s0] =	ssyncadd.s32 @!p0 s1  }
0x15f: {  	[bflag:$0x3] =	sbarrier.arrive $0xFFFF  }
0x160: {  	_ =	shalt  }

// kernel: kernel.7.cloned.1.call-start
scs
__scs_entry_jumppad:
0x0: {  	(pc) =	sbr.rel $0x88, $3  }
0x1: {  	(tag) =	ssettag $0x0;
	lr =	simm.s32 $0x1  }
0x2: {  	[smem:$0x3F9F] =	sst lr;
	_ =	strace $0xD0000000  }
0x3: {  	_ = 	snop  }
0x4: {  	_ = 	snop  }
0x5: {  	_ = 	snop  }
0x6: {  	_ = 	snop  }
0x7: {  	_ = 	snop  }
__scs_overlays_trampoline_lowered:
0x8: {  	[smem:$0x3FAE] =	sst s0  }
0x9: {  	[smem:$0x3FAF] =	sst s1  }
0xa: {  	[smem:$0x3FB0] =	sst s2  }
0xb: {  	[smem:$0x3FB1] =	sst s3  }
0xc: {  	[smem:$0x3FB2] =	sst s4  }
0xd: {  	[smem:$0x3FB3] =	sst s5  }
0xe: {  	[smem:$0x3FB4] =	sst s6  }
0xf: {  	[smem:$0x3FB5] =	sst s7  }
0x10: {  	[smem:$0x3FB6] =	sst s8  }
0x11: {  	[smem:$0x3FB7] =	sst s9;
	s0 =	simm.s32 @!p0 $0x0  }
0x12: {  	s1 =	sld [smem:$0x3F9D];
	s0 =	simm.s32 @p0 $0x1  }
0x13: {  	[smem:$0x3FB8] =	sst s0;
	s0 =	simm.s32 @!p1 $0x0  }
0x14: {  	s2 =	sld [smem:$0x3F9C];
	s0 =	simm.s32 @p1 $0x1  }
0x15: {  	[smem:$0x3FB9] =	sst s0;
	s0 =	simm.s32 @!p2 $0x0  }
0x16: {  	s3 =	sld [smem:$0x3FDB];
	s0 =	simm.s32 @p2 $0x1  }
0x17: {  	s4 =	simm.s32 $0x1BF5;
	[smem:$0x3FBB] =	sst s0  }
0x18: {  	s0 =	sld [smem:$0x3F9E];
	_ =	swait.ge [sflag:s4], $0x0  }
0x19: {  	s7 =	sld [smem:$0x3F9F]  }
0x1a: {  	s8 =	sadd.s32 $0xFFFFE003, lr  }
0x1b: {  	s9 =	sadd.s32 $0xFFFFFEF7, lr;
	s5 =	simm.s32 $0xFFFFFFFF;
	p2 =	slt.u32 s8, $0xFFFFF086  }
0x1c: {  	p1 =	slt.u32 s9, $0xF7A;
	s5 =	simm.s32 @!p2 $0x0  }
0x1d: {  	s5 =	simm.s32 @p1 $0x1;
	p0 =	seq.s32 s7, s2  }
0x1e: {  	s7 =	smul.u32 @!p0 $0xF7A, s2;
	p2 =	seq.s32 @!p0 s5, $0x0  }
0x1f: {  	s9 =	smul.u32 $0xF7A, s1;
	s8 =	simm.s32 @!p0 $0x1BF5;
	p2 =	por !p2, p0  }
0x20: {  	[sflag:s8] =	ssyncset.s32 @!p0 $0xFFFFF086;
	s6 =	sadd.s32 @!p0 s3, s7;
	s7 =	simm.s32 @!p0 $0x108  }
0x21: {  	s3 =	sadd.s32 s3, s9;
	s6 =	sadd.s32 @!p0 $0x88, s6;
	s7 =	simm.s32 @p2 $0x1082  }
0x22: {  	[simem:s7], [sflag:s8] =	dma.local @!p0 [hbm:s6], $0xF7A  }
0x23: {  	s9 =	sor.u32 $0xD0000000, s2;
	s6 =	simm.s32 $0x108;
	_ =	swait.ge @!p0 [sflag:s8], $0x0  }
0x24: {  	s3 =	sadd.s32 $0x88, s3;
	s6 =	simm.s32 @!p1 $0x1082;
	[sflag:s4] =	ssyncset.s32 $0xFFFFF086  }
0x25: {  	[simem:s6], [sflag:s4] =	dma.local [hbm:s3], $0xF7A  }
0x26: {  	[smem:$0x3F9F] =	sst s1;
	(tag) =	ssettag s2;
	_ =	strace s9  }
0x27: {  	s1 =	sld [smem:$0x3FAF]  }
0x28: {  	s2 =	sld [smem:$0x3FB0]  }
0x29: {  	s4 =	sld [smem:$0x3FB2]  }
0x2a: {  	p0 =	seq.s32 s5, $0x0;
	s5 =	sld [smem:$0x3FB3]  }
0x2b: {  	s6 =	sld [smem:$0x3FB4]  }
0x2c: {  	s7 =	sld [smem:$0x3FB5]  }
0x2d: {  	s3 =	simm.s32 $0x108;
	s8 =	sld [smem:$0x3FB6]  }
0x2e: {  	s3 =	simm.s32 @!p0 $0x1082;
	s9 =	sld [smem:$0x3FB7]  }
0x2f: {  	lr =	sadd.s32 s0, s3;
	s0 =	sld [smem:$0x3FAE]  }
0x30: {  	s3 =	sld [smem:$0x3FB1]  }
0x31: {  	[smem:$0x3FBA] =	sst s10  }
0x32: {  	s10 =	sld [smem:$0x3FB8];
	_ =	sdelay $0x3  }
0x33: {  	p0 =	seq.s32 s10, $0x1;
	s10 =	sld [smem:$0x3FBA];
	_ =	sdelay $0x3  }
0x34: {  	[smem:$0x3FBA] =	sst s10  }
0x35: {  	s10 =	sld [smem:$0x3FB9];
	_ =	sdelay $0x3  }
0x36: {  	p1 =	seq.s32 s10, $0x1;
	s10 =	sld [smem:$0x3FBA];
	_ =	sdelay $0x3  }
0x37: {  	[smem:$0x3FBA] =	sst s10  }
0x38: {  	s10 =	sld [smem:$0x3FBB]  }
0x39: {  	_ = 	snop;
	(pc) =	sbr.ind lr, $3  }
0x3a: {  	_ = 	snop  }
0x3b: {  	_ = 	snop  }
0x3c: {  	p2 =	seq.s32 s10, $0x1;
	s10 =	sld [smem:$0x3FBA]  }
0x3d: {  	_ =	shalt  }
0x3e: {  	_ =	shalt  }
0x3f: {  	_ =	shalt  }
0x40: {  	_ =	shalt  }
0x41: {  	_ =	shalt  }
0x42: {  	_ =	shalt  }
0x43: {  	_ =	shalt  }
0x44: {  	_ =	shalt  }
0x45: {  	_ =	shalt  }
0x46: {  	_ =	shalt  }
0x47: {  	_ =	shalt  }
0x48: {  	_ =	shalt  }
0x49: {  	_ =	shalt  }
0x4a: {  	_ =	shalt  }
0x4b: {  	_ =	shalt  }
0x4c: {  	_ =	shalt  }
0x4d: {  	_ =	shalt  }
0x4e: {  	_ =	shalt  }
0x4f: {  	_ =	shalt  }
0x50: {  	_ =	shalt  }
0x51: {  	_ =	shalt  }
0x52: {  	_ =	shalt  }
0x53: {  	_ =	shalt  }
0x54: {  	_ =	shalt  }
0x55: {  	_ =	shalt  }
0x56: {  	_ =	shalt  }
0x57: {  	_ =	shalt  }
0x58: {  	_ =	shalt  }
0x59: {  	_ =	shalt  }
0x5a: {  	_ =	shalt  }
0x5b: {  	_ =	shalt  }
0x5c: {  	_ =	shalt  }
0x5d: {  	_ =	shalt  }
0x5e: {  	_ =	shalt  }
0x5f: {  	_ =	shalt  }
0x60: {  	_ =	shalt  }
0x61: {  	_ =	shalt  }
0x62: {  	_ =	shalt  }
0x63: {  	_ =	shalt  }
0x64: {  	_ =	shalt  }
0x65: {  	_ =	shalt  }
0x66: {  	_ =	shalt  }
0x67: {  	_ =	shalt  }
0x68: {  	_ =	shalt  }
0x69: {  	_ =	shalt  }
0x6a: {  	_ =	shalt  }
0x6b: {  	_ =	shalt  }
0x6c: {  	_ =	shalt  }
0x6d: {  	_ =	shalt  }
0x6e: {  	_ =	shalt  }
0x6f: {  	_ =	shalt  }
0x70: {  	_ =	shalt  }
0x71: {  	_ =	shalt  }
0x72: {  	_ =	shalt  }
0x73: {  	_ =	shalt  }
0x74: {  	_ =	shalt  }
0x75: {  	_ =	shalt  }
0x76: {  	_ =	shalt  }
0x77: {  	_ =	shalt  }
0x78: {  	_ =	shalt  }
0x79: {  	_ =	shalt  }
0x7a: {  	_ =	shalt  }
0x7b: {  	_ =	shalt  }
0x7c: {  	_ =	shalt  }
0x7d: {  	_ =	shalt  }
0x7e: {  	_ =	shalt  }
0x7f: {  	_ =	shalt  }
0x80: {  	_ =	shalt  }
0x81: {  	_ =	shalt  }
0x82: {  	_ =	shalt  }
0x83: {  	_ =	shalt  }
0x84: {  	_ =	shalt  }
0x85: {  	_ =	shalt  }
0x86: {  	_ =	shalt  }
0x87: {  	_ =	shalt  }
.Lfunc_end0:
.L_simem_size_0:
called_computation.1_lowered:
.L_overlay_start_0:
0x88: {  	s2 =	sld [smem:$0x3FD9]  }
0x89: {  	s3 =	sld [smem:$0x3FFE];
	_ =	sdelay $0x1  }
0x8a: {  	s1 =	srdreg.scid  }
0x8b: {  	s0 =	sand.u32 $0x1, s1  }
0x8c: {  	s17 =	sshll.u32 s0, $0xA;
	s2 =	sadd.s32 s3, s2  }
0x8d: {  	s2 =	sadd.s32 s2, s17  }
0x8e: {  	[smem:$0x3FC6] =	sst s2  }
0x8f: {  	_ = 	snop  }
0x90: {  	s2 =	sld [smem:$0x3FD0];
	(tm) =	ssettm $0x1  }
0x91: {  	s18 =	sld [smem:$0x3FFB];
	_ =	sdelay $0x3  }
0x92: {  	_ =	strace s18  }
0x93: {  	s3 =	sld [smem:$0x3FFC];
	_ =	sdelay $0x3  }
0x94: {  	_ =	strace s3  }
0x95: {  	s3 =	sld [smem:$0x3FFD];
	_ =	sdelay $0x3  }
0x96: {  	_ =	strace s3  }
0x97: {  	_ =	strace $0x8FFFFFFF  }
0x98: {  	s19 =	sld [smem:$0x3FDB];
	_ =	sdelay $0x1  }
0x99: {  	s4 =	simm.s32 $_scs_section_size  }
0x9a: {  	s5 =	simm.s32 $_size__tile_overlayer_lowered;
	s6 =	simm.s32 $_tile_overlayer_lowered  }
0x9b: {  	s22 =	simm.s32 $0x1BFF;
	s21 =	sshll.u32 s6, $0x1;
	s3 =	sadd.s32 s4, s19  }
0x9c: {  	s7 =	simm.s32 $0x0;
	s20 =	sshll.u32 s5, $0x1;
	s5 =	sadd.s32 s21, s3  }
0x9d: {  	[timem:s7], [sflag:s22] =	dma.local [hbm:s5], s20  }
0x9e: {  	_ =	swait.ge [sflag:s22], s20  }
0x9f: {  	s4 =	ssub.s32 $0x0, s20;
	[sflag:s22] =	ssyncset.done $0x0  }
0xa0: {  	[sflag:s22] =	ssyncadd.s32 s4;
	_ =	sdelay $0x1  }
0xa1: {  	s23 =	simm.s32 $0x1B8B  }
0xa2: {  	_ =	swait.ge [sflag:s23], $0x1  }
0xa3: {  	[sflag:s23] =	ssyncset.done $0x0  }
0xa4: {  	s25 =	simm.s32 $0x1B8E;
	s24 =	sld [smem:$0x3FFE];
	[sflag:s23] =	ssyncadd.s32 $0xFFFFFFFF  }
0xa5: {  	s26 =	simm.s32 $execute0_lowered;
	[smem:$0x3FD2] =	sst s25  }
0xa6: {  	s5 =	sshll.u32 s26, $0x1;
	_ =	strace $0x80000049;
	[dreg:$0x1] =	wrdreg $0xFFFFFFFF  }
0xa7: {  	s28 =	simm.s32 $_size_execute0_lowered;
	s3 =	sadd.s32 s3, s5;
	[dreg:$0x0] =	wrdreg $0x0  }
0xa8: {  	s5 =	sshll.u32 s28, $0x1;
	[dreg:$0x2] =	wrdreg s3  }
0xa9: {  	[dreg:$0x3] =	wrdreg s5  }
0xaa: {  	[dreg:$0x4] =	wrdreg $0xC0  }
0xab: {  	_ =	task [dreg:s7], $0x5FFFF  }
0xac: {  	[dreg:$0x1] =	wrdreg $0xFFFFFFFF  }
0xad: {  	[dreg:$0x0] =	wrdreg $0x60  }
0xae: {  	[dreg:$0x2] =	wrdreg s24  }
0xaf: {  	[dreg:$0x3] =	wrdreg s2  }
0xb0: {  	[dreg:$0x4] =	wrdreg $0x9  }
0xb1: {  	_ =	task.clear_ibuf [dreg:s7], $0x5FFFF;
	_ =	strace $0x90000049  }
0xb2: {  	s29 =	simm.s32 $0x9;
	_ =	strace $0x8000004B  }
0xb3: {  	_ =	swait.ge [sflag:s29], $0x1  }
0xb4: {  	[sflag:s29] =	ssyncadd.s32 $0xFFFFFFFF  }
0xb5: {  	_ =	strace $0x9000004B  }
0xb6: {  	_ =	sfence  }
0xb7: {  	s30 =	sld [smem:$0x0];
	_ =	sdelay $0x2  }
0xb8: {  	s31 =	sshll.u32 s1, $0xD;
	s1 =	sshrl.u32 s1, $0x2  }
0xb9: {  	s3 =	sand.u32 $0x4000, s31;
	s1 =	sadd.s32 s1, s30  }
0xba: {  	s0 =	sor.u32 s3, s0;
	s1 =	sshll.u32 s1, $0x11  }
0xbb: {  	s0 =	sor.u32 s1, s0  }
0xbc: {  	s0 =	sadd.s32 $0x8F2B, s0  }
0xbd: {  	[sflag:s0] =	ssyncadd.remote.s32 $0x1  }
0xbe: {  	_ =	sfence.sel $0xFFFF  }
0xbf: {  	[dreg:$0x0] =	wrdreg $0xFFFFFFFF;
	(pc) =	sbr.abs _section_cstart, $3  }
0xc0: {  	[dreg:$0x1] =	wrdreg $0xFFFFFFFF  }
0xc1: {  	_ =	task.clear_ibuf [dreg:s7], $0x2FFFF;
	_ =	strace $0x9FFFFFFF  }
0xc2: {  	(tm) =	ssettm $0x7FFFFFFF  }
0xc3: {  	_ =	shalt  }
tec
execute0_lowered:
.L_overlay_start_1:
0x0: {  	(tag) =	ssettag $0x1  }
0x1: {  	s0 =	srdreg.scid;
	s2 =	stileid.u32  }
0x2: {  	s1 =	rddreg [dreg:$0x0];
	s12 =	simm.s32 $0x80;
	s13 =	simm.s32 $0xD00  }
0x3: {  	s28 =	simm.s32 $0x1B100;
	s29 =	simm.s32 $0x1B500;
	s30 =	simm.s32 $0x1B900  }
0x4: {  	s31 =	simm.s32 $0x1BD00;
	s14 =	simm.s32 $0x1C900;
	s17 =	simm.s32 $0x0  }
0x5: {  	s0 =	sand.u32 $0x1, s0;
	s3 =	sshll.u32 s2, $0x1;
	s2 =	rddreg [dreg:$0x1]  }
0x6: {  	s5 =	sor.u32 s0, s3;
	s3 =	simm.s32 $0x0;
	s0 =	ssub.s32 $0x2, s0  }
0x7: {  	s8 =	sadd.s32 $0x2000, s2;
	s4 =	smul.u32 $0x1A0, s5;
	[smem:$0x7FF] =	sst s3  }
0x8: {  	s9 =	sadd.s32 $0x3000, s2;
	s7 =	sshrl.u32 s0, $0x1;
	_ =	strace $0x8000004A  }
0x9: {  	s0 =	ssub.s32 s0, s7;
	s7 =	sadd.s32 $0x1000, s2;
	s6 =	sadd.s32 s4, s1  }
0xa: {  	s4 =	sadd.s32 $0xA00, s1;
	s0 =	smax.u32 s0, $0x1;
	s1 =	simm.s32 $0x1C100  }
0xb: {  	v0 =	vlaneseq.u32;
	v1 =	vimm.s32 $0x0;
	vm0 =	vcmask $0x300;
	s26 =	sadd.s32 $0x3D1400, s6;
	s6 =	sshll.u32 s5, $0xA;
	[dreg:$0x4] =	wrdreg s0  }
0xc: {  	v0 =	vmul.u32 $0x340, v0;
	v1 =	vsel vm0, $0x3, v1;
	s0 =	simm.s32 $0x1C500;
	[dreg:$0x3] =	wrdreg s26;
	s26 =	simm.s32 $0x1AD00  }
.LBB2_1:
0xd: {  	s5 =	rddreg [dreg:$0x3];
	s23 =	simm.s32 $0x4  }
0xe: {  	[tilespmem:s3], [sflag:$0x4] =	stream.linear.gather [hbm4b:s5+s3], $0xD00, $0x38;
	[tilespmem:$0x1CD00] =	vst v63  }
0xf: {  	_ =	swait.ge [sflag:s23], $0xD00  }
0x10: {  	[sflag:s23] =	ssyncset.done $0x0  }
0x11: {  	[sflag:s23] =	ssyncadd.s32 $0xFFFFF300  }
0x12: {  	[tilespmem:s13], [sflag:$0x1] =	stream.indirect.gather [hbm4b:s4+s12], $0x20, s3, s12, $0xb8;
	[tilespmem:$0x1CD00] =	vst v63  }
0x13: {  	s24 =	simm.s32 $0x1D00  }
0x14: {  	[tilespmem:s24], [sflag:$0x1] =	stream.indirect.gather [hbm4b:s4+s12], $0x20, s12, s12, $0xb8;
	[tilespmem:$0x1CD00] =	vst v63  }
0x15: {  	s25 =	simm.s32 $0x100;
	s10 =	simm.s32 $0x2D00  }
0x16: {  	[tilespmem:s10], [sflag:$0x1] =	stream.indirect.gather [hbm4b:s4+s12], $0x20, s25, s12, $0xb8;
	[tilespmem:$0x1CD00] =	vst v63  }
0x17: {  	s11 =	simm.s32 $0x3D00;
	s10 =	simm.s32 $0x180  }
0x18: {  	[tilespmem:s11], [sflag:$0x1] =	stream.indirect.gather [hbm4b:s4+s12], $0x20, s10, s12, $0xb8;
	[tilespmem:$0x1CD00] =	vst v63  }
0x19: {  	s15 =	simm.s32 $0x200;
	s16 =	simm.s32 $0x4D00  }
0x1a: {  	[tilespmem:s16], [sflag:$0x1] =	stream.indirect.gather [hbm4b:s4+s12], $0x20, s15, s12, $0xb8;
	[tilespmem:$0x1CD00] =	vst v63  }
0x1b: {  	s18 =	simm.s32 $0x280;
	s19 =	simm.s32 $0x5D00  }
0x1c: {  	[tilespmem:s19], [sflag:$0x1] =	stream.indirect.gather [hbm4b:s4+s12], $0x20, s18, s12, $0xb8;
	[tilespmem:$0x1CD00] =	vst v63  }
0x1d: {  	s20 =	simm.s32 $0x300;
	s21 =	simm.s32 $0x6D00  }
0x1e: {  	[tilespmem:s21], [sflag:$0x1] =	stream.indirect.gather [hbm4b:s4+s12], $0x20, s20, s12, $0xb8;
	[tilespmem:$0x1CD00] =	vst v63  }
0x1f: {  	s22 =	simm.s32 $0x380;
	s23 =	simm.s32 $0x7D00  }
0x20: {  	[tilespmem:s23], [sflag:$0x1] =	stream.indirect.gather [hbm4b:s4+s12], $0x20, s22, s12, $0xb8;
	[tilespmem:$0x1CD00] =	vst v63  }
0x21: {  	s24 =	simm.s32 $0x400;
	s25 =	simm.s32 $0x8D00  }
0x22: {  	[tilespmem:s25], [sflag:$0x1] =	stream.indirect.gather [hbm4b:s4+s12], $0x20, s24, s12, $0xb8;
	[tilespmem:$0x1CD00] =	vst v63  }
0x23: {  	s10 =	simm.s32 $0x480;
	s11 =	simm.s32 $0x9D00  }
0x24: {  	[tilespmem:s11], [sflag:$0x1] =	stream.indirect.gather [hbm4b:s4+s12], $0x20, s10, s12, $0xb8;
	[tilespmem:$0x1CD00] =	vst v63  }
0x25: {  	s15 =	simm.s32 $0x500;
	s16 =	simm.s32 $0xAD00  }
0x26: {  	[tilespmem:s16], [sflag:$0x1] =	stream.indirect.gather [hbm4b:s4+s12], $0x20, s15, s12, $0xb8;
	[tilespmem:$0x1CD00] =	vst v63  }
0x27: {  	s18 =	simm.s32 $0x580;
	s19 =	simm.s32 $0xBD00  }
0x28: {  	[tilespmem:s19], [sflag:$0x1] =	stream.indirect.gather [hbm4b:s4+s12], $0x20, s18, s12, $0xb8;
	[tilespmem:$0x1CD00] =	vst v63  }
0x29: {  	s20 =	simm.s32 $0x600;
	s21 =	simm.s32 $0xCD00  }
0x2a: {  	[tilespmem:s21], [sflag:$0x1] =	stream.indirect.gather [hbm4b:s4+s12], $0x20, s20, s12, $0xb8;
	[tilespmem:$0x1CD00] =	vst v63  }
0x2b: {  	s22 =	simm.s32 $0x680;
	s23 =	simm.s32 $0xDD00  }
0x2c: {  	[tilespmem:s23], [sflag:$0x1] =	stream.indirect.gather [hbm4b:s4+s12], $0x20, s22, s12, $0xb8;
	[tilespmem:$0x1CD00] =	vst v63  }
0x2d: {  	s24 =	simm.s32 $0x700;
	s25 =	simm.s32 $0xED00  }
0x2e: {  	[tilespmem:s25], [sflag:$0x1] =	stream.indirect.gather [hbm4b:s4+s12], $0x20, s24, s12, $0xb8;
	[tilespmem:$0x1CD00] =	vst v63  }
0x2f: {  	s10 =	simm.s32 $0x780;
	s11 =	simm.s32 $0xFD00  }
0x30: {  	[tilespmem:s11], [sflag:$0x1] =	stream.indirect.gather [hbm4b:s4+s12], $0x20, s10, s12, $0xb8;
	[tilespmem:$0x1CD00] =	vst v63  }
0x31: {  	s15 =	simm.s32 $0x800;
	s16 =	simm.s32 $0x10D00  }
0x32: {  	[tilespmem:s16], [sflag:$0x1] =	stream.indirect.gather [hbm4b:s4+s12], $0x20, s15, s12, $0xb8;
	[tilespmem:$0x1CD00] =	vst v63  }
0x33: {  	s18 =	simm.s32 $0x880;
	s19 =	simm.s32 $0x11D00  }
0x34: {  	[tilespmem:s19], [sflag:$0x1] =	stream.indirect.gather [hbm4b:s4+s12], $0x20, s18, s12, $0xb8;
	[tilespmem:$0x1CD00] =	vst v63  }
0x35: {  	s20 =	simm.s32 $0x900;
	s21 =	simm.s32 $0x12D00  }
0x36: {  	[tilespmem:s21], [sflag:$0x1] =	stream.indirect.gather [hbm4b:s4+s12], $0x20, s20, s12, $0xb8;
	[tilespmem:$0x1CD00] =	vst v63  }
0x37: {  	s22 =	simm.s32 $0x980;
	s23 =	simm.s32 $0x13D00  }
0x38: {  	[tilespmem:s23], [sflag:$0x1] =	stream.indirect.gather [hbm4b:s4+s12], $0x20, s22, s12, $0xb8;
	[tilespmem:$0x1CD00] =	vst v63  }
0x39: {  	s24 =	simm.s32 $0xA00;
	s25 =	simm.s32 $0x14D00  }
0x3a: {  	[tilespmem:s25], [sflag:$0x1] =	stream.indirect.gather [hbm4b:s4+s12], $0x20, s24, s12, $0xb8;
	[tilespmem:$0x1CD00] =	vst v63  }
0x3b: {  	s11 =	simm.s32 $0xA80;
	s15 =	simm.s32 $0x15D00  }
0x3c: {  	[tilespmem:s15], [sflag:$0x1] =	stream.indirect.gather [hbm4b:s4+s12], $0x20, s11, s12, $0xb8;
	[tilespmem:$0x1CD00] =	vst v63  }
0x3d: {  	s16 =	simm.s32 $0xB00;
	s18 =	simm.s32 $0x16D00  }
0x3e: {  	[tilespmem:s18], [sflag:$0x1] =	stream.indirect.gather [hbm4b:s4+s12], $0x20, s16, s12, $0xb8;
	[tilespmem:$0x1CD00] =	vst v63  }
0x3f: {  	s19 =	simm.s32 $0xB80;
	s20 =	simm.s32 $0x17D00  }
0x40: {  	[tilespmem:s20], [sflag:$0x1] =	stream.indirect.gather [hbm4b:s4+s12], $0x20, s19, s12, $0xb8;
	[tilespmem:$0x1CD00] =	vst v63  }
0x41: {  	s21 =	simm.s32 $0xC00;
	s22 =	simm.s32 $0x18D00  }
0x42: {  	[tilespmem:s22], [sflag:$0x1] =	stream.indirect.gather [hbm4b:s4+s12], $0x20, s21, s12, $0xb8;
	[tilespmem:$0x1CD00] =	vst v63  }
0x43: {  	s23 =	simm.s32 $0xC80;
	s24 =	simm.s32 $0x19D00;
	s25 =	simm.s32 $0x1  }
0x44: {  	[tilespmem:s24], [sflag:$0x1] =	stream.indirect.gather [hbm4b:s4+s12], $0x20, s23, s12, $0xb8;
	[tilespmem:$0x1CD00] =	vst v63  }
0x45: {  	_ =	swait.ge [sflag:s25], $0x1A000  }
0x46: {  	[sflag:s25] =	ssyncset.done $0x0  }
0x47: {  	s18 =	simm.s32 $0x0;
	[sflag:s25] =	ssyncadd.s32 $0xFFFE6000  }
.LBB2_2:
0x48: {  	s5 =	simm.s32 $0x0  }
0x49: {  	s10 =	simm.s32 $0x0;
	s19 =	sshll.u32 s18, $0x1;
	s5 =	sand.u32 $0xFFFFFFE0, s5  }
0x4a: {  	s10 =	smul.u32 $0x1A0, s10;
	s20 =	ssub.s32 $0xFFFFFFF8, s5;
	s5 =	ssub.s32 $0x0, s5  }
0x4b: {  	s21 =	sadd.s32 $0xF, s20;
	s22 =	sadd.s32 $0xB, s20;
	s20 =	sadd.s32 $0xC, s20  }
0x4c: {  	s10 =	sadd.s32 s19, s10;
	s15 =	sadd.s32 $0x1, s5;
	s16 =	sadd.s32 $0x2, s5;
	v2 =	vmov s21;
	v3 =	vmov s22;
	v4 =	vmov s20  }
0x4d: {  	v5 =	vmov s10;
	v6 =	vmov s15;
	s22 =	sadd.s32 $0x5, s5;
	v7 =	vmov s16  }
0x4e: {  	s5 =	sadd.s32 $0x6, s5;
	v2 =	vshrl.u32 v2, $0x3;
	v5 =	vshll.u32 v5, $0x5;
	v8 =	vmov s22  }
0x4f: {  	s23 =	simm.s32 $0x0;
	v9 =	vmov s5;
	v6 =	vshrl.u32 v6, $0x3;
	v7 =	vshrl.u32 v7, $0x3  }
0x50: {  	s5 =	sand.u32 $0x18, s23;
	v3 =	vshrl.u32 v3, $0x3;
	v4 =	vshrl.u32 v4, $0x3;
	v2 =	vshll.u32 v2, v1  }
0x51: {  	p0 =	seq.s32 s18, $0x0;
	s24 =	simm.s32 $0x8;
	v5 =	vadd.s32 v0, v5;
	v10 =	vmov s5;
	v8 =	vshrl.u32 v8, $0x3  }
0x52: {  	s25 =	simm.s32 $0x0;
	s20 =	simm.s32 @!p0 $0x2;
	s10 =	sand.u32 $0xFFFFFFE0, s24;
	v9 =	vshrl.u32 v9, $0x3;
	v6 =	vshll.u32 v6, v1;
	v7 =	vshll.u32 v7, v1  }
0x53: {  	s21 =	smul.u32 $0x1A0, s25;
	_ =	swait.ge @!p0 [sflag:s20], $0x400;
	s11 =	ssub.s32 $0x0, s10;
	v3 =	vshll.u32 v3, v1;
	v4 =	vshll.u32 v4, v1;
	v2 =	vbroadcast v2, $0x0  }
0x54: {  	s10 =	ssub.s32 $0x8, s10;
	[sflag:s20] =	ssyncset.done @!p0 $0x0;
	s23 =	sadd.s32 $0xF, s11;
	v8 =	vshll.u32 v8, v1;
	v9 =	vshll.u32 v9, v1;
	v6 =	vbroadcast v6, $0x0  }
0x55: {  	s22 =	sadd.s32 $0xC, s11;
	s21 =	sadd.s32 s19, s21;
	[sflag:s20] =	ssyncadd.s32 @!p0 $0xFFFFFC00;
	v10 =	vshrl.u32 v10, $0x3;
	v7 =	vbroadcast v7, $0x0;
	v3 =	vbroadcast v3, $0x0  }
0x56: {  	s15 =	sadd.s32 $0x1, s10;
	s16 =	sadd.s32 $0x2, s10;
	v4 =	vbroadcast v4, $0x0;
	v11 =	vmov s23;
	v12 =	vmov s22;
	_ =	swait.ge @!p0 [sflag:s20], $0x400  }
0x57: {  	v13 =	vmov s21;
	v14 =	vmov s15;
	v15 =	vmov s16;
	[sflag:s20] =	ssyncset.done @!p0 $0x0  }
0x58: {  	v10 =	vshll.u32 v10, v1;
	v8 =	vbroadcast v8, $0x0;
	v9 =	vbroadcast v9, $0x0;
	[sflag:s20] =	ssyncadd.s32 @!p0 $0xFFFFFC00  }
0x59: {  	s23 =	sadd.s32 $0x5, s10;
	s10 =	sadd.s32 $0x6, s10;
	v11 =	vshrl.u32 v11, $0x3;
	v13 =	vshll.u32 v13, $0x5;
	v2 =	vadd.s32 v2, v5;
	_ =	swait.ge @!p0 [sflag:s20], $0x400  }
0x5a: {  	v17 =	vmov s10;
	v6 =	vadd.s32 v6, v5;
	v2 =	vor.u32 $0x7, v2;
	[sflag:s20] =	ssyncset.done @!p0 $0x0  }
0x5b: {  	v14 =	vshrl.u32 v14, $0x3;
	v7 =	vadd.s32 v7, v5;
	v6 =	vor.u32 $0x1, v6;
	[sflag:s20] =	ssyncadd.s32 @!p0 $0xFFFFFC00  }
0x5c: {  	v15 =	vshrl.u32 v15, $0x3;
	v4 =	vadd.s32 v4, v5;
	v7 =	vor.u32 $0x2, v7;
	_ =	swait.ge @!p0 [sflag:s20], $0x400  }
0x5d: {  	v12 =	vshrl.u32 v12, $0x3;
	v3 =	vadd.s32 v3, v5;
	v4 =	vor.u32 $0x4, v4;
	[sflag:s20] =	ssyncset.done @!p0 $0x0  }
0x5e: {  	v10 =	vbroadcast v10, $0x0;
	v11 =	vshll.u32 v11, v1;
	v3 =	vor.u32 $0x3, v3;
	[sflag:s20] =	ssyncadd.s32 @!p0 $0xFFFFFC00  }
0x5f: {  	s24 =	sadd.s32 $0xB, s11;
	v12 =	vshll.u32 v12, v1;
	v8 =	vadd.s32 v8, v5;
	v9 =	vadd.s32 v9, v5;
	v16 =	vld.idx.msk [tilespmem:v2+s13+$0x0], $0xffff  }
0x60: {  	v11 =	vbroadcast v11, $0x0;
	v10 =	vor.u32 v10, v5;
	v5 =	vmov s24;
	s24 =	simm.s32 $0x0;
	v6 =	vld.idx.msk [tilespmem:v6+s13+$0x0], $0xffff  }
0x61: {  	v8 =	vor.u32 $0x5, v8;
	v9 =	vor.u32 $0x6, v9;
	s25 =	smul.u32 $0xFFFFC040, s24;
	v5 =	vshrl.u32 v5, $0x3;
	v7 =	vld.idx.msk [tilespmem:v7+s13+$0x0], $0xffff  }
0x62: {  	s20 =	simm.s32 $0x8;
	v2 =	vadd.s32 v0, v13;
	v13 =	vmov s23;
	v62 =	vld.idx.msk [tilespmem:v4+s13+$0x0], $0xffff;
	v4 =	vshll.u32 v14, v1  }
0x63: {  	s10 =	sshra.s32 s25, $0x2;
	s11 =	sand.u32 $0x18, s20;
	v19 =	vld.idx.msk [tilespmem:v3+s13+$0x0], $0xffff;
	v14 =	vshll.u32 v15, v1;
	v15 =	vshll.u32 v5, v1;
	v11 =	vadd.s32 v11, v2  }
0x64: {  	s21 =	sadd.s32 $0x1AD00, s10;
	v3 =	vmov s11;
	v63 =	vbroadcast v4, $0x0;
	v18 =	vor.u32 $0x7, v11  }
0x65: {  	s15 =	simm.s32 $0x0;
	v14 =	vbroadcast v14, $0x0;
	v15 =	vbroadcast v15, $0x0;
	v11 =	vshrl.u32 v13, $0x3;
	[tilespmem:s21+$0x380] =	vst v16  }
0x66: {  	s5 =	sshll.u32 s5, $0x7;
	s16 =	simm.s32 $0x4;
	s10 =	sand.u32 $0x3FFFFFF0, s15;
	v5 =	vld.idx.msk [tilespmem:v8+s13+$0x0], $0xffff;
	v13 =	vshrl.u32 v17, $0x3;
	v8 =	vshrl.u32 v3, $0x3;
	v11 =	vshll.u32 v11, v1;
	[tilespmem:s21+$0x80] =	vst v6  }
0x67: {  	s24 =	sadd.s32 s10, s5;
	s5 =	sand.u32 $0x3FFFFFF0, s16;
	v3 =	vld.idx.msk [tilespmem:v9+s13+$0x0], $0xffff;
	v13 =	vshll.u32 v13, v1;
	v20 =	vshll.u32 v8, v1;
	v8 =	vbroadcast v12, $0x0;
	[tilespmem:s21+$0x100] =	vst v7  }
0x68: {  	s23 =	simm.s32 $0x1AD00;
	s25 =	sshll.u32 s11, $0x7;
	v4 =	vld.idx.msk [tilespmem:v10+s13+$0x0], $0xffff;
	s11 =	simm.s32 $0x0;
	v9 =	vadd.s32 v63, v2;
	v12 =	vadd.s32 v15, v2;
	v11 =	vbroadcast v11, $0x0;
	[tilespmem:s21+$0x180] =	vst v19  }
0x69: {  	s22 =	sadd.s32 s5, s25;
	s10 =	smul.u32 $0xFFFFC040, s11;
	s5 =	simm.s32 $0x10;
	v10 =	vbroadcast v13, $0x0;
	v13 =	vadd.s32 v14, v2;
	v7 =	vbroadcast v20, $0x0;
	[tilespmem:s21+$0x200] =	vst v62;
	v6 =	vld.idx.msk [tilespmem:v18+s13+$0x0], $0xffff  }
.LBB2_3:
0x6a: {  	s11 =	sand.u32 $0xFFFFFFE0, s5  }
0x6b: {  	v8 =	vadd.s32 v8, v2;
	v11 =	vadd.s32 v11, v2;
	v10 =	vadd.s32 v10, v2;
	[tilespmem:s21+$0x280] =	vst v5;
	s23 =	sadd.s32 $0x400, s23;
	s25 =	smov.u32 s20;
	s20 =	sadd.s32 $0x8, s20  }
0x6c: {  	v5 =	vor.u32 $0x1, v9;
	v9 =	vor.u32 $0x2, v13;
	v12 =	vor.u32 $0x3, v12;
	s15 =	sshrl.u32 s20, $0x5;
	s25 =	ssub.s32 s25, s11;
	s10 =	sshra.s32 s10, $0x2;
	[tilespmem:s21+$0x300] =	vst v3  }
0x6d: {  	v3 =	vor.u32 $0x4, v8;
	v8 =	vor.u32 $0x5, v11;
	v10 =	vor.u32 $0x6, v10;
	s15 =	smul.u32 $0x1A0, s15;
	s16 =	sadd.s32 $0xF, s25;
	s21 =	sadd.s32 s10, s23;
	[tilespmem:s24+$0x1AD00] =	vst v4  }
0x6e: {  	v7 =	vor.u32 v7, v2;
	s10 =	ssub.s32 s20, s11;
	s11 =	sadd.s32 $0xB, s25;
	s24 =	sadd.s32 $0xC, s25;
	v4 =	vmov s16;
	[tilespmem:s21+$0x380] =	vst v6  }
0x6f: {  	s16 =	sadd.s32 $0x1, s10;
	s25 =	sadd.s32 $0x2, s10;
	v6 =	vmov s11;
	v11 =	vmov s24;
	s15 =	sadd.s32 s19, s15;
	v2 =	vshrl.u32 v4, $0x3  }
0x70: {  	s11 =	sand.u32 $0x18, s20;
	v13 =	vmov s16;
	v4 =	vmov s15;
	s15 =	sadd.s32 $0x5, s10;
	s10 =	sadd.s32 $0x6, s10;
	v2 =	vshll.u32 v2, v1  }
0x71: {  	p1 =	slt.u32 s20, $0xF8;
	s24 =	sshrl.u32 s20, $0x1;
	s16 =	sshll.u32 s11, $0x7;
	v14 =	vmov s25;
	v4 =	vshll.u32 v4, $0x5;
	v15 =	vbroadcast v2, $0x0;
	v16 =	vld.idx.msk [tilespmem:v5+s13+$0x0], $0xffff  }
0x72: {  	s25 =	sand.u32 $0x3FFFFFF0, s24;
	s24 =	smov.u32 s22;
	v5 =	vmov s10;
	v2 =	vadd.s32 v0, v4;
	v4 =	vmov s15;
	v9 =	vld.idx.msk [tilespmem:v9+s13+$0x0], $0xffff  }
0x73: {  	s22 =	sadd.s32 s25, s16;
	v13 =	vshrl.u32 v13, $0x3;
	v14 =	vshrl.u32 v14, $0x3;
	v15 =	vadd.s32 v15, v2;
	v12 =	vld.idx.msk [tilespmem:v12+s13+$0x0], $0xffff  }
0x74: {  	v6 =	vshrl.u32 v6, $0x3;
	v11 =	vshrl.u32 v11, $0x3;
	v15 =	vor.u32 $0x7, v15;
	v17 =	vld.idx.msk [tilespmem:v3+s13+$0x0], $0xffff  }
0x75: {  	v18 =	vmov s11;
	v19 =	vshrl.u32 v5, $0x3;
	v4 =	vshrl.u32 v4, $0x3;
	v5 =	vld.idx.msk [tilespmem:v8+s13+$0x0], $0xffff  }
0x76: {  	v6 =	vshll.u32 v6, v1;
	v8 =	vshll.u32 v13, v1;
	v13 =	vshll.u32 v14, v1;
	v3 =	vld.idx.msk [tilespmem:v10+s13+$0x0], $0xffff  }
.Ltmp0:
0x77: {  	v14 =	vshll.u32 v19, v1;
	v10 =	vshll.u32 v11, v1;
	v11 =	vshll.u32 v4, v1;
	v4 =	vld.idx.msk [tilespmem:v7+s13+$0x0], $0xffff;
	(pc) =	sbr.rel @p1 .LBB2_3-.Ltmp0, $4  }
0x78: {  	v13 =	vbroadcast v13, $0x0;
	v7 =	vshrl.u32 v18, $0x3;
	v18 =	vbroadcast v8, $0x0;
	[tilespmem:s21+$0x80] =	vst v16  }
0x79: {  	v8 =	vbroadcast v10, $0x0;
	v7 =	vshll.u32 v7, v1;
	v16 =	vbroadcast v6, $0x0;
	v6 =	vld.idx.msk [tilespmem:v15+s13+$0x0], $0xffff;
	[tilespmem:s21+$0x100] =	vst v9  }
0x7a: {  	s10 =	sshrl.u32 s5, $0x5;
	v11 =	vbroadcast v11, $0x0;
	v10 =	vbroadcast v14, $0x0;
	v9 =	vadd.s32 v18, v2;
	[tilespmem:s21+$0x180] =	vst v12  }
0x7b: {  	s5 =	sadd.s32 $0x8, s5;
	s10 =	smul.u32 $0xFFFFC040, s10;
	v13 =	vadd.s32 v13, v2;
	v7 =	vbroadcast v7, $0x0;
	v12 =	vadd.s32 v16, v2;
	[tilespmem:s21+$0x200] =	vst v17  }
0x7c: {  	v9 =	vor.u32 $0x1, v9  }
0x7d: {  	v13 =	vor.u32 $0x2, v13  }
0x7e: {  	v8 =	vadd.s32 v8, v2;
	v12 =	vor.u32 $0x3, v12  }
0x7f: {  	v11 =	vadd.s32 v11, v2;
	v8 =	vor.u32 $0x4, v8  }
0x80: {  	v10 =	vadd.s32 v10, v2;
	v11 =	vor.u32 $0x5, v11  }
0x81: {  	v10 =	vor.u32 $0x6, v10;
	v9 =	vld.idx.msk [tilespmem:v9+s13+$0x0], $0xffff  }
0x82: {  	[tilespmem:s21+$0x280] =	vst v5;
	v2 =	vor.u32 v7, v2;
	v5 =	vld.idx.msk [tilespmem:v13+s13+$0x0], $0xffff  }
0x83: {  	s5 =	sadd.s32 $0x400, s23;
	[tilespmem:s21+$0x300] =	vst v3;
	s10 =	sshra.s32 s10, $0x2;
	v3 =	vld.idx.msk [tilespmem:v12+s13+$0x0], $0xffff  }
0x84: {  	[tilespmem:s24+$0x1AD00] =	vst v4;
	s5 =	sadd.s32 s10, s5;
	v4 =	vld.idx.msk [tilespmem:v8+s13+$0x0], $0xffff  }
0x85: {  	[tilespmem:s5+$0x380] =	vst v6;
	v6 =	vld.idx.msk [tilespmem:v11+s13+$0x0], $0xffff  }
0x86: {  	v7 =	vld.idx.msk [tilespmem:v10+s13+$0x0], $0xffff;
	[tilespmem:s5+$0x80] =	vst v9  }
0x87: {  	v2 =	vld.idx.msk [tilespmem:v2+s13+$0x0], $0xffff;
	[tilespmem:s5+$0x100] =	vst v5  }
0x88: {  	[tilespmem:s5+$0x180] =	vst v3  }
0x89: {  	s11 =	sshll.u32 s18, $0x12;
	[tilespmem:s5+$0x200] =	vst v4  }
0x8a: {  	s10 =	sor.u32 s6, s11;
	[tilespmem:s5+$0x280] =	vst v6  }
0x8b: {  	s15 =	sshrl.u32 s10, $0x3;
	[tilespmem:s5+$0x300] =	vst v7  }
0x8c: {  	s10 =	sadd.s32 s2, s15;
	[tilespmem:s22+$0x1AD00] =	vst v2  }
0x8d: {  	[hbm4b:s10+s3] =	stream.linear.scatter [tilespmem:s26], [sflag:$0x2], $0x400, $0x38;
	[tilespmem:$0x1CD00] =	vst v63  }
0x8e: {  	s16 =	sadd.s32 s15, s7;
	s22 =	simm.s32 $0x0  }
0x8f: {  	[hbm4b:s16+s3] =	stream.linear.scatter [tilespmem:s28], [sflag:$0x2], $0x400, $0x38;
	[tilespmem:$0x1CD00] =	vst v63  }
0x90: {  	s19 =	sor.u32 $0x1, s19;
	s20 =	sadd.s32 s15, s8;
	s10 =	smul.u32 $0x1A0, s22  }
0x91: {  	[hbm4b:s20+s3] =	stream.linear.scatter [tilespmem:s29], [sflag:$0x2], $0x400, $0x38;
	[tilespmem:$0x1CD00] =	vst v63  }
0x92: {  	s21 =	simm.s32 $0x0;
	s5 =	sadd.s32 s15, s9;
	s10 =	sadd.s32 s19, s10  }
0x93: {  	[hbm4b:s5+s3] =	stream.linear.scatter [tilespmem:s30], [sflag:$0x2], $0x400, $0x38;
	[tilespmem:$0x1CD00] =	vst v63  }
0x94: {  	v5 =	vmov s10;
	s5 =	sand.u32 $0xFFFFFFE0, s21  }
0x95: {  	v5 =	vshll.u32 v5, $0x5;
	s11 =	ssub.s32 $0xFFFFFFF8, s5;
	s5 =	ssub.s32 $0x0, s5  }
0x96: {  	v5 =	vadd.s32 v0, v5;
	s15 =	sadd.s32 $0xF, s11;
	s16 =	sadd.s32 $0xB, s11;
	s11 =	sadd.s32 $0xC, s11  }
0x97: {  	s23 =	sadd.s32 $0x1, s5;
	s24 =	sadd.s32 $0x2, s5;
	s25 =	sadd.s32 $0x5, s5;
	v2 =	vmov s15;
	v3 =	vmov s16;
	v4 =	vmov s11  }
0x98: {  	s5 =	sadd.s32 $0x6, s5;
	v6 =	vmov s23;
	v7 =	vmov s24;
	v8 =	vmov s25  }
0x99: {  	v9 =	vmov s5;
	v2 =	vshrl.u32 v2, $0x3;
	v6 =	vshrl.u32 v6, $0x3  }
0x9a: {  	s20 =	simm.s32 @!p0 $0x3;
	s15 =	simm.s32 $0x0;
	v7 =	vshrl.u32 v7, $0x3;
	v3 =	vshrl.u32 v3, $0x3;
	v4 =	vshrl.u32 v4, $0x3  }
0x9b: {  	_ =	swait.ge @!p0 [sflag:s20], $0x400;
	s5 =	sand.u32 $0x18, s15;
	v8 =	vshrl.u32 v8, $0x3;
	v9 =	vshrl.u32 v9, $0x3;
	v2 =	vshll.u32 v2, v1  }
0x9c: {  	[sflag:s20] =	ssyncset.done @!p0 $0x0;
	v10 =	vmov s5;
	v6 =	vshll.u32 v6, v1;
	v7 =	vshll.u32 v7, v1  }
0x9d: {  	s21 =	simm.s32 $0x0;
	[sflag:s20] =	ssyncadd.s32 @!p0 $0xFFFFFC00;
	s16 =	simm.s32 $0x8;
	v3 =	vshll.u32 v3, v1;
	v4 =	vshll.u32 v4, v1;
	v2 =	vbroadcast v2, $0x0  }
0x9e: {  	s11 =	smul.u32 $0x1A0, s21;
	_ =	swait.ge @!p0 [sflag:s20], $0x400;
	s10 =	sand.u32 $0xFFFFFFE0, s16;
	v8 =	vshll.u32 v8, v1;
	v6 =	vbroadcast v6, $0x0;
	v7 =	vbroadcast v7, $0x0  }
0x9f: {  	v9 =	vshll.u32 v9, v1;
	[sflag:s20] =	ssyncset.done @!p0 $0x0;
	s22 =	ssub.s32 $0x0, s10;
	s10 =	ssub.s32 $0x8, s10;
	v3 =	vbroadcast v3, $0x0;
	v4 =	vbroadcast v4, $0x0  }
0xa0: {  	s11 =	sadd.s32 s19, s11;
	v10 =	vshrl.u32 v10, $0x3;
	v8 =	vbroadcast v8, $0x0;
	[sflag:s20] =	ssyncadd.s32 @!p0 $0xFFFFFC00;
	v9 =	vbroadcast v9, $0x0;
	s23 =	sadd.s32 $0xF, s22  }
0xa1: {  	s24 =	sadd.s32 $0xB, s22;
	s15 =	sadd.s32 $0xC, s22;
	s25 =	sadd.s32 $0x1, s10;
	v13 =	vmov s11;
	v10 =	vshll.u32 v10, v1;
	v11 =	vmov s23  }
0xa2: {  	s21 =	sadd.s32 $0x2, s10;
	s22 =	sadd.s32 $0x5, s10;
	s10 =	sadd.s32 $0x6, s10;
	v12 =	vmov s15;
	v14 =	vmov s25;
	v13 =	vshll.u32 v13, $0x5  }
0xa3: {  	_ =	swait.ge @!p0 [sflag:s20], $0x400;
	v15 =	vmov s21;
	v17 =	vmov s10;
	v2 =	vadd.s32 v2, v5  }
0xa4: {  	v6 =	vadd.s32 v6, v5;
	v10 =	vbroadcast v10, $0x0;
	[sflag:s20] =	ssyncset.done @!p0 $0x0;
	v2 =	vor.u32 $0x7, v2  }
0xa5: {  	v7 =	vadd.s32 v7, v5;
	v3 =	vadd.s32 v3, v5;
	v6 =	vor.u32 $0x1, v6;
	[sflag:s20] =	ssyncadd.s32 @!p0 $0xFFFFFC00  }
0xa6: {  	v4 =	vadd.s32 v4, v5;
	v8 =	vadd.s32 v8, v5;
	v7 =	vor.u32 $0x2, v7;
	_ =	swait.ge @!p0 [sflag:s20], $0x400  }
0xa7: {  	v9 =	vadd.s32 v9, v5;
	v11 =	vshrl.u32 v11, $0x3;
	v3 =	vor.u32 $0x3, v3;
	[sflag:s20] =	ssyncset.done @!p0 $0x0  }
0xa8: {  	v14 =	vshrl.u32 v14, $0x3;
	v15 =	vshrl.u32 v15, $0x3;
	v4 =	vor.u32 $0x4, v4;
	[sflag:s20] =	ssyncadd.s32 @!p0 $0xFFFFFC00  }
0xa9: {  	v12 =	vshrl.u32 v12, $0x3;
	v8 =	vor.u32 $0x5, v8;
	v9 =	vor.u32 $0x6, v9;
	v16 =	vld.idx.msk [tilespmem:v2+s13+$0x0], $0xffff  }
0xaa: {  	s23 =	simm.s32 $0x0;
	v11 =	vshll.u32 v11, v1;
	v10 =	vor.u32 v10, v5;
	v5 =	vmov s24;
	s20 =	simm.s32 $0x8;
	v6 =	vld.idx.msk [tilespmem:v6+s13+$0x0], $0xffff  }
0xab: {  	v12 =	vshll.u32 v12, v1;
	v11 =	vbroadcast v11, $0x0;
	s24 =	smul.u32 $0xFFFFC040, s23;
	v5 =	vshrl.u32 v5, $0x3;
	s25 =	sand.u32 $0x18, s20;
	v7 =	vld.idx.msk [tilespmem:v7+s13+$0x0], $0xffff  }
0xac: {  	v2 =	vadd.s32 v0, v13;
	v13 =	vmov s22;
	v19 =	vld.idx.msk [tilespmem:v3+s13+$0x0], $0xffff;
	v3 =	vmov s25  }
0xad: {  	s10 =	sshra.s32 s24, $0x2;
	v62 =	vld.idx.msk [tilespmem:v4+s13+$0x0], $0xffff;
	v4 =	vshll.u32 v14, v1;
	v14 =	vshll.u32 v15, v1;
	v11 =	vadd.s32 v11, v2  }
0xae: {  	s21 =	sadd.s32 $0x1AD00, s10;
	v15 =	vshll.u32 v5, v1;
	v63 =	vbroadcast v4, $0x0;
	v18 =	vor.u32 $0x7, v11  }
0xaf: {  	s15 =	simm.s32 $0x0;
	v5 =	vld.idx.msk [tilespmem:v8+s13+$0x0], $0xffff;
	v8 =	vshrl.u32 v3, $0x3;
	v14 =	vbroadcast v14, $0x0;
	v15 =	vbroadcast v15, $0x0;
	[tilespmem:s21+$0x1380] =	vst v16  }
0xb0: {  	s5 =	sshll.u32 s5, $0x7;
	s10 =	sand.u32 $0x3FFFFFF0, s15;
	v11 =	vshrl.u32 v13, $0x3;
	v13 =	vshrl.u32 v17, $0x3;
	v20 =	vshll.u32 v8, v1;
	[tilespmem:s21+$0x1080] =	vst v6  }
0xb1: {  	s16 =	simm.s32 $0x4;
	s23 =	simm.s32 $0x1AD00;
	s24 =	sadd.s32 s10, s5;
	v3 =	vld.idx.msk [tilespmem:v9+s13+$0x0], $0xffff;
	v8 =	vbroadcast v12, $0x0;
	v11 =	vshll.u32 v11, v1;
	v13 =	vshll.u32 v13, v1;
	[tilespmem:s21+$0x1100] =	vst v7  }
0xb2: {  	s22 =	sshll.u32 s25, $0x7;
	s5 =	sand.u32 $0x3FFFFFF0, s16;
	s25 =	simm.s32 $0x0;
	v4 =	vld.idx.msk [tilespmem:v10+s13+$0x0], $0xffff;
	v9 =	vadd.s32 v63, v2;
	v12 =	vadd.s32 v15, v2;
	v11 =	vbroadcast v11, $0x0;
	[tilespmem:s21+$0x1180] =	vst v19  }
0xb3: {  	s22 =	sadd.s32 s5, s22;
	s10 =	smul.u32 $0xFFFFC040, s25;
	s5 =	simm.s32 $0x10;
	v10 =	vbroadcast v13, $0x0;
	v13 =	vadd.s32 v14, v2;
	v7 =	vbroadcast v20, $0x0;
	[tilespmem:s21+$0x1200] =	vst v62;
	v6 =	vld.idx.msk [tilespmem:v18+s13+$0x0], $0xffff  }
.LBB2_5:
0xb4: {  	s11 =	sand.u32 $0xFFFFFFE0, s5  }
0xb5: {  	v8 =	vadd.s32 v8, v2;
	v11 =	vadd.s32 v11, v2;
	v10 =	vadd.s32 v10, v2;
	[tilespmem:s21+$0x1280] =	vst v5;
	s23 =	sadd.s32 $0x400, s23;
	s15 =	smov.u32 s20;
	s20 =	sadd.s32 $0x8, s20  }
0xb6: {  	v5 =	vor.u32 $0x1, v9;
	v9 =	vor.u32 $0x2, v13;
	v12 =	vor.u32 $0x3, v12;
	s16 =	sshrl.u32 s20, $0x5;
	s15 =	ssub.s32 s15, s11;
	s10 =	sshra.s32 s10, $0x2;
	[tilespmem:s21+$0x1300] =	vst v3  }
0xb7: {  	v3 =	vor.u32 $0x4, v8;
	v8 =	vor.u32 $0x5, v11;
	v10 =	vor.u32 $0x6, v10;
	s16 =	smul.u32 $0x1A0, s16;
	s25 =	sadd.s32 $0xF, s15;
	s21 =	sadd.s32 s10, s23;
	[tilespmem:s24+$0x1BD00] =	vst v4  }
0xb8: {  	v7 =	vor.u32 v7, v2;
	s10 =	ssub.s32 s20, s11;
	s11 =	sadd.s32 $0xB, s15;
	s15 =	sadd.s32 $0xC, s15;
	v4 =	vmov s25;
	[tilespmem:s21+$0x1380] =	vst v6  }
0xb9: {  	s24 =	sadd.s32 $0x1, s10;
	s25 =	sadd.s32 $0x2, s10;
	v6 =	vmov s11;
	v11 =	vmov s15;
	s16 =	sadd.s32 s19, s16;
	v2 =	vshrl.u32 v4, $0x3  }
0xba: {  	s11 =	sand.u32 $0x18, s20;
	s15 =	sadd.s32 $0x5, s10;
	s10 =	sadd.s32 $0x6, s10;
	v13 =	vmov s24;
	v4 =	vmov s16;
	v2 =	vshll.u32 v2, v1  }
0xbb: {  	p0 =	slt.u32 s20, $0xF8;
	s24 =	sshrl.u32 s20, $0x1;
	v14 =	vmov s25;
	s16 =	sshll.u32 s11, $0x7;
	v4 =	vshll.u32 v4, $0x5;
	v15 =	vbroadcast v2, $0x0;
	v16 =	vld.idx.msk [tilespmem:v5+s13+$0x0], $0xffff  }
0xbc: {  	s25 =	sand.u32 $0x3FFFFFF0, s24;
	s24 =	smov.u32 s22;
	v5 =	vmov s10;
	v2 =	vadd.s32 v0, v4;
	v4 =	vmov s15;
	v9 =	vld.idx.msk [tilespmem:v9+s13+$0x0], $0xffff  }
0xbd: {  	v13 =	vshrl.u32 v13, $0x3;
	v14 =	vshrl.u32 v14, $0x3;
	s22 =	sadd.s32 s25, s16;
	v15 =	vadd.s32 v15, v2;
	v12 =	vld.idx.msk [tilespmem:v12+s13+$0x0], $0xffff  }
0xbe: {  	v6 =	vshrl.u32 v6, $0x3;
	v11 =	vshrl.u32 v11, $0x3;
	v15 =	vor.u32 $0x7, v15;
	v17 =	vld.idx.msk [tilespmem:v3+s13+$0x0], $0xffff  }
0xbf: {  	v18 =	vmov s11;
	v19 =	vshrl.u32 v5, $0x3;
	v4 =	vshrl.u32 v4, $0x3;
	v5 =	vld.idx.msk [tilespmem:v8+s13+$0x0], $0xffff  }
0xc0: {  	v6 =	vshll.u32 v6, v1;
	v8 =	vshll.u32 v13, v1;
	v13 =	vshll.u32 v14, v1;
	v3 =	vld.idx.msk [tilespmem:v10+s13+$0x0], $0xffff  }
.Ltmp1:
0xc1: {  	v14 =	vshll.u32 v19, v1;
	v10 =	vshll.u32 v11, v1;
	v11 =	vshll.u32 v4, v1;
	v4 =	vld.idx.msk [tilespmem:v7+s13+$0x0], $0xffff;
	(pc) =	sbr.rel @p0 .LBB2_5-.Ltmp1, $4  }
0xc2: {  	v13 =	vbroadcast v13, $0x0;
	v7 =	vshrl.u32 v18, $0x3;
	v18 =	vbroadcast v8, $0x0;
	[tilespmem:s21+$0x1080] =	vst v16  }
0xc3: {  	v8 =	vbroadcast v10, $0x0;
	v7 =	vshll.u32 v7, v1;
	v16 =	vbroadcast v6, $0x0;
	v6 =	vld.idx.msk [tilespmem:v15+s13+$0x0], $0xffff;
	[tilespmem:s21+$0x1100] =	vst v9  }
0xc4: {  	s10 =	sshrl.u32 s5, $0x5;
	v11 =	vbroadcast v11, $0x0;
	v10 =	vbroadcast v14, $0x0;
	v9 =	vadd.s32 v18, v2;
	[tilespmem:s21+$0x1180] =	vst v12  }
0xc5: {  	s5 =	sadd.s32 $0x8, s5;
	s10 =	smul.u32 $0xFFFFC040, s10;
	v13 =	vadd.s32 v13, v2;
	v7 =	vbroadcast v7, $0x0;
	v12 =	vadd.s32 v16, v2;
	[tilespmem:s21+$0x1200] =	vst v17  }
0xc6: {  	v9 =	vor.u32 $0x1, v9  }
0xc7: {  	v13 =	vor.u32 $0x2, v13  }
0xc8: {  	v8 =	vadd.s32 v8, v2;
	v12 =	vor.u32 $0x3, v12  }
0xc9: {  	v11 =	vadd.s32 v11, v2;
	v8 =	vor.u32 $0x4, v8  }
0xca: {  	v10 =	vadd.s32 v10, v2;
	v11 =	vor.u32 $0x5, v11  }
0xcb: {  	v10 =	vor.u32 $0x6, v10;
	v9 =	vld.idx.msk [tilespmem:v9+s13+$0x0], $0xffff  }
0xcc: {  	[tilespmem:s21+$0x1280] =	vst v5;
	v2 =	vor.u32 v7, v2;
	v60 =	vld.idx.msk [tilespmem:v13+s13+$0x0], $0xffff  }
0xcd: {  	s5 =	sadd.s32 $0x400, s23;
	[tilespmem:s21+$0x1300] =	vst v3;
	s10 =	sshra.s32 s10, $0x2;
	v3 =	vld.idx.msk [tilespmem:v12+s13+$0x0], $0xffff  }
0xce: {  	[tilespmem:s24+$0x1BD00] =	vst v4;
	s5 =	sadd.s32 s10, s5;
	v61 =	vld.idx.msk [tilespmem:v8+s13+$0x0], $0xffff  }
0xcf: {  	[tilespmem:s5+$0x1380] =	vst v6;
	v62 =	vld.idx.msk [tilespmem:v11+s13+$0x0], $0xffff  }
0xd0: {  	v63 =	vld.idx.msk [tilespmem:v10+s13+$0x0], $0xffff;
	[tilespmem:s5+$0x1080] =	vst v9  }
0xd1: {  	v2 =	vld.idx.msk [tilespmem:v2+s13+$0x0], $0xffff;
	[tilespmem:s5+$0x1100] =	vst v60  }
0xd2: {  	[tilespmem:s5+$0x1180] =	vst v3  }
0xd3: {  	s21 =	sshll.u32 s19, $0x11;
	[tilespmem:s5+$0x1200] =	vst v61  }
0xd4: {  	s10 =	sor.u32 s6, s21;
	[tilespmem:s5+$0x1280] =	vst v62  }
0xd5: {  	s23 =	sshrl.u32 s10, $0x3;
	[tilespmem:s5+$0x1300] =	vst v63  }
0xd6: {  	s18 =	sadd.s32 $0x1, s18;
	s10 =	sadd.s32 s2, s23;
	[tilespmem:s22+$0x1BD00] =	vst v2  }
0xd7: {  	[hbm4b:s10+s3] =	stream.linear.scatter [tilespmem:s31], [sflag:$0x3], $0x400, $0x38;
	[tilespmem:$0x1CD00] =	vst v63  }
0xd8: {  	p0 =	sne.s32 s18, $0xD;
	s24 =	sadd.s32 s23, s7  }
0xd9: {  	[hbm4b:s24+s3] =	stream.linear.scatter [tilespmem:s1], [sflag:$0x3], $0x400, $0x38;
	[tilespmem:$0x1CD00] =	vst v63  }
.Ltmp2:
0xda: {  	_ = 	snop;
	(pc) =	sbr.rel @p0 .LBB2_2-.Ltmp2, $4  }
0xdb: {  	s25 =	sadd.s32 s23, s8  }
0xdc: {  	[hbm4b:s25+s3] =	stream.linear.scatter [tilespmem:s0], [sflag:$0x3], $0x400, $0x38;
	[tilespmem:$0x1CD00] =	vst v63  }
0xdd: {  	s5 =	sadd.s32 s23, s9  }
0xde: {  	[hbm4b:s5+s3] =	stream.linear.scatter [tilespmem:s14], [sflag:$0x3], $0x400, $0x38;
	[tilespmem:$0x1CD00] =	vst v63  }
0xdf: {  	s5 =	simm.s32 $0x2  }
0xe0: {  	_ =	swait.ge [sflag:s5], $0x400  }
0xe1: {  	[sflag:s5] =	ssyncset.done $0x0  }
0xe2: {  	[sflag:s5] =	ssyncadd.s32 $0xFFFFFC00  }
0xe3: {  	_ =	swait.ge [sflag:s5], $0x400  }
0xe4: {  	[sflag:s5] =	ssyncset.done $0x0  }
0xe5: {  	[sflag:s5] =	ssyncadd.s32 $0xFFFFFC00  }
0xe6: {  	_ =	swait.ge [sflag:s5], $0x400  }
0xe7: {  	[sflag:s5] =	ssyncset.done $0x0  }
0xe8: {  	[sflag:s5] =	ssyncadd.s32 $0xFFFFFC00  }
0xe9: {  	_ =	swait.ge [sflag:s5], $0x400  }
0xea: {  	[sflag:s5] =	ssyncset.done $0x0  }
0xeb: {  	s10 =	simm.s32 $0x3;
	[sflag:s5] =	ssyncadd.s32 $0xFFFFFC00  }
0xec: {  	_ =	swait.ge [sflag:s10], $0x400  }
0xed: {  	[sflag:s10] =	ssyncset.done $0x0  }
0xee: {  	[sflag:s10] =	ssyncadd.s32 $0xFFFFFC00  }
0xef: {  	_ =	swait.ge [sflag:s10], $0x400  }
0xf0: {  	[sflag:s10] =	ssyncset.done $0x0  }
0xf1: {  	[sflag:s10] =	ssyncadd.s32 $0xFFFFFC00  }
0xf2: {  	_ =	swait.ge [sflag:s10], $0x400  }
0xf3: {  	[sflag:s10] =	ssyncset.done $0x0  }
0xf4: {  	[sflag:s10] =	ssyncadd.s32 $0xFFFFFC00  }
0xf5: {  	_ =	swait.ge [sflag:s10], $0x400  }
0xf6: {  	s17 =	sadd.s32 $0x1, s17;
	s25 =	rddreg [dreg:$0x4]  }
0xf7: {  	p0 =	sne.s32 s17, s25  }
.Ltmp3:
0xf8: {  	_ = 	snop;
	(pc) =	sbr.rel @p0 .LBB2_1-.Ltmp3, $3  }
0xf9: {  	_ =	sdelay $0x1  }
0xfa: {  	[sflag:s10] =	ssyncset.done $0x0  }
0xfb: {  	[sflag:s10] =	ssyncadd.s32 $0xFFFFFC00  }
0xfc: {  	_ =	sfence.sel $0x180000  }
0xfd: {  	[bflag:$0x0] =	sbarrier.arrive $0xFFFF  }
0xfe: {  	_ =	strace $0x9000004A  }
0xff: {  	s0 =	stileid.u32;
	[bflag:$0x2] =	sbarrier.arrive $0xFFFF  }
0x100: {  	p0 =	sne.s32 s0, $0x0;
	s0 =	rddreg [dreg:$0x2]  }
0x101: {  	s0 =	sadd.s32 @!p0 $0x100000, s0  }
0x102: {  	[sflag:s0] =	ssyncadd.tile.s32 @!p0 $0x1;
	_ =	shalt  }
.Lfunc_end2:
_tile_overlayer_lowered:
.L_overlay_start_2:
0x103: {  	(tag) =	ssettag $0x2  }
0x104: {  	s0 =	rddreg [dreg:$0x0];
	s2 =	stileid.u32  }
0x105: {  	s1 =	rddreg [dreg:$0x1];
	p0 =	sne.s32 s2, $0x0  }
0x106: {  	s3 =	rddreg [dreg:$0x2];
	[bflag:$0x3] =	sbarrier.arrive $0xFFFF;
	s2 =	simm.s32 @!p0 $0x1C04  }
0x107: {  	[timem:s3], [sflag:s2] =	dma.local @!p0 [hbm:s0], s1  }
0x108: {  	s0 =	simm.s32 @!p0 $0x4  }
0x109: {  	_ =	swait.ge @!p0 [sflag:s0], s1  }
0x10a: {  	s1 =	ssub.s32 @!p0 $0x0, s1;
	[sflag:s0] =	ssyncset.done @!p0 $0x0  }
0x10b: {  	[sflag:s0] =	ssyncadd.s32 @!p0 s1  }
0x10c: {  	[bflag:$0x3] =	sbarrier.arrive $0xFFFF  }
0x10d: {  	_ =	shalt  }

</sc_bundles>
